<compile_context>
chip_gen: v7x
topology: tpu7x:2x2x1
jax: 0.10.2.dev20260603
libtpu: 0.0.44.dev20260713+nightly
codegen_flags: <defaults>
</compile_context>

<pallas_src>
import jax
import jax.numpy as jnp
from jax import lax
from jax.experimental import pallas as pl
from jax.experimental.pallas import tpu as pltpu
from jax.experimental.pallas import tpu_sc as plsc

N_NODES = 10000
N_EDGES = 320000
IN_DIM = 128
OUT_DIM = 64
NUM_HEADS = 8
HID = OUT_DIM * NUM_HEADS
PCOLS = OUT_DIM

NC, NS = 2, 16
NW = NC * NS
EPW = N_EDGES // NW
N_PAD = 10240
EPW_PAD = 10240
CHUNK = 80
NCHUNK = EPW_PAD // CHUNK
ROWS_PT = N_PAD // NS
ZROWS = 64
INV_SQRT_D = 0.125

ROW_TILE = 640


def _qkv_body(x_ref, wkv_ref, bkv_ref, wq_ref, bq_ref, kv_ref, q_ref):
    x = x_ref[...]
    ykv = jnp.dot(x, wkv_ref[...], preferred_element_type=jnp.float32)
    ykv = ykv + bkv_ref[...]
    yq = jnp.dot(x, wq_ref[...], preferred_element_type=jnp.float32)
    yq = yq + bq_ref[...]
    for h in range(NUM_HEADS):
        kv_ref[h] = ykv[:, 2 * OUT_DIM * h:2 * OUT_DIM * (h + 1)].astype(jnp.bfloat16)
        q_ref[h] = yq[:, OUT_DIM * h:OUT_DIM * (h + 1)].astype(jnp.bfloat16)


def _qkv(x, wq, bq, wk, bk, wv, bv):
    import numpy as np
    vperm = np.empty((OUT_DIM,), np.int32)
    for g in range(OUT_DIM // 32):
        for i in range(16):
            vperm[32 * g + 2 * i] = 32 * g + i
            vperm[32 * g + 2 * i + 1] = 32 * g + 16 + i
    full_perm = (np.arange(NUM_HEADS)[:, None] * OUT_DIM + vperm[None, :]).reshape(-1)
    wv_p = wv[:, full_perm]
    bv_p = bv[full_perm]
    wk3 = (wk * INV_SQRT_D).reshape(IN_DIM, NUM_HEADS, OUT_DIM)
    wv3 = wv_p.reshape(IN_DIM, NUM_HEADS, OUT_DIM)
    wkv = jnp.concatenate([wk3, wv3], axis=-1).reshape(IN_DIM, 2 * HID)
    bkv = jnp.concatenate([(bk * INV_SQRT_D).reshape(NUM_HEADS, OUT_DIM),
                           bv_p.reshape(NUM_HEADS, OUT_DIM)],
                          axis=-1).reshape(1, 2 * HID)
    grid = (N_PAD // ROW_TILE,)
    full = lambda shape: pl.BlockSpec(shape, lambda i: (0,) * len(shape))
    return pl.pallas_call(
        _qkv_body,
        grid=grid,
        in_specs=[
            pl.BlockSpec((ROW_TILE, IN_DIM), lambda i: (i, 0)),
            full((IN_DIM, 2 * HID)), full((1, 2 * HID)),
            full((IN_DIM, HID)), full((1, HID)),
        ],
        out_specs=[
            pl.BlockSpec((NUM_HEADS, ROW_TILE, 2 * OUT_DIM), lambda i: (0, i, 0)),
            pl.BlockSpec((NUM_HEADS, ROW_TILE, OUT_DIM), lambda i: (0, i, 0)),
        ],
        out_shape=[
            jax.ShapeDtypeStruct((NUM_HEADS, N_PAD, 2 * OUT_DIM), jnp.bfloat16),
            jax.ShapeDtypeStruct((NUM_HEADS, N_PAD, OUT_DIM), jnp.bfloat16),
        ],
    )(x, wkv, bkv, wq, bq.reshape(1, HID))


def _edge_body(kv_hbm, q_hbm, src_hbm, dst_hbm, out_hbm,
               src_all, dst_all,
               s0_v, s1_v, s2_v, d0_v, d1_v, d2_v, qi0_v, qi1_v, qi2_v,
               kv0b, kv1b, kv2b, q0b, q1b, q2b, m0b, m1b, m2b,
               zbuf, acc,
               gsem0, gsem1, gsem2, ssem0, ssem1, ssem2):
    c = lax.axis_index("c")
    s = lax.axis_index("s")
    wid = s * NC + c
    ebase = wid * EPW
    row0 = s * ROWS_PT
    sv = (s0_v, s1_v, s2_v)
    dv = (d0_v, d1_v, d2_v)
    qiv = (qi0_v, qi1_v, qi2_v)
    kvb = (kv0b, kv1b, kv2b)
    qb = (q0b, q1b, q2b)
    mb = (m0b, m1b, m2b)
    gsem = (gsem0, gsem1, gsem2)
    ssem = (ssem0, ssem1, ssem2)

    pltpu.sync_copy(src_hbm.at[pl.ds(ebase, EPW)], src_all.at[pl.ds(0, EPW)])
    pltpu.sync_copy(dst_hbm.at[pl.ds(ebase, EPW)], dst_all.at[pl.ds(0, EPW)])
    for t in range((EPW_PAD - EPW) // 16):
        src_all[pl.ds(EPW + 16 * t, 16)] = jnp.zeros((16,), jnp.int32)
        dst_all[pl.ds(EPW + 16 * t, 16)] = jnp.full((16,), N_NODES, jnp.int32)

    def zrow(i, _):
        for j in range(PCOLS // 16):
            zbuf[i, pl.ds(16 * j, 16)] = jnp.zeros((16,), jnp.float32)
        return 0
    lax.fori_loop(0, ZROWS, zrow, 0)

    def zero_acc():
        for z in range(ROWS_PT // ZROWS):
            pltpu.sync_copy(zbuf, acc.at[pl.ds(row0 + z * ZROWS, ZROWS)])
    zero_acc()

    lanes = lax.iota(jnp.int32, 16)
    xor_idx = [(lanes ^ k).reshape(16, 1) for k in (8, 4, 2, 1)]
    dnums = lax.GatherDimensionNumbers(
        offset_dims=(), collapsed_slice_dims=(0,), start_index_map=(0,))

    def full_sum(v):
        for ix in xor_idx:
            v = v + lax.gather(v, ix, dnums, (1,),
                               mode=lax.GatherScatterMode.PROMISE_IN_BOUNDS)
        return v

    def bf16_pair(ref, e, woff):
        w = plsc.bitcast(ref[e, pl.ds(woff, 16)], jnp.bfloat16)
        return plsc.unpack(w, format=plsc.PackFormat.INTERLEAVED,
                           preferred_element_type=jnp.float32)

    def compute_chunk(b):
        kvbuf, qbuf, msg = kvb[b], qb[b], mb[b]

        @plsc.parallel_loop(0, CHUNK, step=1, unroll=2)
        def _(e):
            k0, k1 = bf16_pair(kvbuf, e, 0)
            k2, k3 = bf16_pair(kvbuf, e, 16)
            q0, q1 = bf16_pair(qbuf, e, 0)
            q2, q3 = bf16_pair(qbuf, e, 16)
            sc = full_sum((k0 * q0 + k1 * q1) + (k2 * q2 + k3 * q3))
            v0, v1 = bf16_pair(kvbuf, e, 32)
            v2, v3 = bf16_pair(kvbuf, e, 48)
            msg[e, pl.ds(0, 16)] = v0 * sc
            msg[e, pl.ds(16, 16)] = v1 * sc
            msg[e, pl.ds(32, 16)] = v2 * sc
            msg[e, pl.ds(48, 16)] = v3 * sc

    def pass_body(h, _):
        plsc.subcore_barrier()
        poff = h * N_PAD

        def prep_fire(i, b):
            off = i * CHUNK
            for j in range(CHUNK // 16):
                sl = pl.ds(16 * j, 16)
                raw_s = src_all[pl.ds(off + 16 * j, 16)]
                raw_d = dst_all[pl.ds(off + 16 * j, 16)]
                sv[b][sl] = raw_s + poff
                qiv[b][sl] = raw_d + poff
                dv[b][sl] = raw_d
            pltpu.async_copy(kv_hbm.at[sv[b]], kvb[b], gsem[b])
            pltpu.async_copy(q_hbm.at[qiv[b]], qb[b], gsem[b])

        def wait_gathers(b):
            pltpu.make_async_copy(kv_hbm.at[sv[b]], kvb[b], gsem[b]).wait()
            pltpu.make_async_copy(q_hbm.at[qiv[b]], qb[b], gsem[b]).wait()

        def fire_scatter(b):
            pltpu.async_copy(mb[b], acc.at[dv[b]], ssem[b], add=True)

        def drain_scatter(b):
            pltpu.make_async_copy(mb[b], acc.at[dv[b]], ssem[b]).wait()

        prep_fire(0, 0)
        prep_fire(1, 1)

        def super_body(t, _):
            i0 = 3 * t
            for k in range(3):
                b = k
                wait_gathers(b)
                compute_chunk(b)
                fire_scatter(b)
                bb = (k + 2) % 3
                if k == 0:
                    @pl.when(t > 0)
                    def _():
                        drain_scatter(bb)
                else:
                    drain_scatter(bb)
                prep_fire(i0 + k + 2, bb)
            return 0

        lax.fori_loop(0, (NCHUNK - 2) // 3, super_body, 0)
        for b in range(2):
            wait_gathers(b)
            compute_chunk(b)
            fire_scatter(b)
        drain_scatter(2)
        drain_scatter(0)
        drain_scatter(1)

        plsc.subcore_barrier()
        pltpu.sync_copy(
            acc.at[pl.ds(row0, ROWS_PT)],
            out_hbm.at[pl.ds((h * NC + c) * N_PAD + row0, ROWS_PT)])
        zero_acc()
        return 0

    lax.fori_loop(0, NUM_HEADS, pass_body, 0)


def _edge_sc(kv2, q2, src, dst):
    mesh = plsc.VectorSubcoreMesh(core_axis_name="c", subcore_axis_name="s",
                                  num_cores=NC, num_subcores=NS)
    idx_t = lambda: pltpu.VMEM((CHUNK,), jnp.int32)
    fn = pl.kernel(
        _edge_body,
        out_type=jax.ShapeDtypeStruct((NUM_HEADS * NC * N_PAD, PCOLS),
                                      jnp.float32),
        mesh=mesh,
        scratch_types=[
            pltpu.VMEM((EPW_PAD,), jnp.int32),
            pltpu.VMEM((EPW_PAD,), jnp.int32),
            idx_t(), idx_t(), idx_t(),
            idx_t(), idx_t(), idx_t(),
            idx_t(), idx_t(), idx_t(),
            pltpu.VMEM((CHUNK, OUT_DIM), jnp.int32),
            pltpu.VMEM((CHUNK, OUT_DIM), jnp.int32),
            pltpu.VMEM((CHUNK, OUT_DIM), jnp.int32),
            pltpu.VMEM((CHUNK, OUT_DIM // 2), jnp.int32),
            pltpu.VMEM((CHUNK, OUT_DIM // 2), jnp.int32),
            pltpu.VMEM((CHUNK, OUT_DIM // 2), jnp.int32),
            pltpu.VMEM((CHUNK, PCOLS), jnp.float32),
            pltpu.VMEM((CHUNK, PCOLS), jnp.float32),
            pltpu.VMEM((CHUNK, PCOLS), jnp.float32),
            pltpu.VMEM((ZROWS, PCOLS), jnp.float32),
            pltpu.VMEM_SHARED((N_PAD, PCOLS), jnp.float32),
            pltpu.SemaphoreType.DMA, pltpu.SemaphoreType.DMA,
            pltpu.SemaphoreType.DMA, pltpu.SemaphoreType.DMA,
            pltpu.SemaphoreType.DMA, pltpu.SemaphoreType.DMA,
        ],
        compiler_params=pltpu.CompilerParams(use_tc_tiling_on_sc=False,
                                             needs_layout_passes=False),
    )
    return fn(kv2, q2, src, dst)


def _reduce_body(p_ref, o_ref):
    o_ref[...] = jnp.concatenate(
        [p_ref[h, 0] + p_ref[h, 1] for h in range(NUM_HEADS)], axis=-1)


def _reduce(part):
    grid = (N_NODES // 1000,)
    return pl.pallas_call(
        _reduce_body,
        grid=grid,
        in_specs=[pl.BlockSpec((NUM_HEADS, NC, 1000, PCOLS),
                               lambda i: (0, 0, i, 0))],
        out_specs=pl.BlockSpec((1000, HID), lambda i: (i, 0)),
        out_shape=jax.ShapeDtypeStruct((N_NODES, HID), jnp.float32),
    )(part)


def kernel(x, edge_index, Wq, bq, Wk, bk, Wv, bv):
    src = edge_index[0]
    dst = edge_index[1]
    kv, q = _qkv(x, Wq, bq, Wk, bk, Wv, bv)
    kv2 = lax.bitcast_convert_type(
        kv.reshape(NUM_HEADS * N_PAD, OUT_DIM, 2), jnp.int32)
    q2 = lax.bitcast_convert_type(
        q.reshape(NUM_HEADS * N_PAD, OUT_DIM // 2, 2), jnp.int32)
    part = _edge_sc(kv2, q2, src, dst)
    wv = _reduce(part.reshape(NUM_HEADS, NC, N_PAD, PCOLS))
    return wv.reshape(N_NODES, NUM_HEADS, OUT_DIM)

# --- scband reference (transcript-rebuilt; emitter-appended) ---
"""Pipeline reference for scband-graph-attention-block-2181843386766 (READ-ONLY COPY).

The authoritative reference and input builder live on the scoring server;
editing this copy changes nothing except your own understanding.
"""

import jax, jax.numpy as jnp
import numpy as np

N_NODES = 10000
N_EDGES = 320000
IN_DIM = 128
OUT_DIM = 64
NUM_HEADS = 8

def setup_inputs(seed: int = 0) -> dict:
    key = jax.random.key(seed)
    ks = jax.random.split(key, 8)
    x = jax.random.normal(ks[0], (N_NODES, IN_DIM), dtype=jnp.float32)
    edge_index = jax.random.randint(ks[1], (2, N_EDGES), 0, N_NODES, dtype=jnp.int64 if jax.config.read('jax_enable_x64') else jnp.int32).astype(jnp.int32)
    scale = 1.0 / np.sqrt(IN_DIM)
    Wq = jax.random.normal(ks[2], (IN_DIM, OUT_DIM * NUM_HEADS), dtype=jnp.float32) * scale
    bq = jnp.zeros((OUT_DIM * NUM_HEADS,), dtype=jnp.float32)
    Wk = jax.random.normal(ks[3], (IN_DIM, OUT_DIM * NUM_HEADS), dtype=jnp.float32) * scale
    bk = jnp.zeros((OUT_DIM * NUM_HEADS,), dtype=jnp.float32)
    Wv = jax.random.normal(ks[4], (IN_DIM, OUT_DIM * NUM_HEADS), dtype=jnp.float32) * scale
    bv = jnp.zeros((OUT_DIM * NUM_HEADS,), dtype=jnp.float32)
    return {"x": x, "edge_index": edge_index, "Wq": Wq, "bq": bq, "Wk": Wk, "bk": bk, "Wv": Wv, "bv": bv}

def reference(x, edge_index, Wq, bq, Wk, bk, Wv, bv):
    # Linear projections (nn.Linear): h @ W + b, then reshape to [N, H, D]
    Q_h = (x @ Wq + bq).reshape(-1, NUM_HEADS, OUT_DIM)
    K_h = (x @ Wk + bk).reshape(-1, NUM_HEADS, OUT_DIM)
    V_h = (x @ Wv + bv).reshape(-1, NUM_HEADS, OUT_DIM)
    src = edge_index[0]
    dst = edge_index[1]
    # per-edge score: dot(K_h[src], Q_h[dst]) per head, scaled by sqrt(output_dim)
    K_src = jnp.take(K_h, src, axis=0)   # [E, H, D]
    Q_dst = jnp.take(Q_h, dst, axis=0)   # [E, H, D]
    score = jnp.sum(K_src * Q_dst, axis=-1) / np.sqrt(OUT_DIM)  # [E, H]
    # src_mul_edge: V_h[src] * score, then sum-aggregate onto dst -> wV
    V_src = jnp.take(V_h, src, axis=0)   # [E, H, D]
    msg = V_src * score[:, :, None]      # [E, H, D]
    wV = jax.ops.segment_sum(msg, dst, num_segments=N_NODES)  # [N, H, D]
    return wV

if __name__ == "__main__":
    import jax
    _d = setup_inputs()
    print(jax.jit(kernel)(*tuple(_d.values())))

</pallas_src>

<mosaic_0001>
#map = affine_map<(d0, d1) -> (0, 0)>
#map1 = affine_map<(d0, d1) -> (0)>
module attributes {stable_mosaic.version = 14 : i64} {
  func.func @_edge_body(%arg0: i32, %arg1: i32, %arg2: memref<81920x64xi32, #tpu.memory_space<hbm>>, %arg3: memref<81920x32xi32, #tpu.memory_space<hbm>>, %arg4: memref<320000xi32, #tpu.memory_space<hbm>>, %arg5: memref<320000xi32, #tpu.memory_space<hbm>>, %arg6: memref<163840x64xf32, #tpu.memory_space<hbm>>, %arg7: memref<10240xi32, #tpu.memory_space<vmem>>, %arg8: memref<10240xi32, #tpu.memory_space<vmem>>, %arg9: memref<80xi32, #tpu.memory_space<vmem>>, %arg10: memref<80xi32, #tpu.memory_space<vmem>>, %arg11: memref<80xi32, #tpu.memory_space<vmem>>, %arg12: memref<80xi32, #tpu.memory_space<vmem>>, %arg13: memref<80xi32, #tpu.memory_space<vmem>>, %arg14: memref<80xi32, #tpu.memory_space<vmem>>, %arg15: memref<80xi32, #tpu.memory_space<vmem>>, %arg16: memref<80xi32, #tpu.memory_space<vmem>>, %arg17: memref<80xi32, #tpu.memory_space<vmem>>, %arg18: memref<80x64xi32, #tpu.memory_space<vmem>>, %arg19: memref<80x64xi32, #tpu.memory_space<vmem>>, %arg20: memref<80x64xi32, #tpu.memory_space<vmem>>, %arg21: memref<80x32xi32, #tpu.memory_space<vmem>>, %arg22: memref<80x32xi32, #tpu.memory_space<vmem>>, %arg23: memref<80x32xi32, #tpu.memory_space<vmem>>, %arg24: memref<80x64xf32, #tpu.memory_space<vmem>>, %arg25: memref<80x64xf32, #tpu.memory_space<vmem>>, %arg26: memref<80x64xf32, #tpu.memory_space<vmem>>, %arg27: memref<64x64xf32, #tpu.memory_space<vmem>>, %arg28: memref<10240x64xf32, #tpu.memory_space<vmem_shared>>, %arg29: memref<!tpu.dma_semaphore, #tpu.memory_space<semaphore_mem>>, %arg30: memref<!tpu.dma_semaphore, #tpu.memory_space<semaphore_mem>>, %arg31: memref<!tpu.dma_semaphore, #tpu.memory_space<semaphore_mem>>, %arg32: memref<!tpu.dma_semaphore, #tpu.memory_space<semaphore_mem>>, %arg33: memref<!tpu.dma_semaphore, #tpu.memory_space<semaphore_mem>>, %arg34: memref<!tpu.dma_semaphore, #tpu.memory_space<semaphore_mem>>) attributes {dimension_semantics = [#tpu.dimension_semantics<core_parallel>, #tpu.dimension_semantics<subcore_parallel>], iteration_bounds = array<i64: 2, 16>, scalar_prefetch = 0 : i64, scratch_operands = 28 : i64, tpu.core_type = #tpu.core_type<sc_vector_subcore>, window_params = [{transform_indices = #map}, {transform_indices = #map}, {transform_indices = #map1}, {transform_indices = #map1}, {transform_indices = #map}]} {
    %mul3A = arith.constant 2 : i32
    %mul3A_0 = arith.muli %arg1, %mul3A : i32
    %add3A = arith.addi %mul3A_0, %arg0 : i32
    %mul3A_1 = arith.constant 10000 : i32
    %mul3A_2 = arith.muli %add3A, %mul3A_1 : i32
    %mul3A_3 = arith.constant 640 : i32
    %mul3A_4 = arith.muli %arg1, %mul3A_3 : i32
    "tpu.region"() ({
      %run_scoped3A = tpu.sem_alloc : memref<!tpu.dma_semaphore, #tpu.memory_space<semaphore_mem>>
      %dma_start3A = arith.constant 0 : i32
      %dma_start3A_170 = tpu.memref_slice %arg7[%dma_start3A] : memref<10240xi32, #tpu.memory_space<vmem>> -> memref<10000xi32, #tpu.memory_space<vmem>>
      %dma_start3A_171 = tpu.memref_slice %arg4[%mul3A_2] : memref<320000xi32, #tpu.memory_space<hbm>> -> memref<10000xi32, #tpu.memory_space<hbm>>
      %dma_start3A_172 = arith.constant 0 : i32
      %dma_start3A_173 = tpu.memref_slice %arg7[%dma_start3A_172] : memref<10240xi32, #tpu.memory_space<vmem>> -> memref<10000xi32, #tpu.memory_space<vmem>>
      %dma_start3A_174 = tpu.memref_slice %arg4[%mul3A_2] : memref<320000xi32, #tpu.memory_space<hbm>> -> memref<10000xi32, #tpu.memory_space<hbm>>
      tpu.enqueue_dma source(%dma_start3A_174 : memref<10000xi32, #tpu.memory_space<hbm>>) target(%dma_start3A_173 : memref<10000xi32, #tpu.memory_space<vmem>>) target_semaphore(%run_scoped3A : memref<!tpu.dma_semaphore, #tpu.memory_space<semaphore_mem>>)
      %dma_wait3A = arith.constant 0 : i32
      %dma_wait3A_175 = tpu.memref_slice %arg7[%dma_wait3A] : memref<10240xi32, #tpu.memory_space<vmem>> -> memref<10000xi32, #tpu.memory_space<vmem>>
      %dma_wait3A_176 = tpu.memref_slice %arg4[%mul3A_2] : memref<320000xi32, #tpu.memory_space<hbm>> -> memref<10000xi32, #tpu.memory_space<hbm>>
      %dma_wait3A_177 = arith.constant 0 : i32
      %dma_wait3A_178 = tpu.memref_slice %arg7[%dma_wait3A_177] : memref<10240xi32, #tpu.memory_space<vmem>> -> memref<10000xi32, #tpu.memory_space<vmem>>
      %dma_wait3A_179 = tpu.memref_slice %arg4[%mul3A_2] : memref<320000xi32, #tpu.memory_space<hbm>> -> memref<10000xi32, #tpu.memory_space<hbm>>
      tpu.wait_dma2 semaphore(%run_scoped3A : memref<!tpu.dma_semaphore, #tpu.memory_space<semaphore_mem>>) src(%dma_wait3A_179 : memref<10000xi32, #tpu.memory_space<hbm>>) dst(%dma_wait3A_178 : memref<10000xi32, #tpu.memory_space<vmem>>)
      tpu.yield
    }) : () -> ()
    "tpu.region"() ({
      %run_scoped3A = tpu.sem_alloc : memref<!tpu.dma_semaphore, #tpu.memory_space<semaphore_mem>>
      %dma_start3A = arith.constant 0 : i32
      %dma_start3A_170 = tpu.memref_slice %arg8[%dma_start3A] : memref<10240xi32, #tpu.memory_space<vmem>> -> memref<10000xi32, #tpu.memory_space<vmem>>
      %dma_start3A_171 = tpu.memref_slice %arg5[%mul3A_2] : memref<320000xi32, #tpu.memory_space<hbm>> -> memref<10000xi32, #tpu.memory_space<hbm>>
      %dma_start3A_172 = arith.constant 0 : i32
      %dma_start3A_173 = tpu.memref_slice %arg8[%dma_start3A_172] : memref<10240xi32, #tpu.memory_space<vmem>> -> memref<10000xi32, #tpu.memory_space<vmem>>
      %dma_start3A_174 = tpu.memref_slice %arg5[%mul3A_2] : memref<320000xi32, #tpu.memory_space<hbm>> -> memref<10000xi32, #tpu.memory_space<hbm>>
      tpu.enqueue_dma source(%dma_start3A_174 : memref<10000xi32, #tpu.memory_space<hbm>>) target(%dma_start3A_173 : memref<10000xi32, #tpu.memory_space<vmem>>) target_semaphore(%run_scoped3A : memref<!tpu.dma_semaphore, #tpu.memory_space<semaphore_mem>>)
      %dma_wait3A = arith.constant 0 : i32
      %dma_wait3A_175 = tpu.memref_slice %arg8[%dma_wait3A] : memref<10240xi32, #tpu.memory_space<vmem>> -> memref<10000xi32, #tpu.memory_space<vmem>>
      %dma_wait3A_176 = tpu.memref_slice %arg5[%mul3A_2] : memref<320000xi32, #tpu.memory_space<hbm>> -> memref<10000xi32, #tpu.memory_space<hbm>>
      %dma_wait3A_177 = arith.constant 0 : i32
      %dma_wait3A_178 = tpu.memref_slice %arg8[%dma_wait3A_177] : memref<10240xi32, #tpu.memory_space<vmem>> -> memref<10000xi32, #tpu.memory_space<vmem>>
      %dma_wait3A_179 = tpu.memref_slice %arg5[%mul3A_2] : memref<320000xi32, #tpu.memory_space<hbm>> -> memref<10000xi32, #tpu.memory_space<hbm>>
      tpu.wait_dma2 semaphore(%run_scoped3A : memref<!tpu.dma_semaphore, #tpu.memory_space<semaphore_mem>>) src(%dma_wait3A_179 : memref<10000xi32, #tpu.memory_space<hbm>>) dst(%dma_wait3A_178 : memref<10000xi32, #tpu.memory_space<vmem>>)
      tpu.yield
    }) : () -> ()
    %broadcast_in_dim3A = arith.constant 0 : i32
    %broadcast_in_dim3A_5 = vector.broadcast %broadcast_in_dim3A : i32 to vector<16xi32>
    %swap3A = arith.constant 10000 : index
    %swap3A_6 = tpu.vector_load %arg7[%swap3A] {strides = array<i32>} : memref<10240xi32, #tpu.memory_space<vmem>>, vector<16xi32>,
    tpu.vector_store %arg7[%swap3A], %broadcast_in_dim3A_5 {strides = array<i32>} : memref<10240xi32, #tpu.memory_space<vmem>>, vector<16xi32>,
    %broadcast_in_dim3A_7 = arith.constant 10000 : i32
    %broadcast_in_dim3A_8 = vector.broadcast %broadcast_in_dim3A_7 : i32 to vector<16xi32>
    %swap3A_9 = arith.constant 10000 : index
    %swap3A_10 = tpu.vector_load %arg8[%swap3A_9] {strides = array<i32>} : memref<10240xi32, #tpu.memory_space<vmem>>, vector<16xi32>,
    tpu.vector_store %arg8[%swap3A_9], %broadcast_in_dim3A_8 {strides = array<i32>} : memref<10240xi32, #tpu.memory_space<vmem>>, vector<16xi32>,
    %broadcast_in_dim3A_11 = arith.constant 0 : i32
    %broadcast_in_dim3A_12 = vector.broadcast %broadcast_in_dim3A_11 : i32 to vector<16xi32>
    %swap3A_13 = arith.constant 10016 : index
    %swap3A_14 = tpu.vector_load %arg7[%swap3A_13] {strides = array<i32>} : memref<10240xi32, #tpu.memory_space<vmem>>, vector<16xi32>,
    tpu.vector_store %arg7[%swap3A_13], %broadcast_in_dim3A_12 {strides = array<i32>} : memref<10240xi32, #tpu.memory_space<vmem>>, vector<16xi32>,
    %broadcast_in_dim3A_15 = arith.constant 10000 : i32
    %broadcast_in_dim3A_16 = vector.broadcast %broadcast_in_dim3A_15 : i32 to vector<16xi32>
    %swap3A_17 = arith.constant 10016 : index
    %swap3A_18 = tpu.vector_load %arg8[%swap3A_17] {strides = array<i32>} : memref<10240xi32, #tpu.memory_space<vmem>>, vector<16xi32>,
    tpu.vector_store %arg8[%swap3A_17], %broadcast_in_dim3A_16 {strides = array<i32>} : memref<10240xi32, #tpu.memory_space<vmem>>, vector<16xi32>,
    %broadcast_in_dim3A_19 = arith.constant 0 : i32
    %broadcast_in_dim3A_20 = vector.broadcast %broadcast_in_dim3A_19 : i32 to vector<16xi32>
    %swap3A_21 = arith.constant 10032 : index
    %swap3A_22 = tpu.vector_load %arg7[%swap3A_21] {strides = array<i32>} : memref<10240xi32, #tpu.memory_space<vmem>>, vector<16xi32>,
    tpu.vector_store %arg7[%swap3A_21], %broadcast_in_dim3A_20 {strides = array<i32>} : memref<10240xi32, #tpu.memory_space<vmem>>, vector<16xi32>,
    %broadcast_in_dim3A_23 = arith.constant 10000 : i32
    %broadcast_in_dim3A_24 = vector.broadcast %broadcast_in_dim3A_23 : i32 to vector<16xi32>
    %swap3A_25 = arith.constant 10032 : index
    %swap3A_26 = tpu.vector_load %arg8[%swap3A_25] {strides = array<i32>} : memref<10240xi32, #tpu.memory_space<vmem>>, vector<16xi32>,
    tpu.vector_store %arg8[%swap3A_25], %broadcast_in_dim3A_24 {strides = array<i32>} : memref<10240xi32, #tpu.memory_space<vmem>>, vector<16xi32>,
    %broadcast_in_dim3A_27 = arith.constant 0 : i32
    %broadcast_in_dim3A_28 = vector.broadcast %broadcast_in_dim3A_27 : i32 to vector<16xi32>
    %swap3A_29 = arith.constant 10048 : index
    %swap3A_30 = tpu.vector_load %arg7[%swap3A_29] {strides = array<i32>} : memref<10240xi32, #tpu.memory_space<vmem>>, vector<16xi32>,
    tpu.vector_store %arg7[%swap3A_29], %broadcast_in_dim3A_28 {strides = array<i32>} : memref<10240xi32, #tpu.memory_space<vmem>>, vector<16xi32>,
    %broadcast_in_dim3A_31 = arith.constant 10000 : i32
    %broadcast_in_dim3A_32 = vector.broadcast %broadcast_in_dim3A_31 : i32 to vector<16xi32>
    %swap3A_33 = arith.constant 10048 : index
    %swap3A_34 = tpu.vector_load %arg8[%swap3A_33] {strides = array<i32>} : memref<10240xi32, #tpu.memory_space<vmem>>, vector<16xi32>,
    tpu.vector_store %arg8[%swap3A_33], %broadcast_in_dim3A_32 {strides = array<i32>} : memref<10240xi32, #tpu.memory_space<vmem>>, vector<16xi32>,
    %broadcast_in_dim3A_35 = arith.constant 0 : i32
    %broadcast_in_dim3A_36 = vector.broadcast %broadcast_in_dim3A_35 : i32 to vector<16xi32>
    %swap3A_37 = arith.constant 10064 : index
    %swap3A_38 = tpu.vector_load %arg7[%swap3A_37] {strides = array<i32>} : memref<10240xi32, #tpu.memory_space<vmem>>, vector<16xi32>,
    tpu.vector_store %arg7[%swap3A_37], %broadcast_in_dim3A_36 {strides = array<i32>} : memref<10240xi32, #tpu.memory_space<vmem>>, vector<16xi32>,
    %broadcast_in_dim3A_39 = arith.constant 10000 : i32
    %broadcast_in_dim3A_40 = vector.broadcast %broadcast_in_dim3A_39 : i32 to vector<16xi32>
    %swap3A_41 = arith.constant 10064 : index
    %swap3A_42 = tpu.vector_load %arg8[%swap3A_41] {strides = array<i32>} : memref<10240xi32, #tpu.memory_space<vmem>>, vector<16xi32>,
    tpu.vector_store %arg8[%swap3A_41], %broadcast_in_dim3A_40 {strides = array<i32>} : memref<10240xi32, #tpu.memory_space<vmem>>, vector<16xi32>,
    %broadcast_in_dim3A_43 = arith.constant 0 : i32
    %broadcast_in_dim3A_44 = vector.broadcast %broadcast_in_dim3A_43 : i32 to vector<16xi32>
    %swap3A_45 = arith.constant 10080 : index
    %swap3A_46 = tpu.vector_load %arg7[%swap3A_45] {strides = array<i32>} : memref<10240xi32, #tpu.memory_space<vmem>>, vector<16xi32>,
    tpu.vector_store %arg7[%swap3A_45], %broadcast_in_dim3A_44 {strides = array<i32>} : memref<10240xi32, #tpu.memory_space<vmem>>, vector<16xi32>,
    %broadcast_in_dim3A_47 = arith.constant 10000 : i32
    %broadcast_in_dim3A_48 = vector.broadcast %broadcast_in_dim3A_47 : i32 to vector<16xi32>
    %swap3A_49 = arith.constant 10080 : index
    %swap3A_50 = tpu.vector_load %arg8[%swap3A_49] {strides = array<i32>} : memref<10240xi32, #tpu.memory_space<vmem>>, vector<16xi32>,
    tpu.vector_store %arg8[%swap3A_49], %broadcast_in_dim3A_48 {strides = array<i32>} : memref<10240xi32, #tpu.memory_space<vmem>>, vector<16xi32>,
    %broadcast_in_dim3A_51 = arith.constant 0 : i32
    %broadcast_in_dim3A_52 = vector.broadcast %broadcast_in_dim3A_51 : i32 to vector<16xi32>
    %swap3A_53 = arith.constant 10096 : index
    %swap3A_54 = tpu.vector_load %arg7[%swap3A_53] {strides = array<i32>} : memref<10240xi32, #tpu.memory_space<vmem>>, vector<16xi32>,
    tpu.vector_store %arg7[%swap3A_53], %broadcast_in_dim3A_52 {strides = array<i32>} : memref<10240xi32, #tpu.memory_space<vmem>>, vector<16xi32>,
    %broadcast_in_dim3A_55 = arith.constant 10000 : i32
    %broadcast_in_dim3A_56 = vector.broadcast %broadcast_in_dim3A_55 : i32 to vector<16xi32>
    %swap3A_57 = arith.constant 10096 : index
    %swap3A_58 = tpu.vector_load %arg8[%swap3A_57] {strides = array<i32>} : memref<10240xi32, #tpu.memory_space<vmem>>, vector<16xi32>,
    tpu.vector_store %arg8[%swap3A_57], %broadcast_in_dim3A_56 {strides = array<i32>} : memref<10240xi32, #tpu.memory_space<vmem>>, vector<16xi32>,
    %broadcast_in_dim3A_59 = arith.constant 0 : i32
    %broadcast_in_dim3A_60 = vector.broadcast %broadcast_in_dim3A_59 : i32 to vector<16xi32>
    %swap3A_61 = arith.constant 10112 : index
    %swap3A_62 = tpu.vector_load %arg7[%swap3A_61] {strides = array<i32>} : memref<10240xi32, #tpu.memory_space<vmem>>, vector<16xi32>,
    tpu.vector_store %arg7[%swap3A_61], %broadcast_in_dim3A_60 {strides = array<i32>} : memref<10240xi32, #tpu.memory_space<vmem>>, vector<16xi32>,
    %broadcast_in_dim3A_63 = arith.constant 10000 : i32
    %broadcast_in_dim3A_64 = vector.broadcast %broadcast_in_dim3A_63 : i32 to vector<16xi32>
    %swap3A_65 = arith.constant 10112 : index
    %swap3A_66 = tpu.vector_load %arg8[%swap3A_65] {strides = array<i32>} : memref<10240xi32, #tpu.memory_space<vmem>>, vector<16xi32>,
    tpu.vector_store %arg8[%swap3A_65], %broadcast_in_dim3A_64 {strides = array<i32>} : memref<10240xi32, #tpu.memory_space<vmem>>, vector<16xi32>,
    %broadcast_in_dim3A_67 = arith.constant 0 : i32
    %broadcast_in_dim3A_68 = vector.broadcast %broadcast_in_dim3A_67 : i32 to vector<16xi32>
    %swap3A_69 = arith.constant 10128 : index
    %swap3A_70 = tpu.vector_load %arg7[%swap3A_69] {strides = array<i32>} : memref<10240xi32, #tpu.memory_space<vmem>>, vector<16xi32>,
    tpu.vector_store %arg7[%swap3A_69], %broadcast_in_dim3A_68 {strides = array<i32>} : memref<10240xi32, #tpu.memory_space<vmem>>, vector<16xi32>,
    %broadcast_in_dim3A_71 = arith.constant 10000 : i32
    %broadcast_in_dim3A_72 = vector.broadcast %broadcast_in_dim3A_71 : i32 to vector<16xi32>
    %swap3A_73 = arith.constant 10128 : index
    %swap3A_74 = tpu.vector_load %arg8[%swap3A_73] {strides = array<i32>} : memref<10240xi32, #tpu.memory_space<vmem>>, vector<16xi32>,
    tpu.vector_store %arg8[%swap3A_73], %broadcast_in_dim3A_72 {strides = array<i32>} : memref<10240xi32, #tpu.memory_space<vmem>>, vector<16xi32>,
    %broadcast_in_dim3A_75 = arith.constant 0 : i32
    %broadcast_in_dim3A_76 = vector.broadcast %broadcast_in_dim3A_75 : i32 to vector<16xi32>
    %swap3A_77 = arith.constant 10144 : index
    %swap3A_78 = tpu.vector_load %arg7[%swap3A_77] {strides = array<i32>} : memref<10240xi32, #tpu.memory_space<vmem>>, vector<16xi32>,
    tpu.vector_store %arg7[%swap3A_77], %broadcast_in_dim3A_76 {strides = array<i32>} : memref<10240xi32, #tpu.memory_space<vmem>>, vector<16xi32>,
    %broadcast_in_dim3A_79 = arith.constant 10000 : i32
    %broadcast_in_dim3A_80 = vector.broadcast %broadcast_in_dim3A_79 : i32 to vector<16xi32>
    %swap3A_81 = arith.constant 10144 : index
    %swap3A_82 = tpu.vector_load %arg8[%swap3A_81] {strides = array<i32>} : memref<10240xi32, #tpu.memory_space<vmem>>, vector<16xi32>,
    tpu.vector_store %arg8[%swap3A_81], %broadcast_in_dim3A_80 {strides = array<i32>} : memref<10240xi32, #tpu.memory_space<vmem>>, vector<16xi32>,
    %broadcast_in_dim3A_83 = arith.constant 0 : i32
    %broadcast_in_dim3A_84 = vector.broadcast %broadcast_in_dim3A_83 : i32 to vector<16xi32>
    %swap3A_85 = arith.constant 10160 : index
    %swap3A_86 = tpu.vector_load %arg7[%swap3A_85] {strides = array<i32>} : memref<10240xi32, #tpu.memory_space<vmem>>, vector<16xi32>,
    tpu.vector_store %arg7[%swap3A_85], %broadcast_in_dim3A_84 {strides = array<i32>} : memref<10240xi32, #tpu.memory_space<vmem>>, vector<16xi32>,
    %broadcast_in_dim3A_87 = arith.constant 10000 : i32
    %broadcast_in_dim3A_88 = vector.broadcast %broadcast_in_dim3A_87 : i32 to vector<16xi32>
    %swap3A_89 = arith.constant 10160 : index
    %swap3A_90 = tpu.vector_load %arg8[%swap3A_89] {strides = array<i32>} : memref<10240xi32, #tpu.memory_space<vmem>>, vector<16xi32>,
    tpu.vector_store %arg8[%swap3A_89], %broadcast_in_dim3A_88 {strides = array<i32>} : memref<10240xi32, #tpu.memory_space<vmem>>, vector<16xi32>,
    %broadcast_in_dim3A_91 = arith.constant 0 : i32
    %broadcast_in_dim3A_92 = vector.broadcast %broadcast_in_dim3A_91 : i32 to vector<16xi32>
    %swap3A_93 = arith.constant 10176 : index
    %swap3A_94 = tpu.vector_load %arg7[%swap3A_93] {strides = array<i32>} : memref<10240xi32, #tpu.memory_space<vmem>>, vector<16xi32>,
    tpu.vector_store %arg7[%swap3A_93], %broadcast_in_dim3A_92 {strides = array<i32>} : memref<10240xi32, #tpu.memory_space<vmem>>, vector<16xi32>,
    %broadcast_in_dim3A_95 = arith.constant 10000 : i32
    %broadcast_in_dim3A_96 = vector.broadcast %broadcast_in_dim3A_95 : i32 to vector<16xi32>
    %swap3A_97 = arith.constant 10176 : index
    %swap3A_98 = tpu.vector_load %arg8[%swap3A_97] {strides = array<i32>} : memref<10240xi32, #tpu.memory_space<vmem>>, vector<16xi32>,
    tpu.vector_store %arg8[%swap3A_97], %broadcast_in_dim3A_96 {strides = array<i32>} : memref<10240xi32, #tpu.memory_space<vmem>>, vector<16xi32>,
    %broadcast_in_dim3A_99 = arith.constant 0 : i32
    %broadcast_in_dim3A_100 = vector.broadcast %broadcast_in_dim3A_99 : i32 to vector<16xi32>
    %swap3A_101 = arith.constant 10192 : index
    %swap3A_102 = tpu.vector_load %arg7[%swap3A_101] {strides = array<i32>} : memref<10240xi32, #tpu.memory_space<vmem>>, vector<16xi32>,
    tpu.vector_store %arg7[%swap3A_101], %broadcast_in_dim3A_100 {strides = array<i32>} : memref<10240xi32, #tpu.memory_space<vmem>>, vector<16xi32>,
    %broadcast_in_dim3A_103 = arith.constant 10000 : i32
    %broadcast_in_dim3A_104 = vector.broadcast %broadcast_in_dim3A_103 : i32 to vector<16xi32>
    %swap3A_105 = arith.constant 10192 : index
    %swap3A_106 = tpu.vector_load %arg8[%swap3A_105] {strides = array<i32>} : memref<10240xi32, #tpu.memory_space<vmem>>, vector<16xi32>,
    tpu.vector_store %arg8[%swap3A_105], %broadcast_in_dim3A_104 {strides = array<i32>} : memref<10240xi32, #tpu.memory_space<vmem>>, vector<16xi32>,
    %broadcast_in_dim3A_107 = arith.constant 0 : i32
    %broadcast_in_dim3A_108 = vector.broadcast %broadcast_in_dim3A_107 : i32 to vector<16xi32>
    %swap3A_109 = arith.constant 10208 : index
    %swap3A_110 = tpu.vector_load %arg7[%swap3A_109] {strides = array<i32>} : memref<10240xi32, #tpu.memory_space<vmem>>, vector<16xi32>,
    tpu.vector_store %arg7[%swap3A_109], %broadcast_in_dim3A_108 {strides = array<i32>} : memref<10240xi32, #tpu.memory_space<vmem>>, vector<16xi32>,
    %broadcast_in_dim3A_111 = arith.constant 10000 : i32
    %broadcast_in_dim3A_112 = vector.broadcast %broadcast_in_dim3A_111 : i32 to vector<16xi32>
    %swap3A_113 = arith.constant 10208 : index
    %swap3A_114 = tpu.vector_load %arg8[%swap3A_113] {strides = array<i32>} : memref<10240xi32, #tpu.memory_space<vmem>>, vector<16xi32>,
    tpu.vector_store %arg8[%swap3A_113], %broadcast_in_dim3A_112 {strides = array<i32>} : memref<10240xi32, #tpu.memory_space<vmem>>, vector<16xi32>,
    %broadcast_in_dim3A_115 = arith.constant 0 : i32
    %broadcast_in_dim3A_116 = vector.broadcast %broadcast_in_dim3A_115 : i32 to vector<16xi32>
    %swap3A_117 = arith.constant 10224 : index
    %swap3A_118 = tpu.vector_load %arg7[%swap3A_117] {strides = array<i32>} : memref<10240xi32, #tpu.memory_space<vmem>>, vector<16xi32>,
    tpu.vector_store %arg7[%swap3A_117], %broadcast_in_dim3A_116 {strides = array<i32>} : memref<10240xi32, #tpu.memory_space<vmem>>, vector<16xi32>,
    %broadcast_in_dim3A_119 = arith.constant 10000 : i32
    %broadcast_in_dim3A_120 = vector.broadcast %broadcast_in_dim3A_119 : i32 to vector<16xi32>
    %swap3A_121 = arith.constant 10224 : index
    %swap3A_122 = tpu.vector_load %arg8[%swap3A_121] {strides = array<i32>} : memref<10240xi32, #tpu.memory_space<vmem>>, vector<16xi32>,
    tpu.vector_store %arg8[%swap3A_121], %broadcast_in_dim3A_120 {strides = array<i32>} : memref<10240xi32, #tpu.memory_space<vmem>>, vector<16xi32>,
    %scan3A = arith.constant 0 : i32
    %scan3A_123 = arith.constant 0 : i32
    %scan3A_124 = arith.constant 64 : i32
    %scan3A_125 = arith.addi %scan3A_123, %scan3A_124 : i32
    %scan3A_126 = arith.constant 1 : i32
    %scan3A_127 = scf.for %scan3A_170 = %scan3A_123 to %scan3A_125 step %scan3A_126 iter_args(%scan3A_171 = %scan3A) -> (i32)  : i32 {
      %broadcast_in_dim3A_172 = arith.constant 0.000000e+00 : f32
      %broadcast_in_dim3A_173 = vector.broadcast %broadcast_in_dim3A_172 : f32 to vector<16xf32>
      %swap3A_174 = arith.index_cast %scan3A_170 : i32 to index
      %swap3A_175 = arith.constant 0 : index
      %swap3A_176 = tpu.vector_load %arg27[%swap3A_174, %swap3A_175] {strides = array<i32>} : memref<64x64xf32, #tpu.memory_space<vmem>>, vector<16xf32>,
      tpu.vector_store %arg27[%swap3A_174, %swap3A_175], %broadcast_in_dim3A_173 {strides = array<i32>} : memref<64x64xf32, #tpu.memory_space<vmem>>, vector<16xf32>,
      %broadcast_in_dim3A_177 = arith.constant 0.000000e+00 : f32
      %broadcast_in_dim3A_178 = vector.broadcast %broadcast_in_dim3A_177 : f32 to vector<16xf32>
      %swap3A_179 = arith.index_cast %scan3A_170 : i32 to index
      %swap3A_180 = arith.constant 16 : index
      %swap3A_181 = tpu.vector_load %arg27[%swap3A_179, %swap3A_180] {strides = array<i32>} : memref<64x64xf32, #tpu.memory_space<vmem>>, vector<16xf32>,
      tpu.vector_store %arg27[%swap3A_179, %swap3A_180], %broadcast_in_dim3A_178 {strides = array<i32>} : memref<64x64xf32, #tpu.memory_space<vmem>>, vector<16xf32>,
      %broadcast_in_dim3A_182 = arith.constant 0.000000e+00 : f32
      %broadcast_in_dim3A_183 = vector.broadcast %broadcast_in_dim3A_182 : f32 to vector<16xf32>
      %swap3A_184 = arith.index_cast %scan3A_170 : i32 to index
      %swap3A_185 = arith.constant 32 : index
      %swap3A_186 = tpu.vector_load %arg27[%swap3A_184, %swap3A_185] {strides = array<i32>} : memref<64x64xf32, #tpu.memory_space<vmem>>, vector<16xf32>,
      tpu.vector_store %arg27[%swap3A_184, %swap3A_185], %broadcast_in_dim3A_183 {strides = array<i32>} : memref<64x64xf32, #tpu.memory_space<vmem>>, vector<16xf32>,
      %broadcast_in_dim3A_187 = arith.constant 0.000000e+00 : f32
      %broadcast_in_dim3A_188 = vector.broadcast %broadcast_in_dim3A_187 : f32 to vector<16xf32>
      %swap3A_189 = arith.index_cast %scan3A_170 : i32 to index
      %swap3A_190 = arith.constant 48 : index
      %swap3A_191 = tpu.vector_load %arg27[%swap3A_189, %swap3A_190] {strides = array<i32>} : memref<64x64xf32, #tpu.memory_space<vmem>>, vector<16xf32>,
      tpu.vector_store %arg27[%swap3A_189, %swap3A_190], %broadcast_in_dim3A_188 {strides = array<i32>} : memref<64x64xf32, #tpu.memory_space<vmem>>, vector<16xf32>,
      %scan3A_192 = arith.constant 0 : i32
      scf.yield %scan3A_192 : i32
    }
    %scan3A_128 = arith.constant 64 : i32
    %add3A_129 = arith.constant 0 : i32
    %add3A_130 = arith.addi %mul3A_4, %add3A_129 : i32
    "tpu.region"() ({
      %run_scoped3A = tpu.sem_alloc : memref<!tpu.dma_semaphore, #tpu.memory_space<semaphore_mem>>
      %dma_start3A = arith.constant 0 : i32
      %dma_start3A_170 = tpu.memref_slice %arg28[%add3A_130, %dma_start3A] : memref<10240x64xf32, #tpu.memory_space<vmem_shared>> -> memref<64x64xf32, #tpu.memory_space<vmem_shared>>
      %dma_start3A_171 = arith.constant 0 : i32
      %dma_start3A_172 = tpu.memref_slice %arg28[%add3A_130, %dma_start3A_171] : memref<10240x64xf32, #tpu.memory_space<vmem_shared>> -> memref<64x64xf32, #tpu.memory_space<vmem_shared>>
      tpu.enqueue_dma source(%arg27 : memref<64x64xf32, #tpu.memory_space<vmem>>) target(%dma_start3A_172 : memref<64x64xf32, #tpu.memory_space<vmem_shared>>) target_semaphore(%run_scoped3A : memref<!tpu.dma_semaphore, #tpu.memory_space<semaphore_mem>>)
      %dma_wait3A = arith.constant 0 : i32
      %dma_wait3A_173 = tpu.memref_slice %arg28[%add3A_130, %dma_wait3A] : memref<10240x64xf32, #tpu.memory_space<vmem_shared>> -> memref<64x64xf32, #tpu.memory_space<vmem_shared>>
      %dma_wait3A_174 = arith.constant 0 : i32
      %dma_wait3A_175 = tpu.memref_slice %arg28[%add3A_130, %dma_wait3A_174] : memref<10240x64xf32, #tpu.memory_space<vmem_shared>> -> memref<64x64xf32, #tpu.memory_space<vmem_shared>>
      tpu.wait_dma2 semaphore(%run_scoped3A : memref<!tpu.dma_semaphore, #tpu.memory_space<semaphore_mem>>) src(%arg27 : memref<64x64xf32, #tpu.memory_space<vmem>>) dst(%dma_wait3A_175 : memref<64x64xf32, #tpu.memory_space<vmem_shared>>)
      tpu.yield
    }) : () -> ()
    %add3A_131 = arith.constant 64 : i32
    %add3A_132 = arith.addi %mul3A_4, %add3A_131 : i32
    "tpu.region"() ({
      %run_scoped3A = tpu.sem_alloc : memref<!tpu.dma_semaphore, #tpu.memory_space<semaphore_mem>>
      %dma_start3A = arith.constant 0 : i32
      %dma_start3A_170 = tpu.memref_slice %arg28[%add3A_132, %dma_start3A] : memref<10240x64xf32, #tpu.memory_space<vmem_shared>> -> memref<64x64xf32, #tpu.memory_space<vmem_shared>>
      %dma_start3A_171 = arith.constant 0 : i32
      %dma_start3A_172 = tpu.memref_slice %arg28[%add3A_132, %dma_start3A_171] : memref<10240x64xf32, #tpu.memory_space<vmem_shared>> -> memref<64x64xf32, #tpu.memory_space<vmem_shared>>
      tpu.enqueue_dma source(%arg27 : memref<64x64xf32, #tpu.memory_space<vmem>>) target(%dma_start3A_172 : memref<64x64xf32, #tpu.memory_space<vmem_shared>>) target_semaphore(%run_scoped3A : memref<!tpu.dma_semaphore, #tpu.memory_space<semaphore_mem>>)
      %dma_wait3A = arith.constant 0 : i32
      %dma_wait3A_173 = tpu.memref_slice %arg28[%add3A_132, %dma_wait3A] : memref<10240x64xf32, #tpu.memory_space<vmem_shared>> -> memref<64x64xf32, #tpu.memory_space<vmem_shared>>
      %dma_wait3A_174 = arith.constant 0 : i32
      %dma_wait3A_175 = tpu.memref_slice %arg28[%add3A_132, %dma_wait3A_174] : memref<10240x64xf32, #tpu.memory_space<vmem_shared>> -> memref<64x64xf32, #tpu.memory_space<vmem_shared>>
      tpu.wait_dma2 semaphore(%run_scoped3A : memref<!tpu.dma_semaphore, #tpu.memory_space<semaphore_mem>>) src(%arg27 : memref<64x64xf32, #tpu.memory_space<vmem>>) dst(%dma_wait3A_175 : memref<64x64xf32, #tpu.memory_space<vmem_shared>>)
      tpu.yield
    }) : () -> ()
    %add3A_133 = arith.constant 128 : i32
    %add3A_134 = arith.addi %mul3A_4, %add3A_133 : i32
    "tpu.region"() ({
      %run_scoped3A = tpu.sem_alloc : memref<!tpu.dma_semaphore, #tpu.memory_space<semaphore_mem>>
      %dma_start3A = arith.constant 0 : i32
      %dma_start3A_170 = tpu.memref_slice %arg28[%add3A_134, %dma_start3A] : memref<10240x64xf32, #tpu.memory_space<vmem_shared>> -> memref<64x64xf32, #tpu.memory_space<vmem_shared>>
      %dma_start3A_171 = arith.constant 0 : i32
      %dma_start3A_172 = tpu.memref_slice %arg28[%add3A_134, %dma_start3A_171] : memref<10240x64xf32, #tpu.memory_space<vmem_shared>> -> memref<64x64xf32, #tpu.memory_space<vmem_shared>>
      tpu.enqueue_dma source(%arg27 : memref<64x64xf32, #tpu.memory_space<vmem>>) target(%dma_start3A_172 : memref<64x64xf32, #tpu.memory_space<vmem_shared>>) target_semaphore(%run_scoped3A : memref<!tpu.dma_semaphore, #tpu.memory_space<semaphore_mem>>)
      %dma_wait3A = arith.constant 0 : i32
      %dma_wait3A_173 = tpu.memref_slice %arg28[%add3A_134, %dma_wait3A] : memref<10240x64xf32, #tpu.memory_space<vmem_shared>> -> memref<64x64xf32, #tpu.memory_space<vmem_shared>>
      %dma_wait3A_174 = arith.constant 0 : i32
      %dma_wait3A_175 = tpu.memref_slice %arg28[%add3A_134, %dma_wait3A_174] : memref<10240x64xf32, #tpu.memory_space<vmem_shared>> -> memref<64x64xf32, #tpu.memory_space<vmem_shared>>
      tpu.wait_dma2 semaphore(%run_scoped3A : memref<!tpu.dma_semaphore, #tpu.memory_space<semaphore_mem>>) src(%arg27 : memref<64x64xf32, #tpu.memory_space<vmem>>) dst(%dma_wait3A_175 : memref<64x64xf32, #tpu.memory_space<vmem_shared>>)
      tpu.yield
    }) : () -> ()
    %add3A_135 = arith.constant 192 : i32
    %add3A_136 = arith.addi %mul3A_4, %add3A_135 : i32
    "tpu.region"() ({
      %run_scoped3A = tpu.sem_alloc : memref<!tpu.dma_semaphore, #tpu.memory_space<semaphore_mem>>
      %dma_start3A = arith.constant 0 : i32
      %dma_start3A_170 = tpu.memref_slice %arg28[%add3A_136, %dma_start3A] : memref<10240x64xf32, #tpu.memory_space<vmem_shared>> -> memref<64x64xf32, #tpu.memory_space<vmem_shared>>
      %dma_start3A_171 = arith.constant 0 : i32
      %dma_start3A_172 = tpu.memref_slice %arg28[%add3A_136, %dma_start3A_171] : memref<10240x64xf32, #tpu.memory_space<vmem_shared>> -> memref<64x64xf32, #tpu.memory_space<vmem_shared>>
      tpu.enqueue_dma source(%arg27 : memref<64x64xf32, #tpu.memory_space<vmem>>) target(%dma_start3A_172 : memref<64x64xf32, #tpu.memory_space<vmem_shared>>) target_semaphore(%run_scoped3A : memref<!tpu.dma_semaphore, #tpu.memory_space<semaphore_mem>>)
      %dma_wait3A = arith.constant 0 : i32
      %dma_wait3A_173 = tpu.memref_slice %arg28[%add3A_136, %dma_wait3A] : memref<10240x64xf32, #tpu.memory_space<vmem_shared>> -> memref<64x64xf32, #tpu.memory_space<vmem_shared>>
      %dma_wait3A_174 = arith.constant 0 : i32
      %dma_wait3A_175 = tpu.memref_slice %arg28[%add3A_136, %dma_wait3A_174] : memref<10240x64xf32, #tpu.memory_space<vmem_shared>> -> memref<64x64xf32, #tpu.memory_space<vmem_shared>>
      tpu.wait_dma2 semaphore(%run_scoped3A : memref<!tpu.dma_semaphore, #tpu.memory_space<semaphore_mem>>) src(%arg27 : memref<64x64xf32, #tpu.memory_space<vmem>>) dst(%dma_wait3A_175 : memref<64x64xf32, #tpu.memory_space<vmem_shared>>)
      tpu.yield
    }) : () -> ()
    %add3A_137 = arith.constant 256 : i32
    %add3A_138 = arith.addi %mul3A_4, %add3A_137 : i32
    "tpu.region"() ({
      %run_scoped3A = tpu.sem_alloc : memref<!tpu.dma_semaphore, #tpu.memory_space<semaphore_mem>>
      %dma_start3A = arith.constant 0 : i32
      %dma_start3A_170 = tpu.memref_slice %arg28[%add3A_138, %dma_start3A] : memref<10240x64xf32, #tpu.memory_space<vmem_shared>> -> memref<64x64xf32, #tpu.memory_space<vmem_shared>>
      %dma_start3A_171 = arith.constant 0 : i32
      %dma_start3A_172 = tpu.memref_slice %arg28[%add3A_138, %dma_start3A_171] : memref<10240x64xf32, #tpu.memory_space<vmem_shared>> -> memref<64x64xf32, #tpu.memory_space<vmem_shared>>
      tpu.enqueue_dma source(%arg27 : memref<64x64xf32, #tpu.memory_space<vmem>>) target(%dma_start3A_172 : memref<64x64xf32, #tpu.memory_space<vmem_shared>>) target_semaphore(%run_scoped3A : memref<!tpu.dma_semaphore, #tpu.memory_space<semaphore_mem>>)
      %dma_wait3A = arith.constant 0 : i32
      %dma_wait3A_173 = tpu.memref_slice %arg28[%add3A_138, %dma_wait3A] : memref<10240x64xf32, #tpu.memory_space<vmem_shared>> -> memref<64x64xf32, #tpu.memory_space<vmem_shared>>
      %dma_wait3A_174 = arith.constant 0 : i32
      %dma_wait3A_175 = tpu.memref_slice %arg28[%add3A_138, %dma_wait3A_174] : memref<10240x64xf32, #tpu.memory_space<vmem_shared>> -> memref<64x64xf32, #tpu.memory_space<vmem_shared>>
      tpu.wait_dma2 semaphore(%run_scoped3A : memref<!tpu.dma_semaphore, #tpu.memory_space<semaphore_mem>>) src(%arg27 : memref<64x64xf32, #tpu.memory_space<vmem>>) dst(%dma_wait3A_175 : memref<64x64xf32, #tpu.memory_space<vmem_shared>>)
      tpu.yield
    }) : () -> ()
    %add3A_139 = arith.constant 320 : i32
    %add3A_140 = arith.addi %mul3A_4, %add3A_139 : i32
    "tpu.region"() ({
      %run_scoped3A = tpu.sem_alloc : memref<!tpu.dma_semaphore, #tpu.memory_space<semaphore_mem>>
      %dma_start3A = arith.constant 0 : i32
      %dma_start3A_170 = tpu.memref_slice %arg28[%add3A_140, %dma_start3A] : memref<10240x64xf32, #tpu.memory_space<vmem_shared>> -> memref<64x64xf32, #tpu.memory_space<vmem_shared>>
      %dma_start3A_171 = arith.constant 0 : i32
      %dma_start3A_172 = tpu.memref_slice %arg28[%add3A_140, %dma_start3A_171] : memref<10240x64xf32, #tpu.memory_space<vmem_shared>> -> memref<64x64xf32, #tpu.memory_space<vmem_shared>>
      tpu.enqueue_dma source(%arg27 : memref<64x64xf32, #tpu.memory_space<vmem>>) target(%dma_start3A_172 : memref<64x64xf32, #tpu.memory_space<vmem_shared>>) target_semaphore(%run_scoped3A : memref<!tpu.dma_semaphore, #tpu.memory_space<semaphore_mem>>)
      %dma_wait3A = arith.constant 0 : i32
      %dma_wait3A_173 = tpu.memref_slice %arg28[%add3A_140, %dma_wait3A] : memref<10240x64xf32, #tpu.memory_space<vmem_shared>> -> memref<64x64xf32, #tpu.memory_space<vmem_shared>>
      %dma_wait3A_174 = arith.constant 0 : i32
      %dma_wait3A_175 = tpu.memref_slice %arg28[%add3A_140, %dma_wait3A_174] : memref<10240x64xf32, #tpu.memory_space<vmem_shared>> -> memref<64x64xf32, #tpu.memory_space<vmem_shared>>
      tpu.wait_dma2 semaphore(%run_scoped3A : memref<!tpu.dma_semaphore, #tpu.memory_space<semaphore_mem>>) src(%arg27 : memref<64x64xf32, #tpu.memory_space<vmem>>) dst(%dma_wait3A_175 : memref<64x64xf32, #tpu.memory_space<vmem_shared>>)
      tpu.yield
    }) : () -> ()
    %add3A_141 = arith.constant 384 : i32
    %add3A_142 = arith.addi %mul3A_4, %add3A_141 : i32
    "tpu.region"() ({
      %run_scoped3A = tpu.sem_alloc : memref<!tpu.dma_semaphore, #tpu.memory_space<semaphore_mem>>
      %dma_start3A = arith.constant 0 : i32
      %dma_start3A_170 = tpu.memref_slice %arg28[%add3A_142, %dma_start3A] : memref<10240x64xf32, #tpu.memory_space<vmem_shared>> -> memref<64x64xf32, #tpu.memory_space<vmem_shared>>
      %dma_start3A_171 = arith.constant 0 : i32
      %dma_start3A_172 = tpu.memref_slice %arg28[%add3A_142, %dma_start3A_171] : memref<10240x64xf32, #tpu.memory_space<vmem_shared>> -> memref<64x64xf32, #tpu.memory_space<vmem_shared>>
      tpu.enqueue_dma source(%arg27 : memref<64x64xf32, #tpu.memory_space<vmem>>) target(%dma_start3A_172 : memref<64x64xf32, #tpu.memory_space<vmem_shared>>) target_semaphore(%run_scoped3A : memref<!tpu.dma_semaphore, #tpu.memory_space<semaphore_mem>>)
      %dma_wait3A = arith.constant 0 : i32
      %dma_wait3A_173 = tpu.memref_slice %arg28[%add3A_142, %dma_wait3A] : memref<10240x64xf32, #tpu.memory_space<vmem_shared>> -> memref<64x64xf32, #tpu.memory_space<vmem_shared>>
      %dma_wait3A_174 = arith.constant 0 : i32
      %dma_wait3A_175 = tpu.memref_slice %arg28[%add3A_142, %dma_wait3A_174] : memref<10240x64xf32, #tpu.memory_space<vmem_shared>> -> memref<64x64xf32, #tpu.memory_space<vmem_shared>>
      tpu.wait_dma2 semaphore(%run_scoped3A : memref<!tpu.dma_semaphore, #tpu.memory_space<semaphore_mem>>) src(%arg27 : memref<64x64xf32, #tpu.memory_space<vmem>>) dst(%dma_wait3A_175 : memref<64x64xf32, #tpu.memory_space<vmem_shared>>)
      tpu.yield
    }) : () -> ()
    %add3A_143 = arith.constant 448 : i32
    %add3A_144 = arith.addi %mul3A_4, %add3A_143 : i32
    "tpu.region"() ({
      %run_scoped3A = tpu.sem_alloc : memref<!tpu.dma_semaphore, #tpu.memory_space<semaphore_mem>>
      %dma_start3A = arith.constant 0 : i32
      %dma_start3A_170 = tpu.memref_slice %arg28[%add3A_144, %dma_start3A] : memref<10240x64xf32, #tpu.memory_space<vmem_shared>> -> memref<64x64xf32, #tpu.memory_space<vmem_shared>>
      %dma_start3A_171 = arith.constant 0 : i32
      %dma_start3A_172 = tpu.memref_slice %arg28[%add3A_144, %dma_start3A_171] : memref<10240x64xf32, #tpu.memory_space<vmem_shared>> -> memref<64x64xf32, #tpu.memory_space<vmem_shared>>
      tpu.enqueue_dma source(%arg27 : memref<64x64xf32, #tpu.memory_space<vmem>>) target(%dma_start3A_172 : memref<64x64xf32, #tpu.memory_space<vmem_shared>>) target_semaphore(%run_scoped3A : memref<!tpu.dma_semaphore, #tpu.memory_space<semaphore_mem>>)
      %dma_wait3A = arith.constant 0 : i32
      %dma_wait3A_173 = tpu.memref_slice %arg28[%add3A_144, %dma_wait3A] : memref<10240x64xf32, #tpu.memory_space<vmem_shared>> -> memref<64x64xf32, #tpu.memory_space<vmem_shared>>
      %dma_wait3A_174 = arith.constant 0 : i32
      %dma_wait3A_175 = tpu.memref_slice %arg28[%add3A_144, %dma_wait3A_174] : memref<10240x64xf32, #tpu.memory_space<vmem_shared>> -> memref<64x64xf32, #tpu.memory_space<vmem_shared>>
      tpu.wait_dma2 semaphore(%run_scoped3A : memref<!tpu.dma_semaphore, #tpu.memory_space<semaphore_mem>>) src(%arg27 : memref<64x64xf32, #tpu.memory_space<vmem>>) dst(%dma_wait3A_175 : memref<64x64xf32, #tpu.memory_space<vmem_shared>>)
      tpu.yield
    }) : () -> ()
    %add3A_145 = arith.constant 512 : i32
    %add3A_146 = arith.addi %mul3A_4, %add3A_145 : i32
    "tpu.region"() ({
      %run_scoped3A = tpu.sem_alloc : memref<!tpu.dma_semaphore, #tpu.memory_space<semaphore_mem>>
      %dma_start3A = arith.constant 0 : i32
      %dma_start3A_170 = tpu.memref_slice %arg28[%add3A_146, %dma_start3A] : memref<10240x64xf32, #tpu.memory_space<vmem_shared>> -> memref<64x64xf32, #tpu.memory_space<vmem_shared>>
      %dma_start3A_171 = arith.constant 0 : i32
      %dma_start3A_172 = tpu.memref_slice %arg28[%add3A_146, %dma_start3A_171] : memref<10240x64xf32, #tpu.memory_space<vmem_shared>> -> memref<64x64xf32, #tpu.memory_space<vmem_shared>>
      tpu.enqueue_dma source(%arg27 : memref<64x64xf32, #tpu.memory_space<vmem>>) target(%dma_start3A_172 : memref<64x64xf32, #tpu.memory_space<vmem_shared>>) target_semaphore(%run_scoped3A : memref<!tpu.dma_semaphore, #tpu.memory_space<semaphore_mem>>)
      %dma_wait3A = arith.constant 0 : i32
      %dma_wait3A_173 = tpu.memref_slice %arg28[%add3A_146, %dma_wait3A] : memref<10240x64xf32, #tpu.memory_space<vmem_shared>> -> memref<64x64xf32, #tpu.memory_space<vmem_shared>>
      %dma_wait3A_174 = arith.constant 0 : i32
      %dma_wait3A_175 = tpu.memref_slice %arg28[%add3A_146, %dma_wait3A_174] : memref<10240x64xf32, #tpu.memory_space<vmem_shared>> -> memref<64x64xf32, #tpu.memory_space<vmem_shared>>
      tpu.wait_dma2 semaphore(%run_scoped3A : memref<!tpu.dma_semaphore, #tpu.memory_space<semaphore_mem>>) src(%arg27 : memref<64x64xf32, #tpu.memory_space<vmem>>) dst(%dma_wait3A_175 : memref<64x64xf32, #tpu.memory_space<vmem_shared>>)
      tpu.yield
    }) : () -> ()
    %add3A_147 = arith.constant 576 : i32
    %add3A_148 = arith.addi %mul3A_4, %add3A_147 : i32
    "tpu.region"() ({
      %run_scoped3A = tpu.sem_alloc : memref<!tpu.dma_semaphore, #tpu.memory_space<semaphore_mem>>
      %dma_start3A = arith.constant 0 : i32
      %dma_start3A_170 = tpu.memref_slice %arg28[%add3A_148, %dma_start3A] : memref<10240x64xf32, #tpu.memory_space<vmem_shared>> -> memref<64x64xf32, #tpu.memory_space<vmem_shared>>
      %dma_start3A_171 = arith.constant 0 : i32
      %dma_start3A_172 = tpu.memref_slice %arg28[%add3A_148, %dma_start3A_171] : memref<10240x64xf32, #tpu.memory_space<vmem_shared>> -> memref<64x64xf32, #tpu.memory_space<vmem_shared>>
      tpu.enqueue_dma source(%arg27 : memref<64x64xf32, #tpu.memory_space<vmem>>) target(%dma_start3A_172 : memref<64x64xf32, #tpu.memory_space<vmem_shared>>) target_semaphore(%run_scoped3A : memref<!tpu.dma_semaphore, #tpu.memory_space<semaphore_mem>>)
      %dma_wait3A = arith.constant 0 : i32
      %dma_wait3A_173 = tpu.memref_slice %arg28[%add3A_148, %dma_wait3A] : memref<10240x64xf32, #tpu.memory_space<vmem_shared>> -> memref<64x64xf32, #tpu.memory_space<vmem_shared>>
      %dma_wait3A_174 = arith.constant 0 : i32
      %dma_wait3A_175 = tpu.memref_slice %arg28[%add3A_148, %dma_wait3A_174] : memref<10240x64xf32, #tpu.memory_space<vmem_shared>> -> memref<64x64xf32, #tpu.memory_space<vmem_shared>>
      tpu.wait_dma2 semaphore(%run_scoped3A : memref<!tpu.dma_semaphore, #tpu.memory_space<semaphore_mem>>) src(%arg27 : memref<64x64xf32, #tpu.memory_space<vmem>>) dst(%dma_wait3A_175 : memref<64x64xf32, #tpu.memory_space<vmem_shared>>)
      tpu.yield
    }) : () -> ()
    %iota3A = tpu.iota {dimensions = array<i32: 0>} : vector<16xi32>
    %xor3A = arith.constant 8 : i32
    %xor3A_149 = vector.broadcast %xor3A : i32 to vector<16xi32>
    %xor3A_150 = arith.xori %iota3A, %xor3A_149 : vector<16xi32>
    %reshape3A = vector.shape_cast %xor3A_150 : vector<16xi32> to vector<16x1xi32>
    %xor3A_151 = arith.constant 4 : i32
    %xor3A_152 = vector.broadcast %xor3A_151 : i32 to vector<16xi32>
    %xor3A_153 = arith.xori %iota3A, %xor3A_152 : vector<16xi32>
    %reshape3A_154 = vector.shape_cast %xor3A_153 : vector<16xi32> to vector<16x1xi32>
    %xor3A_155 = arith.constant 2 : i32
    %xor3A_156 = vector.broadcast %xor3A_155 : i32 to vector<16xi32>
    %xor3A_157 = arith.xori %iota3A, %xor3A_156 : vector<16xi32>
    %reshape3A_158 = vector.shape_cast %xor3A_157 : vector<16xi32> to vector<16x1xi32>
    %xor3A_159 = arith.constant 1 : i32
    %xor3A_160 = vector.broadcast %xor3A_159 : i32 to vector<16xi32>
    %xor3A_161 = arith.xori %iota3A, %xor3A_160 : vector<16xi32>
    %reshape3A_162 = vector.shape_cast %xor3A_161 : vector<16xi32> to vector<16x1xi32>
    %scan3A_163 = arith.constant 0 : i32
    %scan3A_164 = arith.constant 0 : i32
    %scan3A_165 = arith.constant 8 : i32
    %scan3A_166 = arith.addi %scan3A_164, %scan3A_165 : i32
    %scan3A_167 = arith.constant 1 : i32
    %scan3A_168 = scf.for %scan3A_170 = %scan3A_164 to %scan3A_166 step %scan3A_167 iter_args(%scan3A_171 = %scan3A_163) -> (i32)  : i32 {
      %barrier3A = arith.constant 0 : index
      tpu.barrier barrier_id(%barrier3A)
      %mul3A_172 = arith.constant 10240 : i32
      %mul3A_173 = arith.muli %scan3A_170, %mul3A_172 : i32
      %get3A = arith.constant 0 : index
      %get3A_174 = tpu.vector_load %arg7[%get3A] {strides = array<i32>} : memref<10240xi32, #tpu.memory_space<vmem>>, vector<16xi32>,
      %get3A_175 = arith.constant 0 : index
      %get3A_176 = tpu.vector_load %arg8[%get3A_175] {strides = array<i32>} : memref<10240xi32, #tpu.memory_space<vmem>>, vector<16xi32>,
      %add3A_177 = vector.broadcast %mul3A_173 : i32 to vector<16xi32>
      %add3A_178 = arith.addi %get3A_174, %add3A_177 : vector<16xi32>
      %swap3A_179 = arith.constant 0 : index
      %swap3A_180 = tpu.vector_load %arg9[%swap3A_179] {strides = array<i32>} : memref<80xi32, #tpu.memory_space<vmem>>, vector<16xi32>,
      tpu.vector_store %arg9[%swap3A_179], %add3A_178 {strides = array<i32>} : memref<80xi32, #tpu.memory_space<vmem>>, vector<16xi32>,
      %add3A_181 = vector.broadcast %mul3A_173 : i32 to vector<16xi32>
      %add3A_182 = arith.addi %get3A_176, %add3A_181 : vector<16xi32>
      %swap3A_183 = arith.constant 0 : index
      %swap3A_184 = tpu.vector_load %arg15[%swap3A_183] {strides = array<i32>} : memref<80xi32, #tpu.memory_space<vmem>>, vector<16xi32>,
      tpu.vector_store %arg15[%swap3A_183], %add3A_182 {strides = array<i32>} : memref<80xi32, #tpu.memory_space<vmem>>, vector<16xi32>,
      %swap3A_185 = arith.constant 0 : index
      %swap3A_186 = tpu.vector_load %arg12[%swap3A_185] {strides = array<i32>} : memref<80xi32, #tpu.memory_space<vmem>>, vector<16xi32>,
      tpu.vector_store %arg12[%swap3A_185], %get3A_176 {strides = array<i32>} : memref<80xi32, #tpu.memory_space<vmem>>, vector<16xi32>,
      %get3A_187 = arith.constant 16 : index
      %get3A_188 = tpu.vector_load %arg7[%get3A_187] {strides = array<i32>} : memref<10240xi32, #tpu.memory_space<vmem>>, vector<16xi32>,
      %get3A_189 = arith.constant 16 : index
      %get3A_190 = tpu.vector_load %arg8[%get3A_189] {strides = array<i32>} : memref<10240xi32, #tpu.memory_space<vmem>>, vector<16xi32>,
      %add3A_191 = vector.broadcast %mul3A_173 : i32 to vector<16xi32>
      %add3A_192 = arith.addi %get3A_188, %add3A_191 : vector<16xi32>
      %swap3A_193 = arith.constant 16 : index
      %swap3A_194 = tpu.vector_load %arg9[%swap3A_193] {strides = array<i32>} : memref<80xi32, #tpu.memory_space<vmem>>, vector<16xi32>,
      tpu.vector_store %arg9[%swap3A_193], %add3A_192 {strides = array<i32>} : memref<80xi32, #tpu.memory_space<vmem>>, vector<16xi32>,
      %add3A_195 = vector.broadcast %mul3A_173 : i32 to vector<16xi32>
      %add3A_196 = arith.addi %get3A_190, %add3A_195 : vector<16xi32>
      %swap3A_197 = arith.constant 16 : index
      %swap3A_198 = tpu.vector_load %arg15[%swap3A_197] {strides = array<i32>} : memref<80xi32, #tpu.memory_space<vmem>>, vector<16xi32>,
      tpu.vector_store %arg15[%swap3A_197], %add3A_196 {strides = array<i32>} : memref<80xi32, #tpu.memory_space<vmem>>, vector<16xi32>,
      %swap3A_199 = arith.constant 16 : index
      %swap3A_200 = tpu.vector_load %arg12[%swap3A_199] {strides = array<i32>} : memref<80xi32, #tpu.memory_space<vmem>>, vector<16xi32>,
      tpu.vector_store %arg12[%swap3A_199], %get3A_190 {strides = array<i32>} : memref<80xi32, #tpu.memory_space<vmem>>, vector<16xi32>,
      %get3A_201 = arith.constant 32 : index
      %get3A_202 = tpu.vector_load %arg7[%get3A_201] {strides = array<i32>} : memref<10240xi32, #tpu.memory_space<vmem>>, vector<16xi32>,
      %get3A_203 = arith.constant 32 : index
      %get3A_204 = tpu.vector_load %arg8[%get3A_203] {strides = array<i32>} : memref<10240xi32, #tpu.memory_space<vmem>>, vector<16xi32>,
      %add3A_205 = vector.broadcast %mul3A_173 : i32 to vector<16xi32>
      %add3A_206 = arith.addi %get3A_202, %add3A_205 : vector<16xi32>
      %swap3A_207 = arith.constant 32 : index
      %swap3A_208 = tpu.vector_load %arg9[%swap3A_207] {strides = array<i32>} : memref<80xi32, #tpu.memory_space<vmem>>, vector<16xi32>,
      tpu.vector_store %arg9[%swap3A_207], %add3A_206 {strides = array<i32>} : memref<80xi32, #tpu.memory_space<vmem>>, vector<16xi32>,
      %add3A_209 = vector.broadcast %mul3A_173 : i32 to vector<16xi32>
      %add3A_210 = arith.addi %get3A_204, %add3A_209 : vector<16xi32>
      %swap3A_211 = arith.constant 32 : index
      %swap3A_212 = tpu.vector_load %arg15[%swap3A_211] {strides = array<i32>} : memref<80xi32, #tpu.memory_space<vmem>>, vector<16xi32>,
      tpu.vector_store %arg15[%swap3A_211], %add3A_210 {strides = array<i32>} : memref<80xi32, #tpu.memory_space<vmem>>, vector<16xi32>,
      %swap3A_213 = arith.constant 32 : index
      %swap3A_214 = tpu.vector_load %arg12[%swap3A_213] {strides = array<i32>} : memref<80xi32, #tpu.memory_space<vmem>>, vector<16xi32>,
      tpu.vector_store %arg12[%swap3A_213], %get3A_204 {strides = array<i32>} : memref<80xi32, #tpu.memory_space<vmem>>, vector<16xi32>,
      %get3A_215 = arith.constant 48 : index
      %get3A_216 = tpu.vector_load %arg7[%get3A_215] {strides = array<i32>} : memref<10240xi32, #tpu.memory_space<vmem>>, vector<16xi32>,
      %get3A_217 = arith.constant 48 : index
      %get3A_218 = tpu.vector_load %arg8[%get3A_217] {strides = array<i32>} : memref<10240xi32, #tpu.memory_space<vmem>>, vector<16xi32>,
      %add3A_219 = vector.broadcast %mul3A_173 : i32 to vector<16xi32>
      %add3A_220 = arith.addi %get3A_216, %add3A_219 : vector<16xi32>
      %swap3A_221 = arith.constant 48 : index
      %swap3A_222 = tpu.vector_load %arg9[%swap3A_221] {strides = array<i32>} : memref<80xi32, #tpu.memory_space<vmem>>, vector<16xi32>,
      tpu.vector_store %arg9[%swap3A_221], %add3A_220 {strides = array<i32>} : memref<80xi32, #tpu.memory_space<vmem>>, vector<16xi32>,
      %add3A_223 = vector.broadcast %mul3A_173 : i32 to vector<16xi32>
      %add3A_224 = arith.addi %get3A_218, %add3A_223 : vector<16xi32>
      %swap3A_225 = arith.constant 48 : index
      %swap3A_226 = tpu.vector_load %arg15[%swap3A_225] {strides = array<i32>} : memref<80xi32, #tpu.memory_space<vmem>>, vector<16xi32>,
      tpu.vector_store %arg15[%swap3A_225], %add3A_224 {strides = array<i32>} : memref<80xi32, #tpu.memory_space<vmem>>, vector<16xi32>,
      %swap3A_227 = arith.constant 48 : index
      %swap3A_228 = tpu.vector_load %arg12[%swap3A_227] {strides = array<i32>} : memref<80xi32, #tpu.memory_space<vmem>>, vector<16xi32>,
      tpu.vector_store %arg12[%swap3A_227], %get3A_218 {strides = array<i32>} : memref<80xi32, #tpu.memory_space<vmem>>, vector<16xi32>,
      %get3A_229 = arith.constant 64 : index
      %get3A_230 = tpu.vector_load %arg7[%get3A_229] {strides = array<i32>} : memref<10240xi32, #tpu.memory_space<vmem>>, vector<16xi32>,
      %get3A_231 = arith.constant 64 : index
      %get3A_232 = tpu.vector_load %arg8[%get3A_231] {strides = array<i32>} : memref<10240xi32, #tpu.memory_space<vmem>>, vector<16xi32>,
      %add3A_233 = vector.broadcast %mul3A_173 : i32 to vector<16xi32>
      %add3A_234 = arith.addi %get3A_230, %add3A_233 : vector<16xi32>
      %swap3A_235 = arith.constant 64 : index
      %swap3A_236 = tpu.vector_load %arg9[%swap3A_235] {strides = array<i32>} : memref<80xi32, #tpu.memory_space<vmem>>, vector<16xi32>,
      tpu.vector_store %arg9[%swap3A_235], %add3A_234 {strides = array<i32>} : memref<80xi32, #tpu.memory_space<vmem>>, vector<16xi32>,
      %add3A_237 = vector.broadcast %mul3A_173 : i32 to vector<16xi32>
      %add3A_238 = arith.addi %get3A_232, %add3A_237 : vector<16xi32>
      %swap3A_239 = arith.constant 64 : index
      %swap3A_240 = tpu.vector_load %arg15[%swap3A_239] {strides = array<i32>} : memref<80xi32, #tpu.memory_space<vmem>>, vector<16xi32>,
      tpu.vector_store %arg15[%swap3A_239], %add3A_238 {strides = array<i32>} : memref<80xi32, #tpu.memory_space<vmem>>, vector<16xi32>,
      %swap3A_241 = arith.constant 64 : index
      %swap3A_242 = tpu.vector_load %arg12[%swap3A_241] {strides = array<i32>} : memref<80xi32, #tpu.memory_space<vmem>>, vector<16xi32>,
      tpu.vector_store %arg12[%swap3A_241], %get3A_232 {strides = array<i32>} : memref<80xi32, #tpu.memory_space<vmem>>, vector<16xi32>,
      %dma_start3A = arith.constant 0 : i32
      %dma_start3A_243 = arith.constant 0 : i32
      %dma_start3A_244 = tpu.memref_slice %arg2[%dma_start3A, %dma_start3A_243] : memref<81920x64xi32, #tpu.memory_space<hbm>> -> memref<81920x64xi32, #tpu.memory_space<hbm>>
      tpu.enqueue_indirect_dma source(%dma_start3A_244 : memref<81920x64xi32, #tpu.memory_space<hbm>>) target(%arg18 : memref<80x64xi32, #tpu.memory_space<vmem>>) offsets(%arg9 : memref<80xi32, #tpu.memory_space<vmem>>) semaphore(%arg29 : memref<!tpu.dma_semaphore, #tpu.memory_space<semaphore_mem>>)
      %dma_start3A_245 = arith.constant 0 : i32
      %dma_start3A_246 = arith.constant 0 : i32
      %dma_start3A_247 = tpu.memref_slice %arg3[%dma_start3A_245, %dma_start3A_246] : memref<81920x32xi32, #tpu.memory_space<hbm>> -> memref<81920x32xi32, #tpu.memory_space<hbm>>
      tpu.enqueue_indirect_dma source(%dma_start3A_247 : memref<81920x32xi32, #tpu.memory_space<hbm>>) target(%arg21 : memref<80x32xi32, #tpu.memory_space<vmem>>) offsets(%arg15 : memref<80xi32, #tpu.memory_space<vmem>>) semaphore(%arg29 : memref<!tpu.dma_semaphore, #tpu.memory_space<semaphore_mem>>)
      %get3A_248 = arith.constant 80 : index
      %get3A_249 = tpu.vector_load %arg7[%get3A_248] {strides = array<i32>} : memref<10240xi32, #tpu.memory_space<vmem>>, vector<16xi32>,
      %get3A_250 = arith.constant 80 : index
      %get3A_251 = tpu.vector_load %arg8[%get3A_250] {strides = array<i32>} : memref<10240xi32, #tpu.memory_space<vmem>>, vector<16xi32>,
      %add3A_252 = vector.broadcast %mul3A_173 : i32 to vector<16xi32>
      %add3A_253 = arith.addi %get3A_249, %add3A_252 : vector<16xi32>
      %swap3A_254 = arith.constant 0 : index
      %swap3A_255 = tpu.vector_load %arg10[%swap3A_254] {strides = array<i32>} : memref<80xi32, #tpu.memory_space<vmem>>, vector<16xi32>,
      tpu.vector_store %arg10[%swap3A_254], %add3A_253 {strides = array<i32>} : memref<80xi32, #tpu.memory_space<vmem>>, vector<16xi32>,
      %add3A_256 = vector.broadcast %mul3A_173 : i32 to vector<16xi32>
      %add3A_257 = arith.addi %get3A_251, %add3A_256 : vector<16xi32>
      %swap3A_258 = arith.constant 0 : index
      %swap3A_259 = tpu.vector_load %arg16[%swap3A_258] {strides = array<i32>} : memref<80xi32, #tpu.memory_space<vmem>>, vector<16xi32>,
      tpu.vector_store %arg16[%swap3A_258], %add3A_257 {strides = array<i32>} : memref<80xi32, #tpu.memory_space<vmem>>, vector<16xi32>,
      %swap3A_260 = arith.constant 0 : index
      %swap3A_261 = tpu.vector_load %arg13[%swap3A_260] {strides = array<i32>} : memref<80xi32, #tpu.memory_space<vmem>>, vector<16xi32>,
      tpu.vector_store %arg13[%swap3A_260], %get3A_251 {strides = array<i32>} : memref<80xi32, #tpu.memory_space<vmem>>, vector<16xi32>,
      %get3A_262 = arith.constant 96 : index
      %get3A_263 = tpu.vector_load %arg7[%get3A_262] {strides = array<i32>} : memref<10240xi32, #tpu.memory_space<vmem>>, vector<16xi32>,
      %get3A_264 = arith.constant 96 : index
      %get3A_265 = tpu.vector_load %arg8[%get3A_264] {strides = array<i32>} : memref<10240xi32, #tpu.memory_space<vmem>>, vector<16xi32>,
      %add3A_266 = vector.broadcast %mul3A_173 : i32 to vector<16xi32>
      %add3A_267 = arith.addi %get3A_263, %add3A_266 : vector<16xi32>
      %swap3A_268 = arith.constant 16 : index
      %swap3A_269 = tpu.vector_load %arg10[%swap3A_268] {strides = array<i32>} : memref<80xi32, #tpu.memory_space<vmem>>, vector<16xi32>,
      tpu.vector_store %arg10[%swap3A_268], %add3A_267 {strides = array<i32>} : memref<80xi32, #tpu.memory_space<vmem>>, vector<16xi32>,
      %add3A_270 = vector.broadcast %mul3A_173 : i32 to vector<16xi32>
      %add3A_271 = arith.addi %get3A_265, %add3A_270 : vector<16xi32>
      %swap3A_272 = arith.constant 16 : index
      %swap3A_273 = tpu.vector_load %arg16[%swap3A_272] {strides = array<i32>} : memref<80xi32, #tpu.memory_space<vmem>>, vector<16xi32>,
      tpu.vector_store %arg16[%swap3A_272], %add3A_271 {strides = array<i32>} : memref<80xi32, #tpu.memory_space<vmem>>, vector<16xi32>,
      %swap3A_274 = arith.constant 16 : index
      %swap3A_275 = tpu.vector_load %arg13[%swap3A_274] {strides = array<i32>} : memref<80xi32, #tpu.memory_space<vmem>>, vector<16xi32>,
      tpu.vector_store %arg13[%swap3A_274], %get3A_265 {strides = array<i32>} : memref<80xi32, #tpu.memory_space<vmem>>, vector<16xi32>,
      %get3A_276 = arith.constant 112 : index
      %get3A_277 = tpu.vector_load %arg7[%get3A_276] {strides = array<i32>} : memref<10240xi32, #tpu.memory_space<vmem>>, vector<16xi32>,
      %get3A_278 = arith.constant 112 : index
      %get3A_279 = tpu.vector_load %arg8[%get3A_278] {strides = array<i32>} : memref<10240xi32, #tpu.memory_space<vmem>>, vector<16xi32>,
      %add3A_280 = vector.broadcast %mul3A_173 : i32 to vector<16xi32>
      %add3A_281 = arith.addi %get3A_277, %add3A_280 : vector<16xi32>
      %swap3A_282 = arith.constant 32 : index
      %swap3A_283 = tpu.vector_load %arg10[%swap3A_282] {strides = array<i32>} : memref<80xi32, #tpu.memory_space<vmem>>, vector<16xi32>,
      tpu.vector_store %arg10[%swap3A_282], %add3A_281 {strides = array<i32>} : memref<80xi32, #tpu.memory_space<vmem>>, vector<16xi32>,
      %add3A_284 = vector.broadcast %mul3A_173 : i32 to vector<16xi32>
      %add3A_285 = arith.addi %get3A_279, %add3A_284 : vector<16xi32>
      %swap3A_286 = arith.constant 32 : index
      %swap3A_287 = tpu.vector_load %arg16[%swap3A_286] {strides = array<i32>} : memref<80xi32, #tpu.memory_space<vmem>>, vector<16xi32>,
      tpu.vector_store %arg16[%swap3A_286], %add3A_285 {strides = array<i32>} : memref<80xi32, #tpu.memory_space<vmem>>, vector<16xi32>,
      %swap3A_288 = arith.constant 32 : index
      %swap3A_289 = tpu.vector_load %arg13[%swap3A_288] {strides = array<i32>} : memref<80xi32, #tpu.memory_space<vmem>>, vector<16xi32>,
      tpu.vector_store %arg13[%swap3A_288], %get3A_279 {strides = array<i32>} : memref<80xi32, #tpu.memory_space<vmem>>, vector<16xi32>,
      %get3A_290 = arith.constant 128 : index
      %get3A_291 = tpu.vector_load %arg7[%get3A_290] {strides = array<i32>} : memref<10240xi32, #tpu.memory_space<vmem>>, vector<16xi32>,
      %get3A_292 = arith.constant 128 : index
      %get3A_293 = tpu.vector_load %arg8[%get3A_292] {strides = array<i32>} : memref<10240xi32, #tpu.memory_space<vmem>>, vector<16xi32>,
      %add3A_294 = vector.broadcast %mul3A_173 : i32 to vector<16xi32>
      %add3A_295 = arith.addi %get3A_291, %add3A_294 : vector<16xi32>
      %swap3A_296 = arith.constant 48 : index
      %swap3A_297 = tpu.vector_load %arg10[%swap3A_296] {strides = array<i32>} : memref<80xi32, #tpu.memory_space<vmem>>, vector<16xi32>,
      tpu.vector_store %arg10[%swap3A_296], %add3A_295 {strides = array<i32>} : memref<80xi32, #tpu.memory_space<vmem>>, vector<16xi32>,
      %add3A_298 = vector.broadcast %mul3A_173 : i32 to vector<16xi32>
      %add3A_299 = arith.addi %get3A_293, %add3A_298 : vector<16xi32>
      %swap3A_300 = arith.constant 48 : index
      %swap3A_301 = tpu.vector_load %arg16[%swap3A_300] {strides = array<i32>} : memref<80xi32, #tpu.memory_space<vmem>>, vector<16xi32>,
      tpu.vector_store %arg16[%swap3A_300], %add3A_299 {strides = array<i32>} : memref<80xi32, #tpu.memory_space<vmem>>, vector<16xi32>,
      %swap3A_302 = arith.constant 48 : index
      %swap3A_303 = tpu.vector_load %arg13[%swap3A_302] {strides = array<i32>} : memref<80xi32, #tpu.memory_space<vmem>>, vector<16xi32>,
      tpu.vector_store %arg13[%swap3A_302], %get3A_293 {strides = array<i32>} : memref<80xi32, #tpu.memory_space<vmem>>, vector<16xi32>,
      %get3A_304 = arith.constant 144 : index
      %get3A_305 = tpu.vector_load %arg7[%get3A_304] {strides = array<i32>} : memref<10240xi32, #tpu.memory_space<vmem>>, vector<16xi32>,
      %get3A_306 = arith.constant 144 : index
      %get3A_307 = tpu.vector_load %arg8[%get3A_306] {strides = array<i32>} : memref<10240xi32, #tpu.memory_space<vmem>>, vector<16xi32>,
      %add3A_308 = vector.broadcast %mul3A_173 : i32 to vector<16xi32>
      %add3A_309 = arith.addi %get3A_305, %add3A_308 : vector<16xi32>
      %swap3A_310 = arith.constant 64 : index
      %swap3A_311 = tpu.vector_load %arg10[%swap3A_310] {strides = array<i32>} : memref<80xi32, #tpu.memory_space<vmem>>, vector<16xi32>,
      tpu.vector_store %arg10[%swap3A_310], %add3A_309 {strides = array<i32>} : memref<80xi32, #tpu.memory_space<vmem>>, vector<16xi32>,
      %add3A_312 = vector.broadcast %mul3A_173 : i32 to vector<16xi32>
      %add3A_313 = arith.addi %get3A_307, %add3A_312 : vector<16xi32>
      %swap3A_314 = arith.constant 64 : index
      %swap3A_315 = tpu.vector_load %arg16[%swap3A_314] {strides = array<i32>} : memref<80xi32, #tpu.memory_space<vmem>>, vector<16xi32>,
      tpu.vector_store %arg16[%swap3A_314], %add3A_313 {strides = array<i32>} : memref<80xi32, #tpu.memory_space<vmem>>, vector<16xi32>,
      %swap3A_316 = arith.constant 64 : index
      %swap3A_317 = tpu.vector_load %arg13[%swap3A_316] {strides = array<i32>} : memref<80xi32, #tpu.memory_space<vmem>>, vector<16xi32>,
      tpu.vector_store %arg13[%swap3A_316], %get3A_307 {strides = array<i32>} : memref<80xi32, #tpu.memory_space<vmem>>, vector<16xi32>,
      %dma_start3A_318 = arith.constant 0 : i32
      %dma_start3A_319 = arith.constant 0 : i32
      %dma_start3A_320 = tpu.memref_slice %arg2[%dma_start3A_318, %dma_start3A_319] : memref<81920x64xi32, #tpu.memory_space<hbm>> -> memref<81920x64xi32, #tpu.memory_space<hbm>>
      tpu.enqueue_indirect_dma source(%dma_start3A_320 : memref<81920x64xi32, #tpu.memory_space<hbm>>) target(%arg19 : memref<80x64xi32, #tpu.memory_space<vmem>>) offsets(%arg10 : memref<80xi32, #tpu.memory_space<vmem>>) semaphore(%arg30 : memref<!tpu.dma_semaphore, #tpu.memory_space<semaphore_mem>>)
      %dma_start3A_321 = arith.constant 0 : i32
      %dma_start3A_322 = arith.constant 0 : i32
      %dma_start3A_323 = tpu.memref_slice %arg3[%dma_start3A_321, %dma_start3A_322] : memref<81920x32xi32, #tpu.memory_space<hbm>> -> memref<81920x32xi32, #tpu.memory_space<hbm>>
      tpu.enqueue_indirect_dma source(%dma_start3A_323 : memref<81920x32xi32, #tpu.memory_space<hbm>>) target(%arg22 : memref<80x32xi32, #tpu.memory_space<vmem>>) offsets(%arg16 : memref<80xi32, #tpu.memory_space<vmem>>) semaphore(%arg30 : memref<!tpu.dma_semaphore, #tpu.memory_space<semaphore_mem>>)
      %scan3A_324 = arith.constant 0 : i32
      %scan3A_325 = arith.constant 0 : i32
      %scan3A_326 = arith.constant 42 : i32
      %scan3A_327 = arith.addi %scan3A_325, %scan3A_326 : i32
      %scan3A_328 = arith.constant 1 : i32
      %scan3A_329 = scf.for %scan3A_390 = %scan3A_325 to %scan3A_327 step %scan3A_328 iter_args(%scan3A_391 = %scan3A_324) -> (i32)  : i32 {
        %mul3A_392 = arith.constant 3 : i32
        %mul3A_393 = arith.muli %mul3A_392, %scan3A_390 : i32
        %dma_wait3A_394 = arith.constant 0 : i32
        %dma_wait3A_395 = arith.constant 0 : i32
        %dma_wait3A_396 = tpu.memref_slice %arg2[%dma_wait3A_394, %dma_wait3A_395] : memref<81920x64xi32, #tpu.memory_space<hbm>> -> memref<81920x64xi32, #tpu.memory_space<hbm>>
        tpu.wait_indirect_dma semaphore(%arg29 : memref<!tpu.dma_semaphore, #tpu.memory_space<semaphore_mem>>) src(%dma_wait3A_396 : memref<81920x64xi32, #tpu.memory_space<hbm>>) dst(%arg18 : memref<80x64xi32, #tpu.memory_space<vmem>>)
        %dma_wait3A_397 = arith.constant 0 : i32
        %dma_wait3A_398 = arith.constant 0 : i32
        %dma_wait3A_399 = tpu.memref_slice %arg3[%dma_wait3A_397, %dma_wait3A_398] : memref<81920x32xi32, #tpu.memory_space<hbm>> -> memref<81920x32xi32, #tpu.memory_space<hbm>>
        tpu.wait_indirect_dma semaphore(%arg29 : memref<!tpu.dma_semaphore, #tpu.memory_space<semaphore_mem>>) src(%dma_wait3A_399 : memref<81920x32xi32, #tpu.memory_space<hbm>>) dst(%arg21 : memref<80x32xi32, #tpu.memory_space<vmem>>)
        %parallel_loop3A_400 = arith.constant 0 : i32
        %parallel_loop3A_401 = arith.constant 80 : i32
        %parallel_loop3A_402 = arith.constant 1 : i32
        scf.for %parallel_loop3A_745 = %parallel_loop3A_400 to %parallel_loop3A_401 step %parallel_loop3A_402  : i32 {
          %parallel_loop3A_746 = arith.index_cast %parallel_loop3A_745 : i32 to index
          %parallel_loop3A_747 = arith.constant 0 : index
          %parallel_loop3A_748 = tpu.vector_load %arg18[%parallel_loop3A_746, %parallel_loop3A_747] {strides = array<i32>} : memref<80x64xi32, #tpu.memory_space<vmem>>, vector<16xi32>,
          %parallel_loop3A_749 = vector.bitcast %parallel_loop3A_748 : vector<16xi32> to vector<32xbf16>
          %parallel_loop3A_750 = tpu.unpack_subelements %parallel_loop3A_749, 0 {pack_format = #tpu.pack_format<interleaved>} : vector<32xbf16> -> vector<16xf32>
          %parallel_loop3A_751 = tpu.unpack_subelements %parallel_loop3A_749, 1 {pack_format = #tpu.pack_format<interleaved>} : vector<32xbf16> -> vector<16xf32>
          %parallel_loop3A_752 = arith.index_cast %parallel_loop3A_745 : i32 to index
          %parallel_loop3A_753 = arith.constant 16 : index
          %parallel_loop3A_754 = tpu.vector_load %arg18[%parallel_loop3A_752, %parallel_loop3A_753] {strides = array<i32>} : memref<80x64xi32, #tpu.memory_space<vmem>>, vector<16xi32>,
          %parallel_loop3A_755 = vector.bitcast %parallel_loop3A_754 : vector<16xi32> to vector<32xbf16>
          %parallel_loop3A_756 = tpu.unpack_subelements %parallel_loop3A_755, 0 {pack_format = #tpu.pack_format<interleaved>} : vector<32xbf16> -> vector<16xf32>
          %parallel_loop3A_757 = tpu.unpack_subelements %parallel_loop3A_755, 1 {pack_format = #tpu.pack_format<interleaved>} : vector<32xbf16> -> vector<16xf32>
          %parallel_loop3A_758 = arith.index_cast %parallel_loop3A_745 : i32 to index
          %parallel_loop3A_759 = arith.constant 0 : index
          %parallel_loop3A_760 = tpu.vector_load %arg21[%parallel_loop3A_758, %parallel_loop3A_759] {strides = array<i32>} : memref<80x32xi32, #tpu.memory_space<vmem>>, vector<16xi32>,
          %parallel_loop3A_761 = vector.bitcast %parallel_loop3A_760 : vector<16xi32> to vector<32xbf16>
          %parallel_loop3A_762 = tpu.unpack_subelements %parallel_loop3A_761, 0 {pack_format = #tpu.pack_format<interleaved>} : vector<32xbf16> -> vector<16xf32>
          %parallel_loop3A_763 = tpu.unpack_subelements %parallel_loop3A_761, 1 {pack_format = #tpu.pack_format<interleaved>} : vector<32xbf16> -> vector<16xf32>
          %parallel_loop3A_764 = arith.index_cast %parallel_loop3A_745 : i32 to index
          %parallel_loop3A_765 = arith.constant 16 : index
          %parallel_loop3A_766 = tpu.vector_load %arg21[%parallel_loop3A_764, %parallel_loop3A_765] {strides = array<i32>} : memref<80x32xi32, #tpu.memory_space<vmem>>, vector<16xi32>,
          %parallel_loop3A_767 = vector.bitcast %parallel_loop3A_766 : vector<16xi32> to vector<32xbf16>
          %parallel_loop3A_768 = tpu.unpack_subelements %parallel_loop3A_767, 0 {pack_format = #tpu.pack_format<interleaved>} : vector<32xbf16> -> vector<16xf32>
          %parallel_loop3A_769 = tpu.unpack_subelements %parallel_loop3A_767, 1 {pack_format = #tpu.pack_format<interleaved>} : vector<32xbf16> -> vector<16xf32>
          %parallel_loop3A_770 = arith.mulf %parallel_loop3A_750, %parallel_loop3A_762 : vector<16xf32>
          %parallel_loop3A_771 = arith.mulf %parallel_loop3A_751, %parallel_loop3A_763 : vector<16xf32>
          %parallel_loop3A_772 = arith.addf %parallel_loop3A_770, %parallel_loop3A_771 : vector<16xf32>
          %parallel_loop3A_773 = arith.mulf %parallel_loop3A_756, %parallel_loop3A_768 : vector<16xf32>
          %parallel_loop3A_774 = arith.mulf %parallel_loop3A_757, %parallel_loop3A_769 : vector<16xf32>
          %parallel_loop3A_775 = arith.addf %parallel_loop3A_773, %parallel_loop3A_774 : vector<16xf32>
          %parallel_loop3A_776 = arith.addf %parallel_loop3A_772, %parallel_loop3A_775 : vector<16xf32>
          %parallel_loop3A_777 = vector.shape_cast %reshape3A : vector<16x1xi32> to vector<16xi32>
          %parallel_loop3A_778 = tpu.dynamic_gather %parallel_loop3A_776[%parallel_loop3A_777] in [0] : vector<16xf32>, vector<16xi32> -> vector<16xf32>
          %parallel_loop3A_779 = arith.addf %parallel_loop3A_776, %parallel_loop3A_778 : vector<16xf32>
          %parallel_loop3A_780 = vector.shape_cast %reshape3A_154 : vector<16x1xi32> to vector<16xi32>
          %parallel_loop3A_781 = tpu.dynamic_gather %parallel_loop3A_779[%parallel_loop3A_780] in [0] : vector<16xf32>, vector<16xi32> -> vector<16xf32>
          %parallel_loop3A_782 = arith.addf %parallel_loop3A_779, %parallel_loop3A_781 : vector<16xf32>
          %parallel_loop3A_783 = vector.shape_cast %reshape3A_158 : vector<16x1xi32> to vector<16xi32>
          %parallel_loop3A_784 = tpu.dynamic_gather %parallel_loop3A_782[%parallel_loop3A_783] in [0] : vector<16xf32>, vector<16xi32> -> vector<16xf32>
          %parallel_loop3A_785 = arith.addf %parallel_loop3A_782, %parallel_loop3A_784 : vector<16xf32>
          %parallel_loop3A_786 = vector.shape_cast %reshape3A_162 : vector<16x1xi32> to vector<16xi32>
          %parallel_loop3A_787 = tpu.dynamic_gather %parallel_loop3A_785[%parallel_loop3A_786] in [0] : vector<16xf32>, vector<16xi32> -> vector<16xf32>
          %parallel_loop3A_788 = arith.addf %parallel_loop3A_785, %parallel_loop3A_787 : vector<16xf32>
          %parallel_loop3A_789 = arith.index_cast %parallel_loop3A_745 : i32 to index
          %parallel_loop3A_790 = arith.constant 32 : index
          %parallel_loop3A_791 = tpu.vector_load %arg18[%parallel_loop3A_789, %parallel_loop3A_790] {strides = array<i32>} : memref<80x64xi32, #tpu.memory_space<vmem>>, vector<16xi32>,
          %parallel_loop3A_792 = vector.bitcast %parallel_loop3A_791 : vector<16xi32> to vector<32xbf16>
          %parallel_loop3A_793 = tpu.unpack_subelements %parallel_loop3A_792, 0 {pack_format = #tpu.pack_format<interleaved>} : vector<32xbf16> -> vector<16xf32>
          %parallel_loop3A_794 = tpu.unpack_subelements %parallel_loop3A_792, 1 {pack_format = #tpu.pack_format<interleaved>} : vector<32xbf16> -> vector<16xf32>
          %parallel_loop3A_795 = arith.index_cast %parallel_loop3A_745 : i32 to index
          %parallel_loop3A_796 = arith.constant 48 : index
          %parallel_loop3A_797 = tpu.vector_load %arg18[%parallel_loop3A_795, %parallel_loop3A_796] {strides = array<i32>} : memref<80x64xi32, #tpu.memory_space<vmem>>, vector<16xi32>,
          %parallel_loop3A_798 = vector.bitcast %parallel_loop3A_797 : vector<16xi32> to vector<32xbf16>
          %parallel_loop3A_799 = tpu.unpack_subelements %parallel_loop3A_798, 0 {pack_format = #tpu.pack_format<interleaved>} : vector<32xbf16> -> vector<16xf32>
          %parallel_loop3A_800 = tpu.unpack_subelements %parallel_loop3A_798, 1 {pack_format = #tpu.pack_format<interleaved>} : vector<32xbf16> -> vector<16xf32>
          %parallel_loop3A_801 = arith.mulf %parallel_loop3A_793, %parallel_loop3A_788 : vector<16xf32>
          %parallel_loop3A_802 = arith.index_cast %parallel_loop3A_745 : i32 to index
          %parallel_loop3A_803 = arith.constant 0 : index
          %parallel_loop3A_804 = tpu.vector_load %arg24[%parallel_loop3A_802, %parallel_loop3A_803] {strides = array<i32>} : memref<80x64xf32, #tpu.memory_space<vmem>>, vector<16xf32>,
          tpu.vector_store %arg24[%parallel_loop3A_802, %parallel_loop3A_803], %parallel_loop3A_801 {strides = array<i32>} : memref<80x64xf32, #tpu.memory_space<vmem>>, vector<16xf32>,
          %parallel_loop3A_805 = arith.mulf %parallel_loop3A_794, %parallel_loop3A_788 : vector<16xf32>
          %parallel_loop3A_806 = arith.index_cast %parallel_loop3A_745 : i32 to index
          %parallel_loop3A_807 = arith.constant 16 : index
          %parallel_loop3A_808 = tpu.vector_load %arg24[%parallel_loop3A_806, %parallel_loop3A_807] {strides = array<i32>} : memref<80x64xf32, #tpu.memory_space<vmem>>, vector<16xf32>,
          tpu.vector_store %arg24[%parallel_loop3A_806, %parallel_loop3A_807], %parallel_loop3A_805 {strides = array<i32>} : memref<80x64xf32, #tpu.memory_space<vmem>>, vector<16xf32>,
          %parallel_loop3A_809 = arith.mulf %parallel_loop3A_799, %parallel_loop3A_788 : vector<16xf32>
          %parallel_loop3A_810 = arith.index_cast %parallel_loop3A_745 : i32 to index
          %parallel_loop3A_811 = arith.constant 32 : index
          %parallel_loop3A_812 = tpu.vector_load %arg24[%parallel_loop3A_810, %parallel_loop3A_811] {strides = array<i32>} : memref<80x64xf32, #tpu.memory_space<vmem>>, vector<16xf32>,
          tpu.vector_store %arg24[%parallel_loop3A_810, %parallel_loop3A_811], %parallel_loop3A_809 {strides = array<i32>} : memref<80x64xf32, #tpu.memory_space<vmem>>, vector<16xf32>,
          %parallel_loop3A_813 = arith.mulf %parallel_loop3A_800, %parallel_loop3A_788 : vector<16xf32>
          %parallel_loop3A_814 = arith.index_cast %parallel_loop3A_745 : i32 to index
          %parallel_loop3A_815 = arith.constant 48 : index
          %parallel_loop3A_816 = tpu.vector_load %arg24[%parallel_loop3A_814, %parallel_loop3A_815] {strides = array<i32>} : memref<80x64xf32, #tpu.memory_space<vmem>>, vector<16xf32>,
          tpu.vector_store %arg24[%parallel_loop3A_814, %parallel_loop3A_815], %parallel_loop3A_813 {strides = array<i32>} : memref<80x64xf32, #tpu.memory_space<vmem>>, vector<16xf32>,
        } {sc.loop_unroll_factor = 2 : i64, sc.parallel_access}
        %dma_start3A_403 = arith.constant 0 : i32
        %dma_start3A_404 = arith.constant 0 : i32
        %dma_start3A_405 = tpu.memref_slice %arg28[%dma_start3A_403, %dma_start3A_404] : memref<10240x64xf32, #tpu.memory_space<vmem_shared>> -> memref<10240x64xf32, #tpu.memory_space<vmem_shared>>
        tpu.enqueue_indirect_dma source(%arg24 : memref<80x64xf32, #tpu.memory_space<vmem>>) target(%dma_start3A_405 : memref<10240x64xf32, #tpu.memory_space<vmem_shared>>) offsets(%arg12 : memref<80xi32, #tpu.memory_space<vmem>>) semaphore(%arg32 : memref<!tpu.dma_semaphore, #tpu.memory_space<semaphore_mem>>) {add = true}
        %gt3A = arith.constant 0 : i32
        %gt3A_406 = arith.cmpi sgt, %scan3A_390, %gt3A : i32
        %convert_element_type3A = arith.extui %gt3A_406 : i1 to i32
        %cond3A = arith.constant 0 : i32
        %cond3A_407 = arith.cmpi ne, %convert_element_type3A, %cond3A : i32
        scf.if %cond3A_407 {
          %dma_wait3A_745 = arith.constant 0 : i32
          %dma_wait3A_746 = arith.constant 0 : i32
          %dma_wait3A_747 = tpu.memref_slice %arg28[%dma_wait3A_745, %dma_wait3A_746] : memref<10240x64xf32, #tpu.memory_space<vmem_shared>> -> memref<10240x64xf32, #tpu.memory_space<vmem_shared>>
          tpu.wait_indirect_dma semaphore(%arg34 : memref<!tpu.dma_semaphore, #tpu.memory_space<semaphore_mem>>) src(%arg26 : memref<80x64xf32, #tpu.memory_space<vmem>>) dst(%dma_wait3A_747 : memref<10240x64xf32, #tpu.memory_space<vmem_shared>>)
        } else {
        }
        %add3A_408 = arith.constant 0 : i32
        %add3A_409 = arith.addi %mul3A_393, %add3A_408 : i32
        %add3A_410 = arith.constant 2 : i32
        %add3A_411 = arith.addi %add3A_409, %add3A_410 : i32
        %mul3A_412 = arith.constant 80 : i32
        %mul3A_413 = arith.muli %add3A_411, %mul3A_412 : i32
        %add3A_414 = arith.constant 0 : i32
        %add3A_415 = arith.addi %mul3A_413, %add3A_414 : i32
        %get3A_416 = arith.index_cast %add3A_415 : i32 to index
        %get3A_417 = tpu.vector_load %arg7[%get3A_416] {strides = array<i32>} : memref<10240xi32, #tpu.memory_space<vmem>>, vector<16xi32>,
        %add3A_418 = arith.constant 0 : i32
        %add3A_419 = arith.addi %mul3A_413, %add3A_418 : i32
        %get3A_420 = arith.index_cast %add3A_419 : i32 to index
        %get3A_421 = tpu.vector_load %arg8[%get3A_420] {strides = array<i32>} : memref<10240xi32, #tpu.memory_space<vmem>>, vector<16xi32>,
        %add3A_422 = vector.broadcast %mul3A_173 : i32 to vector<16xi32>
        %add3A_423 = arith.addi %get3A_417, %add3A_422 : vector<16xi32>
        %swap3A_424 = arith.constant 0 : index
        %swap3A_425 = tpu.vector_load %arg11[%swap3A_424] {strides = array<i32>} : memref<80xi32, #tpu.memory_space<vmem>>, vector<16xi32>,
        tpu.vector_store %arg11[%swap3A_424], %add3A_423 {strides = array<i32>} : memref<80xi32, #tpu.memory_space<vmem>>, vector<16xi32>,
        %add3A_426 = vector.broadcast %mul3A_173 : i32 to vector<16xi32>
        %add3A_427 = arith.addi %get3A_421, %add3A_426 : vector<16xi32>
        %swap3A_428 = arith.constant 0 : index
        %swap3A_429 = tpu.vector_load %arg17[%swap3A_428] {strides = array<i32>} : memref<80xi32, #tpu.memory_space<vmem>>, vector<16xi32>,
        tpu.vector_store %arg17[%swap3A_428], %add3A_427 {strides = array<i32>} : memref<80xi32, #tpu.memory_space<vmem>>, vector<16xi32>,
        %swap3A_430 = arith.constant 0 : index
        %swap3A_431 = tpu.vector_load %arg14[%swap3A_430] {strides = array<i32>} : memref<80xi32, #tpu.memory_space<vmem>>, vector<16xi32>,
        tpu.vector_store %arg14[%swap3A_430], %get3A_421 {strides = array<i32>} : memref<80xi32, #tpu.memory_space<vmem>>, vector<16xi32>,
        %add3A_432 = arith.constant 16 : i32
        %add3A_433 = arith.addi %mul3A_413, %add3A_432 : i32
        %get3A_434 = arith.index_cast %add3A_433 : i32 to index
        %get3A_435 = tpu.vector_load %arg7[%get3A_434] {strides = array<i32>} : memref<10240xi32, #tpu.memory_space<vmem>>, vector<16xi32>,
        %add3A_436 = arith.constant 16 : i32
        %add3A_437 = arith.addi %mul3A_413, %add3A_436 : i32
        %get3A_438 = arith.index_cast %add3A_437 : i32 to index
        %get3A_439 = tpu.vector_load %arg8[%get3A_438] {strides = array<i32>} : memref<10240xi32, #tpu.memory_space<vmem>>, vector<16xi32>,
        %add3A_440 = vector.broadcast %mul3A_173 : i32 to vector<16xi32>
        %add3A_441 = arith.addi %get3A_435, %add3A_440 : vector<16xi32>
        %swap3A_442 = arith.constant 16 : index
        %swap3A_443 = tpu.vector_load %arg11[%swap3A_442] {strides = array<i32>} : memref<80xi32, #tpu.memory_space<vmem>>, vector<16xi32>,
        tpu.vector_store %arg11[%swap3A_442], %add3A_441 {strides = array<i32>} : memref<80xi32, #tpu.memory_space<vmem>>, vector<16xi32>,
        %add3A_444 = vector.broadcast %mul3A_173 : i32 to vector<16xi32>
        %add3A_445 = arith.addi %get3A_439, %add3A_444 : vector<16xi32>
        %swap3A_446 = arith.constant 16 : index
        %swap3A_447 = tpu.vector_load %arg17[%swap3A_446] {strides = array<i32>} : memref<80xi32, #tpu.memory_space<vmem>>, vector<16xi32>,
        tpu.vector_store %arg17[%swap3A_446], %add3A_445 {strides = array<i32>} : memref<80xi32, #tpu.memory_space<vmem>>, vector<16xi32>,
        %swap3A_448 = arith.constant 16 : index
        %swap3A_449 = tpu.vector_load %arg14[%swap3A_448] {strides = array<i32>} : memref<80xi32, #tpu.memory_space<vmem>>, vector<16xi32>,
        tpu.vector_store %arg14[%swap3A_448], %get3A_439 {strides = array<i32>} : memref<80xi32, #tpu.memory_space<vmem>>, vector<16xi32>,
        %add3A_450 = arith.constant 32 : i32
        %add3A_451 = arith.addi %mul3A_413, %add3A_450 : i32
        %get3A_452 = arith.index_cast %add3A_451 : i32 to index
        %get3A_453 = tpu.vector_load %arg7[%get3A_452] {strides = array<i32>} : memref<10240xi32, #tpu.memory_space<vmem>>, vector<16xi32>,
        %add3A_454 = arith.constant 32 : i32
        %add3A_455 = arith.addi %mul3A_413, %add3A_454 : i32
        %get3A_456 = arith.index_cast %add3A_455 : i32 to index
        %get3A_457 = tpu.vector_load %arg8[%get3A_456] {strides = array<i32>} : memref<10240xi32, #tpu.memory_space<vmem>>, vector<16xi32>,
        %add3A_458 = vector.broadcast %mul3A_173 : i32 to vector<16xi32>
        %add3A_459 = arith.addi %get3A_453, %add3A_458 : vector<16xi32>
        %swap3A_460 = arith.constant 32 : index
        %swap3A_461 = tpu.vector_load %arg11[%swap3A_460] {strides = array<i32>} : memref<80xi32, #tpu.memory_space<vmem>>, vector<16xi32>,
        tpu.vector_store %arg11[%swap3A_460], %add3A_459 {strides = array<i32>} : memref<80xi32, #tpu.memory_space<vmem>>, vector<16xi32>,
        %add3A_462 = vector.broadcast %mul3A_173 : i32 to vector<16xi32>
        %add3A_463 = arith.addi %get3A_457, %add3A_462 : vector<16xi32>
        %swap3A_464 = arith.constant 32 : index
        %swap3A_465 = tpu.vector_load %arg17[%swap3A_464] {strides = array<i32>} : memref<80xi32, #tpu.memory_space<vmem>>, vector<16xi32>,
        tpu.vector_store %arg17[%swap3A_464], %add3A_463 {strides = array<i32>} : memref<80xi32, #tpu.memory_space<vmem>>, vector<16xi32>,
        %swap3A_466 = arith.constant 32 : index
        %swap3A_467 = tpu.vector_load %arg14[%swap3A_466] {strides = array<i32>} : memref<80xi32, #tpu.memory_space<vmem>>, vector<16xi32>,
        tpu.vector_store %arg14[%swap3A_466], %get3A_457 {strides = array<i32>} : memref<80xi32, #tpu.memory_space<vmem>>, vector<16xi32>,
        %add3A_468 = arith.constant 48 : i32
        %add3A_469 = arith.addi %mul3A_413, %add3A_468 : i32
        %get3A_470 = arith.index_cast %add3A_469 : i32 to index
        %get3A_471 = tpu.vector_load %arg7[%get3A_470] {strides = array<i32>} : memref<10240xi32, #tpu.memory_space<vmem>>, vector<16xi32>,
        %add3A_472 = arith.constant 48 : i32
        %add3A_473 = arith.addi %mul3A_413, %add3A_472 : i32
        %get3A_474 = arith.index_cast %add3A_473 : i32 to index
        %get3A_475 = tpu.vector_load %arg8[%get3A_474] {strides = array<i32>} : memref<10240xi32, #tpu.memory_space<vmem>>, vector<16xi32>,
        %add3A_476 = vector.broadcast %mul3A_173 : i32 to vector<16xi32>
        %add3A_477 = arith.addi %get3A_471, %add3A_476 : vector<16xi32>
        %swap3A_478 = arith.constant 48 : index
        %swap3A_479 = tpu.vector_load %arg11[%swap3A_478] {strides = array<i32>} : memref<80xi32, #tpu.memory_space<vmem>>, vector<16xi32>,
        tpu.vector_store %arg11[%swap3A_478], %add3A_477 {strides = array<i32>} : memref<80xi32, #tpu.memory_space<vmem>>, vector<16xi32>,
        %add3A_480 = vector.broadcast %mul3A_173 : i32 to vector<16xi32>
        %add3A_481 = arith.addi %get3A_475, %add3A_480 : vector<16xi32>
        %swap3A_482 = arith.constant 48 : index
        %swap3A_483 = tpu.vector_load %arg17[%swap3A_482] {strides = array<i32>} : memref<80xi32, #tpu.memory_space<vmem>>, vector<16xi32>,
        tpu.vector_store %arg17[%swap3A_482], %add3A_481 {strides = array<i32>} : memref<80xi32, #tpu.memory_space<vmem>>, vector<16xi32>,
        %swap3A_484 = arith.constant 48 : index
        %swap3A_485 = tpu.vector_load %arg14[%swap3A_484] {strides = array<i32>} : memref<80xi32, #tpu.memory_space<vmem>>, vector<16xi32>,
        tpu.vector_store %arg14[%swap3A_484], %get3A_475 {strides = array<i32>} : memref<80xi32, #tpu.memory_space<vmem>>, vector<16xi32>,
        %add3A_486 = arith.constant 64 : i32
        %add3A_487 = arith.addi %mul3A_413, %add3A_486 : i32
        %get3A_488 = arith.index_cast %add3A_487 : i32 to index
        %get3A_489 = tpu.vector_load %arg7[%get3A_488] {strides = array<i32>} : memref<10240xi32, #tpu.memory_space<vmem>>, vector<16xi32>,
        %add3A_490 = arith.constant 64 : i32
        %add3A_491 = arith.addi %mul3A_413, %add3A_490 : i32
        %get3A_492 = arith.index_cast %add3A_491 : i32 to index
        %get3A_493 = tpu.vector_load %arg8[%get3A_492] {strides = array<i32>} : memref<10240xi32, #tpu.memory_space<vmem>>, vector<16xi32>,
        %add3A_494 = vector.broadcast %mul3A_173 : i32 to vector<16xi32>
        %add3A_495 = arith.addi %get3A_489, %add3A_494 : vector<16xi32>
        %swap3A_496 = arith.constant 64 : index
        %swap3A_497 = tpu.vector_load %arg11[%swap3A_496] {strides = array<i32>} : memref<80xi32, #tpu.memory_space<vmem>>, vector<16xi32>,
        tpu.vector_store %arg11[%swap3A_496], %add3A_495 {strides = array<i32>} : memref<80xi32, #tpu.memory_space<vmem>>, vector<16xi32>,
        %add3A_498 = vector.broadcast %mul3A_173 : i32 to vector<16xi32>
        %add3A_499 = arith.addi %get3A_493, %add3A_498 : vector<16xi32>
        %swap3A_500 = arith.constant 64 : index
        %swap3A_501 = tpu.vector_load %arg17[%swap3A_500] {strides = array<i32>} : memref<80xi32, #tpu.memory_space<vmem>>, vector<16xi32>,
        tpu.vector_store %arg17[%swap3A_500], %add3A_499 {strides = array<i32>} : memref<80xi32, #tpu.memory_space<vmem>>, vector<16xi32>,
        %swap3A_502 = arith.constant 64 : index
        %swap3A_503 = tpu.vector_load %arg14[%swap3A_502] {strides = array<i32>} : memref<80xi32, #tpu.memory_space<vmem>>, vector<16xi32>,
        tpu.vector_store %arg14[%swap3A_502], %get3A_493 {strides = array<i32>} : memref<80xi32, #tpu.memory_space<vmem>>, vector<16xi32>,
        %dma_start3A_504 = arith.constant 0 : i32
        %dma_start3A_505 = arith.constant 0 : i32
        %dma_start3A_506 = tpu.memref_slice %arg2[%dma_start3A_504, %dma_start3A_505] : memref<81920x64xi32, #tpu.memory_space<hbm>> -> memref<81920x64xi32, #tpu.memory_space<hbm>>
        tpu.enqueue_indirect_dma source(%dma_start3A_506 : memref<81920x64xi32, #tpu.memory_space<hbm>>) target(%arg20 : memref<80x64xi32, #tpu.memory_space<vmem>>) offsets(%arg11 : memref<80xi32, #tpu.memory_space<vmem>>) semaphore(%arg31 : memref<!tpu.dma_semaphore, #tpu.memory_space<semaphore_mem>>)
        %dma_start3A_507 = arith.constant 0 : i32
        %dma_start3A_508 = arith.constant 0 : i32
        %dma_start3A_509 = tpu.memref_slice %arg3[%dma_start3A_507, %dma_start3A_508] : memref<81920x32xi32, #tpu.memory_space<hbm>> -> memref<81920x32xi32, #tpu.memory_space<hbm>>
        tpu.enqueue_indirect_dma source(%dma_start3A_509 : memref<81920x32xi32, #tpu.memory_space<hbm>>) target(%arg23 : memref<80x32xi32, #tpu.memory_space<vmem>>) offsets(%arg17 : memref<80xi32, #tpu.memory_space<vmem>>) semaphore(%arg31 : memref<!tpu.dma_semaphore, #tpu.memory_space<semaphore_mem>>)
        %dma_wait3A_510 = arith.constant 0 : i32
        %dma_wait3A_511 = arith.constant 0 : i32
        %dma_wait3A_512 = tpu.memref_slice %arg2[%dma_wait3A_510, %dma_wait3A_511] : memref<81920x64xi32, #tpu.memory_space<hbm>> -> memref<81920x64xi32, #tpu.memory_space<hbm>>
        tpu.wait_indirect_dma semaphore(%arg30 : memref<!tpu.dma_semaphore, #tpu.memory_space<semaphore_mem>>) src(%dma_wait3A_512 : memref<81920x64xi32, #tpu.memory_space<hbm>>) dst(%arg19 : memref<80x64xi32, #tpu.memory_space<vmem>>)
        %dma_wait3A_513 = arith.constant 0 : i32
        %dma_wait3A_514 = arith.constant 0 : i32
        %dma_wait3A_515 = tpu.memref_slice %arg3[%dma_wait3A_513, %dma_wait3A_514] : memref<81920x32xi32, #tpu.memory_space<hbm>> -> memref<81920x32xi32, #tpu.memory_space<hbm>>
        tpu.wait_indirect_dma semaphore(%arg30 : memref<!tpu.dma_semaphore, #tpu.memory_space<semaphore_mem>>) src(%dma_wait3A_515 : memref<81920x32xi32, #tpu.memory_space<hbm>>) dst(%arg22 : memref<80x32xi32, #tpu.memory_space<vmem>>)
        %parallel_loop3A_516 = arith.constant 0 : i32
        %parallel_loop3A_517 = arith.constant 80 : i32
        %parallel_loop3A_518 = arith.constant 1 : i32
        scf.for %parallel_loop3A_745 = %parallel_loop3A_516 to %parallel_loop3A_517 step %parallel_loop3A_518  : i32 {
          %parallel_loop3A_746 = arith.index_cast %parallel_loop3A_745 : i32 to index
          %parallel_loop3A_747 = arith.constant 0 : index
          %parallel_loop3A_748 = tpu.vector_load %arg19[%parallel_loop3A_746, %parallel_loop3A_747] {strides = array<i32>} : memref<80x64xi32, #tpu.memory_space<vmem>>, vector<16xi32>,
          %parallel_loop3A_749 = vector.bitcast %parallel_loop3A_748 : vector<16xi32> to vector<32xbf16>
          %parallel_loop3A_750 = tpu.unpack_subelements %parallel_loop3A_749, 0 {pack_format = #tpu.pack_format<interleaved>} : vector<32xbf16> -> vector<16xf32>
          %parallel_loop3A_751 = tpu.unpack_subelements %parallel_loop3A_749, 1 {pack_format = #tpu.pack_format<interleaved>} : vector<32xbf16> -> vector<16xf32>
          %parallel_loop3A_752 = arith.index_cast %parallel_loop3A_745 : i32 to index
          %parallel_loop3A_753 = arith.constant 16 : index
          %parallel_loop3A_754 = tpu.vector_load %arg19[%parallel_loop3A_752, %parallel_loop3A_753] {strides = array<i32>} : memref<80x64xi32, #tpu.memory_space<vmem>>, vector<16xi32>,
          %parallel_loop3A_755 = vector.bitcast %parallel_loop3A_754 : vector<16xi32> to vector<32xbf16>
          %parallel_loop3A_756 = tpu.unpack_subelements %parallel_loop3A_755, 0 {pack_format = #tpu.pack_format<interleaved>} : vector<32xbf16> -> vector<16xf32>
          %parallel_loop3A_757 = tpu.unpack_subelements %parallel_loop3A_755, 1 {pack_format = #tpu.pack_format<interleaved>} : vector<32xbf16> -> vector<16xf32>
          %parallel_loop3A_758 = arith.index_cast %parallel_loop3A_745 : i32 to index
          %parallel_loop3A_759 = arith.constant 0 : index
          %parallel_loop3A_760 = tpu.vector_load %arg22[%parallel_loop3A_758, %parallel_loop3A_759] {strides = array<i32>} : memref<80x32xi32, #tpu.memory_space<vmem>>, vector<16xi32>,
          %parallel_loop3A_761 = vector.bitcast %parallel_loop3A_760 : vector<16xi32> to vector<32xbf16>
          %parallel_loop3A_762 = tpu.unpack_subelements %parallel_loop3A_761, 0 {pack_format = #tpu.pack_format<interleaved>} : vector<32xbf16> -> vector<16xf32>
          %parallel_loop3A_763 = tpu.unpack_subelements %parallel_loop3A_761, 1 {pack_format = #tpu.pack_format<interleaved>} : vector<32xbf16> -> vector<16xf32>
          %parallel_loop3A_764 = arith.index_cast %parallel_loop3A_745 : i32 to index
          %parallel_loop3A_765 = arith.constant 16 : index
          %parallel_loop3A_766 = tpu.vector_load %arg22[%parallel_loop3A_764, %parallel_loop3A_765] {strides = array<i32>} : memref<80x32xi32, #tpu.memory_space<vmem>>, vector<16xi32>,
          %parallel_loop3A_767 = vector.bitcast %parallel_loop3A_766 : vector<16xi32> to vector<32xbf16>
          %parallel_loop3A_768 = tpu.unpack_subelements %parallel_loop3A_767, 0 {pack_format = #tpu.pack_format<interleaved>} : vector<32xbf16> -> vector<16xf32>
          %parallel_loop3A_769 = tpu.unpack_subelements %parallel_loop3A_767, 1 {pack_format = #tpu.pack_format<interleaved>} : vector<32xbf16> -> vector<16xf32>
          %parallel_loop3A_770 = arith.mulf %parallel_loop3A_750, %parallel_loop3A_762 : vector<16xf32>
          %parallel_loop3A_771 = arith.mulf %parallel_loop3A_751, %parallel_loop3A_763 : vector<16xf32>
          %parallel_loop3A_772 = arith.addf %parallel_loop3A_770, %parallel_loop3A_771 : vector<16xf32>
          %parallel_loop3A_773 = arith.mulf %parallel_loop3A_756, %parallel_loop3A_768 : vector<16xf32>
          %parallel_loop3A_774 = arith.mulf %parallel_loop3A_757, %parallel_loop3A_769 : vector<16xf32>
          %parallel_loop3A_775 = arith.addf %parallel_loop3A_773, %parallel_loop3A_774 : vector<16xf32>
          %parallel_loop3A_776 = arith.addf %parallel_loop3A_772, %parallel_loop3A_775 : vector<16xf32>
          %parallel_loop3A_777 = vector.shape_cast %reshape3A : vector<16x1xi32> to vector<16xi32>
          %parallel_loop3A_778 = tpu.dynamic_gather %parallel_loop3A_776[%parallel_loop3A_777] in [0] : vector<16xf32>, vector<16xi32> -> vector<16xf32>
          %parallel_loop3A_779 = arith.addf %parallel_loop3A_776, %parallel_loop3A_778 : vector<16xf32>
          %parallel_loop3A_780 = vector.shape_cast %reshape3A_154 : vector<16x1xi32> to vector<16xi32>
          %parallel_loop3A_781 = tpu.dynamic_gather %parallel_loop3A_779[%parallel_loop3A_780] in [0] : vector<16xf32>, vector<16xi32> -> vector<16xf32>
          %parallel_loop3A_782 = arith.addf %parallel_loop3A_779, %parallel_loop3A_781 : vector<16xf32>
          %parallel_loop3A_783 = vector.shape_cast %reshape3A_158 : vector<16x1xi32> to vector<16xi32>
          %parallel_loop3A_784 = tpu.dynamic_gather %parallel_loop3A_782[%parallel_loop3A_783] in [0] : vector<16xf32>, vector<16xi32> -> vector<16xf32>
          %parallel_loop3A_785 = arith.addf %parallel_loop3A_782, %parallel_loop3A_784 : vector<16xf32>
          %parallel_loop3A_786 = vector.shape_cast %reshape3A_162 : vector<16x1xi32> to vector<16xi32>
          %parallel_loop3A_787 = tpu.dynamic_gather %parallel_loop3A_785[%parallel_loop3A_786] in [0] : vector<16xf32>, vector<16xi32> -> vector<16xf32>
          %parallel_loop3A_788 = arith.addf %parallel_loop3A_785, %parallel_loop3A_787 : vector<16xf32>
          %parallel_loop3A_789 = arith.index_cast %parallel_loop3A_745 : i32 to index
          %parallel_loop3A_790 = arith.constant 32 : index
          %parallel_loop3A_791 = tpu.vector_load %arg19[%parallel_loop3A_789, %parallel_loop3A_790] {strides = array<i32>} : memref<80x64xi32, #tpu.memory_space<vmem>>, vector<16xi32>,
          %parallel_loop3A_792 = vector.bitcast %parallel_loop3A_791 : vector<16xi32> to vector<32xbf16>
          %parallel_loop3A_793 = tpu.unpack_subelements %parallel_loop3A_792, 0 {pack_format = #tpu.pack_format<interleaved>} : vector<32xbf16> -> vector<16xf32>
          %parallel_loop3A_794 = tpu.unpack_subelements %parallel_loop3A_792, 1 {pack_format = #tpu.pack_format<interleaved>} : vector<32xbf16> -> vector<16xf32>
          %parallel_loop3A_795 = arith.index_cast %parallel_loop3A_745 : i32 to index
          %parallel_loop3A_796 = arith.constant 48 : index
          %parallel_loop3A_797 = tpu.vector_load %arg19[%parallel_loop3A_795, %parallel_loop3A_796] {strides = array<i32>} : memref<80x64xi32, #tpu.memory_space<vmem>>, vector<16xi32>,
          %parallel_loop3A_798 = vector.bitcast %parallel_loop3A_797 : vector<16xi32> to vector<32xbf16>
          %parallel_loop3A_799 = tpu.unpack_subelements %parallel_loop3A_798, 0 {pack_format = #tpu.pack_format<interleaved>} : vector<32xbf16> -> vector<16xf32>
          %parallel_loop3A_800 = tpu.unpack_subelements %parallel_loop3A_798, 1 {pack_format = #tpu.pack_format<interleaved>} : vector<32xbf16> -> vector<16xf32>
          %parallel_loop3A_801 = arith.mulf %parallel_loop3A_793, %parallel_loop3A_788 : vector<16xf32>
          %parallel_loop3A_802 = arith.index_cast %parallel_loop3A_745 : i32 to index
          %parallel_loop3A_803 = arith.constant 0 : index
          %parallel_loop3A_804 = tpu.vector_load %arg25[%parallel_loop3A_802, %parallel_loop3A_803] {strides = array<i32>} : memref<80x64xf32, #tpu.memory_space<vmem>>, vector<16xf32>,
          tpu.vector_store %arg25[%parallel_loop3A_802, %parallel_loop3A_803], %parallel_loop3A_801 {strides = array<i32>} : memref<80x64xf32, #tpu.memory_space<vmem>>, vector<16xf32>,
          %parallel_loop3A_805 = arith.mulf %parallel_loop3A_794, %parallel_loop3A_788 : vector<16xf32>
          %parallel_loop3A_806 = arith.index_cast %parallel_loop3A_745 : i32 to index
          %parallel_loop3A_807 = arith.constant 16 : index
          %parallel_loop3A_808 = tpu.vector_load %arg25[%parallel_loop3A_806, %parallel_loop3A_807] {strides = array<i32>} : memref<80x64xf32, #tpu.memory_space<vmem>>, vector<16xf32>,
          tpu.vector_store %arg25[%parallel_loop3A_806, %parallel_loop3A_807], %parallel_loop3A_805 {strides = array<i32>} : memref<80x64xf32, #tpu.memory_space<vmem>>, vector<16xf32>,
          %parallel_loop3A_809 = arith.mulf %parallel_loop3A_799, %parallel_loop3A_788 : vector<16xf32>
          %parallel_loop3A_810 = arith.index_cast %parallel_loop3A_745 : i32 to index
          %parallel_loop3A_811 = arith.constant 32 : index
          %parallel_loop3A_812 = tpu.vector_load %arg25[%parallel_loop3A_810, %parallel_loop3A_811] {strides = array<i32>} : memref<80x64xf32, #tpu.memory_space<vmem>>, vector<16xf32>,
          tpu.vector_store %arg25[%parallel_loop3A_810, %parallel_loop3A_811], %parallel_loop3A_809 {strides = array<i32>} : memref<80x64xf32, #tpu.memory_space<vmem>>, vector<16xf32>,
          %parallel_loop3A_813 = arith.mulf %parallel_loop3A_800, %parallel_loop3A_788 : vector<16xf32>
          %parallel_loop3A_814 = arith.index_cast %parallel_loop3A_745 : i32 to index
          %parallel_loop3A_815 = arith.constant 48 : index
          %parallel_loop3A_816 = tpu.vector_load %arg25[%parallel_loop3A_814, %parallel_loop3A_815] {strides = array<i32>} : memref<80x64xf32, #tpu.memory_space<vmem>>, vector<16xf32>,
          tpu.vector_store %arg25[%parallel_loop3A_814, %parallel_loop3A_815], %parallel_loop3A_813 {strides = array<i32>} : memref<80x64xf32, #tpu.memory_space<vmem>>, vector<16xf32>,
        } {sc.loop_unroll_factor = 2 : i64, sc.parallel_access}
        %dma_start3A_519 = arith.constant 0 : i32
        %dma_start3A_520 = arith.constant 0 : i32
        %dma_start3A_521 = tpu.memref_slice %arg28[%dma_start3A_519, %dma_start3A_520] : memref<10240x64xf32, #tpu.memory_space<vmem_shared>> -> memref<10240x64xf32, #tpu.memory_space<vmem_shared>>
        tpu.enqueue_indirect_dma source(%arg25 : memref<80x64xf32, #tpu.memory_space<vmem>>) target(%dma_start3A_521 : memref<10240x64xf32, #tpu.memory_space<vmem_shared>>) offsets(%arg13 : memref<80xi32, #tpu.memory_space<vmem>>) semaphore(%arg33 : memref<!tpu.dma_semaphore, #tpu.memory_space<semaphore_mem>>) {add = true}
        %dma_wait3A_522 = arith.constant 0 : i32
        %dma_wait3A_523 = arith.constant 0 : i32
        %dma_wait3A_524 = tpu.memref_slice %arg28[%dma_wait3A_522, %dma_wait3A_523] : memref<10240x64xf32, #tpu.memory_space<vmem_shared>> -> memref<10240x64xf32, #tpu.memory_space<vmem_shared>>
        tpu.wait_indirect_dma semaphore(%arg32 : memref<!tpu.dma_semaphore, #tpu.memory_space<semaphore_mem>>) src(%arg24 : memref<80x64xf32, #tpu.memory_space<vmem>>) dst(%dma_wait3A_524 : memref<10240x64xf32, #tpu.memory_space<vmem_shared>>)
        %add3A_525 = arith.constant 1 : i32
        %add3A_526 = arith.addi %mul3A_393, %add3A_525 : i32
        %add3A_527 = arith.constant 2 : i32
        %add3A_528 = arith.addi %add3A_526, %add3A_527 : i32
        %mul3A_529 = arith.constant 80 : i32
        %mul3A_530 = arith.muli %add3A_528, %mul3A_529 : i32
        %add3A_531 = arith.constant 0 : i32
        %add3A_532 = arith.addi %mul3A_530, %add3A_531 : i32
        %get3A_533 = arith.index_cast %add3A_532 : i32 to index
        %get3A_534 = tpu.vector_load %arg7[%get3A_533] {strides = array<i32>} : memref<10240xi32, #tpu.memory_space<vmem>>, vector<16xi32>,
        %add3A_535 = arith.constant 0 : i32
        %add3A_536 = arith.addi %mul3A_530, %add3A_535 : i32
        %get3A_537 = arith.index_cast %add3A_536 : i32 to index
        %get3A_538 = tpu.vector_load %arg8[%get3A_537] {strides = array<i32>} : memref<10240xi32, #tpu.memory_space<vmem>>, vector<16xi32>,
        %add3A_539 = vector.broadcast %mul3A_173 : i32 to vector<16xi32>
        %add3A_540 = arith.addi %get3A_534, %add3A_539 : vector<16xi32>
        %swap3A_541 = arith.constant 0 : index
        %swap3A_542 = tpu.vector_load %arg9[%swap3A_541] {strides = array<i32>} : memref<80xi32, #tpu.memory_space<vmem>>, vector<16xi32>,
        tpu.vector_store %arg9[%swap3A_541], %add3A_540 {strides = array<i32>} : memref<80xi32, #tpu.memory_space<vmem>>, vector<16xi32>,
        %add3A_543 = vector.broadcast %mul3A_173 : i32 to vector<16xi32>
        %add3A_544 = arith.addi %get3A_538, %add3A_543 : vector<16xi32>
        %swap3A_545 = arith.constant 0 : index
        %swap3A_546 = tpu.vector_load %arg15[%swap3A_545] {strides = array<i32>} : memref<80xi32, #tpu.memory_space<vmem>>, vector<16xi32>,
        tpu.vector_store %arg15[%swap3A_545], %add3A_544 {strides = array<i32>} : memref<80xi32, #tpu.memory_space<vmem>>, vector<16xi32>,
        %swap3A_547 = arith.constant 0 : index
        %swap3A_548 = tpu.vector_load %arg12[%swap3A_547] {strides = array<i32>} : memref<80xi32, #tpu.memory_space<vmem>>, vector<16xi32>,
        tpu.vector_store %arg12[%swap3A_547], %get3A_538 {strides = array<i32>} : memref<80xi32, #tpu.memory_space<vmem>>, vector<16xi32>,
        %add3A_549 = arith.constant 16 : i32
        %add3A_550 = arith.addi %mul3A_530, %add3A_549 : i32
        %get3A_551 = arith.index_cast %add3A_550 : i32 to index
        %get3A_552 = tpu.vector_load %arg7[%get3A_551] {strides = array<i32>} : memref<10240xi32, #tpu.memory_space<vmem>>, vector<16xi32>,
        %add3A_553 = arith.constant 16 : i32
        %add3A_554 = arith.addi %mul3A_530, %add3A_553 : i32
        %get3A_555 = arith.index_cast %add3A_554 : i32 to index
        %get3A_556 = tpu.vector_load %arg8[%get3A_555] {strides = array<i32>} : memref<10240xi32, #tpu.memory_space<vmem>>, vector<16xi32>,
        %add3A_557 = vector.broadcast %mul3A_173 : i32 to vector<16xi32>
        %add3A_558 = arith.addi %get3A_552, %add3A_557 : vector<16xi32>
        %swap3A_559 = arith.constant 16 : index
        %swap3A_560 = tpu.vector_load %arg9[%swap3A_559] {strides = array<i32>} : memref<80xi32, #tpu.memory_space<vmem>>, vector<16xi32>,
        tpu.vector_store %arg9[%swap3A_559], %add3A_558 {strides = array<i32>} : memref<80xi32, #tpu.memory_space<vmem>>, vector<16xi32>,
        %add3A_561 = vector.broadcast %mul3A_173 : i32 to vector<16xi32>
        %add3A_562 = arith.addi %get3A_556, %add3A_561 : vector<16xi32>
        %swap3A_563 = arith.constant 16 : index
        %swap3A_564 = tpu.vector_load %arg15[%swap3A_563] {strides = array<i32>} : memref<80xi32, #tpu.memory_space<vmem>>, vector<16xi32>,
        tpu.vector_store %arg15[%swap3A_563], %add3A_562 {strides = array<i32>} : memref<80xi32, #tpu.memory_space<vmem>>, vector<16xi32>,
        %swap3A_565 = arith.constant 16 : index
        %swap3A_566 = tpu.vector_load %arg12[%swap3A_565] {strides = array<i32>} : memref<80xi32, #tpu.memory_space<vmem>>, vector<16xi32>,
        tpu.vector_store %arg12[%swap3A_565], %get3A_556 {strides = array<i32>} : memref<80xi32, #tpu.memory_space<vmem>>, vector<16xi32>,
        %add3A_567 = arith.constant 32 : i32
        %add3A_568 = arith.addi %mul3A_530, %add3A_567 : i32
        %get3A_569 = arith.index_cast %add3A_568 : i32 to index
        %get3A_570 = tpu.vector_load %arg7[%get3A_569] {strides = array<i32>} : memref<10240xi32, #tpu.memory_space<vmem>>, vector<16xi32>,
        %add3A_571 = arith.constant 32 : i32
        %add3A_572 = arith.addi %mul3A_530, %add3A_571 : i32
        %get3A_573 = arith.index_cast %add3A_572 : i32 to index
        %get3A_574 = tpu.vector_load %arg8[%get3A_573] {strides = array<i32>} : memref<10240xi32, #tpu.memory_space<vmem>>, vector<16xi32>,
        %add3A_575 = vector.broadcast %mul3A_173 : i32 to vector<16xi32>
        %add3A_576 = arith.addi %get3A_570, %add3A_575 : vector<16xi32>
        %swap3A_577 = arith.constant 32 : index
        %swap3A_578 = tpu.vector_load %arg9[%swap3A_577] {strides = array<i32>} : memref<80xi32, #tpu.memory_space<vmem>>, vector<16xi32>,
        tpu.vector_store %arg9[%swap3A_577], %add3A_576 {strides = array<i32>} : memref<80xi32, #tpu.memory_space<vmem>>, vector<16xi32>,
        %add3A_579 = vector.broadcast %mul3A_173 : i32 to vector<16xi32>
        %add3A_580 = arith.addi %get3A_574, %add3A_579 : vector<16xi32>
        %swap3A_581 = arith.constant 32 : index
        %swap3A_582 = tpu.vector_load %arg15[%swap3A_581] {strides = array<i32>} : memref<80xi32, #tpu.memory_space<vmem>>, vector<16xi32>,
        tpu.vector_store %arg15[%swap3A_581], %add3A_580 {strides = array<i32>} : memref<80xi32, #tpu.memory_space<vmem>>, vector<16xi32>,
        %swap3A_583 = arith.constant 32 : index
        %swap3A_584 = tpu.vector_load %arg12[%swap3A_583] {strides = array<i32>} : memref<80xi32, #tpu.memory_space<vmem>>, vector<16xi32>,
        tpu.vector_store %arg12[%swap3A_583], %get3A_574 {strides = array<i32>} : memref<80xi32, #tpu.memory_space<vmem>>, vector<16xi32>,
        %add3A_585 = arith.constant 48 : i32
        %add3A_586 = arith.addi %mul3A_530, %add3A_585 : i32
        %get3A_587 = arith.index_cast %add3A_586 : i32 to index
        %get3A_588 = tpu.vector_load %arg7[%get3A_587] {strides = array<i32>} : memref<10240xi32, #tpu.memory_space<vmem>>, vector<16xi32>,
        %add3A_589 = arith.constant 48 : i32
        %add3A_590 = arith.addi %mul3A_530, %add3A_589 : i32
        %get3A_591 = arith.index_cast %add3A_590 : i32 to index
        %get3A_592 = tpu.vector_load %arg8[%get3A_591] {strides = array<i32>} : memref<10240xi32, #tpu.memory_space<vmem>>, vector<16xi32>,
        %add3A_593 = vector.broadcast %mul3A_173 : i32 to vector<16xi32>
        %add3A_594 = arith.addi %get3A_588, %add3A_593 : vector<16xi32>
        %swap3A_595 = arith.constant 48 : index
        %swap3A_596 = tpu.vector_load %arg9[%swap3A_595] {strides = array<i32>} : memref<80xi32, #tpu.memory_space<vmem>>, vector<16xi32>,
        tpu.vector_store %arg9[%swap3A_595], %add3A_594 {strides = array<i32>} : memref<80xi32, #tpu.memory_space<vmem>>, vector<16xi32>,
        %add3A_597 = vector.broadcast %mul3A_173 : i32 to vector<16xi32>
        %add3A_598 = arith.addi %get3A_592, %add3A_597 : vector<16xi32>
        %swap3A_599 = arith.constant 48 : index
        %swap3A_600 = tpu.vector_load %arg15[%swap3A_599] {strides = array<i32>} : memref<80xi32, #tpu.memory_space<vmem>>, vector<16xi32>,
        tpu.vector_store %arg15[%swap3A_599], %add3A_598 {strides = array<i32>} : memref<80xi32, #tpu.memory_space<vmem>>, vector<16xi32>,
        %swap3A_601 = arith.constant 48 : index
        %swap3A_602 = tpu.vector_load %arg12[%swap3A_601] {strides = array<i32>} : memref<80xi32, #tpu.memory_space<vmem>>, vector<16xi32>,
        tpu.vector_store %arg12[%swap3A_601], %get3A_592 {strides = array<i32>} : memref<80xi32, #tpu.memory_space<vmem>>, vector<16xi32>,
        %add3A_603 = arith.constant 64 : i32
        %add3A_604 = arith.addi %mul3A_530, %add3A_603 : i32
        %get3A_605 = arith.index_cast %add3A_604 : i32 to index
        %get3A_606 = tpu.vector_load %arg7[%get3A_605] {strides = array<i32>} : memref<10240xi32, #tpu.memory_space<vmem>>, vector<16xi32>,
        %add3A_607 = arith.constant 64 : i32
        %add3A_608 = arith.addi %mul3A_530, %add3A_607 : i32
        %get3A_609 = arith.index_cast %add3A_608 : i32 to index
        %get3A_610 = tpu.vector_load %arg8[%get3A_609] {strides = array<i32>} : memref<10240xi32, #tpu.memory_space<vmem>>, vector<16xi32>,
        %add3A_611 = vector.broadcast %mul3A_173 : i32 to vector<16xi32>
        %add3A_612 = arith.addi %get3A_606, %add3A_611 : vector<16xi32>
        %swap3A_613 = arith.constant 64 : index
        %swap3A_614 = tpu.vector_load %arg9[%swap3A_613] {strides = array<i32>} : memref<80xi32, #tpu.memory_space<vmem>>, vector<16xi32>,
        tpu.vector_store %arg9[%swap3A_613], %add3A_612 {strides = array<i32>} : memref<80xi32, #tpu.memory_space<vmem>>, vector<16xi32>,
        %add3A_615 = vector.broadcast %mul3A_173 : i32 to vector<16xi32>
        %add3A_616 = arith.addi %get3A_610, %add3A_615 : vector<16xi32>
        %swap3A_617 = arith.constant 64 : index
        %swap3A_618 = tpu.vector_load %arg15[%swap3A_617] {strides = array<i32>} : memref<80xi32, #tpu.memory_space<vmem>>, vector<16xi32>,
        tpu.vector_store %arg15[%swap3A_617], %add3A_616 {strides = array<i32>} : memref<80xi32, #tpu.memory_space<vmem>>, vector<16xi32>,
        %swap3A_619 = arith.constant 64 : index
        %swap3A_620 = tpu.vector_load %arg12[%swap3A_619] {strides = array<i32>} : memref<80xi32, #tpu.memory_space<vmem>>, vector<16xi32>,
        tpu.vector_store %arg12[%swap3A_619], %get3A_610 {strides = array<i32>} : memref<80xi32, #tpu.memory_space<vmem>>, vector<16xi32>,
        %dma_start3A_621 = arith.constant 0 : i32
        %dma_start3A_622 = arith.constant 0 : i32
        %dma_start3A_623 = tpu.memref_slice %arg2[%dma_start3A_621, %dma_start3A_622] : memref<81920x64xi32, #tpu.memory_space<hbm>> -> memref<81920x64xi32, #tpu.memory_space<hbm>>
        tpu.enqueue_indirect_dma source(%dma_start3A_623 : memref<81920x64xi32, #tpu.memory_space<hbm>>) target(%arg18 : memref<80x64xi32, #tpu.memory_space<vmem>>) offsets(%arg9 : memref<80xi32, #tpu.memory_space<vmem>>) semaphore(%arg29 : memref<!tpu.dma_semaphore, #tpu.memory_space<semaphore_mem>>)
        %dma_start3A_624 = arith.constant 0 : i32
        %dma_start3A_625 = arith.constant 0 : i32
        %dma_start3A_626 = tpu.memref_slice %arg3[%dma_start3A_624, %dma_start3A_625] : memref<81920x32xi32, #tpu.memory_space<hbm>> -> memref<81920x32xi32, #tpu.memory_space<hbm>>
        tpu.enqueue_indirect_dma source(%dma_start3A_626 : memref<81920x32xi32, #tpu.memory_space<hbm>>) target(%arg21 : memref<80x32xi32, #tpu.memory_space<vmem>>) offsets(%arg15 : memref<80xi32, #tpu.memory_space<vmem>>) semaphore(%arg29 : memref<!tpu.dma_semaphore, #tpu.memory_space<semaphore_mem>>)
        %dma_wait3A_627 = arith.constant 0 : i32
        %dma_wait3A_628 = arith.constant 0 : i32
        %dma_wait3A_629 = tpu.memref_slice %arg2[%dma_wait3A_627, %dma_wait3A_628] : memref<81920x64xi32, #tpu.memory_space<hbm>> -> memref<81920x64xi32, #tpu.memory_space<hbm>>
        tpu.wait_indirect_dma semaphore(%arg31 : memref<!tpu.dma_semaphore, #tpu.memory_space<semaphore_mem>>) src(%dma_wait3A_629 : memref<81920x64xi32, #tpu.memory_space<hbm>>) dst(%arg20 : memref<80x64xi32, #tpu.memory_space<vmem>>)
        %dma_wait3A_630 = arith.constant 0 : i32
        %dma_wait3A_631 = arith.constant 0 : i32
        %dma_wait3A_632 = tpu.memref_slice %arg3[%dma_wait3A_630, %dma_wait3A_631] : memref<81920x32xi32, #tpu.memory_space<hbm>> -> memref<81920x32xi32, #tpu.memory_space<hbm>>
        tpu.wait_indirect_dma semaphore(%arg31 : memref<!tpu.dma_semaphore, #tpu.memory_space<semaphore_mem>>) src(%dma_wait3A_632 : memref<81920x32xi32, #tpu.memory_space<hbm>>) dst(%arg23 : memref<80x32xi32, #tpu.memory_space<vmem>>)
        %parallel_loop3A_633 = arith.constant 0 : i32
        %parallel_loop3A_634 = arith.constant 80 : i32
        %parallel_loop3A_635 = arith.constant 1 : i32
        scf.for %parallel_loop3A_745 = %parallel_loop3A_633 to %parallel_loop3A_634 step %parallel_loop3A_635  : i32 {
          %parallel_loop3A_746 = arith.index_cast %parallel_loop3A_745 : i32 to index
          %parallel_loop3A_747 = arith.constant 0 : index
          %parallel_loop3A_748 = tpu.vector_load %arg20[%parallel_loop3A_746, %parallel_loop3A_747] {strides = array<i32>} : memref<80x64xi32, #tpu.memory_space<vmem>>, vector<16xi32>,
          %parallel_loop3A_749 = vector.bitcast %parallel_loop3A_748 : vector<16xi32> to vector<32xbf16>
          %parallel_loop3A_750 = tpu.unpack_subelements %parallel_loop3A_749, 0 {pack_format = #tpu.pack_format<interleaved>} : vector<32xbf16> -> vector<16xf32>
          %parallel_loop3A_751 = tpu.unpack_subelements %parallel_loop3A_749, 1 {pack_format = #tpu.pack_format<interleaved>} : vector<32xbf16> -> vector<16xf32>
          %parallel_loop3A_752 = arith.index_cast %parallel_loop3A_745 : i32 to index
          %parallel_loop3A_753 = arith.constant 16 : index
          %parallel_loop3A_754 = tpu.vector_load %arg20[%parallel_loop3A_752, %parallel_loop3A_753] {strides = array<i32>} : memref<80x64xi32, #tpu.memory_space<vmem>>, vector<16xi32>,
          %parallel_loop3A_755 = vector.bitcast %parallel_loop3A_754 : vector<16xi32> to vector<32xbf16>
          %parallel_loop3A_756 = tpu.unpack_subelements %parallel_loop3A_755, 0 {pack_format = #tpu.pack_format<interleaved>} : vector<32xbf16> -> vector<16xf32>
          %parallel_loop3A_757 = tpu.unpack_subelements %parallel_loop3A_755, 1 {pack_format = #tpu.pack_format<interleaved>} : vector<32xbf16> -> vector<16xf32>
          %parallel_loop3A_758 = arith.index_cast %parallel_loop3A_745 : i32 to index
          %parallel_loop3A_759 = arith.constant 0 : index
          %parallel_loop3A_760 = tpu.vector_load %arg23[%parallel_loop3A_758, %parallel_loop3A_759] {strides = array<i32>} : memref<80x32xi32, #tpu.memory_space<vmem>>, vector<16xi32>,
          %parallel_loop3A_761 = vector.bitcast %parallel_loop3A_760 : vector<16xi32> to vector<32xbf16>
          %parallel_loop3A_762 = tpu.unpack_subelements %parallel_loop3A_761, 0 {pack_format = #tpu.pack_format<interleaved>} : vector<32xbf16> -> vector<16xf32>
          %parallel_loop3A_763 = tpu.unpack_subelements %parallel_loop3A_761, 1 {pack_format = #tpu.pack_format<interleaved>} : vector<32xbf16> -> vector<16xf32>
          %parallel_loop3A_764 = arith.index_cast %parallel_loop3A_745 : i32 to index
          %parallel_loop3A_765 = arith.constant 16 : index
          %parallel_loop3A_766 = tpu.vector_load %arg23[%parallel_loop3A_764, %parallel_loop3A_765] {strides = array<i32>} : memref<80x32xi32, #tpu.memory_space<vmem>>, vector<16xi32>,
          %parallel_loop3A_767 = vector.bitcast %parallel_loop3A_766 : vector<16xi32> to vector<32xbf16>
          %parallel_loop3A_768 = tpu.unpack_subelements %parallel_loop3A_767, 0 {pack_format = #tpu.pack_format<interleaved>} : vector<32xbf16> -> vector<16xf32>
          %parallel_loop3A_769 = tpu.unpack_subelements %parallel_loop3A_767, 1 {pack_format = #tpu.pack_format<interleaved>} : vector<32xbf16> -> vector<16xf32>
          %parallel_loop3A_770 = arith.mulf %parallel_loop3A_750, %parallel_loop3A_762 : vector<16xf32>
          %parallel_loop3A_771 = arith.mulf %parallel_loop3A_751, %parallel_loop3A_763 : vector<16xf32>
          %parallel_loop3A_772 = arith.addf %parallel_loop3A_770, %parallel_loop3A_771 : vector<16xf32>
          %parallel_loop3A_773 = arith.mulf %parallel_loop3A_756, %parallel_loop3A_768 : vector<16xf32>
          %parallel_loop3A_774 = arith.mulf %parallel_loop3A_757, %parallel_loop3A_769 : vector<16xf32>
          %parallel_loop3A_775 = arith.addf %parallel_loop3A_773, %parallel_loop3A_774 : vector<16xf32>
          %parallel_loop3A_776 = arith.addf %parallel_loop3A_772, %parallel_loop3A_775 : vector<16xf32>
          %parallel_loop3A_777 = vector.shape_cast %reshape3A : vector<16x1xi32> to vector<16xi32>
          %parallel_loop3A_778 = tpu.dynamic_gather %parallel_loop3A_776[%parallel_loop3A_777] in [0] : vector<16xf32>, vector<16xi32> -> vector<16xf32>
          %parallel_loop3A_779 = arith.addf %parallel_loop3A_776, %parallel_loop3A_778 : vector<16xf32>
          %parallel_loop3A_780 = vector.shape_cast %reshape3A_154 : vector<16x1xi32> to vector<16xi32>
          %parallel_loop3A_781 = tpu.dynamic_gather %parallel_loop3A_779[%parallel_loop3A_780] in [0] : vector<16xf32>, vector<16xi32> -> vector<16xf32>
          %parallel_loop3A_782 = arith.addf %parallel_loop3A_779, %parallel_loop3A_781 : vector<16xf32>
          %parallel_loop3A_783 = vector.shape_cast %reshape3A_158 : vector<16x1xi32> to vector<16xi32>
          %parallel_loop3A_784 = tpu.dynamic_gather %parallel_loop3A_782[%parallel_loop3A_783] in [0] : vector<16xf32>, vector<16xi32> -> vector<16xf32>
          %parallel_loop3A_785 = arith.addf %parallel_loop3A_782, %parallel_loop3A_784 : vector<16xf32>
          %parallel_loop3A_786 = vector.shape_cast %reshape3A_162 : vector<16x1xi32> to vector<16xi32>
          %parallel_loop3A_787 = tpu.dynamic_gather %parallel_loop3A_785[%parallel_loop3A_786] in [0] : vector<16xf32>, vector<16xi32> -> vector<16xf32>
          %parallel_loop3A_788 = arith.addf %parallel_loop3A_785, %parallel_loop3A_787 : vector<16xf32>
          %parallel_loop3A_789 = arith.index_cast %parallel_loop3A_745 : i32 to index
          %parallel_loop3A_790 = arith.constant 32 : index
          %parallel_loop3A_791 = tpu.vector_load %arg20[%parallel_loop3A_789, %parallel_loop3A_790] {strides = array<i32>} : memref<80x64xi32, #tpu.memory_space<vmem>>, vector<16xi32>,
          %parallel_loop3A_792 = vector.bitcast %parallel_loop3A_791 : vector<16xi32> to vector<32xbf16>
          %parallel_loop3A_793 = tpu.unpack_subelements %parallel_loop3A_792, 0 {pack_format = #tpu.pack_format<interleaved>} : vector<32xbf16> -> vector<16xf32>
          %parallel_loop3A_794 = tpu.unpack_subelements %parallel_loop3A_792, 1 {pack_format = #tpu.pack_format<interleaved>} : vector<32xbf16> -> vector<16xf32>
          %parallel_loop3A_795 = arith.index_cast %parallel_loop3A_745 : i32 to index
          %parallel_loop3A_796 = arith.constant 48 : index
          %parallel_loop3A_797 = tpu.vector_load %arg20[%parallel_loop3A_795, %parallel_loop3A_796] {strides = array<i32>} : memref<80x64xi32, #tpu.memory_space<vmem>>, vector<16xi32>,
          %parallel_loop3A_798 = vector.bitcast %parallel_loop3A_797 : vector<16xi32> to vector<32xbf16>
          %parallel_loop3A_799 = tpu.unpack_subelements %parallel_loop3A_798, 0 {pack_format = #tpu.pack_format<interleaved>} : vector<32xbf16> -> vector<16xf32>
          %parallel_loop3A_800 = tpu.unpack_subelements %parallel_loop3A_798, 1 {pack_format = #tpu.pack_format<interleaved>} : vector<32xbf16> -> vector<16xf32>
          %parallel_loop3A_801 = arith.mulf %parallel_loop3A_793, %parallel_loop3A_788 : vector<16xf32>
          %parallel_loop3A_802 = arith.index_cast %parallel_loop3A_745 : i32 to index
          %parallel_loop3A_803 = arith.constant 0 : index
          %parallel_loop3A_804 = tpu.vector_load %arg26[%parallel_loop3A_802, %parallel_loop3A_803] {strides = array<i32>} : memref<80x64xf32, #tpu.memory_space<vmem>>, vector<16xf32>,
          tpu.vector_store %arg26[%parallel_loop3A_802, %parallel_loop3A_803], %parallel_loop3A_801 {strides = array<i32>} : memref<80x64xf32, #tpu.memory_space<vmem>>, vector<16xf32>,
          %parallel_loop3A_805 = arith.mulf %parallel_loop3A_794, %parallel_loop3A_788 : vector<16xf32>
          %parallel_loop3A_806 = arith.index_cast %parallel_loop3A_745 : i32 to index
          %parallel_loop3A_807 = arith.constant 16 : index
          %parallel_loop3A_808 = tpu.vector_load %arg26[%parallel_loop3A_806, %parallel_loop3A_807] {strides = array<i32>} : memref<80x64xf32, #tpu.memory_space<vmem>>, vector<16xf32>,
          tpu.vector_store %arg26[%parallel_loop3A_806, %parallel_loop3A_807], %parallel_loop3A_805 {strides = array<i32>} : memref<80x64xf32, #tpu.memory_space<vmem>>, vector<16xf32>,
          %parallel_loop3A_809 = arith.mulf %parallel_loop3A_799, %parallel_loop3A_788 : vector<16xf32>
          %parallel_loop3A_810 = arith.index_cast %parallel_loop3A_745 : i32 to index
          %parallel_loop3A_811 = arith.constant 32 : index
          %parallel_loop3A_812 = tpu.vector_load %arg26[%parallel_loop3A_810, %parallel_loop3A_811] {strides = array<i32>} : memref<80x64xf32, #tpu.memory_space<vmem>>, vector<16xf32>,
          tpu.vector_store %arg26[%parallel_loop3A_810, %parallel_loop3A_811], %parallel_loop3A_809 {strides = array<i32>} : memref<80x64xf32, #tpu.memory_space<vmem>>, vector<16xf32>,
          %parallel_loop3A_813 = arith.mulf %parallel_loop3A_800, %parallel_loop3A_788 : vector<16xf32>
          %parallel_loop3A_814 = arith.index_cast %parallel_loop3A_745 : i32 to index
          %parallel_loop3A_815 = arith.constant 48 : index
          %parallel_loop3A_816 = tpu.vector_load %arg26[%parallel_loop3A_814, %parallel_loop3A_815] {strides = array<i32>} : memref<80x64xf32, #tpu.memory_space<vmem>>, vector<16xf32>,
          tpu.vector_store %arg26[%parallel_loop3A_814, %parallel_loop3A_815], %parallel_loop3A_813 {strides = array<i32>} : memref<80x64xf32, #tpu.memory_space<vmem>>, vector<16xf32>,
        } {sc.loop_unroll_factor = 2 : i64, sc.parallel_access}
        %dma_start3A_636 = arith.constant 0 : i32
        %dma_start3A_637 = arith.constant 0 : i32
        %dma_start3A_638 = tpu.memref_slice %arg28[%dma_start3A_636, %dma_start3A_637] : memref<10240x64xf32, #tpu.memory_space<vmem_shared>> -> memref<10240x64xf32, #tpu.memory_space<vmem_shared>>
        tpu.enqueue_indirect_dma source(%arg26 : memref<80x64xf32, #tpu.memory_space<vmem>>) target(%dma_start3A_638 : memref<10240x64xf32, #tpu.memory_space<vmem_shared>>) offsets(%arg14 : memref<80xi32, #tpu.memory_space<vmem>>) semaphore(%arg34 : memref<!tpu.dma_semaphore, #tpu.memory_space<semaphore_mem>>) {add = true}
        %dma_wait3A_639 = arith.constant 0 : i32
        %dma_wait3A_640 = arith.constant 0 : i32
        %dma_wait3A_641 = tpu.memref_slice %arg28[%dma_wait3A_639, %dma_wait3A_640] : memref<10240x64xf32, #tpu.memory_space<vmem_shared>> -> memref<10240x64xf32, #tpu.memory_space<vmem_shared>>
        tpu.wait_indirect_dma semaphore(%arg33 : memref<!tpu.dma_semaphore, #tpu.memory_space<semaphore_mem>>) src(%arg25 : memref<80x64xf32, #tpu.memory_space<vmem>>) dst(%dma_wait3A_641 : memref<10240x64xf32, #tpu.memory_space<vmem_shared>>)
        %add3A_642 = arith.constant 2 : i32
        %add3A_643 = arith.addi %mul3A_393, %add3A_642 : i32
        %add3A_644 = arith.constant 2 : i32
        %add3A_645 = arith.addi %add3A_643, %add3A_644 : i32
        %mul3A_646 = arith.constant 80 : i32
        %mul3A_647 = arith.muli %add3A_645, %mul3A_646 : i32
        %add3A_648 = arith.constant 0 : i32
        %add3A_649 = arith.addi %mul3A_647, %add3A_648 : i32
        %get3A_650 = arith.index_cast %add3A_649 : i32 to index
        %get3A_651 = tpu.vector_load %arg7[%get3A_650] {strides = array<i32>} : memref<10240xi32, #tpu.memory_space<vmem>>, vector<16xi32>,
        %add3A_652 = arith.constant 0 : i32
        %add3A_653 = arith.addi %mul3A_647, %add3A_652 : i32
        %get3A_654 = arith.index_cast %add3A_653 : i32 to index
        %get3A_655 = tpu.vector_load %arg8[%get3A_654] {strides = array<i32>} : memref<10240xi32, #tpu.memory_space<vmem>>, vector<16xi32>,
        %add3A_656 = vector.broadcast %mul3A_173 : i32 to vector<16xi32>
        %add3A_657 = arith.addi %get3A_651, %add3A_656 : vector<16xi32>
        %swap3A_658 = arith.constant 0 : index
        %swap3A_659 = tpu.vector_load %arg10[%swap3A_658] {strides = array<i32>} : memref<80xi32, #tpu.memory_space<vmem>>, vector<16xi32>,
        tpu.vector_store %arg10[%swap3A_658], %add3A_657 {strides = array<i32>} : memref<80xi32, #tpu.memory_space<vmem>>, vector<16xi32>,
        %add3A_660 = vector.broadcast %mul3A_173 : i32 to vector<16xi32>
        %add3A_661 = arith.addi %get3A_655, %add3A_660 : vector<16xi32>
        %swap3A_662 = arith.constant 0 : index
        %swap3A_663 = tpu.vector_load %arg16[%swap3A_662] {strides = array<i32>} : memref<80xi32, #tpu.memory_space<vmem>>, vector<16xi32>,
        tpu.vector_store %arg16[%swap3A_662], %add3A_661 {strides = array<i32>} : memref<80xi32, #tpu.memory_space<vmem>>, vector<16xi32>,
        %swap3A_664 = arith.constant 0 : index
        %swap3A_665 = tpu.vector_load %arg13[%swap3A_664] {strides = array<i32>} : memref<80xi32, #tpu.memory_space<vmem>>, vector<16xi32>,
        tpu.vector_store %arg13[%swap3A_664], %get3A_655 {strides = array<i32>} : memref<80xi32, #tpu.memory_space<vmem>>, vector<16xi32>,
        %add3A_666 = arith.constant 16 : i32
        %add3A_667 = arith.addi %mul3A_647, %add3A_666 : i32
        %get3A_668 = arith.index_cast %add3A_667 : i32 to index
        %get3A_669 = tpu.vector_load %arg7[%get3A_668] {strides = array<i32>} : memref<10240xi32, #tpu.memory_space<vmem>>, vector<16xi32>,
        %add3A_670 = arith.constant 16 : i32
        %add3A_671 = arith.addi %mul3A_647, %add3A_670 : i32
        %get3A_672 = arith.index_cast %add3A_671 : i32 to index
        %get3A_673 = tpu.vector_load %arg8[%get3A_672] {strides = array<i32>} : memref<10240xi32, #tpu.memory_space<vmem>>, vector<16xi32>,
        %add3A_674 = vector.broadcast %mul3A_173 : i32 to vector<16xi32>
        %add3A_675 = arith.addi %get3A_669, %add3A_674 : vector<16xi32>
        %swap3A_676 = arith.constant 16 : index
        %swap3A_677 = tpu.vector_load %arg10[%swap3A_676] {strides = array<i32>} : memref<80xi32, #tpu.memory_space<vmem>>, vector<16xi32>,
        tpu.vector_store %arg10[%swap3A_676], %add3A_675 {strides = array<i32>} : memref<80xi32, #tpu.memory_space<vmem>>, vector<16xi32>,
        %add3A_678 = vector.broadcast %mul3A_173 : i32 to vector<16xi32>
        %add3A_679 = arith.addi %get3A_673, %add3A_678 : vector<16xi32>
        %swap3A_680 = arith.constant 16 : index
        %swap3A_681 = tpu.vector_load %arg16[%swap3A_680] {strides = array<i32>} : memref<80xi32, #tpu.memory_space<vmem>>, vector<16xi32>,
        tpu.vector_store %arg16[%swap3A_680], %add3A_679 {strides = array<i32>} : memref<80xi32, #tpu.memory_space<vmem>>, vector<16xi32>,
        %swap3A_682 = arith.constant 16 : index
        %swap3A_683 = tpu.vector_load %arg13[%swap3A_682] {strides = array<i32>} : memref<80xi32, #tpu.memory_space<vmem>>, vector<16xi32>,
        tpu.vector_store %arg13[%swap3A_682], %get3A_673 {strides = array<i32>} : memref<80xi32, #tpu.memory_space<vmem>>, vector<16xi32>,
        %add3A_684 = arith.constant 32 : i32
        %add3A_685 = arith.addi %mul3A_647, %add3A_684 : i32
        %get3A_686 = arith.index_cast %add3A_685 : i32 to index
        %get3A_687 = tpu.vector_load %arg7[%get3A_686] {strides = array<i32>} : memref<10240xi32, #tpu.memory_space<vmem>>, vector<16xi32>,
        %add3A_688 = arith.constant 32 : i32
        %add3A_689 = arith.addi %mul3A_647, %add3A_688 : i32
        %get3A_690 = arith.index_cast %add3A_689 : i32 to index
        %get3A_691 = tpu.vector_load %arg8[%get3A_690] {strides = array<i32>} : memref<10240xi32, #tpu.memory_space<vmem>>, vector<16xi32>,
        %add3A_692 = vector.broadcast %mul3A_173 : i32 to vector<16xi32>
        %add3A_693 = arith.addi %get3A_687, %add3A_692 : vector<16xi32>
        %swap3A_694 = arith.constant 32 : index
        %swap3A_695 = tpu.vector_load %arg10[%swap3A_694] {strides = array<i32>} : memref<80xi32, #tpu.memory_space<vmem>>, vector<16xi32>,
        tpu.vector_store %arg10[%swap3A_694], %add3A_693 {strides = array<i32>} : memref<80xi32, #tpu.memory_space<vmem>>, vector<16xi32>,
        %add3A_696 = vector.broadcast %mul3A_173 : i32 to vector<16xi32>
        %add3A_697 = arith.addi %get3A_691, %add3A_696 : vector<16xi32>
        %swap3A_698 = arith.constant 32 : index
        %swap3A_699 = tpu.vector_load %arg16[%swap3A_698] {strides = array<i32>} : memref<80xi32, #tpu.memory_space<vmem>>, vector<16xi32>,
        tpu.vector_store %arg16[%swap3A_698], %add3A_697 {strides = array<i32>} : memref<80xi32, #tpu.memory_space<vmem>>, vector<16xi32>,
        %swap3A_700 = arith.constant 32 : index
        %swap3A_701 = tpu.vector_load %arg13[%swap3A_700] {strides = array<i32>} : memref<80xi32, #tpu.memory_space<vmem>>, vector<16xi32>,
        tpu.vector_store %arg13[%swap3A_700], %get3A_691 {strides = array<i32>} : memref<80xi32, #tpu.memory_space<vmem>>, vector<16xi32>,
        %add3A_702 = arith.constant 48 : i32
        %add3A_703 = arith.addi %mul3A_647, %add3A_702 : i32
        %get3A_704 = arith.index_cast %add3A_703 : i32 to index
        %get3A_705 = tpu.vector_load %arg7[%get3A_704] {strides = array<i32>} : memref<10240xi32, #tpu.memory_space<vmem>>, vector<16xi32>,
        %add3A_706 = arith.constant 48 : i32
        %add3A_707 = arith.addi %mul3A_647, %add3A_706 : i32
        %get3A_708 = arith.index_cast %add3A_707 : i32 to index
        %get3A_709 = tpu.vector_load %arg8[%get3A_708] {strides = array<i32>} : memref<10240xi32, #tpu.memory_space<vmem>>, vector<16xi32>,
        %add3A_710 = vector.broadcast %mul3A_173 : i32 to vector<16xi32>
        %add3A_711 = arith.addi %get3A_705, %add3A_710 : vector<16xi32>
        %swap3A_712 = arith.constant 48 : index
        %swap3A_713 = tpu.vector_load %arg10[%swap3A_712] {strides = array<i32>} : memref<80xi32, #tpu.memory_space<vmem>>, vector<16xi32>,
        tpu.vector_store %arg10[%swap3A_712], %add3A_711 {strides = array<i32>} : memref<80xi32, #tpu.memory_space<vmem>>, vector<16xi32>,
        %add3A_714 = vector.broadcast %mul3A_173 : i32 to vector<16xi32>
        %add3A_715 = arith.addi %get3A_709, %add3A_714 : vector<16xi32>
        %swap3A_716 = arith.constant 48 : index
        %swap3A_717 = tpu.vector_load %arg16[%swap3A_716] {strides = array<i32>} : memref<80xi32, #tpu.memory_space<vmem>>, vector<16xi32>,
        tpu.vector_store %arg16[%swap3A_716], %add3A_715 {strides = array<i32>} : memref<80xi32, #tpu.memory_space<vmem>>, vector<16xi32>,
        %swap3A_718 = arith.constant 48 : index
        %swap3A_719 = tpu.vector_load %arg13[%swap3A_718] {strides = array<i32>} : memref<80xi32, #tpu.memory_space<vmem>>, vector<16xi32>,
        tpu.vector_store %arg13[%swap3A_718], %get3A_709 {strides = array<i32>} : memref<80xi32, #tpu.memory_space<vmem>>, vector<16xi32>,
        %add3A_720 = arith.constant 64 : i32
        %add3A_721 = arith.addi %mul3A_647, %add3A_720 : i32
        %get3A_722 = arith.index_cast %add3A_721 : i32 to index
        %get3A_723 = tpu.vector_load %arg7[%get3A_722] {strides = array<i32>} : memref<10240xi32, #tpu.memory_space<vmem>>, vector<16xi32>,
        %add3A_724 = arith.constant 64 : i32
        %add3A_725 = arith.addi %mul3A_647, %add3A_724 : i32
        %get3A_726 = arith.index_cast %add3A_725 : i32 to index
        %get3A_727 = tpu.vector_load %arg8[%get3A_726] {strides = array<i32>} : memref<10240xi32, #tpu.memory_space<vmem>>, vector<16xi32>,
        %add3A_728 = vector.broadcast %mul3A_173 : i32 to vector<16xi32>
        %add3A_729 = arith.addi %get3A_723, %add3A_728 : vector<16xi32>
        %swap3A_730 = arith.constant 64 : index
        %swap3A_731 = tpu.vector_load %arg10[%swap3A_730] {strides = array<i32>} : memref<80xi32, #tpu.memory_space<vmem>>, vector<16xi32>,
        tpu.vector_store %arg10[%swap3A_730], %add3A_729 {strides = array<i32>} : memref<80xi32, #tpu.memory_space<vmem>>, vector<16xi32>,
        %add3A_732 = vector.broadcast %mul3A_173 : i32 to vector<16xi32>
        %add3A_733 = arith.addi %get3A_727, %add3A_732 : vector<16xi32>
        %swap3A_734 = arith.constant 64 : index
        %swap3A_735 = tpu.vector_load %arg16[%swap3A_734] {strides = array<i32>} : memref<80xi32, #tpu.memory_space<vmem>>, vector<16xi32>,
        tpu.vector_store %arg16[%swap3A_734], %add3A_733 {strides = array<i32>} : memref<80xi32, #tpu.memory_space<vmem>>, vector<16xi32>,
        %swap3A_736 = arith.constant 64 : index
        %swap3A_737 = tpu.vector_load %arg13[%swap3A_736] {strides = array<i32>} : memref<80xi32, #tpu.memory_space<vmem>>, vector<16xi32>,
        tpu.vector_store %arg13[%swap3A_736], %get3A_727 {strides = array<i32>} : memref<80xi32, #tpu.memory_space<vmem>>, vector<16xi32>,
        %dma_start3A_738 = arith.constant 0 : i32
        %dma_start3A_739 = arith.constant 0 : i32
        %dma_start3A_740 = tpu.memref_slice %arg2[%dma_start3A_738, %dma_start3A_739] : memref<81920x64xi32, #tpu.memory_space<hbm>> -> memref<81920x64xi32, #tpu.memory_space<hbm>>
        tpu.enqueue_indirect_dma source(%dma_start3A_740 : memref<81920x64xi32, #tpu.memory_space<hbm>>) target(%arg19 : memref<80x64xi32, #tpu.memory_space<vmem>>) offsets(%arg10 : memref<80xi32, #tpu.memory_space<vmem>>) semaphore(%arg30 : memref<!tpu.dma_semaphore, #tpu.memory_space<semaphore_mem>>)
        %dma_start3A_741 = arith.constant 0 : i32
        %dma_start3A_742 = arith.constant 0 : i32
        %dma_start3A_743 = tpu.memref_slice %arg3[%dma_start3A_741, %dma_start3A_742] : memref<81920x32xi32, #tpu.memory_space<hbm>> -> memref<81920x32xi32, #tpu.memory_space<hbm>>
        tpu.enqueue_indirect_dma source(%dma_start3A_743 : memref<81920x32xi32, #tpu.memory_space<hbm>>) target(%arg22 : memref<80x32xi32, #tpu.memory_space<vmem>>) offsets(%arg16 : memref<80xi32, #tpu.memory_space<vmem>>) semaphore(%arg30 : memref<!tpu.dma_semaphore, #tpu.memory_space<semaphore_mem>>)
        %scan3A_744 = arith.constant 0 : i32
        scf.yield %scan3A_744 : i32
      }
      %scan3A_330 = arith.constant 42 : i32
      %dma_wait3A = arith.constant 0 : i32
      %dma_wait3A_331 = arith.constant 0 : i32
      %dma_wait3A_332 = tpu.memref_slice %arg2[%dma_wait3A, %dma_wait3A_331] : memref<81920x64xi32, #tpu.memory_space<hbm>> -> memref<81920x64xi32, #tpu.memory_space<hbm>>
      tpu.wait_indirect_dma semaphore(%arg29 : memref<!tpu.dma_semaphore, #tpu.memory_space<semaphore_mem>>) src(%dma_wait3A_332 : memref<81920x64xi32, #tpu.memory_space<hbm>>) dst(%arg18 : memref<80x64xi32, #tpu.memory_space<vmem>>)
      %dma_wait3A_333 = arith.constant 0 : i32
      %dma_wait3A_334 = arith.constant 0 : i32
      %dma_wait3A_335 = tpu.memref_slice %arg3[%dma_wait3A_333, %dma_wait3A_334] : memref<81920x32xi32, #tpu.memory_space<hbm>> -> memref<81920x32xi32, #tpu.memory_space<hbm>>
      tpu.wait_indirect_dma semaphore(%arg29 : memref<!tpu.dma_semaphore, #tpu.memory_space<semaphore_mem>>) src(%dma_wait3A_335 : memref<81920x32xi32, #tpu.memory_space<hbm>>) dst(%arg21 : memref<80x32xi32, #tpu.memory_space<vmem>>)
      %parallel_loop3A = arith.constant 0 : i32
      %parallel_loop3A_336 = arith.constant 80 : i32
      %parallel_loop3A_337 = arith.constant 1 : i32
      scf.for %parallel_loop3A_390 = %parallel_loop3A to %parallel_loop3A_336 step %parallel_loop3A_337  : i32 {
        %parallel_loop3A_391 = arith.index_cast %parallel_loop3A_390 : i32 to index
        %parallel_loop3A_392 = arith.constant 0 : index
        %parallel_loop3A_393 = tpu.vector_load %arg18[%parallel_loop3A_391, %parallel_loop3A_392] {strides = array<i32>} : memref<80x64xi32, #tpu.memory_space<vmem>>, vector<16xi32>,
        %parallel_loop3A_394 = vector.bitcast %parallel_loop3A_393 : vector<16xi32> to vector<32xbf16>
        %parallel_loop3A_395 = tpu.unpack_subelements %parallel_loop3A_394, 0 {pack_format = #tpu.pack_format<interleaved>} : vector<32xbf16> -> vector<16xf32>
        %parallel_loop3A_396 = tpu.unpack_subelements %parallel_loop3A_394, 1 {pack_format = #tpu.pack_format<interleaved>} : vector<32xbf16> -> vector<16xf32>
        %parallel_loop3A_397 = arith.index_cast %parallel_loop3A_390 : i32 to index
        %parallel_loop3A_398 = arith.constant 16 : index
        %parallel_loop3A_399 = tpu.vector_load %arg18[%parallel_loop3A_397, %parallel_loop3A_398] {strides = array<i32>} : memref<80x64xi32, #tpu.memory_space<vmem>>, vector<16xi32>,
        %parallel_loop3A_400 = vector.bitcast %parallel_loop3A_399 : vector<16xi32> to vector<32xbf16>
        %parallel_loop3A_401 = tpu.unpack_subelements %parallel_loop3A_400, 0 {pack_format = #tpu.pack_format<interleaved>} : vector<32xbf16> -> vector<16xf32>
        %parallel_loop3A_402 = tpu.unpack_subelements %parallel_loop3A_400, 1 {pack_format = #tpu.pack_format<interleaved>} : vector<32xbf16> -> vector<16xf32>
        %parallel_loop3A_403 = arith.index_cast %parallel_loop3A_390 : i32 to index
        %parallel_loop3A_404 = arith.constant 0 : index
        %parallel_loop3A_405 = tpu.vector_load %arg21[%parallel_loop3A_403, %parallel_loop3A_404] {strides = array<i32>} : memref<80x32xi32, #tpu.memory_space<vmem>>, vector<16xi32>,
        %parallel_loop3A_406 = vector.bitcast %parallel_loop3A_405 : vector<16xi32> to vector<32xbf16>
        %parallel_loop3A_407 = tpu.unpack_subelements %parallel_loop3A_406, 0 {pack_format = #tpu.pack_format<interleaved>} : vector<32xbf16> -> vector<16xf32>
        %parallel_loop3A_408 = tpu.unpack_subelements %parallel_loop3A_406, 1 {pack_format = #tpu.pack_format<interleaved>} : vector<32xbf16> -> vector<16xf32>
        %parallel_loop3A_409 = arith.index_cast %parallel_loop3A_390 : i32 to index
        %parallel_loop3A_410 = arith.constant 16 : index
        %parallel_loop3A_411 = tpu.vector_load %arg21[%parallel_loop3A_409, %parallel_loop3A_410] {strides = array<i32>} : memref<80x32xi32, #tpu.memory_space<vmem>>, vector<16xi32>,
        %parallel_loop3A_412 = vector.bitcast %parallel_loop3A_411 : vector<16xi32> to vector<32xbf16>
        %parallel_loop3A_413 = tpu.unpack_subelements %parallel_loop3A_412, 0 {pack_format = #tpu.pack_format<interleaved>} : vector<32xbf16> -> vector<16xf32>
        %parallel_loop3A_414 = tpu.unpack_subelements %parallel_loop3A_412, 1 {pack_format = #tpu.pack_format<interleaved>} : vector<32xbf16> -> vector<16xf32>
        %parallel_loop3A_415 = arith.mulf %parallel_loop3A_395, %parallel_loop3A_407 : vector<16xf32>
        %parallel_loop3A_416 = arith.mulf %parallel_loop3A_396, %parallel_loop3A_408 : vector<16xf32>
        %parallel_loop3A_417 = arith.addf %parallel_loop3A_415, %parallel_loop3A_416 : vector<16xf32>
        %parallel_loop3A_418 = arith.mulf %parallel_loop3A_401, %parallel_loop3A_413 : vector<16xf32>
        %parallel_loop3A_419 = arith.mulf %parallel_loop3A_402, %parallel_loop3A_414 : vector<16xf32>
        %parallel_loop3A_420 = arith.addf %parallel_loop3A_418, %parallel_loop3A_419 : vector<16xf32>
        %parallel_loop3A_421 = arith.addf %parallel_loop3A_417, %parallel_loop3A_420 : vector<16xf32>
        %parallel_loop3A_422 = vector.shape_cast %reshape3A : vector<16x1xi32> to vector<16xi32>
        %parallel_loop3A_423 = tpu.dynamic_gather %parallel_loop3A_421[%parallel_loop3A_422] in [0] : vector<16xf32>, vector<16xi32> -> vector<16xf32>
        %parallel_loop3A_424 = arith.addf %parallel_loop3A_421, %parallel_loop3A_423 : vector<16xf32>
        %parallel_loop3A_425 = vector.shape_cast %reshape3A_154 : vector<16x1xi32> to vector<16xi32>
        %parallel_loop3A_426 = tpu.dynamic_gather %parallel_loop3A_424[%parallel_loop3A_425] in [0] : vector<16xf32>, vector<16xi32> -> vector<16xf32>
        %parallel_loop3A_427 = arith.addf %parallel_loop3A_424, %parallel_loop3A_426 : vector<16xf32>
        %parallel_loop3A_428 = vector.shape_cast %reshape3A_158 : vector<16x1xi32> to vector<16xi32>
        %parallel_loop3A_429 = tpu.dynamic_gather %parallel_loop3A_427[%parallel_loop3A_428] in [0] : vector<16xf32>, vector<16xi32> -> vector<16xf32>
        %parallel_loop3A_430 = arith.addf %parallel_loop3A_427, %parallel_loop3A_429 : vector<16xf32>
        %parallel_loop3A_431 = vector.shape_cast %reshape3A_162 : vector<16x1xi32> to vector<16xi32>
        %parallel_loop3A_432 = tpu.dynamic_gather %parallel_loop3A_430[%parallel_loop3A_431] in [0] : vector<16xf32>, vector<16xi32> -> vector<16xf32>
        %parallel_loop3A_433 = arith.addf %parallel_loop3A_430, %parallel_loop3A_432 : vector<16xf32>
        %parallel_loop3A_434 = arith.index_cast %parallel_loop3A_390 : i32 to index
        %parallel_loop3A_435 = arith.constant 32 : index
        %parallel_loop3A_436 = tpu.vector_load %arg18[%parallel_loop3A_434, %parallel_loop3A_435] {strides = array<i32>} : memref<80x64xi32, #tpu.memory_space<vmem>>, vector<16xi32>,
        %parallel_loop3A_437 = vector.bitcast %parallel_loop3A_436 : vector<16xi32> to vector<32xbf16>
        %parallel_loop3A_438 = tpu.unpack_subelements %parallel_loop3A_437, 0 {pack_format = #tpu.pack_format<interleaved>} : vector<32xbf16> -> vector<16xf32>
        %parallel_loop3A_439 = tpu.unpack_subelements %parallel_loop3A_437, 1 {pack_format = #tpu.pack_format<interleaved>} : vector<32xbf16> -> vector<16xf32>
        %parallel_loop3A_440 = arith.index_cast %parallel_loop3A_390 : i32 to index
        %parallel_loop3A_441 = arith.constant 48 : index
        %parallel_loop3A_442 = tpu.vector_load %arg18[%parallel_loop3A_440, %parallel_loop3A_441] {strides = array<i32>} : memref<80x64xi32, #tpu.memory_space<vmem>>, vector<16xi32>,
        %parallel_loop3A_443 = vector.bitcast %parallel_loop3A_442 : vector<16xi32> to vector<32xbf16>
        %parallel_loop3A_444 = tpu.unpack_subelements %parallel_loop3A_443, 0 {pack_format = #tpu.pack_format<interleaved>} : vector<32xbf16> -> vector<16xf32>
        %parallel_loop3A_445 = tpu.unpack_subelements %parallel_loop3A_443, 1 {pack_format = #tpu.pack_format<interleaved>} : vector<32xbf16> -> vector<16xf32>
        %parallel_loop3A_446 = arith.mulf %parallel_loop3A_438, %parallel_loop3A_433 : vector<16xf32>
        %parallel_loop3A_447 = arith.index_cast %parallel_loop3A_390 : i32 to index
        %parallel_loop3A_448 = arith.constant 0 : index
        %parallel_loop3A_449 = tpu.vector_load %arg24[%parallel_loop3A_447, %parallel_loop3A_448] {strides = array<i32>} : memref<80x64xf32, #tpu.memory_space<vmem>>, vector<16xf32>,
        tpu.vector_store %arg24[%parallel_loop3A_447, %parallel_loop3A_448], %parallel_loop3A_446 {strides = array<i32>} : memref<80x64xf32, #tpu.memory_space<vmem>>, vector<16xf32>,
        %parallel_loop3A_450 = arith.mulf %parallel_loop3A_439, %parallel_loop3A_433 : vector<16xf32>
        %parallel_loop3A_451 = arith.index_cast %parallel_loop3A_390 : i32 to index
        %parallel_loop3A_452 = arith.constant 16 : index
        %parallel_loop3A_453 = tpu.vector_load %arg24[%parallel_loop3A_451, %parallel_loop3A_452] {strides = array<i32>} : memref<80x64xf32, #tpu.memory_space<vmem>>, vector<16xf32>,
        tpu.vector_store %arg24[%parallel_loop3A_451, %parallel_loop3A_452], %parallel_loop3A_450 {strides = array<i32>} : memref<80x64xf32, #tpu.memory_space<vmem>>, vector<16xf32>,
        %parallel_loop3A_454 = arith.mulf %parallel_loop3A_444, %parallel_loop3A_433 : vector<16xf32>
        %parallel_loop3A_455 = arith.index_cast %parallel_loop3A_390 : i32 to index
        %parallel_loop3A_456 = arith.constant 32 : index
        %parallel_loop3A_457 = tpu.vector_load %arg24[%parallel_loop3A_455, %parallel_loop3A_456] {strides = array<i32>} : memref<80x64xf32, #tpu.memory_space<vmem>>, vector<16xf32>,
        tpu.vector_store %arg24[%parallel_loop3A_455, %parallel_loop3A_456], %parallel_loop3A_454 {strides = array<i32>} : memref<80x64xf32, #tpu.memory_space<vmem>>, vector<16xf32>,
        %parallel_loop3A_458 = arith.mulf %parallel_loop3A_445, %parallel_loop3A_433 : vector<16xf32>
        %parallel_loop3A_459 = arith.index_cast %parallel_loop3A_390 : i32 to index
        %parallel_loop3A_460 = arith.constant 48 : index
        %parallel_loop3A_461 = tpu.vector_load %arg24[%parallel_loop3A_459, %parallel_loop3A_460] {strides = array<i32>} : memref<80x64xf32, #tpu.memory_space<vmem>>, vector<16xf32>,
        tpu.vector_store %arg24[%parallel_loop3A_459, %parallel_loop3A_460], %parallel_loop3A_458 {strides = array<i32>} : memref<80x64xf32, #tpu.memory_space<vmem>>, vector<16xf32>,
      } {sc.loop_unroll_factor = 2 : i64, sc.parallel_access}
      %dma_start3A_338 = arith.constant 0 : i32
      %dma_start3A_339 = arith.constant 0 : i32
      %dma_start3A_340 = tpu.memref_slice %arg28[%dma_start3A_338, %dma_start3A_339] : memref<10240x64xf32, #tpu.memory_space<vmem_shared>> -> memref<10240x64xf32, #tpu.memory_space<vmem_shared>>
      tpu.enqueue_indirect_dma source(%arg24 : memref<80x64xf32, #tpu.memory_space<vmem>>) target(%dma_start3A_340 : memref<10240x64xf32, #tpu.memory_space<vmem_shared>>) offsets(%arg12 : memref<80xi32, #tpu.memory_space<vmem>>) semaphore(%arg32 : memref<!tpu.dma_semaphore, #tpu.memory_space<semaphore_mem>>) {add = true}
      %dma_wait3A_341 = arith.constant 0 : i32
      %dma_wait3A_342 = arith.constant 0 : i32
      %dma_wait3A_343 = tpu.memref_slice %arg2[%dma_wait3A_341, %dma_wait3A_342] : memref<81920x64xi32, #tpu.memory_space<hbm>> -> memref<81920x64xi32, #tpu.memory_space<hbm>>
      tpu.wait_indirect_dma semaphore(%arg30 : memref<!tpu.dma_semaphore, #tpu.memory_space<semaphore_mem>>) src(%dma_wait3A_343 : memref<81920x64xi32, #tpu.memory_space<hbm>>) dst(%arg19 : memref<80x64xi32, #tpu.memory_space<vmem>>)
      %dma_wait3A_344 = arith.constant 0 : i32
      %dma_wait3A_345 = arith.constant 0 : i32
      %dma_wait3A_346 = tpu.memref_slice %arg3[%dma_wait3A_344, %dma_wait3A_345] : memref<81920x32xi32, #tpu.memory_space<hbm>> -> memref<81920x32xi32, #tpu.memory_space<hbm>>
      tpu.wait_indirect_dma semaphore(%arg30 : memref<!tpu.dma_semaphore, #tpu.memory_space<semaphore_mem>>) src(%dma_wait3A_346 : memref<81920x32xi32, #tpu.memory_space<hbm>>) dst(%arg22 : memref<80x32xi32, #tpu.memory_space<vmem>>)
      %parallel_loop3A_347 = arith.constant 0 : i32
      %parallel_loop3A_348 = arith.constant 80 : i32
      %parallel_loop3A_349 = arith.constant 1 : i32
      scf.for %parallel_loop3A_390 = %parallel_loop3A_347 to %parallel_loop3A_348 step %parallel_loop3A_349  : i32 {
        %parallel_loop3A_391 = arith.index_cast %parallel_loop3A_390 : i32 to index
        %parallel_loop3A_392 = arith.constant 0 : index
        %parallel_loop3A_393 = tpu.vector_load %arg19[%parallel_loop3A_391, %parallel_loop3A_392] {strides = array<i32>} : memref<80x64xi32, #tpu.memory_space<vmem>>, vector<16xi32>,
        %parallel_loop3A_394 = vector.bitcast %parallel_loop3A_393 : vector<16xi32> to vector<32xbf16>
        %parallel_loop3A_395 = tpu.unpack_subelements %parallel_loop3A_394, 0 {pack_format = #tpu.pack_format<interleaved>} : vector<32xbf16> -> vector<16xf32>
        %parallel_loop3A_396 = tpu.unpack_subelements %parallel_loop3A_394, 1 {pack_format = #tpu.pack_format<interleaved>} : vector<32xbf16> -> vector<16xf32>
        %parallel_loop3A_397 = arith.index_cast %parallel_loop3A_390 : i32 to index
        %parallel_loop3A_398 = arith.constant 16 : index
        %parallel_loop3A_399 = tpu.vector_load %arg19[%parallel_loop3A_397, %parallel_loop3A_398] {strides = array<i32>} : memref<80x64xi32, #tpu.memory_space<vmem>>, vector<16xi32>,
        %parallel_loop3A_400 = vector.bitcast %parallel_loop3A_399 : vector<16xi32> to vector<32xbf16>
        %parallel_loop3A_401 = tpu.unpack_subelements %parallel_loop3A_400, 0 {pack_format = #tpu.pack_format<interleaved>} : vector<32xbf16> -> vector<16xf32>
        %parallel_loop3A_402 = tpu.unpack_subelements %parallel_loop3A_400, 1 {pack_format = #tpu.pack_format<interleaved>} : vector<32xbf16> -> vector<16xf32>
        %parallel_loop3A_403 = arith.index_cast %parallel_loop3A_390 : i32 to index
        %parallel_loop3A_404 = arith.constant 0 : index
        %parallel_loop3A_405 = tpu.vector_load %arg22[%parallel_loop3A_403, %parallel_loop3A_404] {strides = array<i32>} : memref<80x32xi32, #tpu.memory_space<vmem>>, vector<16xi32>,
        %parallel_loop3A_406 = vector.bitcast %parallel_loop3A_405 : vector<16xi32> to vector<32xbf16>
        %parallel_loop3A_407 = tpu.unpack_subelements %parallel_loop3A_406, 0 {pack_format = #tpu.pack_format<interleaved>} : vector<32xbf16> -> vector<16xf32>
        %parallel_loop3A_408 = tpu.unpack_subelements %parallel_loop3A_406, 1 {pack_format = #tpu.pack_format<interleaved>} : vector<32xbf16> -> vector<16xf32>
        %parallel_loop3A_409 = arith.index_cast %parallel_loop3A_390 : i32 to index
        %parallel_loop3A_410 = arith.constant 16 : index
        %parallel_loop3A_411 = tpu.vector_load %arg22[%parallel_loop3A_409, %parallel_loop3A_410] {strides = array<i32>} : memref<80x32xi32, #tpu.memory_space<vmem>>, vector<16xi32>,
        %parallel_loop3A_412 = vector.bitcast %parallel_loop3A_411 : vector<16xi32> to vector<32xbf16>
        %parallel_loop3A_413 = tpu.unpack_subelements %parallel_loop3A_412, 0 {pack_format = #tpu.pack_format<interleaved>} : vector<32xbf16> -> vector<16xf32>
        %parallel_loop3A_414 = tpu.unpack_subelements %parallel_loop3A_412, 1 {pack_format = #tpu.pack_format<interleaved>} : vector<32xbf16> -> vector<16xf32>
        %parallel_loop3A_415 = arith.mulf %parallel_loop3A_395, %parallel_loop3A_407 : vector<16xf32>
        %parallel_loop3A_416 = arith.mulf %parallel_loop3A_396, %parallel_loop3A_408 : vector<16xf32>
        %parallel_loop3A_417 = arith.addf %parallel_loop3A_415, %parallel_loop3A_416 : vector<16xf32>
        %parallel_loop3A_418 = arith.mulf %parallel_loop3A_401, %parallel_loop3A_413 : vector<16xf32>
        %parallel_loop3A_419 = arith.mulf %parallel_loop3A_402, %parallel_loop3A_414 : vector<16xf32>
        %parallel_loop3A_420 = arith.addf %parallel_loop3A_418, %parallel_loop3A_419 : vector<16xf32>
        %parallel_loop3A_421 = arith.addf %parallel_loop3A_417, %parallel_loop3A_420 : vector<16xf32>
        %parallel_loop3A_422 = vector.shape_cast %reshape3A : vector<16x1xi32> to vector<16xi32>
        %parallel_loop3A_423 = tpu.dynamic_gather %parallel_loop3A_421[%parallel_loop3A_422] in [0] : vector<16xf32>, vector<16xi32> -> vector<16xf32>
        %parallel_loop3A_424 = arith.addf %parallel_loop3A_421, %parallel_loop3A_423 : vector<16xf32>
        %parallel_loop3A_425 = vector.shape_cast %reshape3A_154 : vector<16x1xi32> to vector<16xi32>
        %parallel_loop3A_426 = tpu.dynamic_gather %parallel_loop3A_424[%parallel_loop3A_425] in [0] : vector<16xf32>, vector<16xi32> -> vector<16xf32>
        %parallel_loop3A_427 = arith.addf %parallel_loop3A_424, %parallel_loop3A_426 : vector<16xf32>
        %parallel_loop3A_428 = vector.shape_cast %reshape3A_158 : vector<16x1xi32> to vector<16xi32>
        %parallel_loop3A_429 = tpu.dynamic_gather %parallel_loop3A_427[%parallel_loop3A_428] in [0] : vector<16xf32>, vector<16xi32> -> vector<16xf32>
        %parallel_loop3A_430 = arith.addf %parallel_loop3A_427, %parallel_loop3A_429 : vector<16xf32>
        %parallel_loop3A_431 = vector.shape_cast %reshape3A_162 : vector<16x1xi32> to vector<16xi32>
        %parallel_loop3A_432 = tpu.dynamic_gather %parallel_loop3A_430[%parallel_loop3A_431] in [0] : vector<16xf32>, vector<16xi32> -> vector<16xf32>
        %parallel_loop3A_433 = arith.addf %parallel_loop3A_430, %parallel_loop3A_432 : vector<16xf32>
        %parallel_loop3A_434 = arith.index_cast %parallel_loop3A_390 : i32 to index
        %parallel_loop3A_435 = arith.constant 32 : index
        %parallel_loop3A_436 = tpu.vector_load %arg19[%parallel_loop3A_434, %parallel_loop3A_435] {strides = array<i32>} : memref<80x64xi32, #tpu.memory_space<vmem>>, vector<16xi32>,
        %parallel_loop3A_437 = vector.bitcast %parallel_loop3A_436 : vector<16xi32> to vector<32xbf16>
        %parallel_loop3A_438 = tpu.unpack_subelements %parallel_loop3A_437, 0 {pack_format = #tpu.pack_format<interleaved>} : vector<32xbf16> -> vector<16xf32>
        %parallel_loop3A_439 = tpu.unpack_subelements %parallel_loop3A_437, 1 {pack_format = #tpu.pack_format<interleaved>} : vector<32xbf16> -> vector<16xf32>
        %parallel_loop3A_440 = arith.index_cast %parallel_loop3A_390 : i32 to index
        %parallel_loop3A_441 = arith.constant 48 : index
        %parallel_loop3A_442 = tpu.vector_load %arg19[%parallel_loop3A_440, %parallel_loop3A_441] {strides = array<i32>} : memref<80x64xi32, #tpu.memory_space<vmem>>, vector<16xi32>,
        %parallel_loop3A_443 = vector.bitcast %parallel_loop3A_442 : vector<16xi32> to vector<32xbf16>
        %parallel_loop3A_444 = tpu.unpack_subelements %parallel_loop3A_443, 0 {pack_format = #tpu.pack_format<interleaved>} : vector<32xbf16> -> vector<16xf32>
        %parallel_loop3A_445 = tpu.unpack_subelements %parallel_loop3A_443, 1 {pack_format = #tpu.pack_format<interleaved>} : vector<32xbf16> -> vector<16xf32>
        %parallel_loop3A_446 = arith.mulf %parallel_loop3A_438, %parallel_loop3A_433 : vector<16xf32>
        %parallel_loop3A_447 = arith.index_cast %parallel_loop3A_390 : i32 to index
        %parallel_loop3A_448 = arith.constant 0 : index
        %parallel_loop3A_449 = tpu.vector_load %arg25[%parallel_loop3A_447, %parallel_loop3A_448] {strides = array<i32>} : memref<80x64xf32, #tpu.memory_space<vmem>>, vector<16xf32>,
        tpu.vector_store %arg25[%parallel_loop3A_447, %parallel_loop3A_448], %parallel_loop3A_446 {strides = array<i32>} : memref<80x64xf32, #tpu.memory_space<vmem>>, vector<16xf32>,
        %parallel_loop3A_450 = arith.mulf %parallel_loop3A_439, %parallel_loop3A_433 : vector<16xf32>
        %parallel_loop3A_451 = arith.index_cast %parallel_loop3A_390 : i32 to index
        %parallel_loop3A_452 = arith.constant 16 : index
        %parallel_loop3A_453 = tpu.vector_load %arg25[%parallel_loop3A_451, %parallel_loop3A_452] {strides = array<i32>} : memref<80x64xf32, #tpu.memory_space<vmem>>, vector<16xf32>,
        tpu.vector_store %arg25[%parallel_loop3A_451, %parallel_loop3A_452], %parallel_loop3A_450 {strides = array<i32>} : memref<80x64xf32, #tpu.memory_space<vmem>>, vector<16xf32>,
        %parallel_loop3A_454 = arith.mulf %parallel_loop3A_444, %parallel_loop3A_433 : vector<16xf32>
        %parallel_loop3A_455 = arith.index_cast %parallel_loop3A_390 : i32 to index
        %parallel_loop3A_456 = arith.constant 32 : index
        %parallel_loop3A_457 = tpu.vector_load %arg25[%parallel_loop3A_455, %parallel_loop3A_456] {strides = array<i32>} : memref<80x64xf32, #tpu.memory_space<vmem>>, vector<16xf32>,
        tpu.vector_store %arg25[%parallel_loop3A_455, %parallel_loop3A_456], %parallel_loop3A_454 {strides = array<i32>} : memref<80x64xf32, #tpu.memory_space<vmem>>, vector<16xf32>,
        %parallel_loop3A_458 = arith.mulf %parallel_loop3A_445, %parallel_loop3A_433 : vector<16xf32>
        %parallel_loop3A_459 = arith.index_cast %parallel_loop3A_390 : i32 to index
        %parallel_loop3A_460 = arith.constant 48 : index
        %parallel_loop3A_461 = tpu.vector_load %arg25[%parallel_loop3A_459, %parallel_loop3A_460] {strides = array<i32>} : memref<80x64xf32, #tpu.memory_space<vmem>>, vector<16xf32>,
        tpu.vector_store %arg25[%parallel_loop3A_459, %parallel_loop3A_460], %parallel_loop3A_458 {strides = array<i32>} : memref<80x64xf32, #tpu.memory_space<vmem>>, vector<16xf32>,
      } {sc.loop_unroll_factor = 2 : i64, sc.parallel_access}
      %dma_start3A_350 = arith.constant 0 : i32
      %dma_start3A_351 = arith.constant 0 : i32
      %dma_start3A_352 = tpu.memref_slice %arg28[%dma_start3A_350, %dma_start3A_351] : memref<10240x64xf32, #tpu.memory_space<vmem_shared>> -> memref<10240x64xf32, #tpu.memory_space<vmem_shared>>
      tpu.enqueue_indirect_dma source(%arg25 : memref<80x64xf32, #tpu.memory_space<vmem>>) target(%dma_start3A_352 : memref<10240x64xf32, #tpu.memory_space<vmem_shared>>) offsets(%arg13 : memref<80xi32, #tpu.memory_space<vmem>>) semaphore(%arg33 : memref<!tpu.dma_semaphore, #tpu.memory_space<semaphore_mem>>) {add = true}
      %dma_wait3A_353 = arith.constant 0 : i32
      %dma_wait3A_354 = arith.constant 0 : i32
      %dma_wait3A_355 = tpu.memref_slice %arg28[%dma_wait3A_353, %dma_wait3A_354] : memref<10240x64xf32, #tpu.memory_space<vmem_shared>> -> memref<10240x64xf32, #tpu.memory_space<vmem_shared>>
      tpu.wait_indirect_dma semaphore(%arg34 : memref<!tpu.dma_semaphore, #tpu.memory_space<semaphore_mem>>) src(%arg26 : memref<80x64xf32, #tpu.memory_space<vmem>>) dst(%dma_wait3A_355 : memref<10240x64xf32, #tpu.memory_space<vmem_shared>>)
      %dma_wait3A_356 = arith.constant 0 : i32
      %dma_wait3A_357 = arith.constant 0 : i32
      %dma_wait3A_358 = tpu.memref_slice %arg28[%dma_wait3A_356, %dma_wait3A_357] : memref<10240x64xf32, #tpu.memory_space<vmem_shared>> -> memref<10240x64xf32, #tpu.memory_space<vmem_shared>>
      tpu.wait_indirect_dma semaphore(%arg32 : memref<!tpu.dma_semaphore, #tpu.memory_space<semaphore_mem>>) src(%arg24 : memref<80x64xf32, #tpu.memory_space<vmem>>) dst(%dma_wait3A_358 : memref<10240x64xf32, #tpu.memory_space<vmem_shared>>)
      %dma_wait3A_359 = arith.constant 0 : i32
      %dma_wait3A_360 = arith.constant 0 : i32
      %dma_wait3A_361 = tpu.memref_slice %arg28[%dma_wait3A_359, %dma_wait3A_360] : memref<10240x64xf32, #tpu.memory_space<vmem_shared>> -> memref<10240x64xf32, #tpu.memory_space<vmem_shared>>
      tpu.wait_indirect_dma semaphore(%arg33 : memref<!tpu.dma_semaphore, #tpu.memory_space<semaphore_mem>>) src(%arg25 : memref<80x64xf32, #tpu.memory_space<vmem>>) dst(%dma_wait3A_361 : memref<10240x64xf32, #tpu.memory_space<vmem_shared>>)
      %barrier3A_362 = arith.constant 0 : index
      tpu.barrier barrier_id(%barrier3A_362)
      %mul3A_363 = arith.constant 2 : i32
      %mul3A_364 = arith.muli %scan3A_170, %mul3A_363 : i32
      %add3A_365 = arith.addi %mul3A_364, %arg0 : i32
      %mul3A_366 = arith.constant 10240 : i32
      %mul3A_367 = arith.muli %add3A_365, %mul3A_366 : i32
      %add3A_368 = arith.addi %mul3A_367, %mul3A_4 : i32
      "tpu.region"() ({
        %run_scoped3A = tpu.sem_alloc : memref<!tpu.dma_semaphore, #tpu.memory_space<semaphore_mem>>
        %dma_start3A_390 = arith.constant 0 : i32
        %dma_start3A_391 = tpu.memref_slice %arg6[%add3A_368, %dma_start3A_390] : memref<163840x64xf32, #tpu.memory_space<hbm>> -> memref<640x64xf32, #tpu.memory_space<hbm>>
        %dma_start3A_392 = arith.constant 0 : i32
        %dma_start3A_393 = tpu.memref_slice %arg28[%mul3A_4, %dma_start3A_392] : memref<10240x64xf32, #tpu.memory_space<vmem_shared>> -> memref<640x64xf32, #tpu.memory_space<vmem_shared>>
        tpu.enqueue_dma source(%dma_start3A_393 : memref<640x64xf32, #tpu.memory_space<vmem_shared>>) target(%dma_start3A_391 : memref<640x64xf32, #tpu.memory_space<hbm>>) target_semaphore(%run_scoped3A : memref<!tpu.dma_semaphore, #tpu.memory_space<semaphore_mem>>)
        %dma_wait3A_394 = arith.constant 0 : i32
        %dma_wait3A_395 = tpu.memref_slice %arg6[%add3A_368, %dma_wait3A_394] : memref<163840x64xf32, #tpu.memory_space<hbm>> -> memref<640x64xf32, #tpu.memory_space<hbm>>
        %dma_wait3A_396 = arith.constant 0 : i32
        %dma_wait3A_397 = tpu.memref_slice %arg28[%mul3A_4, %dma_wait3A_396] : memref<10240x64xf32, #tpu.memory_space<vmem_shared>> -> memref<640x64xf32, #tpu.memory_space<vmem_shared>>
        tpu.wait_dma2 semaphore(%run_scoped3A : memref<!tpu.dma_semaphore, #tpu.memory_space<semaphore_mem>>) src(%dma_wait3A_397 : memref<640x64xf32, #tpu.memory_space<vmem_shared>>) dst(%dma_wait3A_395 : memref<640x64xf32, #tpu.memory_space<hbm>>)
        tpu.yield
      }) : () -> ()
      %add3A_369 = arith.constant 0 : i32
      %add3A_370 = arith.addi %mul3A_4, %add3A_369 : i32
      "tpu.region"() ({
        %run_scoped3A = tpu.sem_alloc : memref<!tpu.dma_semaphore, #tpu.memory_space<semaphore_mem>>
        %dma_start3A_390 = arith.constant 0 : i32
        %dma_start3A_391 = tpu.memref_slice %arg28[%add3A_370, %dma_start3A_390] : memref<10240x64xf32, #tpu.memory_space<vmem_shared>> -> memref<64x64xf32, #tpu.memory_space<vmem_shared>>
        %dma_start3A_392 = arith.constant 0 : i32
        %dma_start3A_393 = tpu.memref_slice %arg28[%add3A_370, %dma_start3A_392] : memref<10240x64xf32, #tpu.memory_space<vmem_shared>> -> memref<64x64xf32, #tpu.memory_space<vmem_shared>>
        tpu.enqueue_dma source(%arg27 : memref<64x64xf32, #tpu.memory_space<vmem>>) target(%dma_start3A_393 : memref<64x64xf32, #tpu.memory_space<vmem_shared>>) target_semaphore(%run_scoped3A : memref<!tpu.dma_semaphore, #tpu.memory_space<semaphore_mem>>)
        %dma_wait3A_394 = arith.constant 0 : i32
        %dma_wait3A_395 = tpu.memref_slice %arg28[%add3A_370, %dma_wait3A_394] : memref<10240x64xf32, #tpu.memory_space<vmem_shared>> -> memref<64x64xf32, #tpu.memory_space<vmem_shared>>
        %dma_wait3A_396 = arith.constant 0 : i32
        %dma_wait3A_397 = tpu.memref_slice %arg28[%add3A_370, %dma_wait3A_396] : memref<10240x64xf32, #tpu.memory_space<vmem_shared>> -> memref<64x64xf32, #tpu.memory_space<vmem_shared>>
        tpu.wait_dma2 semaphore(%run_scoped3A : memref<!tpu.dma_semaphore, #tpu.memory_space<semaphore_mem>>) src(%arg27 : memref<64x64xf32, #tpu.memory_space<vmem>>) dst(%dma_wait3A_397 : memref<64x64xf32, #tpu.memory_space<vmem_shared>>)
        tpu.yield
      }) : () -> ()
      %add3A_371 = arith.constant 64 : i32
      %add3A_372 = arith.addi %mul3A_4, %add3A_371 : i32
      "tpu.region"() ({
        %run_scoped3A = tpu.sem_alloc : memref<!tpu.dma_semaphore, #tpu.memory_space<semaphore_mem>>
        %dma_start3A_390 = arith.constant 0 : i32
        %dma_start3A_391 = tpu.memref_slice %arg28[%add3A_372, %dma_start3A_390] : memref<10240x64xf32, #tpu.memory_space<vmem_shared>> -> memref<64x64xf32, #tpu.memory_space<vmem_shared>>
        %dma_start3A_392 = arith.constant 0 : i32
        %dma_start3A_393 = tpu.memref_slice %arg28[%add3A_372, %dma_start3A_392] : memref<10240x64xf32, #tpu.memory_space<vmem_shared>> -> memref<64x64xf32, #tpu.memory_space<vmem_shared>>
        tpu.enqueue_dma source(%arg27 : memref<64x64xf32, #tpu.memory_space<vmem>>) target(%dma_start3A_393 : memref<64x64xf32, #tpu.memory_space<vmem_shared>>) target_semaphore(%run_scoped3A : memref<!tpu.dma_semaphore, #tpu.memory_space<semaphore_mem>>)
        %dma_wait3A_394 = arith.constant 0 : i32
        %dma_wait3A_395 = tpu.memref_slice %arg28[%add3A_372, %dma_wait3A_394] : memref<10240x64xf32, #tpu.memory_space<vmem_shared>> -> memref<64x64xf32, #tpu.memory_space<vmem_shared>>
        %dma_wait3A_396 = arith.constant 0 : i32
        %dma_wait3A_397 = tpu.memref_slice %arg28[%add3A_372, %dma_wait3A_396] : memref<10240x64xf32, #tpu.memory_space<vmem_shared>> -> memref<64x64xf32, #tpu.memory_space<vmem_shared>>
        tpu.wait_dma2 semaphore(%run_scoped3A : memref<!tpu.dma_semaphore, #tpu.memory_space<semaphore_mem>>) src(%arg27 : memref<64x64xf32, #tpu.memory_space<vmem>>) dst(%dma_wait3A_397 : memref<64x64xf32, #tpu.memory_space<vmem_shared>>)
        tpu.yield
      }) : () -> ()
      %add3A_373 = arith.constant 128 : i32
      %add3A_374 = arith.addi %mul3A_4, %add3A_373 : i32
      "tpu.region"() ({
        %run_scoped3A = tpu.sem_alloc : memref<!tpu.dma_semaphore, #tpu.memory_space<semaphore_mem>>
        %dma_start3A_390 = arith.constant 0 : i32
        %dma_start3A_391 = tpu.memref_slice %arg28[%add3A_374, %dma_start3A_390] : memref<10240x64xf32, #tpu.memory_space<vmem_shared>> -> memref<64x64xf32, #tpu.memory_space<vmem_shared>>
        %dma_start3A_392 = arith.constant 0 : i32
        %dma_start3A_393 = tpu.memref_slice %arg28[%add3A_374, %dma_start3A_392] : memref<10240x64xf32, #tpu.memory_space<vmem_shared>> -> memref<64x64xf32, #tpu.memory_space<vmem_shared>>
        tpu.enqueue_dma source(%arg27 : memref<64x64xf32, #tpu.memory_space<vmem>>) target(%dma_start3A_393 : memref<64x64xf32, #tpu.memory_space<vmem_shared>>) target_semaphore(%run_scoped3A : memref<!tpu.dma_semaphore, #tpu.memory_space<semaphore_mem>>)
        %dma_wait3A_394 = arith.constant 0 : i32
        %dma_wait3A_395 = tpu.memref_slice %arg28[%add3A_374, %dma_wait3A_394] : memref<10240x64xf32, #tpu.memory_space<vmem_shared>> -> memref<64x64xf32, #tpu.memory_space<vmem_shared>>
        %dma_wait3A_396 = arith.constant 0 : i32
        %dma_wait3A_397 = tpu.memref_slice %arg28[%add3A_374, %dma_wait3A_396] : memref<10240x64xf32, #tpu.memory_space<vmem_shared>> -> memref<64x64xf32, #tpu.memory_space<vmem_shared>>
        tpu.wait_dma2 semaphore(%run_scoped3A : memref<!tpu.dma_semaphore, #tpu.memory_space<semaphore_mem>>) src(%arg27 : memref<64x64xf32, #tpu.memory_space<vmem>>) dst(%dma_wait3A_397 : memref<64x64xf32, #tpu.memory_space<vmem_shared>>)
        tpu.yield
      }) : () -> ()
      %add3A_375 = arith.constant 192 : i32
      %add3A_376 = arith.addi %mul3A_4, %add3A_375 : i32
      "tpu.region"() ({
        %run_scoped3A = tpu.sem_alloc : memref<!tpu.dma_semaphore, #tpu.memory_space<semaphore_mem>>
        %dma_start3A_390 = arith.constant 0 : i32
        %dma_start3A_391 = tpu.memref_slice %arg28[%add3A_376, %dma_start3A_390] : memref<10240x64xf32, #tpu.memory_space<vmem_shared>> -> memref<64x64xf32, #tpu.memory_space<vmem_shared>>
        %dma_start3A_392 = arith.constant 0 : i32
        %dma_start3A_393 = tpu.memref_slice %arg28[%add3A_376, %dma_start3A_392] : memref<10240x64xf32, #tpu.memory_space<vmem_shared>> -> memref<64x64xf32, #tpu.memory_space<vmem_shared>>
        tpu.enqueue_dma source(%arg27 : memref<64x64xf32, #tpu.memory_space<vmem>>) target(%dma_start3A_393 : memref<64x64xf32, #tpu.memory_space<vmem_shared>>) target_semaphore(%run_scoped3A : memref<!tpu.dma_semaphore, #tpu.memory_space<semaphore_mem>>)
        %dma_wait3A_394 = arith.constant 0 : i32
        %dma_wait3A_395 = tpu.memref_slice %arg28[%add3A_376, %dma_wait3A_394] : memref<10240x64xf32, #tpu.memory_space<vmem_shared>> -> memref<64x64xf32, #tpu.memory_space<vmem_shared>>
        %dma_wait3A_396 = arith.constant 0 : i32
        %dma_wait3A_397 = tpu.memref_slice %arg28[%add3A_376, %dma_wait3A_396] : memref<10240x64xf32, #tpu.memory_space<vmem_shared>> -> memref<64x64xf32, #tpu.memory_space<vmem_shared>>
        tpu.wait_dma2 semaphore(%run_scoped3A : memref<!tpu.dma_semaphore, #tpu.memory_space<semaphore_mem>>) src(%arg27 : memref<64x64xf32, #tpu.memory_space<vmem>>) dst(%dma_wait3A_397 : memref<64x64xf32, #tpu.memory_space<vmem_shared>>)
        tpu.yield
      }) : () -> ()
      %add3A_377 = arith.constant 256 : i32
      %add3A_378 = arith.addi %mul3A_4, %add3A_377 : i32
      "tpu.region"() ({
        %run_scoped3A = tpu.sem_alloc : memref<!tpu.dma_semaphore, #tpu.memory_space<semaphore_mem>>
        %dma_start3A_390 = arith.constant 0 : i32
        %dma_start3A_391 = tpu.memref_slice %arg28[%add3A_378, %dma_start3A_390] : memref<10240x64xf32, #tpu.memory_space<vmem_shared>> -> memref<64x64xf32, #tpu.memory_space<vmem_shared>>
        %dma_start3A_392 = arith.constant 0 : i32
        %dma_start3A_393 = tpu.memref_slice %arg28[%add3A_378, %dma_start3A_392] : memref<10240x64xf32, #tpu.memory_space<vmem_shared>> -> memref<64x64xf32, #tpu.memory_space<vmem_shared>>
        tpu.enqueue_dma source(%arg27 : memref<64x64xf32, #tpu.memory_space<vmem>>) target(%dma_start3A_393 : memref<64x64xf32, #tpu.memory_space<vmem_shared>>) target_semaphore(%run_scoped3A : memref<!tpu.dma_semaphore, #tpu.memory_space<semaphore_mem>>)
        %dma_wait3A_394 = arith.constant 0 : i32
        %dma_wait3A_395 = tpu.memref_slice %arg28[%add3A_378, %dma_wait3A_394] : memref<10240x64xf32, #tpu.memory_space<vmem_shared>> -> memref<64x64xf32, #tpu.memory_space<vmem_shared>>
        %dma_wait3A_396 = arith.constant 0 : i32
        %dma_wait3A_397 = tpu.memref_slice %arg28[%add3A_378, %dma_wait3A_396] : memref<10240x64xf32, #tpu.memory_space<vmem_shared>> -> memref<64x64xf32, #tpu.memory_space<vmem_shared>>
        tpu.wait_dma2 semaphore(%run_scoped3A : memref<!tpu.dma_semaphore, #tpu.memory_space<semaphore_mem>>) src(%arg27 : memref<64x64xf32, #tpu.memory_space<vmem>>) dst(%dma_wait3A_397 : memref<64x64xf32, #tpu.memory_space<vmem_shared>>)
        tpu.yield
      }) : () -> ()
      %add3A_379 = arith.constant 320 : i32
      %add3A_380 = arith.addi %mul3A_4, %add3A_379 : i32
      "tpu.region"() ({
        %run_scoped3A = tpu.sem_alloc : memref<!tpu.dma_semaphore, #tpu.memory_space<semaphore_mem>>
        %dma_start3A_390 = arith.constant 0 : i32
        %dma_start3A_391 = tpu.memref_slice %arg28[%add3A_380, %dma_start3A_390] : memref<10240x64xf32, #tpu.memory_space<vmem_shared>> -> memref<64x64xf32, #tpu.memory_space<vmem_shared>>
        %dma_start3A_392 = arith.constant 0 : i32
        %dma_start3A_393 = tpu.memref_slice %arg28[%add3A_380, %dma_start3A_392] : memref<10240x64xf32, #tpu.memory_space<vmem_shared>> -> memref<64x64xf32, #tpu.memory_space<vmem_shared>>
        tpu.enqueue_dma source(%arg27 : memref<64x64xf32, #tpu.memory_space<vmem>>) target(%dma_start3A_393 : memref<64x64xf32, #tpu.memory_space<vmem_shared>>) target_semaphore(%run_scoped3A : memref<!tpu.dma_semaphore, #tpu.memory_space<semaphore_mem>>)
        %dma_wait3A_394 = arith.constant 0 : i32
        %dma_wait3A_395 = tpu.memref_slice %arg28[%add3A_380, %dma_wait3A_394] : memref<10240x64xf32, #tpu.memory_space<vmem_shared>> -> memref<64x64xf32, #tpu.memory_space<vmem_shared>>
        %dma_wait3A_396 = arith.constant 0 : i32
        %dma_wait3A_397 = tpu.memref_slice %arg28[%add3A_380, %dma_wait3A_396] : memref<10240x64xf32, #tpu.memory_space<vmem_shared>> -> memref<64x64xf32, #tpu.memory_space<vmem_shared>>
        tpu.wait_dma2 semaphore(%run_scoped3A : memref<!tpu.dma_semaphore, #tpu.memory_space<semaphore_mem>>) src(%arg27 : memref<64x64xf32, #tpu.memory_space<vmem>>) dst(%dma_wait3A_397 : memref<64x64xf32, #tpu.memory_space<vmem_shared>>)
        tpu.yield
      }) : () -> ()
      %add3A_381 = arith.constant 384 : i32
      %add3A_382 = arith.addi %mul3A_4, %add3A_381 : i32
      "tpu.region"() ({
        %run_scoped3A = tpu.sem_alloc : memref<!tpu.dma_semaphore, #tpu.memory_space<semaphore_mem>>
        %dma_start3A_390 = arith.constant 0 : i32
        %dma_start3A_391 = tpu.memref_slice %arg28[%add3A_382, %dma_start3A_390] : memref<10240x64xf32, #tpu.memory_space<vmem_shared>> -> memref<64x64xf32, #tpu.memory_space<vmem_shared>>
        %dma_start3A_392 = arith.constant 0 : i32
        %dma_start3A_393 = tpu.memref_slice %arg28[%add3A_382, %dma_start3A_392] : memref<10240x64xf32, #tpu.memory_space<vmem_shared>> -> memref<64x64xf32, #tpu.memory_space<vmem_shared>>
        tpu.enqueue_dma source(%arg27 : memref<64x64xf32, #tpu.memory_space<vmem>>) target(%dma_start3A_393 : memref<64x64xf32, #tpu.memory_space<vmem_shared>>) target_semaphore(%run_scoped3A : memref<!tpu.dma_semaphore, #tpu.memory_space<semaphore_mem>>)
        %dma_wait3A_394 = arith.constant 0 : i32
        %dma_wait3A_395 = tpu.memref_slice %arg28[%add3A_382, %dma_wait3A_394] : memref<10240x64xf32, #tpu.memory_space<vmem_shared>> -> memref<64x64xf32, #tpu.memory_space<vmem_shared>>
        %dma_wait3A_396 = arith.constant 0 : i32
        %dma_wait3A_397 = tpu.memref_slice %arg28[%add3A_382, %dma_wait3A_396] : memref<10240x64xf32, #tpu.memory_space<vmem_shared>> -> memref<64x64xf32, #tpu.memory_space<vmem_shared>>
        tpu.wait_dma2 semaphore(%run_scoped3A : memref<!tpu.dma_semaphore, #tpu.memory_space<semaphore_mem>>) src(%arg27 : memref<64x64xf32, #tpu.memory_space<vmem>>) dst(%dma_wait3A_397 : memref<64x64xf32, #tpu.memory_space<vmem_shared>>)
        tpu.yield
      }) : () -> ()
      %add3A_383 = arith.constant 448 : i32
      %add3A_384 = arith.addi %mul3A_4, %add3A_383 : i32
      "tpu.region"() ({
        %run_scoped3A = tpu.sem_alloc : memref<!tpu.dma_semaphore, #tpu.memory_space<semaphore_mem>>
        %dma_start3A_390 = arith.constant 0 : i32
        %dma_start3A_391 = tpu.memref_slice %arg28[%add3A_384, %dma_start3A_390] : memref<10240x64xf32, #tpu.memory_space<vmem_shared>> -> memref<64x64xf32, #tpu.memory_space<vmem_shared>>
        %dma_start3A_392 = arith.constant 0 : i32
        %dma_start3A_393 = tpu.memref_slice %arg28[%add3A_384, %dma_start3A_392] : memref<10240x64xf32, #tpu.memory_space<vmem_shared>> -> memref<64x64xf32, #tpu.memory_space<vmem_shared>>
        tpu.enqueue_dma source(%arg27 : memref<64x64xf32, #tpu.memory_space<vmem>>) target(%dma_start3A_393 : memref<64x64xf32, #tpu.memory_space<vmem_shared>>) target_semaphore(%run_scoped3A : memref<!tpu.dma_semaphore, #tpu.memory_space<semaphore_mem>>)
        %dma_wait3A_394 = arith.constant 0 : i32
        %dma_wait3A_395 = tpu.memref_slice %arg28[%add3A_384, %dma_wait3A_394] : memref<10240x64xf32, #tpu.memory_space<vmem_shared>> -> memref<64x64xf32, #tpu.memory_space<vmem_shared>>
        %dma_wait3A_396 = arith.constant 0 : i32
        %dma_wait3A_397 = tpu.memref_slice %arg28[%add3A_384, %dma_wait3A_396] : memref<10240x64xf32, #tpu.memory_space<vmem_shared>> -> memref<64x64xf32, #tpu.memory_space<vmem_shared>>
        tpu.wait_dma2 semaphore(%run_scoped3A : memref<!tpu.dma_semaphore, #tpu.memory_space<semaphore_mem>>) src(%arg27 : memref<64x64xf32, #tpu.memory_space<vmem>>) dst(%dma_wait3A_397 : memref<64x64xf32, #tpu.memory_space<vmem_shared>>)
        tpu.yield
      }) : () -> ()
      %add3A_385 = arith.constant 512 : i32
      %add3A_386 = arith.addi %mul3A_4, %add3A_385 : i32
      "tpu.region"() ({
        %run_scoped3A = tpu.sem_alloc : memref<!tpu.dma_semaphore, #tpu.memory_space<semaphore_mem>>
        %dma_start3A_390 = arith.constant 0 : i32
        %dma_start3A_391 = tpu.memref_slice %arg28[%add3A_386, %dma_start3A_390] : memref<10240x64xf32, #tpu.memory_space<vmem_shared>> -> memref<64x64xf32, #tpu.memory_space<vmem_shared>>
        %dma_start3A_392 = arith.constant 0 : i32
        %dma_start3A_393 = tpu.memref_slice %arg28[%add3A_386, %dma_start3A_392] : memref<10240x64xf32, #tpu.memory_space<vmem_shared>> -> memref<64x64xf32, #tpu.memory_space<vmem_shared>>
        tpu.enqueue_dma source(%arg27 : memref<64x64xf32, #tpu.memory_space<vmem>>) target(%dma_start3A_393 : memref<64x64xf32, #tpu.memory_space<vmem_shared>>) target_semaphore(%run_scoped3A : memref<!tpu.dma_semaphore, #tpu.memory_space<semaphore_mem>>)
        %dma_wait3A_394 = arith.constant 0 : i32
        %dma_wait3A_395 = tpu.memref_slice %arg28[%add3A_386, %dma_wait3A_394] : memref<10240x64xf32, #tpu.memory_space<vmem_shared>> -> memref<64x64xf32, #tpu.memory_space<vmem_shared>>
        %dma_wait3A_396 = arith.constant 0 : i32
        %dma_wait3A_397 = tpu.memref_slice %arg28[%add3A_386, %dma_wait3A_396] : memref<10240x64xf32, #tpu.memory_space<vmem_shared>> -> memref<64x64xf32, #tpu.memory_space<vmem_shared>>
        tpu.wait_dma2 semaphore(%run_scoped3A : memref<!tpu.dma_semaphore, #tpu.memory_space<semaphore_mem>>) src(%arg27 : memref<64x64xf32, #tpu.memory_space<vmem>>) dst(%dma_wait3A_397 : memref<64x64xf32, #tpu.memory_space<vmem_shared>>)
        tpu.yield
      }) : () -> ()
      %add3A_387 = arith.constant 576 : i32
      %add3A_388 = arith.addi %mul3A_4, %add3A_387 : i32
      "tpu.region"() ({
        %run_scoped3A = tpu.sem_alloc : memref<!tpu.dma_semaphore, #tpu.memory_space<semaphore_mem>>
        %dma_start3A_390 = arith.constant 0 : i32
        %dma_start3A_391 = tpu.memref_slice %arg28[%add3A_388, %dma_start3A_390] : memref<10240x64xf32, #tpu.memory_space<vmem_shared>> -> memref<64x64xf32, #tpu.memory_space<vmem_shared>>
        %dma_start3A_392 = arith.constant 0 : i32
        %dma_start3A_393 = tpu.memref_slice %arg28[%add3A_388, %dma_start3A_392] : memref<10240x64xf32, #tpu.memory_space<vmem_shared>> -> memref<64x64xf32, #tpu.memory_space<vmem_shared>>
        tpu.enqueue_dma source(%arg27 : memref<64x64xf32, #tpu.memory_space<vmem>>) target(%dma_start3A_393 : memref<64x64xf32, #tpu.memory_space<vmem_shared>>) target_semaphore(%run_scoped3A : memref<!tpu.dma_semaphore, #tpu.memory_space<semaphore_mem>>)
        %dma_wait3A_394 = arith.constant 0 : i32
        %dma_wait3A_395 = tpu.memref_slice %arg28[%add3A_388, %dma_wait3A_394] : memref<10240x64xf32, #tpu.memory_space<vmem_shared>> -> memref<64x64xf32, #tpu.memory_space<vmem_shared>>
        %dma_wait3A_396 = arith.constant 0 : i32
        %dma_wait3A_397 = tpu.memref_slice %arg28[%add3A_388, %dma_wait3A_396] : memref<10240x64xf32, #tpu.memory_space<vmem_shared>> -> memref<64x64xf32, #tpu.memory_space<vmem_shared>>
        tpu.wait_dma2 semaphore(%run_scoped3A : memref<!tpu.dma_semaphore, #tpu.memory_space<semaphore_mem>>) src(%arg27 : memref<64x64xf32, #tpu.memory_space<vmem>>) dst(%dma_wait3A_397 : memref<64x64xf32, #tpu.memory_space<vmem_shared>>)
        tpu.yield
      }) : () -> ()
      %scan3A_389 = arith.constant 0 : i32
      scf.yield %scan3A_389 : i32
    }
    %scan3A_169 = arith.constant 8 : i32
    return
  }
}

module attributes {stable_mosaic.version = 14 : i64} {
  func.func @_qkv_body(%arg0: i32, %arg1: memref<640x128xf32, #tpu.memory_space<vmem>>, %arg2: memref<128x1024xf32, #tpu.memory_space<vmem>>, %arg3: memref<1x1024xf32, #tpu.memory_space<vmem>>, %arg4: memref<128x512xf32, #tpu.memory_space<vmem>>, %arg5: memref<1x512xf32, #tpu.memory_space<vmem>>, %arg6: memref<8x640x128xbf16, #tpu.memory_space<vmem>>, %arg7: memref<8x640x64xbf16, #tpu.memory_space<vmem>>) attributes {dimension_semantics = [#tpu.dimension_semantics<arbitrary>], iteration_bounds = array<i64: 16>, scalar_prefetch = 0 : i64, scratch_operands = 0 : i64, tpu.core_type = #tpu.core_type<tc>, window_params = [{transform_indices = @transform_0, window_bounds = array<i64: 640, 128>}, {pipeline_mode = #tpu.pipeline_mode<synchronous>, transform_indices = @transform_1, window_bounds = array<i64: 128, 1024>}, {pipeline_mode = #tpu.pipeline_mode<synchronous>, transform_indices = @transform_2, window_bounds = array<i64: 1, 1024>}, {pipeline_mode = #tpu.pipeline_mode<synchronous>, transform_indices = @transform_3, window_bounds = array<i64: 128, 512>}, {pipeline_mode = #tpu.pipeline_mode<synchronous>, transform_indices = @transform_4, window_bounds = array<i64: 1, 512>}, {transform_indices = @transform_5, window_bounds = array<i64: 8, 640, 128>}, {transform_indices = @transform_6, window_bounds = array<i64: 8, 640, 64>}]} {
    %get3A = arith.constant 0 : index
    %get3A_0 = arith.constant 0 : index
    %get3A_1 = vector.load %arg1[%get3A, %get3A_0] : memref<640x128xf32, #tpu.memory_space<vmem>>, vector<640x128xf32>
    %get3A_2 = arith.constant 0 : index
    %get3A_3 = arith.constant 0 : index
    %get3A_4 = vector.load %arg2[%get3A_2, %get3A_3] : memref<128x1024xf32, #tpu.memory_space<vmem>>, vector<128x1024xf32>
    %dot_general3A = arith.constant dense<0.000000e+00> : vector<640x1024xf32>
    %dot_general3A_5 = tpu.matmul %get3A_1, %get3A_4, %dot_general3A {dimension_numbers = #tpu.dot_dimension_numbers<[1], [0], [0], [1], [0, 0, 1, 1], [], []>, transpose_lhs_hint = false} : vector<640x128xf32>, vector<128x1024xf32>, vector<640x1024xf32> -> vector<640x1024xf32>
    %get3A_6 = arith.constant 0 : index
    %get3A_7 = arith.constant 0 : index
    %get3A_8 = vector.load %arg3[%get3A_6, %get3A_7] : memref<1x1024xf32, #tpu.memory_space<vmem>>, vector<1x1024xf32>
    %add3A = vector.broadcast %get3A_8 : vector<1x1024xf32> to vector<640x1024xf32>
    %add3A_9 = arith.addf %dot_general3A_5, %add3A : vector<640x1024xf32>
    %get3A_10 = arith.constant 0 : index
    %get3A_11 = arith.constant 0 : index
    %get3A_12 = vector.load %arg4[%get3A_10, %get3A_11] : memref<128x512xf32, #tpu.memory_space<vmem>>, vector<128x512xf32>
    %dot_general3A_13 = arith.constant dense<0.000000e+00> : vector<640x512xf32>
    %dot_general3A_14 = tpu.matmul %get3A_1, %get3A_12, %dot_general3A_13 {dimension_numbers = #tpu.dot_dimension_numbers<[1], [0], [0], [1], [0, 0, 1, 1], [], []>, transpose_lhs_hint = false} : vector<640x128xf32>, vector<128x512xf32>, vector<640x512xf32> -> vector<640x512xf32>
    %get3A_15 = arith.constant 0 : index
    %get3A_16 = arith.constant 0 : index
    %get3A_17 = vector.load %arg5[%get3A_15, %get3A_16] : memref<1x512xf32, #tpu.memory_space<vmem>>, vector<1x512xf32>
    %add3A_18 = vector.broadcast %get3A_17 : vector<1x512xf32> to vector<640x512xf32>
    %add3A_19 = arith.addf %dot_general3A_14, %add3A_18 : vector<640x512xf32>
    %slice3A = vector.extract_strided_slice %add3A_9 {offsets = [0, 0], sizes = [640, 128], strides = [1, 1]} : vector<640x1024xf32> to vector<640x128xf32>
    %convert_element_type3A = arith.truncf %slice3A : vector<640x128xf32> to vector<640x128xbf16>
    %swap3A = arith.constant 0 : index
    %swap3A_20 = arith.constant 0 : index
    %swap3A_21 = arith.constant 0 : index
    %swap3A_22 = vector.load %arg6[%swap3A, %swap3A_20, %swap3A_21] : memref<8x640x128xbf16, #tpu.memory_space<vmem>>, vector<1x640x128xbf16>
    %swap3A_23 = vector.shape_cast %swap3A_22 : vector<1x640x128xbf16> to vector<640x128xbf16>
    %swap3A_24 = vector.shape_cast %convert_element_type3A : vector<640x128xbf16> to vector<1x640x128xbf16>
    tpu.vector_store %arg6[%swap3A, %swap3A_20, %swap3A_21], %swap3A_24 {strides = array<i32>} : memref<8x640x128xbf16, #tpu.memory_space<vmem>>, vector<1x640x128xbf16>,
    %slice3A_25 = vector.extract_strided_slice %add3A_19 {offsets = [0, 0], sizes = [640, 64], strides = [1, 1]} : vector<640x512xf32> to vector<640x64xf32>
    %convert_element_type3A_26 = arith.truncf %slice3A_25 : vector<640x64xf32> to vector<640x64xbf16>
    %swap3A_27 = arith.constant 0 : index
    %swap3A_28 = arith.constant 0 : index
    %swap3A_29 = arith.constant 0 : index
    %swap3A_30 = vector.load %arg7[%swap3A_27, %swap3A_28, %swap3A_29] : memref<8x640x64xbf16, #tpu.memory_space<vmem>>, vector<1x640x64xbf16>
    %swap3A_31 = vector.shape_cast %swap3A_30 : vector<1x640x64xbf16> to vector<640x64xbf16>
    %swap3A_32 = vector.shape_cast %convert_element_type3A_26 : vector<640x64xbf16> to vector<1x640x64xbf16>
    tpu.vector_store %arg7[%swap3A_27, %swap3A_28, %swap3A_29], %swap3A_32 {strides = array<i32>} : memref<8x640x64xbf16, #tpu.memory_space<vmem>>, vector<1x640x64xbf16>,
    %slice3A_33 = vector.extract_strided_slice %add3A_9 {offsets = [0, 128], sizes = [640, 128], strides = [1, 1]} : vector<640x1024xf32> to vector<640x128xf32>
    %convert_element_type3A_34 = arith.truncf %slice3A_33 : vector<640x128xf32> to vector<640x128xbf16>
    %swap3A_35 = arith.constant 1 : index
    %swap3A_36 = arith.constant 0 : index
    %swap3A_37 = arith.constant 0 : index
    %swap3A_38 = vector.load %arg6[%swap3A_35, %swap3A_36, %swap3A_37] : memref<8x640x128xbf16, #tpu.memory_space<vmem>>, vector<1x640x128xbf16>
    %swap3A_39 = vector.shape_cast %swap3A_38 : vector<1x640x128xbf16> to vector<640x128xbf16>
    %swap3A_40 = vector.shape_cast %convert_element_type3A_34 : vector<640x128xbf16> to vector<1x640x128xbf16>
    tpu.vector_store %arg6[%swap3A_35, %swap3A_36, %swap3A_37], %swap3A_40 {strides = array<i32>} : memref<8x640x128xbf16, #tpu.memory_space<vmem>>, vector<1x640x128xbf16>,
    %slice3A_41 = vector.extract_strided_slice %add3A_19 {offsets = [0, 64], sizes = [640, 64], strides = [1, 1]} : vector<640x512xf32> to vector<640x64xf32>
    %convert_element_type3A_42 = arith.truncf %slice3A_41 : vector<640x64xf32> to vector<640x64xbf16>
    %swap3A_43 = arith.constant 1 : index
    %swap3A_44 = arith.constant 0 : index
    %swap3A_45 = arith.constant 0 : index
    %swap3A_46 = vector.load %arg7[%swap3A_43, %swap3A_44, %swap3A_45] : memref<8x640x64xbf16, #tpu.memory_space<vmem>>, vector<1x640x64xbf16>
    %swap3A_47 = vector.shape_cast %swap3A_46 : vector<1x640x64xbf16> to vector<640x64xbf16>
    %swap3A_48 = vector.shape_cast %convert_element_type3A_42 : vector<640x64xbf16> to vector<1x640x64xbf16>
    tpu.vector_store %arg7[%swap3A_43, %swap3A_44, %swap3A_45], %swap3A_48 {strides = array<i32>} : memref<8x640x64xbf16, #tpu.memory_space<vmem>>, vector<1x640x64xbf16>,
    %slice3A_49 = vector.extract_strided_slice %add3A_9 {offsets = [0, 256], sizes = [640, 128], strides = [1, 1]} : vector<640x1024xf32> to vector<640x128xf32>
    %convert_element_type3A_50 = arith.truncf %slice3A_49 : vector<640x128xf32> to vector<640x128xbf16>
    %swap3A_51 = arith.constant 2 : index
    %swap3A_52 = arith.constant 0 : index
    %swap3A_53 = arith.constant 0 : index
    %swap3A_54 = vector.load %arg6[%swap3A_51, %swap3A_52, %swap3A_53] : memref<8x640x128xbf16, #tpu.memory_space<vmem>>, vector<1x640x128xbf16>
    %swap3A_55 = vector.shape_cast %swap3A_54 : vector<1x640x128xbf16> to vector<640x128xbf16>
    %swap3A_56 = vector.shape_cast %convert_element_type3A_50 : vector<640x128xbf16> to vector<1x640x128xbf16>
    tpu.vector_store %arg6[%swap3A_51, %swap3A_52, %swap3A_53], %swap3A_56 {strides = array<i32>} : memref<8x640x128xbf16, #tpu.memory_space<vmem>>, vector<1x640x128xbf16>,
    %slice3A_57 = vector.extract_strided_slice %add3A_19 {offsets = [0, 128], sizes = [640, 64], strides = [1, 1]} : vector<640x512xf32> to vector<640x64xf32>
    %convert_element_type3A_58 = arith.truncf %slice3A_57 : vector<640x64xf32> to vector<640x64xbf16>
    %swap3A_59 = arith.constant 2 : index
    %swap3A_60 = arith.constant 0 : index
    %swap3A_61 = arith.constant 0 : index
    %swap3A_62 = vector.load %arg7[%swap3A_59, %swap3A_60, %swap3A_61] : memref<8x640x64xbf16, #tpu.memory_space<vmem>>, vector<1x640x64xbf16>
    %swap3A_63 = vector.shape_cast %swap3A_62 : vector<1x640x64xbf16> to vector<640x64xbf16>
    %swap3A_64 = vector.shape_cast %convert_element_type3A_58 : vector<640x64xbf16> to vector<1x640x64xbf16>
    tpu.vector_store %arg7[%swap3A_59, %swap3A_60, %swap3A_61], %swap3A_64 {strides = array<i32>} : memref<8x640x64xbf16, #tpu.memory_space<vmem>>, vector<1x640x64xbf16>,
    %slice3A_65 = vector.extract_strided_slice %add3A_9 {offsets = [0, 384], sizes = [640, 128], strides = [1, 1]} : vector<640x1024xf32> to vector<640x128xf32>
    %convert_element_type3A_66 = arith.truncf %slice3A_65 : vector<640x128xf32> to vector<640x128xbf16>
    %swap3A_67 = arith.constant 3 : index
    %swap3A_68 = arith.constant 0 : index
    %swap3A_69 = arith.constant 0 : index
    %swap3A_70 = vector.load %arg6[%swap3A_67, %swap3A_68, %swap3A_69] : memref<8x640x128xbf16, #tpu.memory_space<vmem>>, vector<1x640x128xbf16>
    %swap3A_71 = vector.shape_cast %swap3A_70 : vector<1x640x128xbf16> to vector<640x128xbf16>
    %swap3A_72 = vector.shape_cast %convert_element_type3A_66 : vector<640x128xbf16> to vector<1x640x128xbf16>
    tpu.vector_store %arg6[%swap3A_67, %swap3A_68, %swap3A_69], %swap3A_72 {strides = array<i32>} : memref<8x640x128xbf16, #tpu.memory_space<vmem>>, vector<1x640x128xbf16>,
    %slice3A_73 = vector.extract_strided_slice %add3A_19 {offsets = [0, 192], sizes = [640, 64], strides = [1, 1]} : vector<640x512xf32> to vector<640x64xf32>
    %convert_element_type3A_74 = arith.truncf %slice3A_73 : vector<640x64xf32> to vector<640x64xbf16>
    %swap3A_75 = arith.constant 3 : index
    %swap3A_76 = arith.constant 0 : index
    %swap3A_77 = arith.constant 0 : index
    %swap3A_78 = vector.load %arg7[%swap3A_75, %swap3A_76, %swap3A_77] : memref<8x640x64xbf16, #tpu.memory_space<vmem>>, vector<1x640x64xbf16>
    %swap3A_79 = vector.shape_cast %swap3A_78 : vector<1x640x64xbf16> to vector<640x64xbf16>
    %swap3A_80 = vector.shape_cast %convert_element_type3A_74 : vector<640x64xbf16> to vector<1x640x64xbf16>
    tpu.vector_store %arg7[%swap3A_75, %swap3A_76, %swap3A_77], %swap3A_80 {strides = array<i32>} : memref<8x640x64xbf16, #tpu.memory_space<vmem>>, vector<1x640x64xbf16>,
    %slice3A_81 = vector.extract_strided_slice %add3A_9 {offsets = [0, 512], sizes = [640, 128], strides = [1, 1]} : vector<640x1024xf32> to vector<640x128xf32>
    %convert_element_type3A_82 = arith.truncf %slice3A_81 : vector<640x128xf32> to vector<640x128xbf16>
    %swap3A_83 = arith.constant 4 : index
    %swap3A_84 = arith.constant 0 : index
    %swap3A_85 = arith.constant 0 : index
    %swap3A_86 = vector.load %arg6[%swap3A_83, %swap3A_84, %swap3A_85] : memref<8x640x128xbf16, #tpu.memory_space<vmem>>, vector<1x640x128xbf16>
    %swap3A_87 = vector.shape_cast %swap3A_86 : vector<1x640x128xbf16> to vector<640x128xbf16>
    %swap3A_88 = vector.shape_cast %convert_element_type3A_82 : vector<640x128xbf16> to vector<1x640x128xbf16>
    tpu.vector_store %arg6[%swap3A_83, %swap3A_84, %swap3A_85], %swap3A_88 {strides = array<i32>} : memref<8x640x128xbf16, #tpu.memory_space<vmem>>, vector<1x640x128xbf16>,
    %slice3A_89 = vector.extract_strided_slice %add3A_19 {offsets = [0, 256], sizes = [640, 64], strides = [1, 1]} : vector<640x512xf32> to vector<640x64xf32>
    %convert_element_type3A_90 = arith.truncf %slice3A_89 : vector<640x64xf32> to vector<640x64xbf16>
    %swap3A_91 = arith.constant 4 : index
    %swap3A_92 = arith.constant 0 : index
    %swap3A_93 = arith.constant 0 : index
    %swap3A_94 = vector.load %arg7[%swap3A_91, %swap3A_92, %swap3A_93] : memref<8x640x64xbf16, #tpu.memory_space<vmem>>, vector<1x640x64xbf16>
    %swap3A_95 = vector.shape_cast %swap3A_94 : vector<1x640x64xbf16> to vector<640x64xbf16>
    %swap3A_96 = vector.shape_cast %convert_element_type3A_90 : vector<640x64xbf16> to vector<1x640x64xbf16>
    tpu.vector_store %arg7[%swap3A_91, %swap3A_92, %swap3A_93], %swap3A_96 {strides = array<i32>} : memref<8x640x64xbf16, #tpu.memory_space<vmem>>, vector<1x640x64xbf16>,
    %slice3A_97 = vector.extract_strided_slice %add3A_9 {offsets = [0, 640], sizes = [640, 128], strides = [1, 1]} : vector<640x1024xf32> to vector<640x128xf32>
    %convert_element_type3A_98 = arith.truncf %slice3A_97 : vector<640x128xf32> to vector<640x128xbf16>
    %swap3A_99 = arith.constant 5 : index
    %swap3A_100 = arith.constant 0 : index
    %swap3A_101 = arith.constant 0 : index
    %swap3A_102 = vector.load %arg6[%swap3A_99, %swap3A_100, %swap3A_101] : memref<8x640x128xbf16, #tpu.memory_space<vmem>>, vector<1x640x128xbf16>
    %swap3A_103 = vector.shape_cast %swap3A_102 : vector<1x640x128xbf16> to vector<640x128xbf16>
    %swap3A_104 = vector.shape_cast %convert_element_type3A_98 : vector<640x128xbf16> to vector<1x640x128xbf16>
    tpu.vector_store %arg6[%swap3A_99, %swap3A_100, %swap3A_101], %swap3A_104 {strides = array<i32>} : memref<8x640x128xbf16, #tpu.memory_space<vmem>>, vector<1x640x128xbf16>,
    %slice3A_105 = vector.extract_strided_slice %add3A_19 {offsets = [0, 320], sizes = [640, 64], strides = [1, 1]} : vector<640x512xf32> to vector<640x64xf32>
    %convert_element_type3A_106 = arith.truncf %slice3A_105 : vector<640x64xf32> to vector<640x64xbf16>
    %swap3A_107 = arith.constant 5 : index
    %swap3A_108 = arith.constant 0 : index
    %swap3A_109 = arith.constant 0 : index
    %swap3A_110 = vector.load %arg7[%swap3A_107, %swap3A_108, %swap3A_109] : memref<8x640x64xbf16, #tpu.memory_space<vmem>>, vector<1x640x64xbf16>
    %swap3A_111 = vector.shape_cast %swap3A_110 : vector<1x640x64xbf16> to vector<640x64xbf16>
    %swap3A_112 = vector.shape_cast %convert_element_type3A_106 : vector<640x64xbf16> to vector<1x640x64xbf16>
    tpu.vector_store %arg7[%swap3A_107, %swap3A_108, %swap3A_109], %swap3A_112 {strides = array<i32>} : memref<8x640x64xbf16, #tpu.memory_space<vmem>>, vector<1x640x64xbf16>,
    %slice3A_113 = vector.extract_strided_slice %add3A_9 {offsets = [0, 768], sizes = [640, 128], strides = [1, 1]} : vector<640x1024xf32> to vector<640x128xf32>
    %convert_element_type3A_114 = arith.truncf %slice3A_113 : vector<640x128xf32> to vector<640x128xbf16>
    %swap3A_115 = arith.constant 6 : index
    %swap3A_116 = arith.constant 0 : index
    %swap3A_117 = arith.constant 0 : index
    %swap3A_118 = vector.load %arg6[%swap3A_115, %swap3A_116, %swap3A_117] : memref<8x640x128xbf16, #tpu.memory_space<vmem>>, vector<1x640x128xbf16>
    %swap3A_119 = vector.shape_cast %swap3A_118 : vector<1x640x128xbf16> to vector<640x128xbf16>
    %swap3A_120 = vector.shape_cast %convert_element_type3A_114 : vector<640x128xbf16> to vector<1x640x128xbf16>
    tpu.vector_store %arg6[%swap3A_115, %swap3A_116, %swap3A_117], %swap3A_120 {strides = array<i32>} : memref<8x640x128xbf16, #tpu.memory_space<vmem>>, vector<1x640x128xbf16>,
    %slice3A_121 = vector.extract_strided_slice %add3A_19 {offsets = [0, 384], sizes = [640, 64], strides = [1, 1]} : vector<640x512xf32> to vector<640x64xf32>
    %convert_element_type3A_122 = arith.truncf %slice3A_121 : vector<640x64xf32> to vector<640x64xbf16>
    %swap3A_123 = arith.constant 6 : index
    %swap3A_124 = arith.constant 0 : index
    %swap3A_125 = arith.constant 0 : index
    %swap3A_126 = vector.load %arg7[%swap3A_123, %swap3A_124, %swap3A_125] : memref<8x640x64xbf16, #tpu.memory_space<vmem>>, vector<1x640x64xbf16>
    %swap3A_127 = vector.shape_cast %swap3A_126 : vector<1x640x64xbf16> to vector<640x64xbf16>
    %swap3A_128 = vector.shape_cast %convert_element_type3A_122 : vector<640x64xbf16> to vector<1x640x64xbf16>
    tpu.vector_store %arg7[%swap3A_123, %swap3A_124, %swap3A_125], %swap3A_128 {strides = array<i32>} : memref<8x640x64xbf16, #tpu.memory_space<vmem>>, vector<1x640x64xbf16>,
    %slice3A_129 = vector.extract_strided_slice %add3A_9 {offsets = [0, 896], sizes = [640, 128], strides = [1, 1]} : vector<640x1024xf32> to vector<640x128xf32>
    %convert_element_type3A_130 = arith.truncf %slice3A_129 : vector<640x128xf32> to vector<640x128xbf16>
    %swap3A_131 = arith.constant 7 : index
    %swap3A_132 = arith.constant 0 : index
    %swap3A_133 = arith.constant 0 : index
    %swap3A_134 = vector.load %arg6[%swap3A_131, %swap3A_132, %swap3A_133] : memref<8x640x128xbf16, #tpu.memory_space<vmem>>, vector<1x640x128xbf16>
    %swap3A_135 = vector.shape_cast %swap3A_134 : vector<1x640x128xbf16> to vector<640x128xbf16>
    %swap3A_136 = vector.shape_cast %convert_element_type3A_130 : vector<640x128xbf16> to vector<1x640x128xbf16>
    tpu.vector_store %arg6[%swap3A_131, %swap3A_132, %swap3A_133], %swap3A_136 {strides = array<i32>} : memref<8x640x128xbf16, #tpu.memory_space<vmem>>, vector<1x640x128xbf16>,
    %slice3A_137 = vector.extract_strided_slice %add3A_19 {offsets = [0, 448], sizes = [640, 64], strides = [1, 1]} : vector<640x512xf32> to vector<640x64xf32>
    %convert_element_type3A_138 = arith.truncf %slice3A_137 : vector<640x64xf32> to vector<640x64xbf16>
    %swap3A_139 = arith.constant 7 : index
    %swap3A_140 = arith.constant 0 : index
    %swap3A_141 = arith.constant 0 : index
    %swap3A_142 = vector.load %arg7[%swap3A_139, %swap3A_140, %swap3A_141] : memref<8x640x64xbf16, #tpu.memory_space<vmem>>, vector<1x640x64xbf16>
    %swap3A_143 = vector.shape_cast %swap3A_142 : vector<1x640x64xbf16> to vector<640x64xbf16>
    %swap3A_144 = vector.shape_cast %convert_element_type3A_138 : vector<640x64xbf16> to vector<1x640x64xbf16>
    tpu.vector_store %arg7[%swap3A_139, %swap3A_140, %swap3A_141], %swap3A_144 {strides = array<i32>} : memref<8x640x64xbf16, #tpu.memory_space<vmem>>, vector<1x640x64xbf16>,
    return
  }
  func.func @transform_0(%arg0: i32) -> (i32, i32) {
    %c0_i32 = arith.constant 0 : i32
    %c0_i32_0 = arith.constant 0 : i32
    return %arg0, %c0_i32 : i32, i32
  }
  func.func @transform_1(%arg0: i32) -> (i32, i32) {
    %c0_i32 = arith.constant 0 : i32
    %c0_i32_0 = arith.constant 0 : i32
    %c0_i32_1 = arith.constant 0 : i32
    return %c0_i32, %c0_i32_0 : i32, i32
  }
  func.func @transform_2(%arg0: i32) -> (i32, i32) {
    %c0_i32 = arith.constant 0 : i32
    %c0_i32_0 = arith.constant 0 : i32
    %c0_i32_1 = arith.constant 0 : i32
    return %c0_i32, %c0_i32_0 : i32, i32
  }
  func.func @transform_3(%arg0: i32) -> (i32, i32) {
    %c0_i32 = arith.constant 0 : i32
    %c0_i32_0 = arith.constant 0 : i32
    %c0_i32_1 = arith.constant 0 : i32
    return %c0_i32, %c0_i32_0 : i32, i32
  }
  func.func @transform_4(%arg0: i32) -> (i32, i32) {
    %c0_i32 = arith.constant 0 : i32
    %c0_i32_0 = arith.constant 0 : i32
    %c0_i32_1 = arith.constant 0 : i32
    return %c0_i32, %c0_i32_0 : i32, i32
  }
  func.func @transform_5(%arg0: i32) -> (i32, i32, i32) {
    %c0_i32 = arith.constant 0 : i32
    %c0_i32_0 = arith.constant 0 : i32
    %c0_i32_1 = arith.constant 0 : i32
    return %c0_i32, %arg0, %c0_i32_0 : i32, i32, i32
  }
  func.func @transform_6(%arg0: i32) -> (i32, i32, i32) {
    %c0_i32 = arith.constant 0 : i32
    %c0_i32_0 = arith.constant 0 : i32
    %c0_i32_1 = arith.constant 0 : i32
    return %c0_i32, %arg0, %c0_i32_0 : i32, i32, i32
  }
}

module attributes {stable_mosaic.version = 14 : i64} {
  func.func @_reduce_body(%arg0: i32, %arg1: memref<8x2x1000x64xf32, #tpu.memory_space<vmem>>, %arg2: memref<1000x512xf32, #tpu.memory_space<vmem>>) attributes {dimension_semantics = [#tpu.dimension_semantics<arbitrary>], iteration_bounds = array<i64: 10>, scalar_prefetch = 0 : i64, scratch_operands = 0 : i64, tpu.core_type = #tpu.core_type<tc>, window_params = [{transform_indices = @transform_0, window_bounds = array<i64: 8, 2, 1000, 64>}, {transform_indices = @transform_1, window_bounds = array<i64: 1000, 512>}]} {
    %get3A = arith.constant 0 : index
    %get3A_0 = arith.constant 0 : index
    %get3A_1 = arith.constant 0 : index
    %get3A_2 = arith.constant 0 : index
    %get3A_3 = vector.load %arg1[%get3A, %get3A_0, %get3A_1, %get3A_2] : memref<8x2x1000x64xf32, #tpu.memory_space<vmem>>, vector<1x1x1000x64xf32>
    %get3A_4 = vector.shape_cast %get3A_3 : vector<1x1x1000x64xf32> to vector<1000x64xf32>
    %get3A_5 = arith.constant 0 : index
    %get3A_6 = arith.constant 1 : index
    %get3A_7 = arith.constant 0 : index
    %get3A_8 = arith.constant 0 : index
    %get3A_9 = vector.load %arg1[%get3A_5, %get3A_6, %get3A_7, %get3A_8] : memref<8x2x1000x64xf32, #tpu.memory_space<vmem>>, vector<1x1x1000x64xf32>
    %get3A_10 = vector.shape_cast %get3A_9 : vector<1x1x1000x64xf32> to vector<1000x64xf32>
    %add3A = arith.addf %get3A_4, %get3A_10 : vector<1000x64xf32>
    %get3A_11 = arith.constant 1 : index
    %get3A_12 = arith.constant 0 : index
    %get3A_13 = arith.constant 0 : index
    %get3A_14 = arith.constant 0 : index
    %get3A_15 = vector.load %arg1[%get3A_11, %get3A_12, %get3A_13, %get3A_14] : memref<8x2x1000x64xf32, #tpu.memory_space<vmem>>, vector<1x1x1000x64xf32>
    %get3A_16 = vector.shape_cast %get3A_15 : vector<1x1x1000x64xf32> to vector<1000x64xf32>
    %get3A_17 = arith.constant 1 : index
    %get3A_18 = arith.constant 1 : index
    %get3A_19 = arith.constant 0 : index
    %get3A_20 = arith.constant 0 : index
    %get3A_21 = vector.load %arg1[%get3A_17, %get3A_18, %get3A_19, %get3A_20] : memref<8x2x1000x64xf32, #tpu.memory_space<vmem>>, vector<1x1x1000x64xf32>
    %get3A_22 = vector.shape_cast %get3A_21 : vector<1x1x1000x64xf32> to vector<1000x64xf32>
    %add3A_23 = arith.addf %get3A_16, %get3A_22 : vector<1000x64xf32>
    %get3A_24 = arith.constant 2 : index
    %get3A_25 = arith.constant 0 : index
    %get3A_26 = arith.constant 0 : index
    %get3A_27 = arith.constant 0 : index
    %get3A_28 = vector.load %arg1[%get3A_24, %get3A_25, %get3A_26, %get3A_27] : memref<8x2x1000x64xf32, #tpu.memory_space<vmem>>, vector<1x1x1000x64xf32>
    %get3A_29 = vector.shape_cast %get3A_28 : vector<1x1x1000x64xf32> to vector<1000x64xf32>
    %get3A_30 = arith.constant 2 : index
    %get3A_31 = arith.constant 1 : index
    %get3A_32 = arith.constant 0 : index
    %get3A_33 = arith.constant 0 : index
    %get3A_34 = vector.load %arg1[%get3A_30, %get3A_31, %get3A_32, %get3A_33] : memref<8x2x1000x64xf32, #tpu.memory_space<vmem>>, vector<1x1x1000x64xf32>
    %get3A_35 = vector.shape_cast %get3A_34 : vector<1x1x1000x64xf32> to vector<1000x64xf32>
    %add3A_36 = arith.addf %get3A_29, %get3A_35 : vector<1000x64xf32>
    %get3A_37 = arith.constant 3 : index
    %get3A_38 = arith.constant 0 : index
    %get3A_39 = arith.constant 0 : index
    %get3A_40 = arith.constant 0 : index
    %get3A_41 = vector.load %arg1[%get3A_37, %get3A_38, %get3A_39, %get3A_40] : memref<8x2x1000x64xf32, #tpu.memory_space<vmem>>, vector<1x1x1000x64xf32>
    %get3A_42 = vector.shape_cast %get3A_41 : vector<1x1x1000x64xf32> to vector<1000x64xf32>
    %get3A_43 = arith.constant 3 : index
    %get3A_44 = arith.constant 1 : index
    %get3A_45 = arith.constant 0 : index
    %get3A_46 = arith.constant 0 : index
    %get3A_47 = vector.load %arg1[%get3A_43, %get3A_44, %get3A_45, %get3A_46] : memref<8x2x1000x64xf32, #tpu.memory_space<vmem>>, vector<1x1x1000x64xf32>
    %get3A_48 = vector.shape_cast %get3A_47 : vector<1x1x1000x64xf32> to vector<1000x64xf32>
    %add3A_49 = arith.addf %get3A_42, %get3A_48 : vector<1000x64xf32>
    %get3A_50 = arith.constant 4 : index
    %get3A_51 = arith.constant 0 : index
    %get3A_52 = arith.constant 0 : index
    %get3A_53 = arith.constant 0 : index
    %get3A_54 = vector.load %arg1[%get3A_50, %get3A_51, %get3A_52, %get3A_53] : memref<8x2x1000x64xf32, #tpu.memory_space<vmem>>, vector<1x1x1000x64xf32>
    %get3A_55 = vector.shape_cast %get3A_54 : vector<1x1x1000x64xf32> to vector<1000x64xf32>
    %get3A_56 = arith.constant 4 : index
    %get3A_57 = arith.constant 1 : index
    %get3A_58 = arith.constant 0 : index
    %get3A_59 = arith.constant 0 : index
    %get3A_60 = vector.load %arg1[%get3A_56, %get3A_57, %get3A_58, %get3A_59] : memref<8x2x1000x64xf32, #tpu.memory_space<vmem>>, vector<1x1x1000x64xf32>
    %get3A_61 = vector.shape_cast %get3A_60 : vector<1x1x1000x64xf32> to vector<1000x64xf32>
    %add3A_62 = arith.addf %get3A_55, %get3A_61 : vector<1000x64xf32>
    %get3A_63 = arith.constant 5 : index
    %get3A_64 = arith.constant 0 : index
    %get3A_65 = arith.constant 0 : index
    %get3A_66 = arith.constant 0 : index
    %get3A_67 = vector.load %arg1[%get3A_63, %get3A_64, %get3A_65, %get3A_66] : memref<8x2x1000x64xf32, #tpu.memory_space<vmem>>, vector<1x1x1000x64xf32>
    %get3A_68 = vector.shape_cast %get3A_67 : vector<1x1x1000x64xf32> to vector<1000x64xf32>
    %get3A_69 = arith.constant 5 : index
    %get3A_70 = arith.constant 1 : index
    %get3A_71 = arith.constant 0 : index
    %get3A_72 = arith.constant 0 : index
    %get3A_73 = vector.load %arg1[%get3A_69, %get3A_70, %get3A_71, %get3A_72] : memref<8x2x1000x64xf32, #tpu.memory_space<vmem>>, vector<1x1x1000x64xf32>
    %get3A_74 = vector.shape_cast %get3A_73 : vector<1x1x1000x64xf32> to vector<1000x64xf32>
    %add3A_75 = arith.addf %get3A_68, %get3A_74 : vector<1000x64xf32>
    %get3A_76 = arith.constant 6 : index
    %get3A_77 = arith.constant 0 : index
    %get3A_78 = arith.constant 0 : index
    %get3A_79 = arith.constant 0 : index
    %get3A_80 = vector.load %arg1[%get3A_76, %get3A_77, %get3A_78, %get3A_79] : memref<8x2x1000x64xf32, #tpu.memory_space<vmem>>, vector<1x1x1000x64xf32>
    %get3A_81 = vector.shape_cast %get3A_80 : vector<1x1x1000x64xf32> to vector<1000x64xf32>
    %get3A_82 = arith.constant 6 : index
    %get3A_83 = arith.constant 1 : index
    %get3A_84 = arith.constant 0 : index
    %get3A_85 = arith.constant 0 : index
    %get3A_86 = vector.load %arg1[%get3A_82, %get3A_83, %get3A_84, %get3A_85] : memref<8x2x1000x64xf32, #tpu.memory_space<vmem>>, vector<1x1x1000x64xf32>
    %get3A_87 = vector.shape_cast %get3A_86 : vector<1x1x1000x64xf32> to vector<1000x64xf32>
    %add3A_88 = arith.addf %get3A_81, %get3A_87 : vector<1000x64xf32>
    %get3A_89 = arith.constant 7 : index
    %get3A_90 = arith.constant 0 : index
    %get3A_91 = arith.constant 0 : index
    %get3A_92 = arith.constant 0 : index
    %get3A_93 = vector.load %arg1[%get3A_89, %get3A_90, %get3A_91, %get3A_92] : memref<8x2x1000x64xf32, #tpu.memory_space<vmem>>, vector<1x1x1000x64xf32>
    %get3A_94 = vector.shape_cast %get3A_93 : vector<1x1x1000x64xf32> to vector<1000x64xf32>
    %get3A_95 = arith.constant 7 : index
    %get3A_96 = arith.constant 1 : index
    %get3A_97 = arith.constant 0 : index
    %get3A_98 = arith.constant 0 : index
    %get3A_99 = vector.load %arg1[%get3A_95, %get3A_96, %get3A_97, %get3A_98] : memref<8x2x1000x64xf32, #tpu.memory_space<vmem>>, vector<1x1x1000x64xf32>
    %get3A_100 = vector.shape_cast %get3A_99 : vector<1x1x1000x64xf32> to vector<1000x64xf32>
    %add3A_101 = arith.addf %get3A_94, %get3A_100 : vector<1000x64xf32>
    %concatenate3A = tpu.concatenate %add3A, %add3A_23, %add3A_36, %add3A_49, %add3A_62, %add3A_75, %add3A_88, %add3A_101 in 1 : vector<1000x64xf32>, vector<1000x64xf32>, vector<1000x64xf32>, vector<1000x64xf32>, vector<1000x64xf32>, vector<1000x64xf32>, vector<1000x64xf32>, vector<1000x64xf32> -> vector<1000x512xf32>
    %swap3A = arith.constant 0 : index
    %swap3A_102 = arith.constant 0 : index
    %swap3A_103 = vector.load %arg2[%swap3A, %swap3A_102] : memref<1000x512xf32, #tpu.memory_space<vmem>>, vector<1000x512xf32>
    tpu.vector_store %arg2[%swap3A, %swap3A_102], %concatenate3A {strides = array<i32>} : memref<1000x512xf32, #tpu.memory_space<vmem>>, vector<1000x512xf32>,
    return
  }
  func.func @transform_0(%arg0: i32) -> (i32, i32, i32, i32) {
    %c0_i32 = arith.constant 0 : i32
    %c0_i32_0 = arith.constant 0 : i32
    %c0_i32_1 = arith.constant 0 : i32
    %c0_i32_2 = arith.constant 0 : i32
    return %c0_i32, %c0_i32_0, %arg0, %c0_i32_1 : i32, i32, i32, i32
  }
  func.func @transform_1(%arg0: i32) -> (i32, i32) {
    %c0_i32 = arith.constant 0 : i32
    %c0_i32_0 = arith.constant 0 : i32
    return %arg0, %c0_i32 : i32, i32
  }
}

</mosaic_0001>

<sc_bundles>
// kernel: kernel.5.cloned.1.call-start
scs
__scs_entry_jumppad:
0x0: {  	(pc) =	sbr.rel $0x88, $3  }
0x1: {  	(tag) =	ssettag $0x0;
	lr =	simm.s32 $0x1  }
0x2: {  	[smem:$0x3F99] =	sst lr;
	_ =	strace $0xD0000000  }
0x3: {  	_ = 	snop  }
0x4: {  	_ = 	snop  }
0x5: {  	_ = 	snop  }
0x6: {  	_ = 	snop  }
0x7: {  	_ = 	snop  }
__scs_overlays_trampoline_lowered:
0x8: {  	[smem:$0x3FA8] =	sst s0  }
0x9: {  	[smem:$0x3FA9] =	sst s1  }
0xa: {  	[smem:$0x3FAA] =	sst s2  }
0xb: {  	[smem:$0x3FAB] =	sst s3  }
0xc: {  	[smem:$0x3FAC] =	sst s4  }
0xd: {  	[smem:$0x3FAD] =	sst s5  }
0xe: {  	[smem:$0x3FAE] =	sst s6  }
0xf: {  	[smem:$0x3FAF] =	sst s7  }
0x10: {  	[smem:$0x3FB0] =	sst s8  }
0x11: {  	[smem:$0x3FB1] =	sst s9;
	s0 =	simm.s32 @!p0 $0x0  }
0x12: {  	s1 =	sld [smem:$0x3F97];
	s0 =	simm.s32 @p0 $0x1  }
0x13: {  	[smem:$0x3FB2] =	sst s0;
	s0 =	simm.s32 @!p1 $0x0  }
0x14: {  	s2 =	sld [smem:$0x3F96];
	s0 =	simm.s32 @p1 $0x1  }
0x15: {  	[smem:$0x3FB3] =	sst s0;
	s0 =	simm.s32 @!p2 $0x0  }
0x16: {  	s3 =	sld [smem:$0x3FDB];
	s0 =	simm.s32 @p2 $0x1  }
0x17: {  	s4 =	simm.s32 $0x1BF5;
	[smem:$0x3FB5] =	sst s0  }
0x18: {  	s0 =	sld [smem:$0x3F98];
	_ =	swait.ge [sflag:s4], $0x0  }
0x19: {  	s7 =	sld [smem:$0x3F99]  }
0x1a: {  	s8 =	sadd.s32 $0xFFFFE003, lr  }
0x1b: {  	s9 =	sadd.s32 $0xFFFFFEF7, lr;
	s5 =	simm.s32 $0xFFFFFFFF;
	p2 =	slt.u32 s8, $0xFFFFF086  }
0x1c: {  	p1 =	slt.u32 s9, $0xF7A;
	s5 =	simm.s32 @!p2 $0x0  }
0x1d: {  	s5 =	simm.s32 @p1 $0x1;
	p0 =	seq.s32 s7, s2  }
0x1e: {  	s7 =	smul.u32 @!p0 $0xF7A, s2;
	p2 =	seq.s32 @!p0 s5, $0x0  }
0x1f: {  	s9 =	smul.u32 $0xF7A, s1;
	s8 =	simm.s32 @!p0 $0x1BF5;
	p2 =	por !p2, p0  }
0x20: {  	[sflag:s8] =	ssyncset.s32 @!p0 $0xFFFFF086;
	s6 =	sadd.s32 @!p0 s3, s7;
	s7 =	simm.s32 @!p0 $0x108  }
0x21: {  	s3 =	sadd.s32 s3, s9;
	s6 =	sadd.s32 @!p0 $0x88, s6;
	s7 =	simm.s32 @p2 $0x1082  }
0x22: {  	[simem:s7], [sflag:s8] =	dma.local @!p0 [hbm:s6], $0xF7A  }
0x23: {  	s9 =	sor.u32 $0xD0000000, s2;
	s6 =	simm.s32 $0x108;
	_ =	swait.ge @!p0 [sflag:s8], $0x0  }
0x24: {  	s3 =	sadd.s32 $0x88, s3;
	s6 =	simm.s32 @!p1 $0x1082;
	[sflag:s4] =	ssyncset.s32 $0xFFFFF086  }
0x25: {  	[simem:s6], [sflag:s4] =	dma.local [hbm:s3], $0xF7A  }
0x26: {  	[smem:$0x3F99] =	sst s1;
	(tag) =	ssettag s2;
	_ =	strace s9  }
0x27: {  	s1 =	sld [smem:$0x3FA9]  }
0x28: {  	s2 =	sld [smem:$0x3FAA]  }
0x29: {  	s4 =	sld [smem:$0x3FAC]  }
0x2a: {  	p0 =	seq.s32 s5, $0x0;
	s5 =	sld [smem:$0x3FAD]  }
0x2b: {  	s6 =	sld [smem:$0x3FAE]  }
0x2c: {  	s7 =	sld [smem:$0x3FAF]  }
0x2d: {  	s3 =	simm.s32 $0x108;
	s8 =	sld [smem:$0x3FB0]  }
0x2e: {  	s3 =	simm.s32 @!p0 $0x1082;
	s9 =	sld [smem:$0x3FB1]  }
0x2f: {  	lr =	sadd.s32 s0, s3;
	s0 =	sld [smem:$0x3FA8]  }
0x30: {  	s3 =	sld [smem:$0x3FAB]  }
0x31: {  	[smem:$0x3FB4] =	sst s10  }
0x32: {  	s10 =	sld [smem:$0x3FB2];
	_ =	sdelay $0x3  }
0x33: {  	p0 =	seq.s32 s10, $0x1;
	s10 =	sld [smem:$0x3FB4];
	_ =	sdelay $0x3  }
0x34: {  	[smem:$0x3FB4] =	sst s10  }
0x35: {  	s10 =	sld [smem:$0x3FB3];
	_ =	sdelay $0x3  }
0x36: {  	p1 =	seq.s32 s10, $0x1;
	s10 =	sld [smem:$0x3FB4];
	_ =	sdelay $0x3  }
0x37: {  	[smem:$0x3FB4] =	sst s10  }
0x38: {  	s10 =	sld [smem:$0x3FB5]  }
0x39: {  	_ = 	snop;
	(pc) =	sbr.ind lr, $3  }
0x3a: {  	_ = 	snop  }
0x3b: {  	_ = 	snop  }
0x3c: {  	p2 =	seq.s32 s10, $0x1;
	s10 =	sld [smem:$0x3FB4]  }
0x3d: {  	_ =	shalt  }
0x3e: {  	_ =	shalt  }
0x3f: {  	_ =	shalt  }
0x40: {  	_ =	shalt  }
0x41: {  	_ =	shalt  }
0x42: {  	_ =	shalt  }
0x43: {  	_ =	shalt  }
0x44: {  	_ =	shalt  }
0x45: {  	_ =	shalt  }
0x46: {  	_ =	shalt  }
0x47: {  	_ =	shalt  }
0x48: {  	_ =	shalt  }
0x49: {  	_ =	shalt  }
0x4a: {  	_ =	shalt  }
0x4b: {  	_ =	shalt  }
0x4c: {  	_ =	shalt  }
0x4d: {  	_ =	shalt  }
0x4e: {  	_ =	shalt  }
0x4f: {  	_ =	shalt  }
0x50: {  	_ =	shalt  }
0x51: {  	_ =	shalt  }
0x52: {  	_ =	shalt  }
0x53: {  	_ =	shalt  }
0x54: {  	_ =	shalt  }
0x55: {  	_ =	shalt  }
0x56: {  	_ =	shalt  }
0x57: {  	_ =	shalt  }
0x58: {  	_ =	shalt  }
0x59: {  	_ =	shalt  }
0x5a: {  	_ =	shalt  }
0x5b: {  	_ =	shalt  }
0x5c: {  	_ =	shalt  }
0x5d: {  	_ =	shalt  }
0x5e: {  	_ =	shalt  }
0x5f: {  	_ =	shalt  }
0x60: {  	_ =	shalt  }
0x61: {  	_ =	shalt  }
0x62: {  	_ =	shalt  }
0x63: {  	_ =	shalt  }
0x64: {  	_ =	shalt  }
0x65: {  	_ =	shalt  }
0x66: {  	_ =	shalt  }
0x67: {  	_ =	shalt  }
0x68: {  	_ =	shalt  }
0x69: {  	_ =	shalt  }
0x6a: {  	_ =	shalt  }
0x6b: {  	_ =	shalt  }
0x6c: {  	_ =	shalt  }
0x6d: {  	_ =	shalt  }
0x6e: {  	_ =	shalt  }
0x6f: {  	_ =	shalt  }
0x70: {  	_ =	shalt  }
0x71: {  	_ =	shalt  }
0x72: {  	_ =	shalt  }
0x73: {  	_ =	shalt  }
0x74: {  	_ =	shalt  }
0x75: {  	_ =	shalt  }
0x76: {  	_ =	shalt  }
0x77: {  	_ =	shalt  }
0x78: {  	_ =	shalt  }
0x79: {  	_ =	shalt  }
0x7a: {  	_ =	shalt  }
0x7b: {  	_ =	shalt  }
0x7c: {  	_ =	shalt  }
0x7d: {  	_ =	shalt  }
0x7e: {  	_ =	shalt  }
0x7f: {  	_ =	shalt  }
0x80: {  	_ =	shalt  }
0x81: {  	_ =	shalt  }
0x82: {  	_ =	shalt  }
0x83: {  	_ =	shalt  }
0x84: {  	_ =	shalt  }
0x85: {  	_ =	shalt  }
0x86: {  	_ =	shalt  }
0x87: {  	_ =	shalt  }
.Lfunc_end0:
.L_simem_size_0:
called_computation.1_lowered:
.L_overlay_start_0:
0x88: {  	s2 =	sld [smem:$0x3FD9]  }
0x89: {  	s3 =	sld [smem:$0x3FFE];
	_ =	sdelay $0x1  }
0x8a: {  	s1 =	srdreg.scid  }
0x8b: {  	s0 =	sand.u32 $0x1, s1  }
0x8c: {  	s17 =	sshll.u32 s0, $0xA;
	s2 =	sadd.s32 s3, s2  }
0x8d: {  	s2 =	sadd.s32 s2, s17  }
0x8e: {  	[smem:$0x3FC0] =	sst s2  }
0x8f: {  	_ = 	snop  }
0x90: {  	s2 =	sld [smem:$0x3FD0];
	(tm) =	ssettm $0x1  }
0x91: {  	s18 =	sld [smem:$0x3FFB];
	_ =	sdelay $0x3  }
0x92: {  	_ =	strace s18  }
0x93: {  	s3 =	sld [smem:$0x3FFC];
	_ =	sdelay $0x3  }
0x94: {  	_ =	strace s3  }
0x95: {  	s3 =	sld [smem:$0x3FFD];
	_ =	sdelay $0x3  }
0x96: {  	_ =	strace s3  }
0x97: {  	_ =	strace $0x8FFFFFFF  }
0x98: {  	s19 =	sld [smem:$0x3FDB];
	_ =	sdelay $0x1  }
0x99: {  	s4 =	simm.s32 $_scs_section_size  }
0x9a: {  	s5 =	simm.s32 $_size__tile_overlayer_lowered;
	s6 =	simm.s32 $_tile_overlayer_lowered  }
0x9b: {  	s22 =	simm.s32 $0x1BFF;
	s21 =	sshll.u32 s6, $0x1;
	s3 =	sadd.s32 s4, s19  }
0x9c: {  	s7 =	simm.s32 $0x0;
	s20 =	sshll.u32 s5, $0x1;
	s5 =	sadd.s32 s21, s3  }
0x9d: {  	[timem:s7], [sflag:s22] =	dma.local [hbm:s5], s20  }
0x9e: {  	_ =	swait.ge [sflag:s22], s20  }
0x9f: {  	s4 =	ssub.s32 $0x0, s20;
	[sflag:s22] =	ssyncset.done $0x0  }
0xa0: {  	[sflag:s22] =	ssyncadd.s32 s4;
	_ =	sdelay $0x1  }
0xa1: {  	s23 =	simm.s32 $0x1B8B  }
0xa2: {  	_ =	swait.ge [sflag:s23], $0x1  }
0xa3: {  	[sflag:s23] =	ssyncset.done $0x0  }
0xa4: {  	s25 =	simm.s32 $0x1B8E;
	s24 =	sld [smem:$0x3FFE];
	[sflag:s23] =	ssyncadd.s32 $0xFFFFFFFF  }
0xa5: {  	s26 =	simm.s32 $execute0_lowered;
	[smem:$0x3FD2] =	sst s25  }
0xa6: {  	s5 =	sshll.u32 s26, $0x1;
	_ =	strace $0x80000049;
	[dreg:$0x1] =	wrdreg $0xFFFFFFFF  }
0xa7: {  	s28 =	simm.s32 $_size_execute0_lowered;
	s3 =	sadd.s32 s3, s5;
	[dreg:$0x0] =	wrdreg $0x0  }
0xa8: {  	s5 =	sshll.u32 s28, $0x1;
	[dreg:$0x2] =	wrdreg s3  }
0xa9: {  	[dreg:$0x3] =	wrdreg s5  }
0xaa: {  	[dreg:$0x4] =	wrdreg $0xC0  }
0xab: {  	_ =	task [dreg:s7], $0x5FFFF  }
0xac: {  	[dreg:$0x1] =	wrdreg $0xFFFFFFFF  }
0xad: {  	[dreg:$0x0] =	wrdreg $0x60  }
0xae: {  	[dreg:$0x2] =	wrdreg s24  }
0xaf: {  	[dreg:$0x3] =	wrdreg s2  }
0xb0: {  	[dreg:$0x4] =	wrdreg $0xF8D00  }
0xb1: {  	[dreg:$0x5] =	wrdreg $0x9  }
0xb2: {  	_ =	task.clear_ibuf [dreg:s7], $0x6FFFF;
	_ =	strace $0x90000049  }
0xb3: {  	s29 =	simm.s32 $0x9;
	_ =	strace $0x8000004B  }
0xb4: {  	_ =	swait.ge [sflag:s29], $0x1  }
0xb5: {  	[sflag:s29] =	ssyncadd.s32 $0xFFFFFFFF  }
0xb6: {  	_ =	strace $0x9000004B  }
0xb7: {  	_ =	sfence  }
0xb8: {  	s30 =	sld [smem:$0x0];
	_ =	sdelay $0x2  }
0xb9: {  	s31 =	sshll.u32 s1, $0xD;
	s1 =	sshrl.u32 s1, $0x2  }
0xba: {  	s3 =	sand.u32 $0x4000, s31;
	s1 =	sadd.s32 s1, s30  }
0xbb: {  	s0 =	sor.u32 s3, s0;
	s1 =	sshll.u32 s1, $0x11  }
0xbc: {  	s0 =	sor.u32 s1, s0  }
0xbd: {  	s0 =	sadd.s32 $0x8F2B, s0  }
0xbe: {  	[sflag:s0] =	ssyncadd.remote.s32 $0x1  }
0xbf: {  	_ =	sfence.sel $0xFFFF  }
0xc0: {  	[dreg:$0x0] =	wrdreg $0xFFFFFFFF;
	(pc) =	sbr.abs _section_cstart, $3  }
0xc1: {  	[dreg:$0x1] =	wrdreg $0xFFFFFFFF  }
0xc2: {  	_ =	task.clear_ibuf [dreg:s7], $0x2FFFF;
	_ =	strace $0x9FFFFFFF  }
0xc3: {  	(tm) =	ssettm $0x7FFFFFFF  }
tec
execute0_lowered:
.L_overlay_start_1:
0x0: {  	(tag) =	ssettag $0x1  }
0x1: {  	s0 =	rddreg [dreg:$0x0]  }
0x2: {  	s2 =	rddreg [dreg:$0x1];
	s1 =	srdreg.scid  }
0x3: {  	s8 =	stileid.u32;
	s3 =	rddreg [dreg:$0x2]  }
0x4: {  	s5 =	simm.s32 $0x0;
	s28 =	simm.s32 $0x52D0;
	s29 =	simm.s32 $0x51E0  }
0x5: {  	s30 =	simm.s32 $0x8ED0;
	s31 =	simm.s32 $0x5050;
	s4 =	sand.u32 $0x1, s1  }
0x6: {  	s12 =	sshll.u32 s8, $0x1;
	[smem:$0x7FF] =	sst s5;
	s13 =	smul.u32 $0x28000, s8  }
0x7: {  	s6 =	sadd.s32 $0x15200, s0;
	s16 =	smul.u32 $0x280, s8;
	s1 =	sor.u32 s4, s12  }
0x8: {  	_ =	strace $0x8000004A;
	[dreg:$0x4] =	wrdreg s4;
	s4 =	ssub.s32 $0x2, s4  }
0x9: {  	s1 =	smul.u32 $0x4E2, s1;
	s7 =	sshrl.u32 s4, $0x1;
	s15 =	sshrl.u32 s13, $0x2  }
0xa: {  	[dreg:$0x6] =	wrdreg s16;
	s14 =	ssub.s32 s4, s7;
	s4 =	sadd.s32 s15, s3  }
0xb: {  	s1 =	sadd.s32 s1, s0;
	s0 =	sadd.s32 $0xB5200, s0;
	[dreg:$0x8] =	wrdreg s4  }
0xc: {  	s9 =	simm.s32 $0x1;
	s18 =	sadd.s32 $0x1000, s4;
	[dreg:$0x5] =	wrdreg s0  }
0xd: {  	v0 =	vimm.s32 $0xFEDCBA98;
	s11 =	simm.s32 $0x50F0;
	s19 =	sadd.s32 $0x2000, s4;
	[dreg:$0xa] =	wrdreg s18  }
0xe: {  	v1 =	vimm.s32 $0x76543210;
	v3 =	vimm.s32 $0x32107654;
	s5 =	simm.s32 $0x98D0;
	s20 =	sadd.s32 $0x3000, s4;
	[dreg:$0xb] =	wrdreg s19  }
0xf: {  	v4 =	vimm.s32 $0xDCFE98BA;
	v5 =	vimm.s32 $0x54761032;
	s12 =	simm.s32 $0x2;
	s21 =	sadd.s32 $0x4000, s4;
	[dreg:$0xc] =	wrdreg s20  }
0x10: {  	v6 =	vimm.s32 $0xEFCDAB89;
	v7 =	vimm.s32 $0x67452301;
	v0 =	vunpack.c.l.s4.s8 v0;
	s13 =	simm.s32 $0x5140;
	s22 =	sadd.s32 $0x5000, s4;
	[dreg:$0xd] =	wrdreg s21  }
0x11: {  	v4 =	vunpack.c.l.s4.s8 v4;
	v5 =	vunpack.c.l.s4.s8 v5;
	v6 =	vunpack.c.l.s4.s8 v6;
	s16 =	simm.s32 $0x3;
	s23 =	sadd.s32 $0x6000, s4;
	[dreg:$0xe] =	wrdreg s22  }
0x12: {  	v7 =	vunpack.c.l.s4.s8 v7;
	v2 =	vunpack.c.0.s8.s32 v0;
	v0 =	vimm.s32 $0xBA98FEDC;
	s15 =	simm.s32 $0x4;
	s24 =	sadd.s32 $0x7000, s4;
	[dreg:$0xf] =	wrdreg s23  }
0x13: {  	v3 =	vunpack.c.l.s4.s8 v3;
	v4 =	vunpack.c.0.s8.s32 v4;
	v0 =	vunpack.c.l.s4.s8 v0;
	s25 =	sadd.s32 $0x8000, s4;
	s26 =	sadd.s32 $0x9000, s4;
	[dreg:$0x10] =	wrdreg s24  }
0x14: {  	v5 =	vunpack.c.0.s8.s32 v5;
	v6 =	vunpack.c.0.s8.s32 v6;
	v7 =	vunpack.c.0.s8.s32 v7;
	s4 =	simm.s32 $0x0;
	s17 =	sadd.s32 $0xB400, s1;
	[dreg:$0x11] =	wrdreg s25  }
0x15: {  	v1 =	vunpack.c.l.s4.s8 v1;
	v3 =	vunpack.c.0.s8.s32 v3;
	s1 =	sadd.s32 $0x1600, s1;
	[dreg:$0x12] =	wrdreg s26;
	s0 =	smax.u32 s14, $0x1;
	v0 =	vunpack.c.0.s8.s32 v0  }
0x16: {  	v9 =	vand.u32 $0xF, v2;
	v5 =	vcombine.low v5, v4;
	v6 =	vcombine.low v7, v6;
	s24 =	simm.s32 $0x7;
	s25 =	simm.s32 $0x50;
	s26 =	simm.s32 $0x5000  }
0x17: {  	v2 =	vimm.f32 $0.0e+00;
	s21 =	simm.s32 $0x5230;
	s23 =	simm.s32 $0xACD0;
	[dreg:$0x7] =	wrdreg s17;
	v8 =	vcombine.low v3, v0;
	v3 =	vunpack.c.0.s8.s32 v1  }
0x18: {  	s14 =	simm.s32 $0xC0D0;
	s18 =	simm.s32 $0xD4D0;
	[dreg:$0x9] =	wrdreg s1;
	v5 =	vand.u32 $0xF, v5;
	v6 =	vand.u32 $0xF, v6;
	v0 =	vimm.s32 $0x0  }
0x19: {  	s19 =	simm.s32 $0x5;
	[dreg:$0x13] =	wrdreg s0;
	s1 =	simm.s32 $0x66D0;
	v1 =	vimm.s32 $0x2710;
	v3 =	vcombine.low v9, v3;
	v4 =	vand.u32 $0xF, v8  }
.LBB2_1:
0x1a: {  	[dreg:$0x14] =	wrdreg s4  }
0x1b: {  	s0 =	simm.s32 $0x0;
	s20 =	rddreg [dreg:$0x7]  }
0x1c: {  	[tilespmem:s0], [sflag:$0x7] =	stream.linear.gather [hbm4b:s20+s0], $0x2710, $0x38;
	[tilespmem:$0x198D0] =	vst v63  }
0x1d: {  	_ =	swait.ge [sflag:s24], $0x2710  }
0x1e: {  	[sflag:s24] =	ssyncset.done $0x0  }
0x1f: {  	s7 =	simm.s32 $0x2800;
	s22 =	rddreg [dreg:$0x9];
	[sflag:s24] =	ssyncadd.s32 $0xFFFFD8F0  }
0x20: {  	[tilespmem:s7], [sflag:$0x7] =	stream.linear.gather [hbm4b:s22+s0], $0x2710, $0x38;
	[tilespmem:$0x198D0] =	vst v63  }
0x21: {  	_ =	swait.ge [sflag:s24], $0x2710  }
0x22: {  	[sflag:s24] =	ssyncset.done $0x0  }
0x23: {  	[sflag:s24] =	ssyncadd.s32 $0xFFFFD8F0  }
0x24: {  	[tilespmem:$0x2710] =	vst v0  }
0x25: {  	[tilespmem:$0x4F10] =	vst v1  }
0x26: {  	[tilespmem:$0x2720] =	vst v0  }
0x27: {  	[tilespmem:$0x4F20] =	vst v1  }
0x28: {  	[tilespmem:$0x2730] =	vst v0  }
0x29: {  	[tilespmem:$0x4F30] =	vst v1  }
0x2a: {  	[tilespmem:$0x2740] =	vst v0  }
0x2b: {  	[tilespmem:$0x4F40] =	vst v1  }
0x2c: {  	[tilespmem:$0x2750] =	vst v0  }
0x2d: {  	[tilespmem:$0x4F50] =	vst v1  }
0x2e: {  	[tilespmem:$0x2760] =	vst v0  }
0x2f: {  	[tilespmem:$0x4F60] =	vst v1  }
0x30: {  	[tilespmem:$0x2770] =	vst v0  }
0x31: {  	[tilespmem:$0x4F70] =	vst v1  }
0x32: {  	[tilespmem:$0x2780] =	vst v0  }
0x33: {  	[tilespmem:$0x4F80] =	vst v1  }
0x34: {  	[tilespmem:$0x2790] =	vst v0  }
0x35: {  	[tilespmem:$0x4F90] =	vst v1  }
0x36: {  	[tilespmem:$0x27A0] =	vst v0  }
0x37: {  	[tilespmem:$0x4FA0] =	vst v1  }
0x38: {  	[tilespmem:$0x27B0] =	vst v0  }
0x39: {  	[tilespmem:$0x4FB0] =	vst v1  }
0x3a: {  	[tilespmem:$0x27C0] =	vst v0  }
0x3b: {  	[tilespmem:$0x4FC0] =	vst v1  }
0x3c: {  	[tilespmem:$0x27D0] =	vst v0  }
0x3d: {  	[tilespmem:$0x4FD0] =	vst v1  }
0x3e: {  	[tilespmem:$0x27E0] =	vst v0  }
0x3f: {  	[tilespmem:$0x4FE0] =	vst v1  }
0x40: {  	[tilespmem:$0x27F0] =	vst v0  }
0x41: {  	s4 =	simm.s32 $0x100;
	s0 =	simm.s32 $0x0;
	[tilespmem:$0x4FF0] =	vst v1  }
.LBB2_2:
0x42: {  	p0 =	sne.s32 s4, $0x3F00;
	[tilespmem:s0+$0xE900] =	vst v2;
	s7 =	smov.u32 s4;
	s4 =	sadd.s32 $0x100, s4  }
.Ltmp0:
0x43: {  	[tilespmem:s0+$0xE8F0] =	vst v2;
	(pc) =	sbr.rel @p0 .LBB2_2-.Ltmp0, $3  }
0x44: {  	[tilespmem:s0+$0xE8D0] =	vst v2  }
0x45: {  	[tilespmem:s0+$0xE8E0] =	vst v2;
	_ =	sdelay $0x1  }
0x46: {  	s0 =	sshra.s32 s7, $0x2  }
0x47: {  	[tilespmem:s0+$0xE900] =	vst v2  }
0x48: {  	[tilespmem:s0+$0xE8F0] =	vst v2  }
0x49: {  	[tilespmem:s0+$0xE8D0] =	vst v2  }
0x4a: {  	[tilespmem:s0+$0xE8E0] =	vst v2;
	s10 =	rddreg [dreg:$0x8];
	s4 =	simm.s32 $0xE8D0  }
0x4b: {  	[spmem:s10] =	stream.linear.scatter [tilespmem:s4], [sflag:$0x7], $0x1000, $0x38;
	[tilespmem:$0x198D0] =	vst v63  }
0x4c: {  	_ =	swait.ge [sflag:s24], $0x1000  }
0x4d: {  	[sflag:s24] =	ssyncset.done $0x0  }
0x4e: {  	s17 =	rddreg [dreg:$0xa];
	[sflag:s24] =	ssyncadd.s32 $0xFFFFF000  }
0x4f: {  	[spmem:s17] =	stream.linear.scatter [tilespmem:s4], [sflag:$0x7], $0x1000, $0x38;
	[tilespmem:$0x198D0] =	vst v63  }
0x50: {  	_ =	swait.ge [sflag:s24], $0x1000  }
0x51: {  	[sflag:s24] =	ssyncset.done $0x0  }
0x52: {  	s20 =	rddreg [dreg:$0xb];
	[sflag:s24] =	ssyncadd.s32 $0xFFFFF000  }
0x53: {  	[spmem:s20] =	stream.linear.scatter [tilespmem:s4], [sflag:$0x7], $0x1000, $0x38;
	[tilespmem:$0x198D0] =	vst v63  }
0x54: {  	_ =	swait.ge [sflag:s24], $0x1000  }
0x55: {  	[sflag:s24] =	ssyncset.done $0x0  }
0x56: {  	s22 =	rddreg [dreg:$0xc];
	[sflag:s24] =	ssyncadd.s32 $0xFFFFF000  }
0x57: {  	[spmem:s22] =	stream.linear.scatter [tilespmem:s4], [sflag:$0x7], $0x1000, $0x38;
	[tilespmem:$0x198D0] =	vst v63  }
0x58: {  	_ =	swait.ge [sflag:s24], $0x1000  }
0x59: {  	[sflag:s24] =	ssyncset.done $0x0  }
0x5a: {  	s7 =	rddreg [dreg:$0xd];
	[sflag:s24] =	ssyncadd.s32 $0xFFFFF000  }
0x5b: {  	[spmem:s7] =	stream.linear.scatter [tilespmem:s4], [sflag:$0x7], $0x1000, $0x38;
	[tilespmem:$0x198D0] =	vst v63  }
0x5c: {  	_ =	swait.ge [sflag:s24], $0x1000  }
0x5d: {  	[sflag:s24] =	ssyncset.done $0x0  }
0x5e: {  	s8 =	rddreg [dreg:$0xe];
	[sflag:s24] =	ssyncadd.s32 $0xFFFFF000  }
0x5f: {  	[spmem:s8] =	stream.linear.scatter [tilespmem:s4], [sflag:$0x7], $0x1000, $0x38;
	[tilespmem:$0x198D0] =	vst v63  }
0x60: {  	_ =	swait.ge [sflag:s24], $0x1000  }
0x61: {  	[sflag:s24] =	ssyncset.done $0x0  }
0x62: {  	s10 =	rddreg [dreg:$0xf];
	[sflag:s24] =	ssyncadd.s32 $0xFFFFF000  }
0x63: {  	[spmem:s10] =	stream.linear.scatter [tilespmem:s4], [sflag:$0x7], $0x1000, $0x38;
	[tilespmem:$0x198D0] =	vst v63  }
0x64: {  	_ =	swait.ge [sflag:s24], $0x1000  }
0x65: {  	[sflag:s24] =	ssyncset.done $0x0  }
0x66: {  	s17 =	rddreg [dreg:$0x10];
	[sflag:s24] =	ssyncadd.s32 $0xFFFFF000  }
0x67: {  	[spmem:s17] =	stream.linear.scatter [tilespmem:s4], [sflag:$0x7], $0x1000, $0x38;
	[tilespmem:$0x198D0] =	vst v63  }
0x68: {  	_ =	swait.ge [sflag:s24], $0x1000  }
0x69: {  	[sflag:s24] =	ssyncset.done $0x0  }
0x6a: {  	s20 =	rddreg [dreg:$0x11];
	[sflag:s24] =	ssyncadd.s32 $0xFFFFF000  }
0x6b: {  	[spmem:s20] =	stream.linear.scatter [tilespmem:s4], [sflag:$0x7], $0x1000, $0x38;
	[tilespmem:$0x198D0] =	vst v63  }
0x6c: {  	_ =	swait.ge [sflag:s24], $0x1000  }
0x6d: {  	[sflag:s24] =	ssyncset.done $0x0  }
0x6e: {  	s22 =	rddreg [dreg:$0x12];
	[sflag:s24] =	ssyncadd.s32 $0xFFFFF000  }
0x6f: {  	[spmem:s22] =	stream.linear.scatter [tilespmem:s4], [sflag:$0x7], $0x1000, $0x38;
	[tilespmem:$0x198D0] =	vst v63  }
0x70: {  	_ =	swait.ge [sflag:s24], $0x1000  }
0x71: {  	[sflag:s24] =	ssyncset.done $0x0  }
0x72: {  	s10 =	simm.s32 $0x0;
	[sflag:s24] =	ssyncadd.s32 $0xFFFFF000  }
.LBB2_4:
0x73: {  	[bflag:$0x0] =	sbarrier.arrive $0xFFFF  }
0x74: {  	v7 =	vld [tilespmem:$0x0]  }
0x75: {  	v8 =	vld [tilespmem:$0x2800]  }
0x76: {  	v10 =	vld [tilespmem:$0x2810];
	_ =	sdelay $0x1  }
0x77: {  	v9 =	vld [tilespmem:$0x10]  }
0x78: {  	s0 =	smul.u32 $0x2800, s10;
	v55 =	vld [tilespmem:$0x2840]  }
0x79: {  	[tilespmem:$0x50F0] =	vst v8  }
0x7a: {  	v11 =	vld [tilespmem:$0x20];
	v7 =	vadd.s32 s0, v7;
	[tilespmem:$0x5100] =	vst v10  }
0x7b: {  	[tilespmem:$0x5000] =	vst v7;
	v7 =	vadd.s32 s0, v8  }
0x7c: {  	[tilespmem:$0x51E0] =	vst v7;
	v7 =	vld [tilespmem:$0x2820]  }
0x7d: {  	v51 =	vld [tilespmem:$0x30];
	[tilespmem:$0x5130] =	vst v55;
	v8 =	vadd.s32 s0, v9  }
0x7e: {  	[tilespmem:$0x5010] =	vst v8;
	v8 =	vadd.s32 s0, v10  }
0x7f: {  	v52 =	vadd.s32 s0, v11;
	[tilespmem:$0x51F0] =	vst v8;
	v8 =	vld [tilespmem:$0x2830]  }
0x80: {  	v54 =	vld [tilespmem:$0x40];
	[tilespmem:$0x5020] =	vst v52  }
0x81: {  	v53 =	vadd.s32 s0, v7;
	[tilespmem:$0x5110] =	vst v7  }
0x82: {  	v7 =	vadd.s32 s0, v51;
	[tilespmem:$0x5200] =	vst v53  }
0x83: {  	[tilespmem:$0x5030] =	vst v7  }
0x84: {  	v7 =	vadd.s32 s0, v8;
	[tilespmem:$0x5120] =	vst v8  }
0x85: {  	[tilespmem:$0x5210] =	vst v7;
	v7 =	vadd.s32 s0, v54  }
0x86: {  	[tilespmem:$0x5040] =	vst v7;
	v7 =	vadd.s32 s0, v55  }
0x87: {  	[tilespmem:$0x5220] =	vst v7  }
0x88: {  	[tilespmem:s28], [sflag:$0x1] =	stream.indirect.gather [hbm4b:s6+s25], $0x40, s26, s25, $0xb8;
	[tilespmem:$0x198D0] =	vst v63  }
0x89: {  	_ = 	snop  }
0x8a: {  	[tilespmem:s30], [sflag:$0x1] =	stream.indirect.gather [hbm4b:s2+s25], $0x20, s29, s25, $0xb8;
	[tilespmem:$0x198D0] =	vst v63  }
0x8b: {  	v7 =	vld [tilespmem:$0x50]  }
0x8c: {  	v8 =	vld [tilespmem:$0x2850]  }
0x8d: {  	v57 =	vld [tilespmem:$0x2860];
	_ =	sdelay $0x1  }
0x8e: {  	v56 =	vld [tilespmem:$0x60]  }
0x8f: {  	v63 =	vld [tilespmem:$0x2890]  }
0x90: {  	[tilespmem:$0x5140] =	vst v8  }
0x91: {  	v58 =	vld [tilespmem:$0x70];
	v7 =	vadd.s32 s0, v7;
	[tilespmem:$0x5150] =	vst v57  }
0x92: {  	[tilespmem:$0x5050] =	vst v7;
	v7 =	vadd.s32 s0, v8  }
0x93: {  	[tilespmem:$0x5230] =	vst v7;
	v7 =	vld [tilespmem:$0x2870]  }
0x94: {  	v59 =	vld [tilespmem:$0x80];
	[tilespmem:$0x5180] =	vst v63;
	v8 =	vadd.s32 s0, v56  }
0x95: {  	[tilespmem:$0x5060] =	vst v8;
	v8 =	vadd.s32 s0, v57  }
0x96: {  	v60 =	vadd.s32 s0, v58;
	[tilespmem:$0x5240] =	vst v8;
	v8 =	vld [tilespmem:$0x2880]  }
0x97: {  	v62 =	vld [tilespmem:$0x90];
	[tilespmem:$0x5070] =	vst v60  }
0x98: {  	v61 =	vadd.s32 s0, v7;
	[tilespmem:$0x5160] =	vst v7  }
0x99: {  	v7 =	vadd.s32 s0, v59;
	[tilespmem:$0x5250] =	vst v61  }
0x9a: {  	[tilespmem:$0x5080] =	vst v7  }
0x9b: {  	v7 =	vadd.s32 s0, v8;
	[tilespmem:$0x5170] =	vst v8  }
0x9c: {  	[tilespmem:$0x5260] =	vst v7;
	v7 =	vadd.s32 s0, v62  }
0x9d: {  	[tilespmem:$0x5090] =	vst v7;
	v7 =	vadd.s32 s0, v63  }
0x9e: {  	[tilespmem:$0x5270] =	vst v7  }
0x9f: {  	[tilespmem:s1], [sflag:$0x2] =	stream.indirect.gather [hbm4b:s6+s25], $0x40, s31, s25, $0xb8;
	[tilespmem:$0x198D0] =	vst v63  }
0xa0: {  	[dreg:$0x15] =	wrdreg s10;
	s10 =	simm.s32 $0x0  }
0xa1: {  	v7 =	vmov s0;
	[tilespmem:s5], [sflag:$0x2] =	stream.indirect.gather [hbm4b:s2+s25], $0x20, s21, s25, $0xb8;
	[tilespmem:$0x198D0] =	vst v63  }
.LBB2_5:
0xa2: {  	_ =	swait.ge [sflag:s9], $0x1400  }
0xa3: {  	[sflag:s9] =	ssyncset.done $0x0  }
0xa4: {  	[sflag:s9] =	ssyncadd.s32 $0xFFFFEC00  }
0xa5: {  	_ =	swait.ge [sflag:s9], $0xA00  }
0xa6: {  	[sflag:s9] =	ssyncset.done $0x0  }
0xa7: {  	s4 =	simm.s32 $0x5310;
	[sflag:s9] =	ssyncadd.s32 $0xFFFFF600  }
0xa8: {  	v8 =	vld [tilespmem:s4+$0x0]  }
0xa9: {  	s0 =	simm.s32 $0x8EF0;
	v9 =	vld [tilespmem:s4+$0x10]  }
0xaa: {  	v10 =	vld [tilespmem:s0+$0x0]  }
0xab: {  	v11 =	vld [tilespmem:s0+$0x10];
	_ =	sdelay $0x2  }
0xac: {  	v12 =	vunpack.i.u.bf16.f32 v8  }
0xad: {  	v8 =	vunpack.i.l.bf16.f32 v8;
	v13 =	vunpack.i.u.bf16.f32 v9;
	v9 =	vunpack.i.l.bf16.f32 v9  }
0xae: {  	v14 =	vunpack.i.u.bf16.f32 v10;
	v10 =	vunpack.i.l.bf16.f32 v10;
	v15 =	vunpack.i.u.bf16.f32 v11  }
0xaf: {  	v11 =	vunpack.i.l.bf16.f32 v11;
	v8 =	vmul.f32 v10, v8;
	v10 =	vmul.f32 v14, v12;
	v12 =	vld [tilespmem:s4+$0xFFFFFFD0]  }
0xb0: {  	v9 =	vmul.f32 v11, v9;
	v11 =	vmul.f32 v15, v13;
	v13 =	vld [tilespmem:s0+$0xFFFFFFE0]  }
0xb1: {  	v14 =	vld [tilespmem:s4+$0xFFFFFFC0];
	_ =	sdelay $0x1  }
0xb2: {  	v8 =	vadd.f32 v8, v10;
	v9 =	vadd.f32 v9, v11;
	v10 =	vld [tilespmem:s0+$0xFFFFFFF0];
	_ =	sdelay $0x1  }
0xb3: {  	v8 =	vadd.f32 v9, v8;
	v9 =	vunpack.i.u.bf16.f32 v12;
	v11 =	vunpack.i.l.bf16.f32 v12  }
0xb4: {  	s7 =	simm.s32 $0x8F30;
	v12 =	vunpack.i.u.bf16.f32 v13;
	v16 =	vunpack.i.u.bf16.f32 v14;
	v14 =	vunpack.i.l.bf16.f32 v14  }
0xb5: {  	s17 =	simm.s32 $0x5390;
	v13 =	vunpack.i.l.bf16.f32 v13;
	v15 =	vperm.xlane v8, v3;
	v12 =	vmul.f32 v12, v16;
	v16 =	vld [tilespmem:s7+$0x0]  }
0xb6: {  	v13 =	vmul.f32 v13, v14;
	v14 =	vld [tilespmem:s17+$0x0];
	v17 =	vunpack.i.l.bf16.f32 v10;
	v10 =	vunpack.i.u.bf16.f32 v10  }
0xb7: {  	v8 =	vadd.f32 v8, v15;
	v11 =	vmul.f32 v17, v11;
	v15 =	vld [tilespmem:s17+$0x10];
	v9 =	vmul.f32 v10, v9  }
0xb8: {  	v12 =	vadd.f32 v13, v12;
	v13 =	vld [tilespmem:s7+$0x10]  }
0xb9: {  	v10 =	vperm.xlane v8, v4;
	v9 =	vadd.f32 v11, v9  }
0xba: {  	v20 =	vunpack.i.u.bf16.f32 v16  }
0xbb: {  	v16 =	vunpack.i.l.bf16.f32 v16;
	v8 =	vadd.f32 v8, v10;
	v10 =	vld [tilespmem:s4+$0xFFFFFFE0];
	v9 =	vadd.f32 v9, v12  }
0xbc: {  	v12 =	vunpack.i.u.bf16.f32 v14;
	v14 =	vunpack.i.l.bf16.f32 v14;
	v18 =	vunpack.i.u.bf16.f32 v15  }
0xbd: {  	v17 =	vld [tilespmem:s4+$0xFFFFFFF0];
	v15 =	vunpack.i.l.bf16.f32 v15;
	v21 =	vunpack.i.u.bf16.f32 v13;
	v11 =	vperm.xlane v8, v5  }
0xbe: {  	v19 =	vld [tilespmem:s17+$0xFFFFFFD0];
	v13 =	vunpack.i.l.bf16.f32 v13;
	v14 =	vmul.f32 v16, v14;
	v12 =	vmul.f32 v20, v12  }
0xbf: {  	v22 =	vld [tilespmem:s7+$0xFFFFFFE0];
	v15 =	vmul.f32 v13, v15;
	v11 =	vadd.f32 v8, v11  }
0xc0: {  	v16 =	vld [tilespmem:s17+$0xFFFFFFC0];
	v18 =	vmul.f32 v21, v18;
	v12 =	vadd.f32 v14, v12;
	v8 =	vunpack.i.u.bf16.f32 v10  }
0xc1: {  	v20 =	vld [tilespmem:s7+$0xFFFFFFF0];
	v13 =	vunpack.i.l.bf16.f32 v10;
	v10 =	vperm.xlane v9, v3;
	v21 =	vperm.xlane v11, v6  }
0xc2: {  	v14 =	vunpack.i.u.bf16.f32 v17;
	v18 =	vadd.f32 v15, v18;
	v15 =	vunpack.i.l.bf16.f32 v17  }
0xc3: {  	v9 =	vadd.f32 v9, v10;
	v10 =	vunpack.i.u.bf16.f32 v19;
	v21 =	vadd.f32 v11, v21  }
0xc4: {  	v23 =	vld [tilespmem:s17+$0xFFFFFFE0];
	v11 =	vadd.f32 v18, v12;
	v12 =	vunpack.i.l.bf16.f32 v19;
	v18 =	vunpack.i.u.bf16.f32 v22  }
0xc5: {  	v17 =	vld [tilespmem:s4+$0x30];
	v19 =	vunpack.i.u.bf16.f32 v16;
	v16 =	vunpack.i.l.bf16.f32 v16;
	v22 =	vunpack.i.l.bf16.f32 v22  }
0xc6: {  	v25 =	vld [tilespmem:s17+$0xFFFFFFF0];
	v26 =	vunpack.i.u.bf16.f32 v20;
	v16 =	vmul.f32 v22, v16  }
0xc7: {  	v20 =	vunpack.i.l.bf16.f32 v20;
	v18 =	vmul.f32 v18, v19;
	v24 =	vperm.xlane v11, v3  }
0xc8: {  	v12 =	vmul.f32 v20, v12;
	v20 =	vld [tilespmem:s4+$0x20];
	v22 =	vmul.f32 v26, v10  }
0xc9: {  	s22 =	simm.s32 $0x5410;
	v10 =	vunpack.i.u.bf16.f32 v23;
	v16 =	vadd.f32 v16, v18;
	v19 =	vadd.f32 v11, v24  }
0xca: {  	v28 =	vld [tilespmem:s22+$0x10];
	v22 =	vadd.f32 v12, v22;
	v11 =	vunpack.i.u.bf16.f32 v17;
	v24 =	vperm.xlane v9, v4  }
0xcb: {  	s20 =	simm.s32 $0x8F70;
	v12 =	vunpack.i.l.bf16.f32 v25;
	v26 =	vmul.f32 v11, v21;
	v18 =	vperm.xlane v19, v4  }
0xcc: {  	v11 =	vunpack.i.l.bf16.f32 v23;
	v24 =	vadd.f32 v9, v24;
	v9 =	vunpack.i.u.bf16.f32 v25;
	v25 =	vld [tilespmem:s20+$0x10]  }
0xcd: {  	v27 =	vld [tilespmem:s22+$0x0];
	v23 =	vunpack.i.u.bf16.f32 v20;
	v20 =	vunpack.i.l.bf16.f32 v20;
	v18 =	vadd.f32 v19, v18  }
0xce: {  	v22 =	vadd.f32 v22, v16;
	v60 =	vmul.f32 v21, v20;
	v20 =	vld [tilespmem:s20+$0xFFFFFFF0];
	v16 =	vperm.xlane v24, v5  }
0xcf: {  	v32 =	vunpack.i.u.bf16.f32 v28;
	v28 =	vunpack.i.l.bf16.f32 v28;
	v19 =	vld [tilespmem:s20+$0x0];
	v29 =	vperm.xlane v18, v5  }
0xd0: {  	v30 =	vunpack.i.l.bf16.f32 v17;
	v17 =	vperm.xlane v22, v3;
	v24 =	vadd.f32 v24, v16  }
0xd1: {  	v58 =	vld [tilespmem:s20+$0xFFFFFFE0];
	v35 =	vunpack.i.u.bf16.f32 v25;
	v25 =	vunpack.i.l.bf16.f32 v25;
	v18 =	vadd.f32 v18, v29  }
0xd2: {  	v31 =	vld [tilespmem:s22+$0xFFFFFFD0];
	v29 =	vunpack.i.u.bf16.f32 v27;
	v27 =	vunpack.i.l.bf16.f32 v27;
	v25 =	vmul.f32 v25, v28  }
0xd3: {  	v16 =	vld [tilespmem:s17+$0x30];
	v28 =	vmul.f32 v35, v32;
	v59 =	vperm.xlane v24, v6;
	v36 =	vunpack.i.u.bf16.f32 v20  }
0xd4: {  	v33 =	vunpack.i.l.bf16.f32 v19;
	v19 =	vunpack.i.u.bf16.f32 v19;
	v34 =	vperm.xlane v18, v6  }
0xd5: {  	v27 =	vmul.f32 v33, v27;
	v19 =	vmul.f32 v19, v29;
	v29 =	vadd.f32 v22, v17;
	v22 =	vld [tilespmem:s22+$0xFFFFFFC0]  }
0xd6: {  	v20 =	vunpack.i.l.bf16.f32 v20;
	v33 =	vunpack.i.l.bf16.f32 v58;
	v17 =	vadd.f32 v18, v34  }
0xd7: {  	v18 =	vmul.f32 v21, v23;
	v19 =	vadd.f32 v27, v19;
	v23 =	vadd.f32 v25, v28  }
0xd8: {  	v25 =	vmul.f32 v30, v21;
	v21 =	vld [tilespmem:s22+$0xFFFFFFE0];
	v27 =	vunpack.i.u.bf16.f32 v16;
	v28 =	vunpack.i.u.bf16.f32 v31  }
0xd9: {  	v62 =	vld [tilespmem:s17+$0x20];
	v63 =	vperm.xlane v29, v4;
	v30 =	vmul.f32 v27, v17;
	v27 =	vunpack.i.u.bf16.f32 v58  }
0xda: {  	v19 =	vadd.f32 v23, v19;
	v23 =	vld [tilespmem:s22+$0xFFFFFFF0];
	v61 =	vunpack.i.u.bf16.f32 v22;
	v22 =	vunpack.i.l.bf16.f32 v22  }
0xdb: {  	s4 =	simm.s32 $0xAD10;
	v31 =	vunpack.i.l.bf16.f32 v31;
	v33 =	vmul.f32 v33, v22;
	v27 =	vmul.f32 v27, v61  }
0xdc: {  	[tilespmem:s4+$0x30] =	vst v26;
	v22 =	vadd.f32 v24, v59;
	v24 =	vmul.f32 v20, v31;
	v31 =	vperm.xlane v19, v3  }
0xdd: {  	v28 =	vmul.f32 v36, v28;
	[tilespmem:s4+$0x20] =	vst v25;
	v25 =	vadd.f32 v29, v63;
	v20 =	vunpack.i.u.bf16.f32 v21  }
0xde: {  	[tilespmem:s4+$0x0] =	vst v60;
	v21 =	vunpack.i.l.bf16.f32 v21;
	v26 =	vadd.f32 v33, v27;
	v27 =	vadd.f32 v19, v31  }
0xdf: {  	s0 =	simm.s32 $0xAD90;
	[tilespmem:s4+$0x10] =	vst v18;
	v28 =	vadd.f32 v24, v28;
	v24 =	vunpack.i.l.bf16.f32 v62;
	v18 =	vunpack.i.u.bf16.f32 v23  }
0xe0: {  	s8 =	simm.s32 $0x5490;
	s7 =	simm.s32 $0x4;
	[tilespmem:s0+$0x30] =	vst v30;
	v19 =	vunpack.i.l.bf16.f32 v23;
	v23 =	vunpack.i.u.bf16.f32 v62;
	v29 =	vperm.xlane v27, v4  }
.LBB2_6:
0xe1: {  	v30 =	vld [tilespmem:s8+$0x0];
	v26 =	vadd.f32 v28, v26;
	v28 =	vperm.xlane v25, v5;
	v31 =	vunpack.i.l.bf16.f32 v16  }
0xe2: {  	s20 =	sadd.s32 $0x40, s20;
	v34 =	vmul.f32 v22, v13;
	v32 =	vld [tilespmem:s8+$0x10];
	v16 =	vadd.f32 v27, v29;
	v27 =	vmul.f32 v22, v8;
	v8 =	vmovc v10  }
0xe3: {  	v15 =	vmul.f32 v15, v22;
	v10 =	vmovc v20;
	v29 =	vld [tilespmem:s20+$0x0];
	v33 =	vperm.xlane v26, v3;
	v25 =	vadd.f32 v25, v28  }
0xe4: {  	v13 =	vmovc v11;
	v11 =	vmov v21;
	v20 =	vld [tilespmem:s20+$0x10];
	v28 =	vperm.xlane v16, v5;
	[tilespmem:s4+$0xFFFFFFC0] =	vst v34;
	v34 =	vmul.f32 v14, v22  }
0xe5: {  	s7 =	sadd.s32 $0x2, s7;
	v24 =	vmul.f32 v17, v24;
	v21 =	vld [tilespmem:s8+$0xFFFFFFD0];
	v33 =	vadd.f32 v26, v33;
	v22 =	vperm.xlane v25, v6;
	[tilespmem:s4+$0xFFFFFFD0] =	vst v27  }
0xe6: {  	v23 =	vmul.f32 v17, v23;
	p0 =	slt.u32 s7, $0x4E;
	v27 =	vmul.f32 v31, v17;
	v26 =	vadd.f32 v16, v28;
	v16 =	vld [tilespmem:s22+$0x30];
	[tilespmem:s4+$0xFFFFFFE0] =	vst v15  }
0xe7: {  	v14 =	vmovc v9;
	v9 =	vmovc v18;
	v17 =	vunpack.i.u.bf16.f32 v30;
	v30 =	vunpack.i.l.bf16.f32 v30;
	v28 =	vld [tilespmem:s20+$0xFFFFFFE0];
	v31 =	vunpack.i.u.bf16.f32 v32;
	[tilespmem:s4+$0xFFFFFFF0] =	vst v34;
	s4 =	smov.u32 s0  }
0xe8: {  	v15 =	vmovc v12;
	v12 =	vmovc v19;
	v32 =	vunpack.i.l.bf16.f32 v32;
	v18 =	vld [tilespmem:s20+$0xFFFFFFF0];
	v34 =	vunpack.i.u.bf16.f32 v29;
	v35 =	vperm.xlane v26, v6;
	[tilespmem:s0+$0x0] =	vst v24  }
0xe9: {  	v24 =	vunpack.i.l.bf16.f32 v29;
	v19 =	vld [tilespmem:s8+$0xFFFFFFC0];
	v29 =	vunpack.i.u.bf16.f32 v20;
	v20 =	vunpack.i.l.bf16.f32 v20;
	[tilespmem:s0+$0x10] =	vst v23  }
0xea: {  	v24 =	vmul.f32 v24, v30;
	v30 =	vmul.f32 v34, v17;
	v23 =	vld [tilespmem:s8+$0xFFFFFFE0];
	v17 =	vadd.f32 v26, v35;
	[tilespmem:s0+$0x20] =	vst v27  }
0xeb: {  	v20 =	vmul.f32 v20, v32;
	v26 =	vmul.f32 v29, v31;
	v34 =	vld [tilespmem:s8+$0xFFFFFFF0];
	v27 =	vunpack.i.u.bf16.f32 v16  }
0xec: {  	v29 =	vunpack.i.u.bf16.f32 v21;
	v21 =	vunpack.i.l.bf16.f32 v21;
	v27 =	vmul.f32 v27, v17  }
0xed: {  	s0 =	sadd.s32 $0x80, s0;
	v24 =	vadd.f32 v24, v30;
	v31 =	vunpack.i.u.bf16.f32 v28;
	v20 =	vadd.f32 v20, v26  }
0xee: {  	v28 =	vunpack.i.l.bf16.f32 v28;
	v26 =	vunpack.i.u.bf16.f32 v19;
	v19 =	vunpack.i.l.bf16.f32 v19;
	v30 =	vld [tilespmem:s22+$0x20];
	[tilespmem:s0+$0x30] =	vst v27;
	s22 =	smov.u32 s8  }
0xef: {  	v27 =	vunpack.i.u.bf16.f32 v18;
	v18 =	vunpack.i.l.bf16.f32 v18;
	v24 =	vadd.f32 v20, v24  }
0xf0: {  	v22 =	vadd.f32 v25, v22;
	v19 =	vmul.f32 v28, v19;
	v26 =	vmul.f32 v31, v26  }
.Ltmp1:
0xf1: {  	v25 =	vmul.f32 v18, v21;
	v20 =	vunpack.i.u.bf16.f32 v23;
	v28 =	vperm.xlane v24, v3;
	(pc) =	sbr.rel @p0 .LBB2_6-.Ltmp1, $4  }
0xf2: {  	v26 =	vadd.f32 v19, v26;
	v19 =	vmul.f32 v27, v29;
	v29 =	vperm.xlane v33, v4  }
0xf3: {  	v21 =	vunpack.i.l.bf16.f32 v23;
	v18 =	vunpack.i.u.bf16.f32 v34;
	v27 =	vadd.f32 v24, v28  }
0xf4: {  	v28 =	vadd.f32 v25, v19;
	v19 =	vunpack.i.l.bf16.f32 v34;
	v25 =	vadd.f32 v33, v29  }
0xf5: {  	s8 =	sadd.s32 $0x80, s8;
	v23 =	vunpack.i.u.bf16.f32 v30;
	v24 =	vunpack.i.l.bf16.f32 v30;
	v29 =	vperm.xlane v27, v4  }
0xf6: {  	_ = 	snop  }
0xf7: {  	v26 =	vadd.f32 v28, v26;
	v27 =	vadd.f32 v27, v29  }
0xf8: {  	v30 =	vperm.xlane v25, v5  }
0xf9: {  	v28 =	vperm.xlane v26, v3;
	v29 =	vperm.xlane v27, v5  }
0xfa: {  	v13 =	vmul.f32 v22, v13;
	v8 =	vmul.f32 v22, v8;
	v25 =	vadd.f32 v25, v30  }
0xfb: {  	v15 =	vmul.f32 v15, v22;
	v26 =	vadd.f32 v26, v28;
	v28 =	vld [tilespmem:s22+$0x30];
	v27 =	vadd.f32 v27, v29  }
0xfc: {  	[tilespmem:s4+$0xFFFFFFC0] =	vst v13;
	v13 =	vmul.f32 v14, v22;
	v22 =	vperm.xlane v25, v6  }
0xfd: {  	[tilespmem:s4+$0xFFFFFFD0] =	vst v8;
	v14 =	vperm.xlane v26, v4;
	v8 =	vperm.xlane v27, v6  }
0xfe: {  	v16 =	vunpack.i.l.bf16.f32 v16;
	v24 =	vmul.f32 v17, v24;
	[tilespmem:s4+$0xFFFFFFE0] =	vst v15;
	v22 =	vadd.f32 v25, v22  }
0xff: {  	v15 =	vmul.f32 v17, v23;
	[tilespmem:s4+$0xFFFFFFF0] =	vst v13;
	v13 =	vadd.f32 v26, v14;
	v8 =	vadd.f32 v27, v8  }
0x100: {  	[tilespmem:s0+$0x0] =	vst v24;
	v14 =	vmul.f32 v16, v17;
	v17 =	vld [tilespmem:s22+$0x20];
	v11 =	vmul.f32 v22, v11;
	v16 =	vunpack.i.u.bf16.f32 v28  }
0x101: {  	[tilespmem:s0+$0x10] =	vst v15;
	v15 =	vmul.f32 v16, v8;
	v16 =	vperm.xlane v13, v5  }
0x102: {  	v10 =	vmul.f32 v22, v10;
	[tilespmem:s0+$0x20] =	vst v14  }
0x103: {  	v12 =	vmul.f32 v12, v22;
	[tilespmem:s0+$0xFFFFFFC0] =	vst v11;
	v13 =	vadd.f32 v13, v16  }
0x104: {  	v9 =	vmul.f32 v9, v22;
	[tilespmem:s0+$0xFFFFFFD0] =	vst v10  }
0x105: {  	[tilespmem:s0+$0xFFFFFFE0] =	vst v12;
	v11 =	vunpack.i.l.bf16.f32 v17;
	v14 =	vperm.xlane v13, v6  }
0x106: {  	s22 =	sadd.s32 $0x80, s0;
	[tilespmem:s0+$0xFFFFFFF0] =	vst v9;
	v10 =	vunpack.i.u.bf16.f32 v17;
	v11 =	vmul.f32 v8, v11  }
0x107: {  	v12 =	vunpack.i.l.bf16.f32 v28;
	[tilespmem:s22+$0x30] =	vst v15;
	v10 =	vmul.f32 v8, v10;
	v9 =	vadd.f32 v13, v14  }
0x108: {  	v8 =	vmul.f32 v12, v8;
	[tilespmem:s22+$0x0] =	vst v11  }
0x109: {  	[tilespmem:s22+$0x10] =	vst v10;
	v10 =	vmul.f32 v9, v21  }
0x10a: {  	[tilespmem:s22+$0x20] =	vst v8;
	v8 =	vmul.f32 v9, v20  }
0x10b: {  	v11 =	vmul.f32 v19, v9;
	[tilespmem:s22+$0xFFFFFFC0] =	vst v10  }
0x10c: {  	v9 =	vmul.f32 v18, v9;
	[tilespmem:s22+$0xFFFFFFD0] =	vst v8  }
0x10d: {  	p0 =	seq.s32 s10, $0x0;
	[tilespmem:s22+$0xFFFFFFE0] =	vst v11  }
0x10e: {  	s0 =	simm.s32 @!p0 $0x6;
	[tilespmem:s22+$0xFFFFFFF0] =	vst v9  }
0x10f: {  	[spmem:s3] =	stream.indirect.scatter.add.f32 [tilespmem:s23], [sflag:$0x4], $0x40, s11, s25, $0xb8;
	[tilespmem:$0x198D0] =	vst v63  }
0x110: {  	_ =	swait.ge @!p0 [sflag:s0], $0x1400  }
0x111: {  	s22 =	smul.u32 $0xF0, s10;
	[sflag:s0] =	ssyncset.done @!p0 $0x0  }
0x112: {  	[sflag:s0] =	ssyncadd.s32 @!p0 $0xFFFFEC00  }
0x113: {  	v8 =	vld [tilespmem:s22+$0xA0]  }
0x114: {  	v9 =	vld [tilespmem:s22+$0x28A0];
	_ =	sdelay $0x4  }
0x115: {  	v8 =	vadd.s32 v7, v8;
	[tilespmem:$0x5190] =	vst v9  }
0x116: {  	[tilespmem:$0x50A0] =	vst v8;
	v8 =	vadd.s32 v7, v9  }
0x117: {  	[tilespmem:$0x5280] =	vst v8  }
0x118: {  	v8 =	vld [tilespmem:s22+$0xB0]  }
0x119: {  	v9 =	vld [tilespmem:s22+$0x28B0];
	_ =	sdelay $0x4  }
0x11a: {  	v8 =	vadd.s32 v7, v8;
	[tilespmem:$0x51A0] =	vst v9  }
0x11b: {  	[tilespmem:$0x50B0] =	vst v8;
	v8 =	vadd.s32 v7, v9  }
0x11c: {  	[tilespmem:$0x5290] =	vst v8  }
0x11d: {  	v8 =	vld [tilespmem:s22+$0xC0]  }
0x11e: {  	v9 =	vld [tilespmem:s22+$0x28C0];
	_ =	sdelay $0x4  }
0x11f: {  	v8 =	vadd.s32 v7, v8;
	[tilespmem:$0x51B0] =	vst v9  }
0x120: {  	[tilespmem:$0x50C0] =	vst v8;
	v8 =	vadd.s32 v7, v9  }
0x121: {  	[tilespmem:$0x52A0] =	vst v8  }
0x122: {  	v8 =	vld [tilespmem:s22+$0xD0]  }
0x123: {  	v9 =	vld [tilespmem:s22+$0x28D0];
	_ =	sdelay $0x4  }
0x124: {  	v8 =	vadd.s32 v7, v8;
	[tilespmem:$0x51C0] =	vst v9  }
0x125: {  	[tilespmem:$0x50D0] =	vst v8;
	v8 =	vadd.s32 v7, v9  }
0x126: {  	[tilespmem:$0x52B0] =	vst v8  }
0x127: {  	v8 =	vld [tilespmem:s22+$0xE0]  }
0x128: {  	v9 =	vld [tilespmem:s22+$0x28E0];
	_ =	sdelay $0x4  }
0x129: {  	v8 =	vadd.s32 v7, v8;
	[tilespmem:$0x51D0] =	vst v9  }
0x12a: {  	[tilespmem:$0x50E0] =	vst v8;
	v8 =	vadd.s32 v7, v9  }
0x12b: {  	s7 =	simm.s32 $0x7AD0;
	s4 =	simm.s32 $0x50A0;
	[tilespmem:$0x52C0] =	vst v8  }
0x12c: {  	[tilespmem:s7], [sflag:$0x3] =	stream.indirect.gather [hbm4b:s6+s25], $0x40, s4, s25, $0xb8;
	[tilespmem:$0x198D0] =	vst v63  }
0x12d: {  	s8 =	simm.s32 $0x5280;
	s17 =	simm.s32 $0xA2D0  }
0x12e: {  	[tilespmem:s17], [sflag:$0x3] =	stream.indirect.gather [hbm4b:s2+s25], $0x20, s8, s25, $0xb8;
	[tilespmem:$0x198D0] =	vst v63  }
0x12f: {  	_ =	swait.ge [sflag:s12], $0x1400  }
0x130: {  	[sflag:s12] =	ssyncset.done $0x0  }
0x131: {  	[sflag:s12] =	ssyncadd.s32 $0xFFFFEC00  }
0x132: {  	_ =	swait.ge [sflag:s12], $0xA00  }
0x133: {  	[sflag:s12] =	ssyncset.done $0x0  }
0x134: {  	s20 =	simm.s32 $0x6710;
	[sflag:s12] =	ssyncadd.s32 $0xFFFFF600  }
0x135: {  	v8 =	vld [tilespmem:s20+$0x0]  }
0x136: {  	s8 =	simm.s32 $0x98F0;
	v9 =	vld [tilespmem:s20+$0x10]  }
0x137: {  	v10 =	vld [tilespmem:s8+$0x0]  }
0x138: {  	v11 =	vld [tilespmem:s8+$0x10];
	_ =	sdelay $0x2  }
0x139: {  	v12 =	vunpack.i.u.bf16.f32 v8  }
0x13a: {  	v8 =	vunpack.i.l.bf16.f32 v8;
	v13 =	vunpack.i.u.bf16.f32 v9;
	v9 =	vunpack.i.l.bf16.f32 v9  }
0x13b: {  	v14 =	vunpack.i.u.bf16.f32 v10;
	v10 =	vunpack.i.l.bf16.f32 v10;
	v15 =	vunpack.i.u.bf16.f32 v11  }
0x13c: {  	v11 =	vunpack.i.l.bf16.f32 v11;
	v8 =	vmul.f32 v10, v8;
	v10 =	vmul.f32 v14, v12;
	v12 =	vld [tilespmem:s20+$0xFFFFFFD0]  }
0x13d: {  	v9 =	vmul.f32 v11, v9;
	v11 =	vmul.f32 v15, v13;
	v13 =	vld [tilespmem:s8+$0xFFFFFFE0]  }
0x13e: {  	v14 =	vld [tilespmem:s20+$0xFFFFFFC0];
	_ =	sdelay $0x1  }
0x13f: {  	v8 =	vadd.f32 v8, v10;
	v9 =	vadd.f32 v9, v11;
	v10 =	vld [tilespmem:s8+$0xFFFFFFF0];
	_ =	sdelay $0x1  }
0x140: {  	v8 =	vadd.f32 v9, v8;
	v9 =	vunpack.i.u.bf16.f32 v12;
	v11 =	vunpack.i.l.bf16.f32 v12  }
0x141: {  	s7 =	simm.s32 $0x9930;
	v12 =	vunpack.i.u.bf16.f32 v13;
	v16 =	vunpack.i.u.bf16.f32 v14;
	v14 =	vunpack.i.l.bf16.f32 v14  }
0x142: {  	s17 =	simm.s32 $0x6790;
	v13 =	vunpack.i.l.bf16.f32 v13;
	v15 =	vperm.xlane v8, v3;
	v12 =	vmul.f32 v12, v16;
	v16 =	vld [tilespmem:s7+$0x0]  }
0x143: {  	v13 =	vmul.f32 v13, v14;
	v14 =	vld [tilespmem:s17+$0x0];
	v17 =	vunpack.i.l.bf16.f32 v10;
	v10 =	vunpack.i.u.bf16.f32 v10  }
0x144: {  	v8 =	vadd.f32 v8, v15;
	v11 =	vmul.f32 v17, v11;
	v15 =	vld [tilespmem:s17+$0x10];
	v9 =	vmul.f32 v10, v9  }
0x145: {  	v12 =	vadd.f32 v13, v12;
	v13 =	vld [tilespmem:s7+$0x10]  }
0x146: {  	v10 =	vperm.xlane v8, v4;
	v9 =	vadd.f32 v11, v9  }
0x147: {  	v20 =	vunpack.i.u.bf16.f32 v16  }
0x148: {  	v16 =	vunpack.i.l.bf16.f32 v16;
	v8 =	vadd.f32 v8, v10;
	v10 =	vld [tilespmem:s20+$0xFFFFFFE0];
	v9 =	vadd.f32 v9, v12  }
0x149: {  	v12 =	vunpack.i.u.bf16.f32 v14;
	v14 =	vunpack.i.l.bf16.f32 v14;
	v18 =	vunpack.i.u.bf16.f32 v15  }
0x14a: {  	v17 =	vld [tilespmem:s20+$0xFFFFFFF0];
	v15 =	vunpack.i.l.bf16.f32 v15;
	v21 =	vunpack.i.u.bf16.f32 v13;
	v11 =	vperm.xlane v8, v5  }
0x14b: {  	v19 =	vld [tilespmem:s17+$0xFFFFFFD0];
	v13 =	vunpack.i.l.bf16.f32 v13;
	v14 =	vmul.f32 v16, v14;
	v12 =	vmul.f32 v20, v12  }
0x14c: {  	v22 =	vld [tilespmem:s7+$0xFFFFFFE0];
	v15 =	vmul.f32 v13, v15;
	v11 =	vadd.f32 v8, v11  }
0x14d: {  	v16 =	vld [tilespmem:s17+$0xFFFFFFC0];
	v18 =	vmul.f32 v21, v18;
	v12 =	vadd.f32 v14, v12;
	v8 =	vunpack.i.u.bf16.f32 v10  }
0x14e: {  	v20 =	vld [tilespmem:s7+$0xFFFFFFF0];
	v13 =	vunpack.i.l.bf16.f32 v10;
	v10 =	vperm.xlane v9, v3;
	v21 =	vperm.xlane v11, v6  }
0x14f: {  	v14 =	vunpack.i.u.bf16.f32 v17;
	v18 =	vadd.f32 v15, v18;
	v15 =	vunpack.i.l.bf16.f32 v17  }
0x150: {  	v9 =	vadd.f32 v9, v10;
	v10 =	vunpack.i.u.bf16.f32 v19;
	v21 =	vadd.f32 v11, v21  }
0x151: {  	v23 =	vld [tilespmem:s17+$0xFFFFFFE0];
	v11 =	vadd.f32 v18, v12;
	v12 =	vunpack.i.l.bf16.f32 v19;
	v18 =	vunpack.i.u.bf16.f32 v22  }
0x152: {  	v25 =	vld [tilespmem:s17+$0xFFFFFFF0];
	v19 =	vunpack.i.u.bf16.f32 v16;
	v16 =	vunpack.i.l.bf16.f32 v16;
	v22 =	vunpack.i.l.bf16.f32 v22  }
0x153: {  	v17 =	vld [tilespmem:s20+$0x30];
	v26 =	vunpack.i.u.bf16.f32 v20;
	v20 =	vunpack.i.l.bf16.f32 v20;
	v16 =	vmul.f32 v22, v16  }
0x154: {  	v18 =	vmul.f32 v18, v19;
	v12 =	vmul.f32 v20, v12  }
0x155: {  	v22 =	vmul.f32 v26, v10;
	v24 =	vperm.xlane v11, v3  }
0x156: {  	v20 =	vld [tilespmem:s20+$0x20];
	v16 =	vadd.f32 v16, v18  }
0x157: {  	v10 =	vunpack.i.u.bf16.f32 v23;
	v22 =	vadd.f32 v12, v22;
	v19 =	vadd.f32 v11, v24  }
0x158: {  	s20 =	simm.s32 $0x6810;
	v12 =	vunpack.i.l.bf16.f32 v25;
	v11 =	vunpack.i.u.bf16.f32 v17;
	v24 =	vperm.xlane v9, v4  }
0x159: {  	s0 =	simm.s32 $0x9970;
	v28 =	vld [tilespmem:s20+$0x10];
	v26 =	vmul.f32 v11, v21;
	v11 =	vunpack.i.l.bf16.f32 v23;
	v18 =	vperm.xlane v19, v4  }
0x15a: {  	v22 =	vadd.f32 v22, v16;
	v24 =	vadd.f32 v9, v24;
	v9 =	vunpack.i.u.bf16.f32 v25;
	v25 =	vld [tilespmem:s0+$0x10]  }
0x15b: {  	v27 =	vld [tilespmem:s20+$0x0];
	v23 =	vunpack.i.u.bf16.f32 v20;
	v20 =	vunpack.i.l.bf16.f32 v20;
	v18 =	vadd.f32 v19, v18  }
0x15c: {  	v60 =	vmul.f32 v21, v20;
	v20 =	vld [tilespmem:s0+$0xFFFFFFF0];
	v16 =	vperm.xlane v24, v5  }
0x15d: {  	v30 =	vunpack.i.l.bf16.f32 v17;
	v17 =	vperm.xlane v22, v3;
	v19 =	vld [tilespmem:s0+$0x0];
	v29 =	vperm.xlane v18, v5  }
0x15e: {  	v32 =	vunpack.i.u.bf16.f32 v28;
	v28 =	vunpack.i.l.bf16.f32 v28;
	v24 =	vadd.f32 v24, v16  }
0x15f: {  	v58 =	vld [tilespmem:s0+$0xFFFFFFE0];
	v35 =	vunpack.i.u.bf16.f32 v25;
	v25 =	vunpack.i.l.bf16.f32 v25;
	v18 =	vadd.f32 v18, v29  }
0x160: {  	v31 =	vld [tilespmem:s20+$0xFFFFFFD0];
	v29 =	vunpack.i.u.bf16.f32 v27;
	v27 =	vunpack.i.l.bf16.f32 v27;
	v25 =	vmul.f32 v25, v28  }
0x161: {  	v16 =	vld [tilespmem:s17+$0x30];
	v28 =	vmul.f32 v35, v32;
	v59 =	vperm.xlane v24, v6;
	v36 =	vunpack.i.u.bf16.f32 v20  }
0x162: {  	v33 =	vunpack.i.l.bf16.f32 v19;
	v19 =	vunpack.i.u.bf16.f32 v19;
	v34 =	vperm.xlane v18, v6  }
0x163: {  	v27 =	vmul.f32 v33, v27;
	v19 =	vmul.f32 v19, v29;
	v29 =	vadd.f32 v22, v17;
	v22 =	vld [tilespmem:s20+$0xFFFFFFC0]  }
0x164: {  	v20 =	vunpack.i.l.bf16.f32 v20;
	v33 =	vunpack.i.l.bf16.f32 v58;
	v17 =	vadd.f32 v18, v34  }
0x165: {  	v18 =	vmul.f32 v21, v23;
	v19 =	vadd.f32 v27, v19;
	v23 =	vadd.f32 v25, v28  }
0x166: {  	v25 =	vmul.f32 v30, v21;
	v21 =	vld [tilespmem:s20+$0xFFFFFFE0];
	v27 =	vunpack.i.u.bf16.f32 v16;
	v28 =	vunpack.i.u.bf16.f32 v31  }
0x167: {  	v62 =	vld [tilespmem:s17+$0x20];
	v63 =	vperm.xlane v29, v4;
	v30 =	vmul.f32 v27, v17;
	v27 =	vunpack.i.u.bf16.f32 v58  }
0x168: {  	v19 =	vadd.f32 v23, v19;
	v23 =	vld [tilespmem:s20+$0xFFFFFFF0];
	v61 =	vunpack.i.u.bf16.f32 v22;
	v22 =	vunpack.i.l.bf16.f32 v22  }
0x169: {  	s7 =	simm.s32 $0xC110;
	v31 =	vunpack.i.l.bf16.f32 v31;
	v33 =	vmul.f32 v33, v22;
	v27 =	vmul.f32 v27, v61  }
0x16a: {  	[tilespmem:s7+$0x30] =	vst v26;
	v22 =	vadd.f32 v24, v59;
	v24 =	vmul.f32 v20, v31;
	v31 =	vperm.xlane v19, v3  }
0x16b: {  	v28 =	vmul.f32 v36, v28;
	[tilespmem:s7+$0x20] =	vst v25;
	v25 =	vadd.f32 v29, v63;
	v20 =	vunpack.i.u.bf16.f32 v21  }
0x16c: {  	[tilespmem:s7+$0x0] =	vst v60;
	v21 =	vunpack.i.l.bf16.f32 v21;
	v26 =	vadd.f32 v33, v27;
	v27 =	vadd.f32 v19, v31  }
0x16d: {  	s4 =	simm.s32 $0xC190;
	[tilespmem:s7+$0x10] =	vst v18;
	v28 =	vadd.f32 v24, v28;
	v24 =	vunpack.i.l.bf16.f32 v62;
	v18 =	vunpack.i.u.bf16.f32 v23  }
0x16e: {  	s8 =	simm.s32 $0x4;
	s17 =	simm.s32 $0x6890;
	[tilespmem:s4+$0x30] =	vst v30;
	v19 =	vunpack.i.l.bf16.f32 v23;
	v23 =	vunpack.i.u.bf16.f32 v62;
	v29 =	vperm.xlane v27, v4  }
.LBB2_8:
0x16f: {  	v30 =	vld [tilespmem:s17+$0x0];
	v26 =	vadd.f32 v28, v26;
	v28 =	vperm.xlane v25, v5;
	v31 =	vunpack.i.l.bf16.f32 v16  }
0x170: {  	s0 =	sadd.s32 $0x40, s0;
	v34 =	vmul.f32 v22, v13;
	v32 =	vld [tilespmem:s17+$0x10];
	v16 =	vadd.f32 v27, v29;
	v27 =	vmul.f32 v22, v8;
	v8 =	vmovc v10  }
0x171: {  	v15 =	vmul.f32 v15, v22;
	v10 =	vmovc v20;
	v29 =	vld [tilespmem:s0+$0x0];
	v33 =	vperm.xlane v26, v3;
	v25 =	vadd.f32 v25, v28  }
0x172: {  	v13 =	vmovc v11;
	v11 =	vmov v21;
	v20 =	vld [tilespmem:s0+$0x10];
	v28 =	vperm.xlane v16, v5;
	[tilespmem:s7+$0xFFFFFFC0] =	vst v34;
	v34 =	vmul.f32 v14, v22  }
0x173: {  	s8 =	sadd.s32 $0x2, s8;
	v24 =	vmul.f32 v17, v24;
	v21 =	vld [tilespmem:s17+$0xFFFFFFD0];
	v33 =	vadd.f32 v26, v33;
	v22 =	vperm.xlane v25, v6;
	[tilespmem:s7+$0xFFFFFFD0] =	vst v27  }
0x174: {  	v23 =	vmul.f32 v17, v23;
	p0 =	slt.u32 s8, $0x4E;
	v27 =	vmul.f32 v31, v17;
	v26 =	vadd.f32 v16, v28;
	v16 =	vld [tilespmem:s20+$0x30];
	[tilespmem:s7+$0xFFFFFFE0] =	vst v15  }
0x175: {  	v14 =	vmovc v9;
	v9 =	vmovc v18;
	v17 =	vunpack.i.u.bf16.f32 v30;
	v30 =	vunpack.i.l.bf16.f32 v30;
	v28 =	vld [tilespmem:s0+$0xFFFFFFE0];
	v31 =	vunpack.i.u.bf16.f32 v32;
	[tilespmem:s7+$0xFFFFFFF0] =	vst v34;
	s7 =	smov.u32 s4  }
0x176: {  	v15 =	vmovc v12;
	v12 =	vmovc v19;
	v32 =	vunpack.i.l.bf16.f32 v32;
	v18 =	vld [tilespmem:s0+$0xFFFFFFF0];
	v34 =	vunpack.i.u.bf16.f32 v29;
	v35 =	vperm.xlane v26, v6;
	[tilespmem:s4+$0x0] =	vst v24  }
0x177: {  	v24 =	vunpack.i.l.bf16.f32 v29;
	v19 =	vld [tilespmem:s17+$0xFFFFFFC0];
	v29 =	vunpack.i.u.bf16.f32 v20;
	v20 =	vunpack.i.l.bf16.f32 v20;
	[tilespmem:s4+$0x10] =	vst v23  }
0x178: {  	v24 =	vmul.f32 v24, v30;
	v30 =	vmul.f32 v34, v17;
	v23 =	vld [tilespmem:s17+$0xFFFFFFE0];
	v17 =	vadd.f32 v26, v35;
	[tilespmem:s4+$0x20] =	vst v27  }
0x179: {  	v20 =	vmul.f32 v20, v32;
	v26 =	vmul.f32 v29, v31;
	v34 =	vld [tilespmem:s17+$0xFFFFFFF0];
	v27 =	vunpack.i.u.bf16.f32 v16  }
0x17a: {  	v29 =	vunpack.i.u.bf16.f32 v21;
	v21 =	vunpack.i.l.bf16.f32 v21;
	v27 =	vmul.f32 v27, v17  }
0x17b: {  	s4 =	sadd.s32 $0x80, s4;
	v24 =	vadd.f32 v24, v30;
	v31 =	vunpack.i.u.bf16.f32 v28;
	v20 =	vadd.f32 v20, v26  }
0x17c: {  	v28 =	vunpack.i.l.bf16.f32 v28;
	v26 =	vunpack.i.u.bf16.f32 v19;
	v19 =	vunpack.i.l.bf16.f32 v19;
	v30 =	vld [tilespmem:s20+$0x20];
	[tilespmem:s4+$0x30] =	vst v27;
	s20 =	smov.u32 s17  }
0x17d: {  	v27 =	vunpack.i.u.bf16.f32 v18;
	v18 =	vunpack.i.l.bf16.f32 v18;
	v24 =	vadd.f32 v20, v24  }
0x17e: {  	v22 =	vadd.f32 v25, v22;
	v19 =	vmul.f32 v28, v19;
	v26 =	vmul.f32 v31, v26  }
.Ltmp2:
0x17f: {  	v25 =	vmul.f32 v18, v21;
	v20 =	vunpack.i.u.bf16.f32 v23;
	v28 =	vperm.xlane v24, v3;
	(pc) =	sbr.rel @p0 .LBB2_8-.Ltmp2, $4  }
0x180: {  	v26 =	vadd.f32 v19, v26;
	v19 =	vmul.f32 v27, v29;
	v29 =	vperm.xlane v33, v4  }
0x181: {  	v21 =	vunpack.i.l.bf16.f32 v23;
	v18 =	vunpack.i.u.bf16.f32 v34;
	v27 =	vadd.f32 v24, v28  }
0x182: {  	v28 =	vadd.f32 v25, v19;
	v19 =	vunpack.i.l.bf16.f32 v34;
	v25 =	vadd.f32 v33, v29  }
0x183: {  	s17 =	sadd.s32 $0x80, s17;
	v23 =	vunpack.i.u.bf16.f32 v30;
	v24 =	vunpack.i.l.bf16.f32 v30;
	v29 =	vperm.xlane v27, v4  }
0x184: {  	_ = 	snop  }
0x185: {  	v26 =	vadd.f32 v28, v26;
	v27 =	vadd.f32 v27, v29  }
0x186: {  	v30 =	vperm.xlane v25, v5  }
0x187: {  	v28 =	vperm.xlane v26, v3;
	v29 =	vperm.xlane v27, v5  }
0x188: {  	v13 =	vmul.f32 v22, v13;
	v8 =	vmul.f32 v22, v8;
	v25 =	vadd.f32 v25, v30  }
0x189: {  	v15 =	vmul.f32 v15, v22;
	v26 =	vadd.f32 v26, v28;
	v28 =	vld [tilespmem:s20+$0x30];
	v27 =	vadd.f32 v27, v29  }
0x18a: {  	[tilespmem:s7+$0xFFFFFFC0] =	vst v13;
	v13 =	vmul.f32 v14, v22;
	v22 =	vperm.xlane v25, v6  }
0x18b: {  	[tilespmem:s7+$0xFFFFFFD0] =	vst v8;
	v14 =	vperm.xlane v26, v4;
	v8 =	vperm.xlane v27, v6  }
0x18c: {  	v16 =	vunpack.i.l.bf16.f32 v16;
	v24 =	vmul.f32 v17, v24;
	[tilespmem:s7+$0xFFFFFFE0] =	vst v15;
	v22 =	vadd.f32 v25, v22  }
0x18d: {  	v15 =	vmul.f32 v17, v23;
	[tilespmem:s7+$0xFFFFFFF0] =	vst v13;
	v13 =	vadd.f32 v26, v14;
	v8 =	vadd.f32 v27, v8  }
0x18e: {  	[tilespmem:s4+$0x0] =	vst v24;
	v14 =	vmul.f32 v16, v17;
	v17 =	vld [tilespmem:s20+$0x20];
	v11 =	vmul.f32 v22, v11;
	v16 =	vunpack.i.u.bf16.f32 v28  }
0x18f: {  	[tilespmem:s4+$0x10] =	vst v15;
	v15 =	vmul.f32 v16, v8;
	v16 =	vperm.xlane v13, v5  }
0x190: {  	v10 =	vmul.f32 v22, v10;
	[tilespmem:s4+$0x20] =	vst v14  }
0x191: {  	v12 =	vmul.f32 v12, v22;
	[tilespmem:s4+$0xFFFFFFC0] =	vst v11;
	v13 =	vadd.f32 v13, v16  }
0x192: {  	v9 =	vmul.f32 v9, v22;
	[tilespmem:s4+$0xFFFFFFD0] =	vst v10  }
0x193: {  	[tilespmem:s4+$0xFFFFFFE0] =	vst v12;
	v11 =	vunpack.i.l.bf16.f32 v17;
	v14 =	vperm.xlane v13, v6  }
0x194: {  	s0 =	sadd.s32 $0x80, s4;
	[tilespmem:s4+$0xFFFFFFF0] =	vst v9;
	v10 =	vunpack.i.u.bf16.f32 v17;
	v11 =	vmul.f32 v8, v11  }
0x195: {  	v12 =	vunpack.i.l.bf16.f32 v28;
	[tilespmem:s0+$0x30] =	vst v15;
	v10 =	vmul.f32 v8, v10;
	v9 =	vadd.f32 v13, v14  }
0x196: {  	v8 =	vmul.f32 v12, v8;
	[tilespmem:s0+$0x0] =	vst v11  }
0x197: {  	[tilespmem:s0+$0x10] =	vst v10;
	v10 =	vmul.f32 v9, v21  }
0x198: {  	[tilespmem:s0+$0x20] =	vst v8;
	v8 =	vmul.f32 v9, v20  }
0x199: {  	v11 =	vmul.f32 v19, v9;
	[tilespmem:s0+$0xFFFFFFC0] =	vst v10  }
0x19a: {  	v9 =	vmul.f32 v18, v9;
	[tilespmem:s0+$0xFFFFFFD0] =	vst v8  }
0x19b: {  	[tilespmem:s0+$0xFFFFFFE0] =	vst v11  }
0x19c: {  	[tilespmem:s0+$0xFFFFFFF0] =	vst v9  }
0x19d: {  	[spmem:s3] =	stream.indirect.scatter.add.f32 [tilespmem:s14], [sflag:$0x5], $0x40, s13, s25, $0xb8;
	[tilespmem:$0x198D0] =	vst v63  }
0x19e: {  	_ =	swait.ge [sflag:s15], $0x1400  }
0x19f: {  	[sflag:s15] =	ssyncset.done $0x0  }
0x1a0: {  	[sflag:s15] =	ssyncadd.s32 $0xFFFFEC00  }
0x1a1: {  	v8 =	vld [tilespmem:s22+$0xF0]  }
0x1a2: {  	v9 =	vld [tilespmem:s22+$0x28F0];
	_ =	sdelay $0x4  }
0x1a3: {  	v8 =	vadd.s32 v7, v8;
	[tilespmem:$0x50F0] =	vst v9  }
0x1a4: {  	[tilespmem:$0x5000] =	vst v8;
	v8 =	vadd.s32 v7, v9  }
0x1a5: {  	[tilespmem:$0x51E0] =	vst v8  }
0x1a6: {  	v8 =	vld [tilespmem:s22+$0x100]  }
0x1a7: {  	v9 =	vld [tilespmem:s22+$0x2900];
	_ =	sdelay $0x4  }
0x1a8: {  	v8 =	vadd.s32 v7, v8;
	[tilespmem:$0x5100] =	vst v9  }
0x1a9: {  	[tilespmem:$0x5010] =	vst v8;
	v8 =	vadd.s32 v7, v9  }
0x1aa: {  	[tilespmem:$0x51F0] =	vst v8  }
0x1ab: {  	v8 =	vld [tilespmem:s22+$0x110]  }
0x1ac: {  	v9 =	vld [tilespmem:s22+$0x2910];
	_ =	sdelay $0x4  }
0x1ad: {  	v8 =	vadd.s32 v7, v8;
	[tilespmem:$0x5110] =	vst v9  }
0x1ae: {  	[tilespmem:$0x5020] =	vst v8;
	v8 =	vadd.s32 v7, v9  }
0x1af: {  	[tilespmem:$0x5200] =	vst v8  }
0x1b0: {  	v8 =	vld [tilespmem:s22+$0x120]  }
0x1b1: {  	v9 =	vld [tilespmem:s22+$0x2920];
	_ =	sdelay $0x4  }
0x1b2: {  	v8 =	vadd.s32 v7, v8;
	[tilespmem:$0x5120] =	vst v9  }
0x1b3: {  	[tilespmem:$0x5030] =	vst v8;
	v8 =	vadd.s32 v7, v9  }
0x1b4: {  	[tilespmem:$0x5210] =	vst v8  }
0x1b5: {  	v8 =	vld [tilespmem:s22+$0x130]  }
0x1b6: {  	v9 =	vld [tilespmem:s22+$0x2930];
	_ =	sdelay $0x4  }
0x1b7: {  	v8 =	vadd.s32 v7, v8;
	[tilespmem:$0x5130] =	vst v9  }
0x1b8: {  	[tilespmem:$0x5040] =	vst v8;
	v8 =	vadd.s32 v7, v9  }
0x1b9: {  	[tilespmem:$0x5220] =	vst v8  }
0x1ba: {  	[tilespmem:s28], [sflag:$0x1] =	stream.indirect.gather [hbm4b:s6+s25], $0x40, s26, s25, $0xb8;
	[tilespmem:$0x198D0] =	vst v63  }
0x1bb: {  	_ = 	snop  }
0x1bc: {  	[tilespmem:s30], [sflag:$0x1] =	stream.indirect.gather [hbm4b:s2+s25], $0x20, s29, s25, $0xb8;
	[tilespmem:$0x198D0] =	vst v63  }
0x1bd: {  	_ =	swait.ge [sflag:s16], $0x1400  }
0x1be: {  	[sflag:s16] =	ssyncset.done $0x0  }
0x1bf: {  	[sflag:s16] =	ssyncadd.s32 $0xFFFFEC00  }
0x1c0: {  	_ =	swait.ge [sflag:s16], $0xA00  }
0x1c1: {  	[sflag:s16] =	ssyncset.done $0x0  }
0x1c2: {  	s0 =	simm.s32 $0x7B10;
	[sflag:s16] =	ssyncadd.s32 $0xFFFFF600  }
0x1c3: {  	v8 =	vld [tilespmem:s0+$0x0]  }
0x1c4: {  	s8 =	simm.s32 $0xA2F0;
	v9 =	vld [tilespmem:s0+$0x10]  }
0x1c5: {  	v10 =	vld [tilespmem:s8+$0x0]  }
0x1c6: {  	v11 =	vld [tilespmem:s8+$0x10];
	_ =	sdelay $0x2  }
0x1c7: {  	v12 =	vunpack.i.u.bf16.f32 v8  }
0x1c8: {  	v8 =	vunpack.i.l.bf16.f32 v8;
	v13 =	vunpack.i.u.bf16.f32 v9;
	v9 =	vunpack.i.l.bf16.f32 v9  }
0x1c9: {  	v14 =	vunpack.i.u.bf16.f32 v10;
	v10 =	vunpack.i.l.bf16.f32 v10;
	v15 =	vunpack.i.u.bf16.f32 v11  }
0x1ca: {  	v11 =	vunpack.i.l.bf16.f32 v11;
	v8 =	vmul.f32 v10, v8;
	v10 =	vmul.f32 v14, v12;
	v12 =	vld [tilespmem:s0+$0xFFFFFFD0]  }
0x1cb: {  	v9 =	vmul.f32 v11, v9;
	v11 =	vmul.f32 v15, v13;
	v13 =	vld [tilespmem:s8+$0xFFFFFFE0]  }
0x1cc: {  	v14 =	vld [tilespmem:s0+$0xFFFFFFC0];
	_ =	sdelay $0x1  }
0x1cd: {  	v8 =	vadd.f32 v8, v10;
	v9 =	vadd.f32 v9, v11;
	v10 =	vld [tilespmem:s8+$0xFFFFFFF0];
	_ =	sdelay $0x1  }
0x1ce: {  	v8 =	vadd.f32 v9, v8;
	v9 =	vunpack.i.u.bf16.f32 v12;
	v11 =	vunpack.i.l.bf16.f32 v12  }
0x1cf: {  	s20 =	simm.s32 $0xA330;
	v12 =	vunpack.i.u.bf16.f32 v13;
	v16 =	vunpack.i.u.bf16.f32 v14;
	v14 =	vunpack.i.l.bf16.f32 v14  }
0x1d0: {  	s17 =	simm.s32 $0x7B90;
	v13 =	vunpack.i.l.bf16.f32 v13;
	v15 =	vperm.xlane v8, v3;
	v12 =	vmul.f32 v12, v16;
	v16 =	vld [tilespmem:s20+$0x0]  }
0x1d1: {  	v13 =	vmul.f32 v13, v14;
	v14 =	vld [tilespmem:s17+$0x0];
	v17 =	vunpack.i.l.bf16.f32 v10;
	v10 =	vunpack.i.u.bf16.f32 v10  }
0x1d2: {  	v8 =	vadd.f32 v8, v15;
	v11 =	vmul.f32 v17, v11;
	v15 =	vld [tilespmem:s17+$0x10];
	v9 =	vmul.f32 v10, v9  }
0x1d3: {  	v12 =	vadd.f32 v13, v12;
	v13 =	vld [tilespmem:s20+$0x10]  }
0x1d4: {  	v10 =	vperm.xlane v8, v4;
	v9 =	vadd.f32 v11, v9  }
0x1d5: {  	v20 =	vunpack.i.u.bf16.f32 v16  }
0x1d6: {  	v16 =	vunpack.i.l.bf16.f32 v16;
	v8 =	vadd.f32 v8, v10;
	v10 =	vld [tilespmem:s0+$0xFFFFFFE0];
	v9 =	vadd.f32 v9, v12  }
0x1d7: {  	v12 =	vunpack.i.u.bf16.f32 v14;
	v14 =	vunpack.i.l.bf16.f32 v14;
	v18 =	vunpack.i.u.bf16.f32 v15  }
0x1d8: {  	v17 =	vld [tilespmem:s0+$0xFFFFFFF0];
	v15 =	vunpack.i.l.bf16.f32 v15;
	v21 =	vunpack.i.u.bf16.f32 v13;
	v11 =	vperm.xlane v8, v5  }
0x1d9: {  	v19 =	vld [tilespmem:s17+$0xFFFFFFD0];
	v13 =	vunpack.i.l.bf16.f32 v13;
	v14 =	vmul.f32 v16, v14;
	v12 =	vmul.f32 v20, v12  }
0x1da: {  	v22 =	vld [tilespmem:s20+$0xFFFFFFE0];
	v15 =	vmul.f32 v13, v15;
	v11 =	vadd.f32 v8, v11  }
0x1db: {  	v16 =	vld [tilespmem:s17+$0xFFFFFFC0];
	v18 =	vmul.f32 v21, v18;
	v12 =	vadd.f32 v14, v12;
	v8 =	vunpack.i.u.bf16.f32 v10  }
0x1dc: {  	v20 =	vld [tilespmem:s20+$0xFFFFFFF0];
	v13 =	vunpack.i.l.bf16.f32 v10;
	v10 =	vperm.xlane v9, v3;
	v21 =	vperm.xlane v11, v6  }
0x1dd: {  	v14 =	vunpack.i.u.bf16.f32 v17;
	v18 =	vadd.f32 v15, v18;
	v15 =	vunpack.i.l.bf16.f32 v17  }
0x1de: {  	v9 =	vadd.f32 v9, v10;
	v10 =	vunpack.i.u.bf16.f32 v19;
	v21 =	vadd.f32 v11, v21  }
0x1df: {  	v23 =	vld [tilespmem:s17+$0xFFFFFFE0];
	v11 =	vadd.f32 v18, v12;
	v12 =	vunpack.i.l.bf16.f32 v19;
	v18 =	vunpack.i.u.bf16.f32 v22  }
0x1e0: {  	v17 =	vld [tilespmem:s0+$0x30];
	v19 =	vunpack.i.u.bf16.f32 v16;
	v16 =	vunpack.i.l.bf16.f32 v16;
	v22 =	vunpack.i.l.bf16.f32 v22  }
0x1e1: {  	v25 =	vld [tilespmem:s17+$0xFFFFFFF0];
	v26 =	vunpack.i.u.bf16.f32 v20;
	v16 =	vmul.f32 v22, v16  }
0x1e2: {  	v20 =	vunpack.i.l.bf16.f32 v20;
	v18 =	vmul.f32 v18, v19;
	v24 =	vperm.xlane v11, v3  }
0x1e3: {  	v12 =	vmul.f32 v20, v12;
	v20 =	vld [tilespmem:s0+$0x20];
	v22 =	vmul.f32 v26, v10  }
0x1e4: {  	s20 =	simm.s32 $0x7C10;
	v10 =	vunpack.i.u.bf16.f32 v23;
	v16 =	vadd.f32 v16, v18;
	v19 =	vadd.f32 v11, v24  }
0x1e5: {  	v28 =	vld [tilespmem:s20+$0x10];
	v22 =	vadd.f32 v12, v22;
	v11 =	vunpack.i.u.bf16.f32 v17;
	v24 =	vperm.xlane v9, v4  }
0x1e6: {  	s0 =	simm.s32 $0xA370;
	v12 =	vunpack.i.l.bf16.f32 v25;
	v26 =	vmul.f32 v11, v21;
	v18 =	vperm.xlane v19, v4  }
0x1e7: {  	v11 =	vunpack.i.l.bf16.f32 v23;
	v24 =	vadd.f32 v9, v24;
	v9 =	vunpack.i.u.bf16.f32 v25;
	v25 =	vld [tilespmem:s0+$0x10]  }
0x1e8: {  	v27 =	vld [tilespmem:s20+$0x0];
	v23 =	vunpack.i.u.bf16.f32 v20;
	v20 =	vunpack.i.l.bf16.f32 v20;
	v18 =	vadd.f32 v19, v18  }
0x1e9: {  	v22 =	vadd.f32 v22, v16;
	v60 =	vmul.f32 v21, v20;
	v20 =	vld [tilespmem:s0+$0xFFFFFFF0];
	v16 =	vperm.xlane v24, v5  }
0x1ea: {  	v32 =	vunpack.i.u.bf16.f32 v28;
	v28 =	vunpack.i.l.bf16.f32 v28;
	v19 =	vld [tilespmem:s0+$0x0];
	v29 =	vperm.xlane v18, v5  }
0x1eb: {  	v30 =	vunpack.i.l.bf16.f32 v17;
	v17 =	vperm.xlane v22, v3;
	v24 =	vadd.f32 v24, v16  }
0x1ec: {  	v58 =	vld [tilespmem:s0+$0xFFFFFFE0];
	v35 =	vunpack.i.u.bf16.f32 v25;
	v25 =	vunpack.i.l.bf16.f32 v25;
	v18 =	vadd.f32 v18, v29  }
0x1ed: {  	v31 =	vld [tilespmem:s20+$0xFFFFFFD0];
	v29 =	vunpack.i.u.bf16.f32 v27;
	v27 =	vunpack.i.l.bf16.f32 v27;
	v25 =	vmul.f32 v25, v28  }
0x1ee: {  	v16 =	vld [tilespmem:s17+$0x30];
	v28 =	vmul.f32 v35, v32;
	v59 =	vperm.xlane v24, v6;
	v36 =	vunpack.i.u.bf16.f32 v20  }
0x1ef: {  	v33 =	vunpack.i.l.bf16.f32 v19;
	v19 =	vunpack.i.u.bf16.f32 v19;
	v34 =	vperm.xlane v18, v6  }
0x1f0: {  	v27 =	vmul.f32 v33, v27;
	v19 =	vmul.f32 v19, v29;
	v29 =	vadd.f32 v22, v17;
	v22 =	vld [tilespmem:s20+$0xFFFFFFC0]  }
0x1f1: {  	v20 =	vunpack.i.l.bf16.f32 v20;
	v33 =	vunpack.i.l.bf16.f32 v58;
	v17 =	vadd.f32 v18, v34  }
0x1f2: {  	v18 =	vmul.f32 v21, v23;
	v19 =	vadd.f32 v27, v19;
	v23 =	vadd.f32 v25, v28  }
0x1f3: {  	v25 =	vmul.f32 v30, v21;
	v21 =	vld [tilespmem:s20+$0xFFFFFFE0];
	v27 =	vunpack.i.u.bf16.f32 v16;
	v28 =	vunpack.i.u.bf16.f32 v31  }
0x1f4: {  	v62 =	vld [tilespmem:s17+$0x20];
	v63 =	vperm.xlane v29, v4;
	v30 =	vmul.f32 v27, v17;
	v27 =	vunpack.i.u.bf16.f32 v58  }
0x1f5: {  	v19 =	vadd.f32 v23, v19;
	v23 =	vld [tilespmem:s20+$0xFFFFFFF0];
	v61 =	vunpack.i.u.bf16.f32 v22;
	v22 =	vunpack.i.l.bf16.f32 v22  }
0x1f6: {  	s7 =	simm.s32 $0xD510;
	v31 =	vunpack.i.l.bf16.f32 v31;
	v33 =	vmul.f32 v33, v22;
	v27 =	vmul.f32 v27, v61  }
0x1f7: {  	[tilespmem:s7+$0x30] =	vst v26;
	v22 =	vadd.f32 v24, v59;
	v24 =	vmul.f32 v20, v31;
	v31 =	vperm.xlane v19, v3  }
0x1f8: {  	v28 =	vmul.f32 v36, v28;
	[tilespmem:s7+$0x20] =	vst v25;
	v25 =	vadd.f32 v29, v63;
	v20 =	vunpack.i.u.bf16.f32 v21  }
0x1f9: {  	[tilespmem:s7+$0x0] =	vst v60;
	v21 =	vunpack.i.l.bf16.f32 v21;
	v26 =	vadd.f32 v33, v27;
	v27 =	vadd.f32 v19, v31  }
0x1fa: {  	s4 =	simm.s32 $0xD590;
	[tilespmem:s7+$0x10] =	vst v18;
	v28 =	vadd.f32 v24, v28;
	v24 =	vunpack.i.l.bf16.f32 v62;
	v18 =	vunpack.i.u.bf16.f32 v23  }
0x1fb: {  	s8 =	simm.s32 $0x4;
	s17 =	simm.s32 $0x7C90;
	[tilespmem:s4+$0x30] =	vst v30;
	v19 =	vunpack.i.l.bf16.f32 v23;
	v23 =	vunpack.i.u.bf16.f32 v62;
	v29 =	vperm.xlane v27, v4  }
.LBB2_10:
0x1fc: {  	v30 =	vld [tilespmem:s17+$0x0];
	v26 =	vadd.f32 v28, v26;
	v28 =	vperm.xlane v25, v5;
	v31 =	vunpack.i.l.bf16.f32 v16  }
0x1fd: {  	s0 =	sadd.s32 $0x40, s0;
	v34 =	vmul.f32 v22, v13;
	v32 =	vld [tilespmem:s17+$0x10];
	v16 =	vadd.f32 v27, v29;
	v27 =	vmul.f32 v22, v8;
	v8 =	vmovc v10  }
0x1fe: {  	v15 =	vmul.f32 v15, v22;
	v10 =	vmovc v20;
	v29 =	vld [tilespmem:s0+$0x0];
	v33 =	vperm.xlane v26, v3;
	v25 =	vadd.f32 v25, v28  }
0x1ff: {  	v13 =	vmovc v11;
	v11 =	vmov v21;
	v20 =	vld [tilespmem:s0+$0x10];
	v28 =	vperm.xlane v16, v5;
	[tilespmem:s7+$0xFFFFFFC0] =	vst v34;
	v34 =	vmul.f32 v14, v22  }
0x200: {  	s8 =	sadd.s32 $0x2, s8;
	v24 =	vmul.f32 v17, v24;
	v21 =	vld [tilespmem:s17+$0xFFFFFFD0];
	v33 =	vadd.f32 v26, v33;
	v22 =	vperm.xlane v25, v6;
	[tilespmem:s7+$0xFFFFFFD0] =	vst v27  }
0x201: {  	v23 =	vmul.f32 v17, v23;
	p0 =	slt.u32 s8, $0x4E;
	v27 =	vmul.f32 v31, v17;
	v26 =	vadd.f32 v16, v28;
	v16 =	vld [tilespmem:s20+$0x30];
	[tilespmem:s7+$0xFFFFFFE0] =	vst v15  }
0x202: {  	v14 =	vmovc v9;
	v9 =	vmovc v18;
	v17 =	vunpack.i.u.bf16.f32 v30;
	v30 =	vunpack.i.l.bf16.f32 v30;
	v28 =	vld [tilespmem:s0+$0xFFFFFFE0];
	v31 =	vunpack.i.u.bf16.f32 v32;
	[tilespmem:s7+$0xFFFFFFF0] =	vst v34;
	s7 =	smov.u32 s4  }
0x203: {  	v15 =	vmovc v12;
	v12 =	vmovc v19;
	v32 =	vunpack.i.l.bf16.f32 v32;
	v18 =	vld [tilespmem:s0+$0xFFFFFFF0];
	v34 =	vunpack.i.u.bf16.f32 v29;
	v35 =	vperm.xlane v26, v6;
	[tilespmem:s4+$0x0] =	vst v24  }
0x204: {  	v24 =	vunpack.i.l.bf16.f32 v29;
	v19 =	vld [tilespmem:s17+$0xFFFFFFC0];
	v29 =	vunpack.i.u.bf16.f32 v20;
	v20 =	vunpack.i.l.bf16.f32 v20;
	[tilespmem:s4+$0x10] =	vst v23  }
0x205: {  	v24 =	vmul.f32 v24, v30;
	v30 =	vmul.f32 v34, v17;
	v23 =	vld [tilespmem:s17+$0xFFFFFFE0];
	v17 =	vadd.f32 v26, v35;
	[tilespmem:s4+$0x20] =	vst v27  }
0x206: {  	v20 =	vmul.f32 v20, v32;
	v26 =	vmul.f32 v29, v31;
	v34 =	vld [tilespmem:s17+$0xFFFFFFF0];
	v27 =	vunpack.i.u.bf16.f32 v16  }
0x207: {  	v29 =	vunpack.i.u.bf16.f32 v21;
	v21 =	vunpack.i.l.bf16.f32 v21;
	v27 =	vmul.f32 v27, v17  }
0x208: {  	s4 =	sadd.s32 $0x80, s4;
	v24 =	vadd.f32 v24, v30;
	v31 =	vunpack.i.u.bf16.f32 v28;
	v20 =	vadd.f32 v20, v26  }
0x209: {  	v28 =	vunpack.i.l.bf16.f32 v28;
	v26 =	vunpack.i.u.bf16.f32 v19;
	v19 =	vunpack.i.l.bf16.f32 v19;
	v30 =	vld [tilespmem:s20+$0x20];
	[tilespmem:s4+$0x30] =	vst v27;
	s20 =	smov.u32 s17  }
0x20a: {  	v27 =	vunpack.i.u.bf16.f32 v18;
	v18 =	vunpack.i.l.bf16.f32 v18;
	v24 =	vadd.f32 v20, v24  }
0x20b: {  	v22 =	vadd.f32 v25, v22;
	v19 =	vmul.f32 v28, v19;
	v26 =	vmul.f32 v31, v26  }
.Ltmp3:
0x20c: {  	v25 =	vmul.f32 v18, v21;
	v20 =	vunpack.i.u.bf16.f32 v23;
	v28 =	vperm.xlane v24, v3;
	(pc) =	sbr.rel @p0 .LBB2_10-.Ltmp3, $4  }
0x20d: {  	v26 =	vadd.f32 v19, v26;
	v19 =	vmul.f32 v27, v29;
	v29 =	vperm.xlane v33, v4  }
0x20e: {  	v21 =	vunpack.i.l.bf16.f32 v23;
	v18 =	vunpack.i.u.bf16.f32 v34;
	v27 =	vadd.f32 v24, v28  }
0x20f: {  	v28 =	vadd.f32 v25, v19;
	v19 =	vunpack.i.l.bf16.f32 v34;
	v25 =	vadd.f32 v33, v29  }
0x210: {  	s17 =	sadd.s32 $0x80, s17;
	v23 =	vunpack.i.u.bf16.f32 v30;
	v24 =	vunpack.i.l.bf16.f32 v30;
	v29 =	vperm.xlane v27, v4  }
0x211: {  	v26 =	vadd.f32 v28, v26;
	_ =	sdelay $0x1  }
0x212: {  	v30 =	vperm.xlane v25, v5;
	v28 =	vperm.xlane v26, v3  }
0x213: {  	v13 =	vmul.f32 v22, v13;
	v8 =	vmul.f32 v22, v8;
	v27 =	vadd.f32 v27, v29  }
0x214: {  	v15 =	vmul.f32 v15, v22;
	v25 =	vadd.f32 v25, v30;
	v26 =	vadd.f32 v26, v28  }
0x215: {  	v46 =	vmul.f32 v14, v22;
	[tilespmem:s7+$0xFFFFFFC0] =	vst v13;
	v29 =	vperm.xlane v27, v5  }
0x216: {  	[tilespmem:s7+$0xFFFFFFD0] =	vst v8;
	v48 =	vperm.xlane v25, v6;
	v47 =	vperm.xlane v26, v4  }
0x217: {  	v16 =	vunpack.i.l.bf16.f32 v16;
	v24 =	vmul.f32 v17, v24;
	[tilespmem:s7+$0xFFFFFFE0] =	vst v15;
	v27 =	vadd.f32 v27, v29  }
0x218: {  	v45 =	vld [tilespmem:s20+$0x30];
	v49 =	vmul.f32 v17, v23;
	[tilespmem:s7+$0xFFFFFFF0] =	vst v46;
	v22 =	vadd.f32 v25, v48;
	v50 =	vadd.f32 v26, v47  }
0x219: {  	v53 =	vld [tilespmem:s20+$0x20];
	v51 =	vmul.f32 v16, v17;
	[tilespmem:s4+$0x0] =	vst v24;
	v8 =	vperm.xlane v27, v6  }
0x21a: {  	[tilespmem:s4+$0x10] =	vst v49;
	v11 =	vmul.f32 v22, v11;
	v55 =	vperm.xlane v50, v5  }
0x21b: {  	[tilespmem:s4+$0x20] =	vst v51;
	v10 =	vmul.f32 v22, v10  }
0x21c: {  	v12 =	vmul.f32 v12, v22;
	v8 =	vadd.f32 v27, v8;
	[tilespmem:s4+$0xFFFFFFC0] =	vst v11;
	v13 =	vadd.f32 v50, v55  }
0x21d: {  	v52 =	vunpack.i.u.bf16.f32 v45;
	v9 =	vmul.f32 v9, v22;
	[tilespmem:s4+$0xFFFFFFD0] =	vst v10  }
0x21e: {  	v56 =	vunpack.i.l.bf16.f32 v53;
	[tilespmem:s4+$0xFFFFFFE0] =	vst v12;
	v54 =	vmul.f32 v52, v8;
	v57 =	vperm.xlane v13, v6  }
0x21f: {  	s0 =	sadd.s32 $0x80, s4;
	v58 =	vunpack.i.u.bf16.f32 v53;
	[tilespmem:s4+$0xFFFFFFF0] =	vst v9;
	v11 =	vmul.f32 v8, v56  }
0x220: {  	v59 =	vunpack.i.l.bf16.f32 v45;
	v10 =	vmul.f32 v8, v58;
	[tilespmem:s0+$0x30] =	vst v54;
	v60 =	vadd.f32 v13, v57  }
0x221: {  	v8 =	vmul.f32 v59, v8;
	[tilespmem:s0+$0x0] =	vst v11  }
0x222: {  	[tilespmem:s0+$0x10] =	vst v10;
	v61 =	vmul.f32 v60, v21  }
0x223: {  	[tilespmem:s0+$0x20] =	vst v8;
	v8 =	vmul.f32 v60, v20  }
0x224: {  	v62 =	vmul.f32 v19, v60;
	[tilespmem:s0+$0xFFFFFFC0] =	vst v61  }
0x225: {  	v9 =	vmul.f32 v18, v60;
	[tilespmem:s0+$0xFFFFFFD0] =	vst v8  }
0x226: {  	[tilespmem:s0+$0xFFFFFFE0] =	vst v62  }
0x227: {  	s20 =	simm.s32 $0x5190;
	[tilespmem:s0+$0xFFFFFFF0] =	vst v9  }
0x228: {  	[spmem:s3] =	stream.indirect.scatter.add.f32 [tilespmem:s18], [sflag:$0x6], $0x40, s20, s25, $0xb8;
	[tilespmem:$0x198D0] =	vst v63  }
0x229: {  	_ =	swait.ge [sflag:s19], $0x1400  }
0x22a: {  	[sflag:s19] =	ssyncset.done $0x0  }
0x22b: {  	[sflag:s19] =	ssyncadd.s32 $0xFFFFEC00  }
0x22c: {  	v8 =	vld [tilespmem:s22+$0x140]  }
0x22d: {  	v63 =	vld [tilespmem:s22+$0x2940];
	_ =	sdelay $0x4  }
0x22e: {  	v8 =	vadd.s32 v7, v8;
	[tilespmem:$0x5140] =	vst v63  }
0x22f: {  	[tilespmem:$0x5050] =	vst v8;
	v8 =	vadd.s32 v7, v63  }
0x230: {  	[tilespmem:$0x5230] =	vst v8  }
0x231: {  	v8 =	vld [tilespmem:s22+$0x150]  }
0x232: {  	v9 =	vld [tilespmem:s22+$0x2950];
	_ =	sdelay $0x4  }
0x233: {  	v8 =	vadd.s32 v7, v8;
	[tilespmem:$0x5150] =	vst v9  }
0x234: {  	[tilespmem:$0x5060] =	vst v8;
	v8 =	vadd.s32 v7, v9  }
0x235: {  	[tilespmem:$0x5240] =	vst v8  }
0x236: {  	v8 =	vld [tilespmem:s22+$0x160]  }
0x237: {  	v9 =	vld [tilespmem:s22+$0x2960];
	_ =	sdelay $0x4  }
0x238: {  	v8 =	vadd.s32 v7, v8;
	[tilespmem:$0x5160] =	vst v9  }
0x239: {  	[tilespmem:$0x5070] =	vst v8;
	v8 =	vadd.s32 v7, v9  }
0x23a: {  	[tilespmem:$0x5250] =	vst v8  }
0x23b: {  	v8 =	vld [tilespmem:s22+$0x170]  }
0x23c: {  	v9 =	vld [tilespmem:s22+$0x2970];
	_ =	sdelay $0x4  }
0x23d: {  	v8 =	vadd.s32 v7, v8;
	[tilespmem:$0x5170] =	vst v9  }
0x23e: {  	[tilespmem:$0x5080] =	vst v8;
	v8 =	vadd.s32 v7, v9  }
0x23f: {  	[tilespmem:$0x5260] =	vst v8  }
0x240: {  	v8 =	vld [tilespmem:s22+$0x180]  }
0x241: {  	v9 =	vld [tilespmem:s22+$0x2980];
	_ =	sdelay $0x3  }
0x242: {  	s10 =	sadd.s32 $0x1, s10  }
0x243: {  	p0 =	sne.s32 s10, $0x2A;
	v8 =	vadd.s32 v7, v8;
	[tilespmem:$0x5180] =	vst v9  }
.Ltmp4:
0x244: {  	[tilespmem:$0x5090] =	vst v8;
	v8 =	vadd.s32 v7, v9;
	(pc) =	sbr.rel @p0 .LBB2_5-.Ltmp4, $4  }
0x245: {  	[tilespmem:$0x5270] =	vst v8  }
0x246: {  	[tilespmem:s1], [sflag:$0x2] =	stream.indirect.gather [hbm4b:s6+s25], $0x40, s31, s25, $0xb8;
	[tilespmem:$0x198D0] =	vst v63  }
0x247: {  	_ = 	snop  }
0x248: {  	[tilespmem:s5], [sflag:$0x2] =	stream.indirect.gather [hbm4b:s2+s25], $0x20, s21, s25, $0xb8;
	[tilespmem:$0x198D0] =	vst v63  }
0x249: {  	_ =	swait.ge [sflag:s9], $0x1400  }
0x24a: {  	[sflag:s9] =	ssyncset.done $0x0  }
0x24b: {  	[sflag:s9] =	ssyncadd.s32 $0xFFFFEC00  }
0x24c: {  	_ =	swait.ge [sflag:s9], $0xA00  }
0x24d: {  	[sflag:s9] =	ssyncset.done $0x0  }
0x24e: {  	s0 =	simm.s32 $0x5310;
	[sflag:s9] =	ssyncadd.s32 $0xFFFFF600  }
0x24f: {  	v7 =	vld [tilespmem:s0+$0x0]  }
0x250: {  	s4 =	simm.s32 $0x8EF0;
	v8 =	vld [tilespmem:s0+$0x10]  }
0x251: {  	v9 =	vld [tilespmem:s4+$0x0]  }
0x252: {  	v10 =	vld [tilespmem:s4+$0x10];
	_ =	sdelay $0x2  }
0x253: {  	v11 =	vunpack.i.u.bf16.f32 v7  }
0x254: {  	v7 =	vunpack.i.l.bf16.f32 v7;
	v12 =	vunpack.i.u.bf16.f32 v8;
	v8 =	vunpack.i.l.bf16.f32 v8  }
0x255: {  	v13 =	vunpack.i.u.bf16.f32 v9;
	v9 =	vunpack.i.l.bf16.f32 v9;
	v14 =	vunpack.i.u.bf16.f32 v10  }
0x256: {  	v10 =	vunpack.i.l.bf16.f32 v10;
	v7 =	vmul.f32 v9, v7;
	v9 =	vmul.f32 v13, v11;
	v11 =	vld [tilespmem:s0+$0xFFFFFFD0]  }
0x257: {  	v8 =	vmul.f32 v10, v8;
	v10 =	vmul.f32 v14, v12;
	v12 =	vld [tilespmem:s4+$0xFFFFFFE0]  }
0x258: {  	v13 =	vld [tilespmem:s0+$0xFFFFFFC0];
	_ =	sdelay $0x1  }
0x259: {  	v7 =	vadd.f32 v7, v9;
	v8 =	vadd.f32 v8, v10;
	v9 =	vld [tilespmem:s4+$0xFFFFFFF0];
	_ =	sdelay $0x1  }
0x25a: {  	v7 =	vadd.f32 v8, v7;
	v8 =	vunpack.i.u.bf16.f32 v11;
	v10 =	vunpack.i.l.bf16.f32 v11  }
0x25b: {  	s7 =	simm.s32 $0x8F30;
	v11 =	vunpack.i.u.bf16.f32 v12;
	v15 =	vunpack.i.u.bf16.f32 v13;
	v13 =	vunpack.i.l.bf16.f32 v13  }
0x25c: {  	s22 =	simm.s32 $0x5390;
	v12 =	vunpack.i.l.bf16.f32 v12;
	v14 =	vperm.xlane v7, v3;
	v11 =	vmul.f32 v11, v15;
	v15 =	vld [tilespmem:s7+$0x0]  }
0x25d: {  	v12 =	vmul.f32 v12, v13;
	v13 =	vld [tilespmem:s22+$0x0];
	v16 =	vunpack.i.l.bf16.f32 v9;
	v9 =	vunpack.i.u.bf16.f32 v9  }
0x25e: {  	v7 =	vadd.f32 v7, v14;
	v10 =	vmul.f32 v16, v10;
	v14 =	vld [tilespmem:s22+$0x10];
	v8 =	vmul.f32 v9, v8  }
0x25f: {  	v11 =	vadd.f32 v12, v11;
	v12 =	vld [tilespmem:s7+$0x10]  }
0x260: {  	v9 =	vperm.xlane v7, v4;
	v8 =	vadd.f32 v10, v8  }
0x261: {  	v19 =	vunpack.i.u.bf16.f32 v15  }
0x262: {  	v15 =	vunpack.i.l.bf16.f32 v15;
	v7 =	vadd.f32 v7, v9;
	v9 =	vld [tilespmem:s0+$0xFFFFFFE0];
	v8 =	vadd.f32 v8, v11  }
0x263: {  	v11 =	vunpack.i.u.bf16.f32 v13;
	v13 =	vunpack.i.l.bf16.f32 v13;
	v17 =	vunpack.i.u.bf16.f32 v14  }
0x264: {  	v16 =	vld [tilespmem:s0+$0xFFFFFFF0];
	v14 =	vunpack.i.l.bf16.f32 v14;
	v20 =	vunpack.i.u.bf16.f32 v12;
	v10 =	vperm.xlane v7, v5  }
0x265: {  	v18 =	vld [tilespmem:s22+$0xFFFFFFD0];
	v12 =	vunpack.i.l.bf16.f32 v12;
	v13 =	vmul.f32 v15, v13;
	v11 =	vmul.f32 v19, v11  }
0x266: {  	v21 =	vld [tilespmem:s7+$0xFFFFFFE0];
	v14 =	vmul.f32 v12, v14;
	v10 =	vadd.f32 v7, v10  }
0x267: {  	v15 =	vld [tilespmem:s22+$0xFFFFFFC0];
	v17 =	vmul.f32 v20, v17;
	v11 =	vadd.f32 v13, v11;
	v7 =	vunpack.i.u.bf16.f32 v9  }
0x268: {  	v19 =	vld [tilespmem:s7+$0xFFFFFFF0];
	v12 =	vunpack.i.l.bf16.f32 v9;
	v9 =	vperm.xlane v8, v3;
	v20 =	vperm.xlane v10, v6  }
0x269: {  	v13 =	vunpack.i.u.bf16.f32 v16;
	v17 =	vadd.f32 v14, v17;
	v14 =	vunpack.i.l.bf16.f32 v16  }
0x26a: {  	v8 =	vadd.f32 v8, v9;
	v9 =	vunpack.i.u.bf16.f32 v18;
	v20 =	vadd.f32 v10, v20  }
0x26b: {  	v22 =	vld [tilespmem:s22+$0xFFFFFFE0];
	v10 =	vadd.f32 v17, v11;
	v11 =	vunpack.i.l.bf16.f32 v18;
	v17 =	vunpack.i.u.bf16.f32 v21  }
0x26c: {  	v16 =	vld [tilespmem:s0+$0x30];
	v18 =	vunpack.i.u.bf16.f32 v15;
	v15 =	vunpack.i.l.bf16.f32 v15;
	v21 =	vunpack.i.l.bf16.f32 v21  }
0x26d: {  	v24 =	vld [tilespmem:s22+$0xFFFFFFF0];
	v25 =	vunpack.i.u.bf16.f32 v19;
	v15 =	vmul.f32 v21, v15  }
0x26e: {  	v19 =	vunpack.i.l.bf16.f32 v19;
	v17 =	vmul.f32 v17, v18;
	v23 =	vperm.xlane v10, v3  }
0x26f: {  	v11 =	vmul.f32 v19, v11;
	v19 =	vld [tilespmem:s0+$0x20];
	v21 =	vmul.f32 v25, v9  }
0x270: {  	s10 =	simm.s32 $0x5410;
	v9 =	vunpack.i.u.bf16.f32 v22;
	v15 =	vadd.f32 v15, v17;
	v18 =	vadd.f32 v10, v23  }
0x271: {  	v27 =	vld [tilespmem:s10+$0x10];
	v21 =	vadd.f32 v11, v21;
	v10 =	vunpack.i.u.bf16.f32 v16;
	v23 =	vperm.xlane v8, v4  }
0x272: {  	s0 =	simm.s32 $0x8F70;
	v11 =	vunpack.i.l.bf16.f32 v24;
	v25 =	vmul.f32 v10, v20;
	v17 =	vperm.xlane v18, v4  }
0x273: {  	v10 =	vunpack.i.l.bf16.f32 v22;
	v23 =	vadd.f32 v8, v23;
	v8 =	vunpack.i.u.bf16.f32 v24;
	v24 =	vld [tilespmem:s0+$0x10]  }
0x274: {  	v26 =	vld [tilespmem:s10+$0x0];
	v22 =	vunpack.i.u.bf16.f32 v19;
	v19 =	vunpack.i.l.bf16.f32 v19;
	v17 =	vadd.f32 v18, v17  }
0x275: {  	v21 =	vadd.f32 v21, v15;
	v61 =	vmul.f32 v20, v19;
	v19 =	vld [tilespmem:s0+$0xFFFFFFF0];
	v15 =	vperm.xlane v23, v5  }
0x276: {  	v31 =	vunpack.i.u.bf16.f32 v27;
	v27 =	vunpack.i.l.bf16.f32 v27;
	v18 =	vld [tilespmem:s0+$0x0];
	v28 =	vperm.xlane v17, v5  }
0x277: {  	v29 =	vunpack.i.l.bf16.f32 v16;
	v16 =	vperm.xlane v21, v3;
	v23 =	vadd.f32 v23, v15  }
0x278: {  	v60 =	vld [tilespmem:s0+$0xFFFFFFE0];
	v34 =	vunpack.i.u.bf16.f32 v24;
	v24 =	vunpack.i.l.bf16.f32 v24;
	v17 =	vadd.f32 v17, v28  }
0x279: {  	v30 =	vld [tilespmem:s10+$0xFFFFFFD0];
	v28 =	vunpack.i.u.bf16.f32 v26;
	v26 =	vunpack.i.l.bf16.f32 v26;
	v24 =	vmul.f32 v24, v27  }
0x27a: {  	v15 =	vld [tilespmem:s22+$0x30];
	v27 =	vmul.f32 v34, v31;
	v31 =	vperm.xlane v23, v6;
	v35 =	vunpack.i.u.bf16.f32 v19  }
0x27b: {  	v32 =	vunpack.i.l.bf16.f32 v18;
	v18 =	vunpack.i.u.bf16.f32 v18;
	v33 =	vperm.xlane v17, v6  }
0x27c: {  	v26 =	vmul.f32 v32, v26;
	v18 =	vmul.f32 v18, v28;
	v28 =	vadd.f32 v21, v16;
	v21 =	vld [tilespmem:s10+$0xFFFFFFC0]  }
0x27d: {  	v19 =	vunpack.i.l.bf16.f32 v19;
	v32 =	vunpack.i.l.bf16.f32 v60;
	v16 =	vadd.f32 v17, v33  }
0x27e: {  	v17 =	vmul.f32 v20, v22;
	v18 =	vadd.f32 v26, v18;
	v22 =	vadd.f32 v24, v27  }
0x27f: {  	v24 =	vmul.f32 v29, v20;
	v20 =	vld [tilespmem:s10+$0xFFFFFFE0];
	v26 =	vunpack.i.u.bf16.f32 v15;
	v27 =	vunpack.i.u.bf16.f32 v30  }
0x280: {  	v63 =	vld [tilespmem:s22+$0x20];
	v27 =	vmul.f32 v35, v27;
	v29 =	vmul.f32 v26, v16;
	v26 =	vunpack.i.u.bf16.f32 v60  }
0x281: {  	v18 =	vadd.f32 v22, v18;
	v22 =	vld [tilespmem:s10+$0xFFFFFFF0];
	v62 =	vunpack.i.u.bf16.f32 v21;
	v21 =	vunpack.i.l.bf16.f32 v21  }
0x282: {  	s7 =	simm.s32 $0xAD10;
	v30 =	vunpack.i.l.bf16.f32 v30;
	v32 =	vmul.f32 v32, v21;
	v26 =	vmul.f32 v26, v62  }
0x283: {  	[tilespmem:s7+$0x30] =	vst v25;
	v21 =	vadd.f32 v23, v31;
	v23 =	vmul.f32 v19, v30;
	v30 =	vperm.xlane v18, v3  }
0x284: {  	[tilespmem:s7+$0x0] =	vst v61;
	v31 =	vperm.xlane v28, v4;
	v19 =	vunpack.i.u.bf16.f32 v20;
	v25 =	vadd.f32 v32, v26  }
0x285: {  	[tilespmem:s7+$0x10] =	vst v17;
	v20 =	vunpack.i.l.bf16.f32 v20;
	v26 =	vadd.f32 v18, v30;
	v27 =	vadd.f32 v23, v27  }
0x286: {  	s4 =	simm.s32 $0xAD90;
	[tilespmem:s7+$0x20] =	vst v24;
	v24 =	vadd.f32 v28, v31;
	v23 =	vunpack.i.l.bf16.f32 v63;
	v17 =	vunpack.i.u.bf16.f32 v22  }
0x287: {  	s8 =	simm.s32 $0x4;
	s17 =	simm.s32 $0x5490;
	[tilespmem:s4+$0x30] =	vst v29;
	v18 =	vunpack.i.l.bf16.f32 v22;
	v22 =	vunpack.i.u.bf16.f32 v63;
	v28 =	vperm.xlane v26, v4  }
.LBB2_13:
0x288: {  	v29 =	vld [tilespmem:s17+$0x0];
	v25 =	vadd.f32 v27, v25;
	v27 =	vperm.xlane v24, v5;
	v30 =	vunpack.i.l.bf16.f32 v15  }
0x289: {  	s0 =	sadd.s32 $0x40, s0;
	v33 =	vmul.f32 v21, v12;
	v31 =	vld [tilespmem:s17+$0x10];
	v15 =	vadd.f32 v26, v28;
	v26 =	vmul.f32 v21, v7;
	v7 =	vmovc v9  }
0x28a: {  	v14 =	vmul.f32 v14, v21;
	v9 =	vmovc v19;
	v28 =	vld [tilespmem:s0+$0x0];
	v32 =	vperm.xlane v25, v3;
	v24 =	vadd.f32 v24, v27  }
0x28b: {  	v12 =	vmovc v10;
	v10 =	vmov v20;
	v19 =	vld [tilespmem:s0+$0x10];
	v27 =	vperm.xlane v15, v5;
	[tilespmem:s7+$0xFFFFFFC0] =	vst v33;
	v33 =	vmul.f32 v13, v21  }
0x28c: {  	s8 =	sadd.s32 $0x2, s8;
	v23 =	vmul.f32 v16, v23;
	v20 =	vld [tilespmem:s17+$0xFFFFFFD0];
	v32 =	vadd.f32 v25, v32;
	v21 =	vperm.xlane v24, v6;
	[tilespmem:s7+$0xFFFFFFD0] =	vst v26  }
0x28d: {  	v22 =	vmul.f32 v16, v22;
	p0 =	slt.u32 s8, $0x4E;
	v26 =	vmul.f32 v30, v16;
	v25 =	vadd.f32 v15, v27;
	v15 =	vld [tilespmem:s10+$0x30];
	[tilespmem:s7+$0xFFFFFFE0] =	vst v14  }
0x28e: {  	v13 =	vmovc v8;
	v8 =	vmovc v17;
	v16 =	vunpack.i.u.bf16.f32 v29;
	v29 =	vunpack.i.l.bf16.f32 v29;
	v27 =	vld [tilespmem:s0+$0xFFFFFFE0];
	v30 =	vunpack.i.u.bf16.f32 v31;
	[tilespmem:s7+$0xFFFFFFF0] =	vst v33;
	s7 =	smov.u32 s4  }
0x28f: {  	v14 =	vmovc v11;
	v11 =	vmovc v18;
	v31 =	vunpack.i.l.bf16.f32 v31;
	v17 =	vld [tilespmem:s0+$0xFFFFFFF0];
	v33 =	vunpack.i.u.bf16.f32 v28;
	v34 =	vperm.xlane v25, v6;
	[tilespmem:s4+$0x0] =	vst v23  }
0x290: {  	v23 =	vunpack.i.l.bf16.f32 v28;
	v18 =	vld [tilespmem:s17+$0xFFFFFFC0];
	v28 =	vunpack.i.u.bf16.f32 v19;
	v19 =	vunpack.i.l.bf16.f32 v19;
	[tilespmem:s4+$0x10] =	vst v22  }
0x291: {  	v23 =	vmul.f32 v23, v29;
	v29 =	vmul.f32 v33, v16;
	v22 =	vld [tilespmem:s17+$0xFFFFFFE0];
	v16 =	vadd.f32 v25, v34;
	[tilespmem:s4+$0x20] =	vst v26  }
0x292: {  	v19 =	vmul.f32 v19, v31;
	v25 =	vmul.f32 v28, v30;
	v33 =	vld [tilespmem:s17+$0xFFFFFFF0];
	v26 =	vunpack.i.u.bf16.f32 v15  }
0x293: {  	v28 =	vunpack.i.u.bf16.f32 v20;
	v20 =	vunpack.i.l.bf16.f32 v20;
	v26 =	vmul.f32 v26, v16  }
0x294: {  	s4 =	sadd.s32 $0x80, s4;
	v23 =	vadd.f32 v23, v29;
	v30 =	vunpack.i.u.bf16.f32 v27;
	v19 =	vadd.f32 v19, v25  }
0x295: {  	v27 =	vunpack.i.l.bf16.f32 v27;
	v25 =	vunpack.i.u.bf16.f32 v18;
	v18 =	vunpack.i.l.bf16.f32 v18;
	v29 =	vld [tilespmem:s10+$0x20];
	[tilespmem:s4+$0x30] =	vst v26;
	s10 =	smov.u32 s17  }
0x296: {  	v26 =	vunpack.i.u.bf16.f32 v17;
	v17 =	vunpack.i.l.bf16.f32 v17;
	v23 =	vadd.f32 v19, v23  }
0x297: {  	v21 =	vadd.f32 v24, v21;
	v18 =	vmul.f32 v27, v18;
	v25 =	vmul.f32 v30, v25  }
.Ltmp5:
0x298: {  	v24 =	vmul.f32 v17, v20;
	v19 =	vunpack.i.u.bf16.f32 v22;
	v27 =	vperm.xlane v23, v3;
	(pc) =	sbr.rel @p0 .LBB2_13-.Ltmp5, $4  }
0x299: {  	v25 =	vadd.f32 v18, v25;
	v18 =	vmul.f32 v26, v28;
	v28 =	vperm.xlane v32, v4  }
0x29a: {  	v20 =	vunpack.i.l.bf16.f32 v22;
	v17 =	vunpack.i.u.bf16.f32 v33;
	v26 =	vadd.f32 v23, v27  }
0x29b: {  	v27 =	vadd.f32 v24, v18;
	v18 =	vunpack.i.l.bf16.f32 v33;
	v24 =	vadd.f32 v32, v28  }
0x29c: {  	s17 =	sadd.s32 $0x80, s17;
	v22 =	vunpack.i.u.bf16.f32 v29;
	v23 =	vunpack.i.l.bf16.f32 v29;
	v28 =	vperm.xlane v26, v4  }
0x29d: {  	_ = 	snop  }
0x29e: {  	v25 =	vadd.f32 v27, v25;
	v26 =	vadd.f32 v26, v28  }
0x29f: {  	v29 =	vperm.xlane v24, v5  }
0x2a0: {  	v27 =	vperm.xlane v25, v3;
	v28 =	vperm.xlane v26, v5  }
0x2a1: {  	v12 =	vmul.f32 v21, v12;
	v7 =	vmul.f32 v21, v7;
	v24 =	vadd.f32 v24, v29  }
0x2a2: {  	v14 =	vmul.f32 v14, v21;
	v25 =	vadd.f32 v25, v27;
	v27 =	vld [tilespmem:s10+$0x30];
	v26 =	vadd.f32 v26, v28  }
0x2a3: {  	[tilespmem:s7+$0xFFFFFFC0] =	vst v12;
	v12 =	vmul.f32 v13, v21;
	v21 =	vperm.xlane v24, v6  }
0x2a4: {  	[tilespmem:s7+$0xFFFFFFD0] =	vst v7;
	v13 =	vperm.xlane v25, v4;
	v7 =	vperm.xlane v26, v6  }
0x2a5: {  	v15 =	vunpack.i.l.bf16.f32 v15;
	v23 =	vmul.f32 v16, v23;
	[tilespmem:s7+$0xFFFFFFE0] =	vst v14;
	v21 =	vadd.f32 v24, v21  }
0x2a6: {  	v14 =	vmul.f32 v16, v22;
	[tilespmem:s7+$0xFFFFFFF0] =	vst v12;
	v12 =	vadd.f32 v25, v13;
	v7 =	vadd.f32 v26, v7  }
0x2a7: {  	[tilespmem:s4+$0x0] =	vst v23;
	v13 =	vmul.f32 v15, v16;
	v16 =	vld [tilespmem:s10+$0x20];
	v10 =	vmul.f32 v21, v10;
	v15 =	vunpack.i.u.bf16.f32 v27  }
0x2a8: {  	[tilespmem:s4+$0x10] =	vst v14;
	v14 =	vmul.f32 v15, v7;
	v15 =	vperm.xlane v12, v5  }
0x2a9: {  	v9 =	vmul.f32 v21, v9;
	[tilespmem:s4+$0x20] =	vst v13  }
0x2aa: {  	v11 =	vmul.f32 v11, v21;
	[tilespmem:s4+$0xFFFFFFC0] =	vst v10;
	v12 =	vadd.f32 v12, v15  }
0x2ab: {  	v8 =	vmul.f32 v8, v21;
	[tilespmem:s4+$0xFFFFFFD0] =	vst v9  }
0x2ac: {  	[tilespmem:s4+$0xFFFFFFE0] =	vst v11;
	v10 =	vunpack.i.l.bf16.f32 v16;
	v13 =	vperm.xlane v12, v6  }
0x2ad: {  	s0 =	sadd.s32 $0x80, s4;
	[tilespmem:s4+$0xFFFFFFF0] =	vst v8;
	v9 =	vunpack.i.u.bf16.f32 v16;
	v10 =	vmul.f32 v7, v10  }
0x2ae: {  	v11 =	vunpack.i.l.bf16.f32 v27;
	[tilespmem:s0+$0x30] =	vst v14;
	v9 =	vmul.f32 v7, v9;
	v8 =	vadd.f32 v12, v13  }
0x2af: {  	v7 =	vmul.f32 v11, v7;
	[tilespmem:s0+$0x0] =	vst v10  }
0x2b0: {  	[tilespmem:s0+$0x10] =	vst v9;
	v9 =	vmul.f32 v8, v20  }
0x2b1: {  	[tilespmem:s0+$0x20] =	vst v7;
	v7 =	vmul.f32 v8, v19  }
0x2b2: {  	v10 =	vmul.f32 v18, v8;
	[tilespmem:s0+$0xFFFFFFC0] =	vst v9  }
0x2b3: {  	v8 =	vmul.f32 v17, v8;
	[tilespmem:s0+$0xFFFFFFD0] =	vst v7  }
0x2b4: {  	[tilespmem:s0+$0xFFFFFFE0] =	vst v10  }
0x2b5: {  	[tilespmem:s0+$0xFFFFFFF0] =	vst v8  }
0x2b6: {  	[spmem:s3] =	stream.indirect.scatter.add.f32 [tilespmem:s23], [sflag:$0x4], $0x40, s11, s25, $0xb8;
	[tilespmem:$0x198D0] =	vst v63  }
0x2b7: {  	_ =	swait.ge [sflag:s12], $0x1400  }
0x2b8: {  	[sflag:s12] =	ssyncset.done $0x0  }
0x2b9: {  	[sflag:s12] =	ssyncadd.s32 $0xFFFFEC00  }
0x2ba: {  	_ =	swait.ge [sflag:s12], $0xA00  }
0x2bb: {  	[sflag:s12] =	ssyncset.done $0x0  }
0x2bc: {  	s10 =	simm.s32 $0x6710;
	[sflag:s12] =	ssyncadd.s32 $0xFFFFF600  }
0x2bd: {  	v7 =	vld [tilespmem:s10+$0x0]  }
0x2be: {  	s17 =	simm.s32 $0x98F0;
	v8 =	vld [tilespmem:s10+$0x10]  }
0x2bf: {  	v9 =	vld [tilespmem:s17+$0x0]  }
0x2c0: {  	v10 =	vld [tilespmem:s17+$0x10];
	_ =	sdelay $0x2  }
0x2c1: {  	v11 =	vunpack.i.u.bf16.f32 v7  }
0x2c2: {  	v7 =	vunpack.i.l.bf16.f32 v7;
	v12 =	vunpack.i.u.bf16.f32 v8;
	v8 =	vunpack.i.l.bf16.f32 v8  }
0x2c3: {  	v13 =	vunpack.i.u.bf16.f32 v9;
	v9 =	vunpack.i.l.bf16.f32 v9;
	v14 =	vunpack.i.u.bf16.f32 v10  }
0x2c4: {  	v10 =	vunpack.i.l.bf16.f32 v10;
	v7 =	vmul.f32 v9, v7;
	v9 =	vmul.f32 v13, v11;
	v11 =	vld [tilespmem:s10+$0xFFFFFFD0]  }
0x2c5: {  	v8 =	vmul.f32 v10, v8;
	v10 =	vmul.f32 v14, v12;
	v12 =	vld [tilespmem:s17+$0xFFFFFFE0]  }
0x2c6: {  	v13 =	vld [tilespmem:s10+$0xFFFFFFC0];
	_ =	sdelay $0x1  }
0x2c7: {  	v7 =	vadd.f32 v7, v9;
	v8 =	vadd.f32 v8, v10;
	v9 =	vld [tilespmem:s17+$0xFFFFFFF0];
	_ =	sdelay $0x1  }
0x2c8: {  	v7 =	vadd.f32 v8, v7;
	v8 =	vunpack.i.u.bf16.f32 v11;
	v10 =	vunpack.i.l.bf16.f32 v11  }
0x2c9: {  	s22 =	simm.s32 $0x9930;
	v11 =	vunpack.i.u.bf16.f32 v12;
	v15 =	vunpack.i.u.bf16.f32 v13;
	v13 =	vunpack.i.l.bf16.f32 v13  }
0x2ca: {  	s20 =	simm.s32 $0x6790;
	v12 =	vunpack.i.l.bf16.f32 v12;
	v14 =	vperm.xlane v7, v3;
	v11 =	vmul.f32 v11, v15;
	v15 =	vld [tilespmem:s22+$0x0]  }
0x2cb: {  	v12 =	vmul.f32 v12, v13;
	v13 =	vld [tilespmem:s20+$0x0];
	v16 =	vunpack.i.l.bf16.f32 v9;
	v9 =	vunpack.i.u.bf16.f32 v9  }
0x2cc: {  	v7 =	vadd.f32 v7, v14;
	v10 =	vmul.f32 v16, v10;
	v14 =	vld [tilespmem:s20+$0x10];
	v8 =	vmul.f32 v9, v8  }
0x2cd: {  	v11 =	vadd.f32 v12, v11;
	v12 =	vld [tilespmem:s22+$0x10]  }
0x2ce: {  	v9 =	vperm.xlane v7, v4;
	v8 =	vadd.f32 v10, v8  }
0x2cf: {  	v19 =	vunpack.i.u.bf16.f32 v15  }
0x2d0: {  	v15 =	vunpack.i.l.bf16.f32 v15;
	v7 =	vadd.f32 v7, v9;
	v9 =	vld [tilespmem:s10+$0xFFFFFFE0];
	v8 =	vadd.f32 v8, v11  }
0x2d1: {  	v11 =	vunpack.i.u.bf16.f32 v13;
	v13 =	vunpack.i.l.bf16.f32 v13;
	v17 =	vunpack.i.u.bf16.f32 v14  }
0x2d2: {  	v16 =	vld [tilespmem:s10+$0xFFFFFFF0];
	v14 =	vunpack.i.l.bf16.f32 v14;
	v20 =	vunpack.i.u.bf16.f32 v12;
	v10 =	vperm.xlane v7, v5  }
0x2d3: {  	v18 =	vld [tilespmem:s20+$0xFFFFFFD0];
	v12 =	vunpack.i.l.bf16.f32 v12;
	v13 =	vmul.f32 v15, v13;
	v11 =	vmul.f32 v19, v11  }
0x2d4: {  	v21 =	vld [tilespmem:s22+$0xFFFFFFE0];
	v14 =	vmul.f32 v12, v14;
	v10 =	vadd.f32 v7, v10  }
0x2d5: {  	v15 =	vld [tilespmem:s20+$0xFFFFFFC0];
	v17 =	vmul.f32 v20, v17;
	v11 =	vadd.f32 v13, v11;
	v7 =	vunpack.i.u.bf16.f32 v9  }
0x2d6: {  	v19 =	vld [tilespmem:s22+$0xFFFFFFF0];
	v12 =	vunpack.i.l.bf16.f32 v9;
	v9 =	vperm.xlane v8, v3;
	v20 =	vperm.xlane v10, v6  }
0x2d7: {  	v13 =	vunpack.i.u.bf16.f32 v16;
	v17 =	vadd.f32 v14, v17;
	v14 =	vunpack.i.l.bf16.f32 v16  }
0x2d8: {  	v8 =	vadd.f32 v8, v9;
	v9 =	vunpack.i.u.bf16.f32 v18;
	v20 =	vadd.f32 v10, v20  }
0x2d9: {  	v22 =	vld [tilespmem:s20+$0xFFFFFFE0];
	v10 =	vadd.f32 v17, v11;
	v11 =	vunpack.i.l.bf16.f32 v18;
	v17 =	vunpack.i.u.bf16.f32 v21  }
0x2da: {  	v24 =	vld [tilespmem:s20+$0xFFFFFFF0];
	v18 =	vunpack.i.u.bf16.f32 v15;
	v15 =	vunpack.i.l.bf16.f32 v15;
	v21 =	vunpack.i.l.bf16.f32 v21  }
0x2db: {  	v16 =	vld [tilespmem:s10+$0x30];
	v25 =	vunpack.i.u.bf16.f32 v19;
	v19 =	vunpack.i.l.bf16.f32 v19;
	v15 =	vmul.f32 v21, v15  }
0x2dc: {  	v17 =	vmul.f32 v17, v18;
	v11 =	vmul.f32 v19, v11  }
0x2dd: {  	v21 =	vmul.f32 v25, v9;
	v23 =	vperm.xlane v10, v3  }
0x2de: {  	v19 =	vld [tilespmem:s10+$0x20];
	v15 =	vadd.f32 v15, v17  }
0x2df: {  	v9 =	vunpack.i.u.bf16.f32 v22;
	v21 =	vadd.f32 v11, v21;
	v18 =	vadd.f32 v10, v23  }
0x2e0: {  	s10 =	simm.s32 $0x6810;
	v11 =	vunpack.i.l.bf16.f32 v24;
	v10 =	vunpack.i.u.bf16.f32 v16;
	v23 =	vperm.xlane v8, v4  }
0x2e1: {  	s0 =	simm.s32 $0x9970;
	v27 =	vld [tilespmem:s10+$0x10];
	v25 =	vmul.f32 v10, v20;
	v10 =	vunpack.i.l.bf16.f32 v22;
	v17 =	vperm.xlane v18, v4  }
0x2e2: {  	v21 =	vadd.f32 v21, v15;
	v23 =	vadd.f32 v8, v23;
	v8 =	vunpack.i.u.bf16.f32 v24;
	v24 =	vld [tilespmem:s0+$0x10]  }
0x2e3: {  	v26 =	vld [tilespmem:s10+$0x0];
	v22 =	vunpack.i.u.bf16.f32 v19;
	v19 =	vunpack.i.l.bf16.f32 v19;
	v17 =	vadd.f32 v18, v17  }
0x2e4: {  	v61 =	vmul.f32 v20, v19;
	v19 =	vld [tilespmem:s0+$0xFFFFFFF0];
	v15 =	vperm.xlane v23, v5  }
0x2e5: {  	v29 =	vunpack.i.l.bf16.f32 v16;
	v16 =	vperm.xlane v21, v3;
	v18 =	vld [tilespmem:s0+$0x0];
	v28 =	vperm.xlane v17, v5  }
0x2e6: {  	v31 =	vunpack.i.u.bf16.f32 v27;
	v27 =	vunpack.i.l.bf16.f32 v27;
	v23 =	vadd.f32 v23, v15  }
0x2e7: {  	v60 =	vld [tilespmem:s0+$0xFFFFFFE0];
	v34 =	vunpack.i.u.bf16.f32 v24;
	v24 =	vunpack.i.l.bf16.f32 v24;
	v17 =	vadd.f32 v17, v28  }
0x2e8: {  	v30 =	vld [tilespmem:s10+$0xFFFFFFD0];
	v28 =	vunpack.i.u.bf16.f32 v26;
	v26 =	vunpack.i.l.bf16.f32 v26;
	v24 =	vmul.f32 v24, v27  }
0x2e9: {  	v15 =	vld [tilespmem:s20+$0x30];
	v27 =	vmul.f32 v34, v31;
	v31 =	vperm.xlane v23, v6;
	v35 =	vunpack.i.u.bf16.f32 v19  }
0x2ea: {  	v32 =	vunpack.i.l.bf16.f32 v18;
	v18 =	vunpack.i.u.bf16.f32 v18;
	v33 =	vperm.xlane v17, v6  }
0x2eb: {  	v26 =	vmul.f32 v32, v26;
	v18 =	vmul.f32 v18, v28;
	v28 =	vadd.f32 v21, v16;
	v21 =	vld [tilespmem:s10+$0xFFFFFFC0]  }
0x2ec: {  	v19 =	vunpack.i.l.bf16.f32 v19;
	v32 =	vunpack.i.l.bf16.f32 v60;
	v16 =	vadd.f32 v17, v33  }
0x2ed: {  	v17 =	vmul.f32 v20, v22;
	v18 =	vadd.f32 v26, v18;
	v22 =	vadd.f32 v24, v27  }
0x2ee: {  	v24 =	vmul.f32 v29, v20;
	v20 =	vld [tilespmem:s10+$0xFFFFFFE0];
	v26 =	vunpack.i.u.bf16.f32 v15;
	v27 =	vunpack.i.u.bf16.f32 v30  }
0x2ef: {  	v63 =	vld [tilespmem:s20+$0x20];
	v27 =	vmul.f32 v35, v27;
	v29 =	vmul.f32 v26, v16;
	v26 =	vunpack.i.u.bf16.f32 v60  }
0x2f0: {  	v18 =	vadd.f32 v22, v18;
	v22 =	vld [tilespmem:s10+$0xFFFFFFF0];
	v62 =	vunpack.i.u.bf16.f32 v21;
	v21 =	vunpack.i.l.bf16.f32 v21  }
0x2f1: {  	s7 =	simm.s32 $0xC110;
	v30 =	vunpack.i.l.bf16.f32 v30;
	v32 =	vmul.f32 v32, v21;
	v26 =	vmul.f32 v26, v62  }
0x2f2: {  	[tilespmem:s7+$0x30] =	vst v25;
	v21 =	vadd.f32 v23, v31;
	v23 =	vmul.f32 v19, v30;
	v30 =	vperm.xlane v18, v3  }
0x2f3: {  	[tilespmem:s7+$0x0] =	vst v61;
	v31 =	vperm.xlane v28, v4;
	v19 =	vunpack.i.u.bf16.f32 v20;
	v25 =	vadd.f32 v32, v26  }
0x2f4: {  	[tilespmem:s7+$0x10] =	vst v17;
	v20 =	vunpack.i.l.bf16.f32 v20;
	v26 =	vadd.f32 v18, v30;
	v27 =	vadd.f32 v23, v27  }
0x2f5: {  	s4 =	simm.s32 $0xC190;
	[tilespmem:s7+$0x20] =	vst v24;
	v24 =	vadd.f32 v28, v31;
	v23 =	vunpack.i.l.bf16.f32 v63;
	v17 =	vunpack.i.u.bf16.f32 v22  }
0x2f6: {  	s8 =	simm.s32 $0x4;
	s17 =	simm.s32 $0x6890;
	[tilespmem:s4+$0x30] =	vst v29;
	v18 =	vunpack.i.l.bf16.f32 v22;
	v22 =	vunpack.i.u.bf16.f32 v63;
	v28 =	vperm.xlane v26, v4  }
.LBB2_15:
0x2f7: {  	v29 =	vld [tilespmem:s17+$0x0];
	v25 =	vadd.f32 v27, v25;
	v27 =	vperm.xlane v24, v5;
	v30 =	vunpack.i.l.bf16.f32 v15  }
0x2f8: {  	s0 =	sadd.s32 $0x40, s0;
	v33 =	vmul.f32 v21, v12;
	v31 =	vld [tilespmem:s17+$0x10];
	v15 =	vadd.f32 v26, v28;
	v26 =	vmul.f32 v21, v7;
	v7 =	vmovc v9  }
0x2f9: {  	v14 =	vmul.f32 v14, v21;
	v9 =	vmovc v19;
	v28 =	vld [tilespmem:s0+$0x0];
	v32 =	vperm.xlane v25, v3;
	v24 =	vadd.f32 v24, v27  }
0x2fa: {  	v12 =	vmovc v10;
	v10 =	vmov v20;
	v19 =	vld [tilespmem:s0+$0x10];
	v27 =	vperm.xlane v15, v5;
	[tilespmem:s7+$0xFFFFFFC0] =	vst v33;
	v33 =	vmul.f32 v13, v21  }
0x2fb: {  	s8 =	sadd.s32 $0x2, s8;
	v23 =	vmul.f32 v16, v23;
	v20 =	vld [tilespmem:s17+$0xFFFFFFD0];
	v32 =	vadd.f32 v25, v32;
	v21 =	vperm.xlane v24, v6;
	[tilespmem:s7+$0xFFFFFFD0] =	vst v26  }
0x2fc: {  	v22 =	vmul.f32 v16, v22;
	p0 =	slt.u32 s8, $0x4E;
	v26 =	vmul.f32 v30, v16;
	v25 =	vadd.f32 v15, v27;
	v15 =	vld [tilespmem:s10+$0x30];
	[tilespmem:s7+$0xFFFFFFE0] =	vst v14  }
0x2fd: {  	v13 =	vmovc v8;
	v8 =	vmovc v17;
	v16 =	vunpack.i.u.bf16.f32 v29;
	v29 =	vunpack.i.l.bf16.f32 v29;
	v27 =	vld [tilespmem:s0+$0xFFFFFFE0];
	v30 =	vunpack.i.u.bf16.f32 v31;
	[tilespmem:s7+$0xFFFFFFF0] =	vst v33;
	s7 =	smov.u32 s4  }
0x2fe: {  	v14 =	vmovc v11;
	v11 =	vmovc v18;
	v31 =	vunpack.i.l.bf16.f32 v31;
	v17 =	vld [tilespmem:s0+$0xFFFFFFF0];
	v33 =	vunpack.i.u.bf16.f32 v28;
	v34 =	vperm.xlane v25, v6;
	[tilespmem:s4+$0x0] =	vst v23  }
0x2ff: {  	v23 =	vunpack.i.l.bf16.f32 v28;
	v18 =	vld [tilespmem:s17+$0xFFFFFFC0];
	v28 =	vunpack.i.u.bf16.f32 v19;
	v19 =	vunpack.i.l.bf16.f32 v19;
	[tilespmem:s4+$0x10] =	vst v22  }
0x300: {  	v23 =	vmul.f32 v23, v29;
	v29 =	vmul.f32 v33, v16;
	v22 =	vld [tilespmem:s17+$0xFFFFFFE0];
	v16 =	vadd.f32 v25, v34;
	[tilespmem:s4+$0x20] =	vst v26  }
0x301: {  	v19 =	vmul.f32 v19, v31;
	v25 =	vmul.f32 v28, v30;
	v33 =	vld [tilespmem:s17+$0xFFFFFFF0];
	v26 =	vunpack.i.u.bf16.f32 v15  }
0x302: {  	v28 =	vunpack.i.u.bf16.f32 v20;
	v20 =	vunpack.i.l.bf16.f32 v20;
	v26 =	vmul.f32 v26, v16  }
0x303: {  	s4 =	sadd.s32 $0x80, s4;
	v23 =	vadd.f32 v23, v29;
	v30 =	vunpack.i.u.bf16.f32 v27;
	v19 =	vadd.f32 v19, v25  }
0x304: {  	v27 =	vunpack.i.l.bf16.f32 v27;
	v25 =	vunpack.i.u.bf16.f32 v18;
	v18 =	vunpack.i.l.bf16.f32 v18;
	v29 =	vld [tilespmem:s10+$0x20];
	[tilespmem:s4+$0x30] =	vst v26;
	s10 =	smov.u32 s17  }
0x305: {  	v26 =	vunpack.i.u.bf16.f32 v17;
	v17 =	vunpack.i.l.bf16.f32 v17;
	v23 =	vadd.f32 v19, v23  }
0x306: {  	v21 =	vadd.f32 v24, v21;
	v18 =	vmul.f32 v27, v18;
	v25 =	vmul.f32 v30, v25  }
.Ltmp6:
0x307: {  	v24 =	vmul.f32 v17, v20;
	v19 =	vunpack.i.u.bf16.f32 v22;
	v27 =	vperm.xlane v23, v3;
	(pc) =	sbr.rel @p0 .LBB2_15-.Ltmp6, $4  }
0x308: {  	v25 =	vadd.f32 v18, v25;
	v18 =	vmul.f32 v26, v28;
	v28 =	vperm.xlane v32, v4  }
0x309: {  	v20 =	vunpack.i.l.bf16.f32 v22;
	v17 =	vunpack.i.u.bf16.f32 v33;
	v26 =	vadd.f32 v23, v27  }
0x30a: {  	v27 =	vadd.f32 v24, v18;
	v18 =	vunpack.i.l.bf16.f32 v33;
	v24 =	vadd.f32 v32, v28  }
0x30b: {  	s17 =	sadd.s32 $0x80, s17;
	v22 =	vunpack.i.u.bf16.f32 v29;
	v23 =	vunpack.i.l.bf16.f32 v29;
	v28 =	vperm.xlane v26, v4  }
0x30c: {  	v25 =	vadd.f32 v27, v25;
	_ =	sdelay $0x1  }
0x30d: {  	v29 =	vperm.xlane v24, v5;
	v27 =	vperm.xlane v25, v3  }
0x30e: {  	v12 =	vmul.f32 v21, v12;
	v7 =	vmul.f32 v21, v7;
	v26 =	vadd.f32 v26, v28  }
0x30f: {  	v14 =	vmul.f32 v14, v21;
	v24 =	vadd.f32 v24, v29;
	v25 =	vadd.f32 v25, v27  }
0x310: {  	v48 =	vmul.f32 v13, v21;
	[tilespmem:s7+$0xFFFFFFC0] =	vst v12;
	v28 =	vperm.xlane v26, v5  }
0x311: {  	[tilespmem:s7+$0xFFFFFFD0] =	vst v7;
	v50 =	vperm.xlane v24, v6;
	v49 =	vperm.xlane v25, v4  }
0x312: {  	v15 =	vunpack.i.l.bf16.f32 v15;
	v23 =	vmul.f32 v16, v23;
	[tilespmem:s7+$0xFFFFFFE0] =	vst v14;
	v26 =	vadd.f32 v26, v28  }
0x313: {  	v47 =	vld [tilespmem:s10+$0x30];
	v51 =	vmul.f32 v16, v22;
	[tilespmem:s7+$0xFFFFFFF0] =	vst v48;
	v21 =	vadd.f32 v24, v50;
	v52 =	vadd.f32 v25, v49  }
0x314: {  	v55 =	vld [tilespmem:s10+$0x20];
	v53 =	vmul.f32 v15, v16;
	[tilespmem:s4+$0x0] =	vst v23;
	v7 =	vperm.xlane v26, v6  }
0x315: {  	[tilespmem:s4+$0x10] =	vst v51;
	v10 =	vmul.f32 v21, v10;
	v57 =	vperm.xlane v52, v5  }
0x316: {  	[tilespmem:s4+$0x20] =	vst v53;
	v9 =	vmul.f32 v21, v9  }
0x317: {  	v11 =	vmul.f32 v11, v21;
	v7 =	vadd.f32 v26, v7;
	[tilespmem:s4+$0xFFFFFFC0] =	vst v10;
	v12 =	vadd.f32 v52, v57  }
0x318: {  	v54 =	vunpack.i.u.bf16.f32 v47;
	v8 =	vmul.f32 v8, v21;
	[tilespmem:s4+$0xFFFFFFD0] =	vst v9  }
0x319: {  	v58 =	vunpack.i.l.bf16.f32 v55;
	[tilespmem:s4+$0xFFFFFFE0] =	vst v11;
	v56 =	vmul.f32 v54, v7;
	v59 =	vperm.xlane v12, v6  }
0x31a: {  	s0 =	sadd.s32 $0x80, s4;
	v60 =	vunpack.i.u.bf16.f32 v55;
	[tilespmem:s4+$0xFFFFFFF0] =	vst v8;
	v10 =	vmul.f32 v7, v58  }
0x31b: {  	v61 =	vunpack.i.l.bf16.f32 v47;
	v9 =	vmul.f32 v7, v60;
	[tilespmem:s0+$0x30] =	vst v56;
	v8 =	vadd.f32 v12, v59  }
0x31c: {  	v7 =	vmul.f32 v61, v7;
	[tilespmem:s0+$0x0] =	vst v10  }
0x31d: {  	[tilespmem:s0+$0x10] =	vst v9;
	v62 =	vmul.f32 v8, v20  }
0x31e: {  	[tilespmem:s0+$0x20] =	vst v7;
	v7 =	vmul.f32 v8, v19  }
0x31f: {  	v63 =	vmul.f32 v18, v8;
	[tilespmem:s0+$0xFFFFFFC0] =	vst v62  }
0x320: {  	v8 =	vmul.f32 v17, v8;
	[tilespmem:s0+$0xFFFFFFD0] =	vst v7  }
0x321: {  	[tilespmem:s0+$0xFFFFFFE0] =	vst v63  }
0x322: {  	s22 =	simm.s32 $0x6;
	[tilespmem:s0+$0xFFFFFFF0] =	vst v8  }
0x323: {  	[spmem:s3] =	stream.indirect.scatter.add.f32 [tilespmem:s14], [sflag:$0x5], $0x40, s13, s25, $0xb8;
	[tilespmem:$0x198D0] =	vst v63  }
0x324: {  	_ =	swait.ge [sflag:s22], $0x1400  }
0x325: {  	[sflag:s22] =	ssyncset.done $0x0  }
0x326: {  	[sflag:s22] =	ssyncadd.s32 $0xFFFFEC00  }
0x327: {  	_ =	swait.ge [sflag:s15], $0x1400  }
0x328: {  	[sflag:s15] =	ssyncset.done $0x0  }
0x329: {  	s10 =	rddreg [dreg:$0x15];
	[sflag:s15] =	ssyncadd.s32 $0xFFFFEC00  }
0x32a: {  	s7 =	rddreg [dreg:$0x4];
	s4 =	sshll.u32 s10, $0x1;
	_ =	swait.ge [sflag:s19], $0x1400  }
0x32b: {  	s0 =	sor.u32 s7, s4;
	[sflag:s19] =	ssyncset.done $0x0  }
0x32c: {  	s0 =	smul.u32 $0x2800, s0;
	[sflag:s19] =	ssyncadd.s32 $0xFFFFEC00  }
0x32d: {  	s8 =	rddreg [dreg:$0x6];
	[bflag:$0x0] =	sbarrier.arrive $0xFFFF  }
0x32e: {  	s17 =	stileid.u32;
	s0 =	sadd.s32 s8, s0;
	s20 =	rddreg [dreg:$0x5]  }
0x32f: {  	s4 =	sshll.u32 s17, $0x6;
	s0 =	sshll.u32 s0, $0x3;
	s8 =	rddreg [dreg:$0x8]  }
0x330: {  	s4 =	sor.u32 $0x1C07, s4;
	s0 =	sadd.s32 s20, s0;
	s22 =	sshrl.u32 s8, $0x3  }
0x331: {  	[hbm:s0], [sflag:s4] =	dma.local [spmem:s22], $0x1400  }
0x332: {  	_ =	swait.ge [sflag:s24], $0x1400  }
0x333: {  	[sflag:s24] =	ssyncset.done $0x0  }
0x334: {  	s4 =	simm.s32 $0xE8D0;
	[sflag:s24] =	ssyncadd.s32 $0xFFFFEC00  }
0x335: {  	[spmem:s8] =	stream.linear.scatter [tilespmem:s4], [sflag:$0x7], $0x1000, $0x38;
	[tilespmem:$0x198D0] =	vst v63  }
0x336: {  	_ =	swait.ge [sflag:s24], $0x1000  }
0x337: {  	[sflag:s24] =	ssyncset.done $0x0  }
0x338: {  	s8 =	rddreg [dreg:$0xa];
	[sflag:s24] =	ssyncadd.s32 $0xFFFFF000  }
0x339: {  	[spmem:s8] =	stream.linear.scatter [tilespmem:s4], [sflag:$0x7], $0x1000, $0x38;
	[tilespmem:$0x198D0] =	vst v63  }
0x33a: {  	_ =	swait.ge [sflag:s24], $0x1000  }
0x33b: {  	[sflag:s24] =	ssyncset.done $0x0  }
0x33c: {  	s17 =	rddreg [dreg:$0xb];
	[sflag:s24] =	ssyncadd.s32 $0xFFFFF000  }
0x33d: {  	[spmem:s17] =	stream.linear.scatter [tilespmem:s4], [sflag:$0x7], $0x1000, $0x38;
	[tilespmem:$0x198D0] =	vst v63  }
0x33e: {  	_ =	swait.ge [sflag:s24], $0x1000  }
0x33f: {  	[sflag:s24] =	ssyncset.done $0x0  }
0x340: {  	s20 =	rddreg [dreg:$0xc];
	[sflag:s24] =	ssyncadd.s32 $0xFFFFF000  }
0x341: {  	[spmem:s20] =	stream.linear.scatter [tilespmem:s4], [sflag:$0x7], $0x1000, $0x38;
	[tilespmem:$0x198D0] =	vst v63  }
0x342: {  	_ =	swait.ge [sflag:s24], $0x1000  }
0x343: {  	[sflag:s24] =	ssyncset.done $0x0  }
0x344: {  	s22 =	rddreg [dreg:$0xd];
	[sflag:s24] =	ssyncadd.s32 $0xFFFFF000  }
0x345: {  	[spmem:s22] =	stream.linear.scatter [tilespmem:s4], [sflag:$0x7], $0x1000, $0x38;
	[tilespmem:$0x198D0] =	vst v63  }
0x346: {  	_ =	swait.ge [sflag:s24], $0x1000  }
0x347: {  	[sflag:s24] =	ssyncset.done $0x0  }
0x348: {  	s7 =	rddreg [dreg:$0xe];
	[sflag:s24] =	ssyncadd.s32 $0xFFFFF000  }
0x349: {  	[spmem:s7] =	stream.linear.scatter [tilespmem:s4], [sflag:$0x7], $0x1000, $0x38;
	[tilespmem:$0x198D0] =	vst v63  }
0x34a: {  	_ =	swait.ge [sflag:s24], $0x1000  }
0x34b: {  	[sflag:s24] =	ssyncset.done $0x0  }
0x34c: {  	s8 =	rddreg [dreg:$0xf];
	[sflag:s24] =	ssyncadd.s32 $0xFFFFF000  }
0x34d: {  	[spmem:s8] =	stream.linear.scatter [tilespmem:s4], [sflag:$0x7], $0x1000, $0x38;
	[tilespmem:$0x198D0] =	vst v63  }
0x34e: {  	_ =	swait.ge [sflag:s24], $0x1000  }
0x34f: {  	[sflag:s24] =	ssyncset.done $0x0  }
0x350: {  	s17 =	rddreg [dreg:$0x10];
	[sflag:s24] =	ssyncadd.s32 $0xFFFFF000  }
0x351: {  	[spmem:s17] =	stream.linear.scatter [tilespmem:s4], [sflag:$0x7], $0x1000, $0x38;
	[tilespmem:$0x198D0] =	vst v63  }
0x352: {  	_ =	swait.ge [sflag:s24], $0x1000  }
0x353: {  	[sflag:s24] =	ssyncset.done $0x0  }
0x354: {  	s20 =	rddreg [dreg:$0x11];
	[sflag:s24] =	ssyncadd.s32 $0xFFFFF000  }
0x355: {  	[spmem:s20] =	stream.linear.scatter [tilespmem:s4], [sflag:$0x7], $0x1000, $0x38;
	[tilespmem:$0x198D0] =	vst v63  }
0x356: {  	s10 =	sadd.s32 $0x1, s10;
	_ =	swait.ge [sflag:s24], $0x1000  }
0x357: {  	p0 =	sne.s32 s10, $0x8;
	[sflag:s24] =	ssyncset.done $0x0  }
.Ltmp7:
0x358: {  	s22 =	rddreg [dreg:$0x12];
	[sflag:s24] =	ssyncadd.s32 $0xFFFFF000;
	(pc) =	sbr.rel @p0 .LBB2_4-.Ltmp7, $4  }
0x359: {  	[spmem:s22] =	stream.linear.scatter [tilespmem:s4], [sflag:$0x7], $0x1000, $0x38;
	[tilespmem:$0x198D0] =	vst v63  }
0x35a: {  	_ =	swait.ge [sflag:s24], $0x1000  }
0x35b: {  	[sflag:s24] =	ssyncset.done $0x0  }
0x35c: {  	[sflag:s24] =	ssyncadd.s32 $0xFFFFF000  }
0x35d: {  	s4 =	rddreg [dreg:$0x14]  }
0x35e: {  	s0 =	rddreg [dreg:$0x13];
	s4 =	sadd.s32 $0x1, s4  }
0x35f: {  	p0 =	sne.s32 s4, s0  }
.Ltmp8:
0x360: {  	_ = 	snop;
	(pc) =	sbr.rel @p0 .LBB2_1-.Ltmp8, $1  }
0x361: {  	_ =	sdelay $0x3  }
0x362: {  	_ =	sfence.sel $0x180000  }
0x363: {  	[bflag:$0x0] =	sbarrier.arrive $0xFFFF  }
0x364: {  	_ =	strace $0x9000004A  }
0x365: {  	s0 =	stileid.u32;
	[bflag:$0x2] =	sbarrier.arrive $0xFFFF  }
0x366: {  	p0 =	sne.s32 s0, $0x0;
	s0 =	rddreg [dreg:$0x3]  }
0x367: {  	s0 =	sadd.s32 @!p0 $0x100000, s0  }
0x368: {  	[sflag:s0] =	ssyncadd.tile.s32 @!p0 $0x1;
	_ =	shalt  }
.Lfunc_end2:
_tile_overlayer_lowered:
.L_overlay_start_2:
0x369: {  	(tag) =	ssettag $0x2  }
0x36a: {  	s0 =	rddreg [dreg:$0x0];
	s2 =	stileid.u32  }
0x36b: {  	s1 =	rddreg [dreg:$0x1];
	p0 =	sne.s32 s2, $0x0  }
0x36c: {  	s3 =	rddreg [dreg:$0x2];
	[bflag:$0x3] =	sbarrier.arrive $0xFFFF;
	s2 =	simm.s32 @!p0 $0x1C07  }
0x36d: {  	[timem:s3], [sflag:s2] =	dma.local @!p0 [hbm:s0], s1  }
0x36e: {  	s0 =	simm.s32 @!p0 $0x7  }
0x36f: {  	_ =	swait.ge @!p0 [sflag:s0], s1  }
0x370: {  	s1 =	ssub.s32 @!p0 $0x0, s1;
	[sflag:s0] =	ssyncset.done @!p0 $0x0  }
0x371: {  	[sflag:s0] =	ssyncadd.s32 @!p0 s1  }
0x372: {  	[bflag:$0x3] =	sbarrier.arrive $0xFFFF  }
0x373: {  	_ =	shalt  }

// kernel: sparse-core-data-format-call.cloned.1.call-start
scs
called_computation_lowered:
.L_overlay_start_0:
0x0: {  	s1 =	sld [smem:$0x3FD9]  }
0x1: {  	s2 =	sld [smem:$0x3FFE];
	_ =	sdelay $0x1  }
0x2: {  	s3 =	srdreg.scid  }
0x3: {  	s0 =	sand.u32 $0x1, s3  }
0x4: {  	s17 =	sshll.u32 s0, $0xA;
	s1 =	sadd.s32 s2, s1  }
0x5: {  	s1 =	sadd.s32 s1, s17  }
0x6: {  	[smem:$0x3FC0] =	sst s1  }
0x7: {  	_ = 	snop  }
0x8: {  	(tm) =	ssettm $0x1  }
0x9: {  	s18 =	sld [smem:$0x3FFB];
	_ =	sdelay $0x3  }
0xa: {  	_ =	strace s18  }
0xb: {  	s1 =	sld [smem:$0x3FFC];
	_ =	sdelay $0x3  }
0xc: {  	_ =	strace s1  }
0xd: {  	s1 =	sld [smem:$0x3FFD];
	_ =	sdelay $0x3  }
0xe: {  	_ =	strace s1  }
0xf: {  	_ =	strace $0x8FFFFFFF  }
0x10: {  	s19 =	sld [smem:$0x3FDB];
	_ =	sdelay $0x1  }
0x11: {  	s20 =	simm.s32 $_scs_section_size  }
0x12: {  	s4 =	simm.s32 $_size__tile_overlayer_lowered;
	s5 =	simm.s32 $_tile_overlayer_lowered  }
0x13: {  	s23 =	simm.s32 $0x1BFF;
	s22 =	sshll.u32 s5, $0x1;
	s1 =	sadd.s32 s20, s19  }
0x14: {  	s6 =	simm.s32 $0x0;
	s21 =	sshll.u32 s4, $0x1;
	s4 =	sadd.s32 s22, s1  }
0x15: {  	[timem:s6], [sflag:s23] =	dma.local [hbm:s4], s21  }
0x16: {  	_ =	swait.ge [sflag:s23], s21  }
0x17: {  	s2 =	ssub.s32 $0x0, s21;
	[sflag:s23] =	ssyncset.done $0x0  }
0x18: {  	[sflag:s23] =	ssyncadd.s32 s2;
	_ =	sdelay $0x1  }
0x19: {  	s24 =	simm.s32 $0x1B8B  }
0x1a: {  	_ =	swait.ge [sflag:s24], $0x1  }
0x1b: {  	[sflag:s24] =	ssyncset.done $0x0  }
0x1c: {  	s26 =	simm.s32 $0x1B8E;
	s25 =	sld [smem:$0x3FFE];
	[sflag:s24] =	ssyncadd.s32 $0xFFFFFFFF  }
0x1d: {  	s27 =	simm.s32 $execute0_lowered;
	[smem:$0x3FD2] =	sst s26  }
0x1e: {  	s4 =	sshll.u32 s27, $0x1;
	_ =	strace $0x80000046;
	[dreg:$0x1] =	wrdreg $0xFFFFFFFF  }
0x1f: {  	s28 =	simm.s32 $_size_execute0_lowered;
	s1 =	sadd.s32 s1, s4;
	[dreg:$0x0] =	wrdreg $0x0  }
0x20: {  	s4 =	sshll.u32 s28, $0x1;
	[dreg:$0x2] =	wrdreg s1  }
0x21: {  	[dreg:$0x3] =	wrdreg s4  }
0x22: {  	[dreg:$0x4] =	wrdreg $0xC0  }
0x23: {  	_ =	task [dreg:s6], $0x5FFFF  }
0x24: {  	[dreg:$0x1] =	wrdreg $0xFFFFFFFF  }
0x25: {  	[dreg:$0x0] =	wrdreg $0x60  }
0x26: {  	[dreg:$0x2] =	wrdreg s25  }
0x27: {  	[dreg:$0x3] =	wrdreg $0x9  }
0x28: {  	_ =	task.clear_ibuf [dreg:s6], $0x4FFFF;
	_ =	strace $0x90000046  }
0x29: {  	s29 =	simm.s32 $0x9;
	_ =	strace $0x80000048  }
0x2a: {  	_ =	swait.ge [sflag:s29], $0x1  }
0x2b: {  	[sflag:s29] =	ssyncadd.s32 $0xFFFFFFFF  }
0x2c: {  	_ =	strace $0x90000048  }
0x2d: {  	_ =	sfence  }
0x2e: {  	s30 =	sld [smem:$0x0];
	_ =	sdelay $0x2  }
0x2f: {  	s31 =	sshll.u32 s3, $0xD;
	s3 =	sshrl.u32 s3, $0x2  }
0x30: {  	s2 =	sand.u32 $0x4000, s31;
	s1 =	sadd.s32 s3, s30  }
0x31: {  	s0 =	sor.u32 s2, s0;
	s1 =	sshll.u32 s1, $0x11  }
0x32: {  	s0 =	sor.u32 s1, s0  }
0x33: {  	s0 =	sadd.s32 $0x8F2B, s0  }
0x34: {  	[sflag:s0] =	ssyncadd.remote.s32 $0x1  }
0x35: {  	_ =	sfence.sel $0xFFFF  }
0x36: {  	[dreg:$0x0] =	wrdreg $0xFFFFFFFF;
	(pc) =	sbr.abs _section_cstart, $3  }
0x37: {  	[dreg:$0x1] =	wrdreg $0xFFFFFFFF  }
0x38: {  	_ =	task.clear_ibuf [dreg:s6], $0x2FFFF;
	_ =	strace $0x9FFFFFFF  }
0x39: {  	(tm) =	ssettm $0x7FFFFFFF  }
tec
execute0_lowered:
.L_overlay_start_1:
0x0: {  	(tag) =	ssettag $0x1  }
0x1: {  	s0 =	stileid.u32;
	s1 =	srdreg.scid  }
0x2: {  	s4 =	rddreg [dreg:$0x0];
	s5 =	simm.s32 $0x1;
	s8 =	simm.s32 $0x2  }
0x3: {  	s13 =	simm.s32 $0x0;
	s2 =	sshll.u32 s0, $0x4;
	s3 =	sshll.u32 s1, $0x8  }
0x4: {  	s1 =	rddreg [dreg:$0x1];
	_ =	strace $0x80000047;
	s2 =	sor.u32 s2, s3  }
0x5: {  	s14 =	simm.s32 $0x0;
	s3 =	sadd.s32 $0x141600, s4;
	s2 =	sand.u32 $0x180, s2  }
0x6: {  	s12 =	simm.s32 $0x0;
	s4 =	sadd.s32 $0x281600, s4;
	s6 =	ssub.s32 $0x2800, s2  }
.Ltmp0:
0x7: {  	[sflag:s5] =	ssyncpa.u1 $0x0;
	s7 =	sand.u32 $0x180, s6;
	(pc) =	sbr.rel .LBB1_1-.Ltmp0, $4  }
0x8: {  	[sflag:s8] =	ssyncpa.u1 $0x0;
	p0 =	sne.s32 s7, $0x0;
	s7 =	simm.s32 $0x1  }
0x9: {  	s9 =	sshrl.u32 s6, $0x9;
	s6 =	sand.u32 $0x7, s0;
	s7 =	simm.s32 @!p0 $0x0  }
0xa: {  	s10 =	smov.u32 s2;
	s11 =	smov.u32 s6;
	s7 =	sadd.s32 s7, s9  }
0xb: {  	p0 =	por $0x0, $0x0;
	s9 =	simm.s32 $0x14000;
	s8 =	sadd.s32 $0x1, s7  }
.LBB1_4:
0xc: {  	s20 =	sshrl.u32 s14, $0x3  }
0xd: {  	s21 =	sshll.u32 s13, $0x3;
	s24 =	sshll.u32 s14, $0x7;
	s20 =	smul.u32 $0x14000, s20  }
0xe: {  	v5 =	vld [tilespmem:s18+$0xFFFFFFD0];
	[tilespmem:s17+$0x2040 ss:$0x81] =	vst.msk $0xffff, v4;
	s25 =	sand.u32 $0x7F, s13;
	s21 =	sand.u32 $0xFFFFFC00, s21;
	s14 =	sand.u32 $0x380, s24  }
0xf: {  	v58 =	vld [tilespmem:s18+$0xFFFFFFE0];
	[tilespmem:s17+$0x2850 ss:$0x81] =	vst.msk $0xffff, v2;
	s13 =	sor.u32 s25, s14;
	s20 =	sadd.s32 s20, s21  }
0x10: {  	s26 =	sshra.s32 s19, $0x2;
	v59 =	vld [tilespmem:s18+$0xFFFFFFF0];
	[tilespmem:s17+$0x3060 ss:$0x81] =	vst.msk $0xffff, v3;
	s13 =	sor.u32 s20, s13  }
0x11: {  	v60 =	vld [tilespmem:s18+$0x0];
	[tilespmem:s17+$0x0 ss:$0x81] =	vst.msk $0xffff, v0;
	s14 =	sadd.s32 s26, s16;
	s27 =	smulhi.u32 $0xCCCCCCCD, s13  }
0x12: {  	v61 =	vld [tilespmem:s18+$0x10];
	[tilespmem:s14+$0x3870 ss:$0x81] =	vst.msk $0xffff, v1  }
0x13: {  	v62 =	vld [tilespmem:s18+$0x20];
	s28 =	smulhi.u32 $0xCCCCCCCD, s20;
	[tilespmem:s14+$0x810 ss:$0x81] =	vst.msk $0xffff, v5;
	s16 =	sshrl.u32 s27, $0xD  }
0x14: {  	v63 =	vld [tilespmem:s18+$0xFFFFFFC0];
	[tilespmem:s14+$0x1020 ss:$0x81] =	vst.msk $0xffff, v58;
	s16 =	smul.u32 $0x2800, s16  }
0x15: {  	[tilespmem:s14+$0x1830 ss:$0x81] =	vst.msk $0xffff, v59;
	s17 =	sshrl.u32 s28, $0xD  }
0x16: {  	[tilespmem:s14+$0x2040 ss:$0x81] =	vst.msk $0xffff, v60;
	s29 =	sand.u32 $0x7, s17;
	s13 =	ssub.s32 s13, s16  }
0x17: {  	[tilespmem:s14+$0x2850 ss:$0x81] =	vst.msk $0xffff, v61;
	s16 =	smul.u32 $0x500, s29;
	s30 =	sshrl.u32 s13, $0x3;
	s13 =	sand.u32 $0x7, s13  }
0x18: {  	[tilespmem:s14+$0x3060 ss:$0x81] =	vst.msk $0xffff, v62;
	s17 =	sadd.s32 s4, s30;
	s13 =	sshll.u32 s13, $0x12  }
0x19: {  	[tilespmem:s14+$0x0 ss:$0x81] =	vst.msk $0xffff, v63;
	s31 =	sadd.s32 s16, s17;
	s13 =	sor.u32 $0x80, s13  }
0x1a: {  	[hbm4b:s31+s13] =	stream.strided.scatter [tilespmem:s15], [sflag:$0x2], $0x4000, s9, s13, $0x20;
	[tilespmem:$0x10100] =	vst v63  }
.LBB1_5:
0x1b: {  	s15 =	sadd.s32 $0x200, s10  }
0x1c: {  	s13 =	sadd.s32 $0x8, s11;
	s17 =	smov.u32 s11;
	p2 =	sgt.s32 s15, $0x27FF  }
0x1d: {  	s17 =	smov.u32 @p2 s13  }
0x1e: {  	s15 =	smov.u32 @p2 s2;
	p2 =	sgt.s32 s17, $0x7  }
0x1f: {  	s17 =	smov.u32 @p2 s6;
	p2 =	sne.s32 s12, s8  }
.Ltmp1:
0x20: {  	p1 =	slt.u32 s12, $0x2;
	(pc) =	sbr.rel @!p2 .LBB1_6-.Ltmp1, $4  }
0x21: {  	s16 =	simm.s32 @!p1 $0x2  }
0x22: {  	s14 =	smov.u32 s11;
	p0 =	por !p0, !p0;
	_ =	swait.ge @!p1 [sflag:s16], $0x4000  }
0x23: {  	s13 =	smov.u32 s10;
	[sflag:s16] =	ssyncset.done @!p1 $0x0;
	s10 =	smov.u32 s15  }
0x24: {  	s12 =	sadd.s32 $0x1, s12;
	[sflag:s16] =	ssyncadd.s32 @!p1 $0xFFFFC000;
	s11 =	smov.u32 s17  }
.LBB1_1:
0x25: {  	p1 =	sge.u32 s12, s7  }
0x26: {  	s15 =	sand.u32 @!p1 $0x1FFFFFF, s10  }
0x27: {  	s16 =	smulhi.u32 @!p1 $0xCCCCCD, s15;
	_ =	sdelay $0x1  }
0x28: {  	s16 =	sshrl.u32 @!p1 s16, $0x5  }
0x29: {  	s16 =	smul.u32 @!p1 $0x2800, s16  }
0x2a: {  	s17 =	smul.u32 @!p1 $0x28000, s11  }
0x2b: {  	s31 =	sadd.s32 $0xFFFFFFFF, s12;
	s15 =	ssub.s32 @!p1 s15, s16;
	s16 =	sxor.u32 @!p1 $0xFFFFFFFF, s12  }
0x2c: {  	s17 =	sadd.s32 @!p1 s3, s17;
	s16 =	sshll.u32 @!p1 s16, $0xE;
	s15 =	sshll.u32 @!p1 s15, $0x4  }
0x2d: {  	s16 =	sand.u32 @!p1 $0x4000, s16;
	s15 =	sadd.s32 @!p1 s15, s17;
	s17 =	simm.s32 @!p1 $0x0  }
0x2e: {  	[tilespmem:s16], [sflag:$0x1] =	stream.linear.gather @!p1 [hbm4b:s15+s17], $0x4000, $0x38;
	[tilespmem:$0x10100] =	vst v63  }
0x2f: {  	p1 =	sge.u32 s31, s7  }
.Ltmp2:
0x30: {  	_ = 	snop;
	(pc) =	sbr.rel @p1 .LBB1_5-.Ltmp2, $1  }
0x31: {  	_ =	sdelay $0x3  }
0x32: {  	s15 =	simm.s32 $0x1  }
0x33: {  	_ =	swait.ge [sflag:s5], $0x4000;
	s15 =	simm.s32 @!p0 $0x0  }
0x34: {  	[sflag:s5] =	ssyncset.done $0x0;
	s16 =	sshll.u32 s15, $0xE  }
0x35: {  	[sflag:s5] =	ssyncadd.s32 $0xFFFFC000;
	s18 =	sor.u32 $0x40, s16  }
0x36: {  	s15 =	smul.u32 $0x10200, s15;
	v0 =	vld [tilespmem:s18+$0x30]  }
0x37: {  	v1 =	vld [tilespmem:s18+$0xFFFFFFD0]  }
0x38: {  	s15 =	sshrl.u32 s15, $0x2;
	v5 =	vld [tilespmem:s18+$0xFFFFFFE0]  }
0x39: {  	v6 =	vld [tilespmem:s18+$0xFFFFFFF0];
	s16 =	sor.u32 $0x8000, s15  }
0x3a: {  	s31 =	sand.u32 $0x1, s12;
	v4 =	vld [tilespmem:s18+$0x0];
	s17 =	sadd.s32 $0x0, s16  }
0x3b: {  	v2 =	vld [tilespmem:s18+$0x10];
	s15 =	smul.u32 $0x10200, s31;
	[tilespmem:s17+$0x3870 ss:$0x81] =	vst.msk $0xffff, v0  }
0x3c: {  	v3 =	vld [tilespmem:s18+$0x20];
	[tilespmem:s17+$0x810 ss:$0x81] =	vst.msk $0xffff, v1  }
0x3d: {  	s15 =	sshrl.u32 s15, $0x2;
	v0 =	vld [tilespmem:s18+$0xFFFFFFC0];
	[tilespmem:s17+$0x1020 ss:$0x81] =	vst.msk $0xffff, v5;
	s18 =	sadd.s32 $0x80, s18  }
0x3e: {  	s19 =	simm.s32 $0x4;
	s20 =	simm.s32 $0x8;
	s15 =	sor.u32 $0x8000, s15;
	[tilespmem:s17+$0x1830 ss:$0x81] =	vst.msk $0xffff, v6;
	v1 =	vld [tilespmem:s18+$0x30]  }
.LBB1_3:
0x3f: {  	p1 =	sne.s32 s20, $0x1FC;
	v5 =	vld [tilespmem:s18+$0xFFFFFFD0];
	[tilespmem:s17+$0x2040 ss:$0x81] =	vst.msk $0xffff, v4  }
0x40: {  	v6 =	vld [tilespmem:s18+$0xFFFFFFE0];
	[tilespmem:s17+$0x2850 ss:$0x81] =	vst.msk $0xffff, v2  }
0x41: {  	s21 =	sshra.s32 s19, $0x2;
	s19 =	smov.u32 s20;
	v7 =	vld [tilespmem:s18+$0xFFFFFFF0];
	[tilespmem:s17+$0x3060 ss:$0x81] =	vst.msk $0xffff, v3  }
.Ltmp3:
0x42: {  	v4 =	vld [tilespmem:s18+$0x0];
	[tilespmem:s17+$0x0 ss:$0x81] =	vst.msk $0xffff, v0;
	s17 =	sadd.s32 s21, s16;
	(pc) =	sbr.rel @p1 .LBB1_3-.Ltmp3, $4  }
0x43: {  	v2 =	vld [tilespmem:s18+$0x10];
	[tilespmem:s17+$0x3870 ss:$0x81] =	vst.msk $0xffff, v1  }
0x44: {  	[tilespmem:s17+$0x810 ss:$0x81] =	vst.msk $0xffff, v5;
	v3 =	vld [tilespmem:s18+$0x20]  }
0x45: {  	v0 =	vld [tilespmem:s18+$0xFFFFFFC0];
	[tilespmem:s17+$0x1020 ss:$0x81] =	vst.msk $0xffff, v6;
	s18 =	sadd.s32 $0x80, s18  }
0x46: {  	s20 =	sadd.s32 $0x4, s20;
	v1 =	vld [tilespmem:s18+$0x30];
	[tilespmem:s17+$0x1830 ss:$0x81] =	vst.msk $0xffff, v7  }
.Ltmp4:
0x47: {  	_ = 	snop;
	(pc) =	sbr.rel .LBB1_4-.Ltmp4, $1  }
0x48: {  	_ =	sdelay $0x3  }
.LBB1_6:
0x49: {  	_ =	sfence.sel $0x180000  }
0x4a: {  	s2 =	simm.s32 $0x1;
	[bflag:$0x0] =	sbarrier.arrive $0xFFFF  }
0x4b: {  	s31 =	simm.s32 $0x2;
	[sflag:s2] =	ssyncpa.u1 $0x1  }
0x4c: {  	[sflag:s31] =	ssyncpa.u1 $0x1  }
0x4d: {  	p0 =	sne.s32 s0, $0x0;
	_ =	strace $0x90000047  }
0x4e: {  	s0 =	sadd.s32 @!p0 $0x100000, s1;
	[bflag:$0x2] =	sbarrier.arrive $0xFFFF  }
0x4f: {  	[sflag:s0] =	ssyncadd.tile.s32 @!p0 $0x1;
	_ =	shalt  }
.Lfunc_end1:
_tile_overlayer_lowered:
.L_overlay_start_2:
0x50: {  	(tag) =	ssettag $0x2  }
0x51: {  	s0 =	rddreg [dreg:$0x0];
	s2 =	stileid.u32  }
0x52: {  	s1 =	rddreg [dreg:$0x1];
	p0 =	sne.s32 s2, $0x0  }
0x53: {  	s3 =	rddreg [dreg:$0x2];
	[bflag:$0x3] =	sbarrier.arrive $0xFFFF;
	s2 =	simm.s32 @!p0 $0x1C01  }
0x54: {  	[timem:s3], [sflag:s2] =	dma.local @!p0 [hbm:s0], s1  }
0x55: {  	s0 =	simm.s32 @!p0 $0x1  }
0x56: {  	_ =	swait.ge @!p0 [sflag:s0], s1  }
0x57: {  	s1 =	ssub.s32 @!p0 $0x0, s1;
	[sflag:s0] =	ssyncset.done @!p0 $0x0  }
0x58: {  	[sflag:s0] =	ssyncadd.s32 @!p0 s1  }
0x59: {  	[bflag:$0x3] =	sbarrier.arrive $0xFFFF  }
0x5a: {  	_ =	shalt  }

</sc_bundles>
